<compile_context>
chip_gen: v7x
topology: tpu7x:2x2x1
jax: 0.10.2.dev20260603
libtpu: 0.0.44.dev20260713+nightly
codegen_flags: <defaults>
</compile_context>

<pallas_src>
import functools

import jax
import jax.numpy as jnp
from jax import lax
from jax.experimental import pallas as pl
from jax.experimental.pallas import tpu as pltpu
from jax.experimental.pallas import tpu_sc as plsc

NN = 10000
EE = 320000
HH = 128
GG = 256
NC, NS = 2, 16
NW = NC * NS
CH = 80
EW = EE // NW
NCH = EW // CH
RPT = NN // NS
RZB = 5
KB = 5



def _attention_scalars(h, a2_ref, esed_ref, cvec_ref):
    a2 = a2_ref[...]
    esed = jnp.dot(h, a2, preferred_element_type=jnp.float32,
                   precision=lax.Precision.HIGHEST)
    esed_ref[...] = esed
    es_max = jnp.max(esed[:, 0:1])
    cvec_ref[...] = jnp.full((HH,), es_max, jnp.float32)


def _tc_first_body(xp_ref, w_ref, a2_ref, h_ref, esed_ref, cvec_ref):
    h = jnp.dot(xp_ref[...], w_ref[...], preferred_element_type=jnp.float32)
    h_ref[...] = h
    _attention_scalars(h, a2_ref, esed_ref, cvec_ref)


def _combine_bn_relu(acc_ref, sp_ref, b_ref, g_ref, be_ref):
    c = acc_ref[0] + acc_ref[1]
    s = lax.dot_general(sp_ref[...], jnp.ones((NW, 1), jnp.float32),
                        (((0,), (0,)), ((), ())),
                        preferred_element_type=jnp.float32,
                        precision=lax.Precision.HIGHEST)
    x = c / (s + 1e-16) + b_ref[...]
    mu = jnp.mean(x, axis=0)
    var = jnp.mean((x - mu) ** 2, axis=0)
    x = (x - mu) / jnp.sqrt(var + 1e-5) * g_ref[...] + be_ref[...]
    return jnp.maximum(x, 0.0)


def _tc_mid_body(acc_ref, sp_ref, b_ref, g_ref, be_ref, w_ref, a2_ref,
                 h_ref, esed_ref, cvec_ref):
    x = _combine_bn_relu(acc_ref, sp_ref, b_ref, g_ref, be_ref)
    h = jnp.dot(x, w_ref[...], preferred_element_type=jnp.float32)
    h_ref[...] = h
    _attention_scalars(h, a2_ref, esed_ref, cvec_ref)


def _tc_final_body(acc_ref, sp_ref, b_ref, g_ref, be_ref, batch_ref, fcw_ref,
                   fcb_ref, out_ref):
    x = _combine_bn_relu(acc_ref, sp_ref, b_ref, g_ref, be_ref)
    batch = batch_ref[...]
    gi = lax.broadcasted_iota(jnp.int32, (GG, NN), 0)
    pt = (gi == batch[None, :]).astype(jnp.float32)
    graph = jnp.dot(pt, x, preferred_element_type=jnp.float32,
                    precision=lax.Precision.HIGHEST)
    logits = jnp.dot(graph, fcw_ref[...],
                     preferred_element_type=jnp.float32,
                     precision=lax.Precision.HIGHEST) + fcb_ref[...]
    ml = jnp.max(logits, axis=1, keepdims=True)
    ex = jnp.exp(logits - ml)
    out_ref[...] = ex / jnp.sum(ex, axis=1, keepdims=True)


def _tc_first(xp, Wp, a2):
    return pl.pallas_call(
        _tc_first_body,
        out_shape=[jax.ShapeDtypeStruct((NN, HH), jnp.float32),
                   jax.ShapeDtypeStruct((NN, 2), jnp.float32),
                   jax.ShapeDtypeStruct((HH,), jnp.float32)],
    )(xp, Wp, a2)


def _tc_mid(acc, sp, b, g, be, W, a2):
    return pl.pallas_call(
        _tc_mid_body,
        out_shape=[jax.ShapeDtypeStruct((NN, HH), jnp.float32),
                   jax.ShapeDtypeStruct((NN, 2), jnp.float32),
                   jax.ShapeDtypeStruct((HH,), jnp.float32)],
    )(acc, sp, b, g, be, W, a2)


def _tc_final(acc, sp, b, g, be, batch, fcW, fcb):
    return pl.pallas_call(
        _tc_final_body,
        out_shape=jax.ShapeDtypeStruct((GG, 2), jnp.float32),
    )(acc, sp, b, g, be, batch, fcW, fcb)



_SC_MESH = plsc.VectorSubcoreMesh(core_axis_name="c", subcore_axis_name="s",
                                  num_cores=NC, num_subcores=NS)


@functools.partial(
    pl.kernel,
    out_type=[jax.ShapeDtypeStruct((NC * NN, 1, HH), jnp.float32),
              jax.ShapeDtypeStruct((NW, NN), jnp.float32)],
    mesh=_SC_MESH,
    compiler_params=pltpu.CompilerParams(needs_layout_passes=False),
    scratch_types=[
        pltpu.VMEM((2 * NN,), jnp.float32),
        pltpu.VMEM((KB, 1, CH), jnp.int32),
        pltpu.VMEM((KB, 1, CH), jnp.int32),
        pltpu.VMEM((CH,), jnp.float32),
        pltpu.VMEM((16,), jnp.float32),
        pltpu.VMEM((CH, 1, HH), jnp.float32),
        pltpu.VMEM((NN,), jnp.float32),
        pltpu.VMEM((RZB, 1, HH), jnp.float32),
        pltpu.VMEM_SHARED((NN, 1, HH), jnp.float32),
        pltpu.SemaphoreType.DMA,
        pltpu.SemaphoreType.DMA,
    ],
)
def _sc_edge(h_hbm, esed_hbm, cvec_hbm, src4_hbm, dst4_hbm, acc_hbm, s_hbm,
             esed_v, src_b, dst_b, w_c, cv, rows_g, s_acc, zbuf,
             acc_sh, sem, semz):
    cid = lax.axis_index("c")
    sid = lax.axis_index("s")
    wid = sid * NC + cid

    pltpu.sync_copy(esed_hbm, esed_v)
    pltpu.sync_copy(cvec_hbm.at[pl.ds(0, 16)], cv)

    z16 = jnp.zeros((16,), jnp.float32)

    def _zb(i, carry):
        zbuf[i // 8, 0, pl.ds((i % 8) * 16, 16)] = z16
        return carry
    lax.fori_loop(0, RZB * 8, _zb, 0)

    def _za(t, carry):
        pltpu.async_copy(zbuf, acc_sh.at[pl.ds(sid * RPT + t * RZB, RZB)],
                         semz)
        return carry
    lax.fori_loop(0, RPT // RZB, _za, 0)

    zdrain_src = h_hbm.at[pl.ds(0, RZB)]

    def _zw(t, carry):
        pltpu.make_async_copy(zdrain_src,
                              acc_sh.at[pl.ds(sid * RPT, RZB)], semz).wait()
        return carry
    lax.fori_loop(0, RPT // RZB, _zw, 0)

    def _zs(i, carry):
        s_acc[pl.ds(i * 16, 16)] = z16
        return carry
    lax.fori_loop(0, NN // 16, _zs, 0)

    plsc.subcore_barrier()

    cvv = cv[...]
    gbase = wid * NCH
    drain = h_hbm.at[pl.ds(0, CH)]

    def _exp_sw(xv):
        xv = jnp.maximum(xv, -87.0)
        kf = xv * 1.4426950408889634
        k = (kf - 0.5).astype(jnp.int32)
        kfl = k.astype(jnp.float32)
        r = (xv - kfl * 0.693145751953125) - kfl * 1.42860677e-06
        p = 1.0 + r * (1.0 + r * (0.5 + r * (
            0.16666666666666666 + r * (0.041666666666666664 + r * (
                0.008333333333333333 + r * 0.001388888888888889)))))
        two_k = plsc.bitcast((k + 127) << 23, jnp.float32)
        return p * two_k

    def _rp(j, carry):
        jm = j % KB

        @pl.when(jm == 0)
        def _ids():
            pltpu.sync_copy(src4_hbm.at[pl.ds(gbase + j, KB)], src_b)
            pltpu.sync_copy(dst4_hbm.at[pl.ds(gbase + j, KB)], dst_b)

        pltpu.async_copy(h_hbm.at[src_b.at[jm, 0]], rows_g, sem)

        def _sp(t, c2):
            sl = pl.ds(t * 16, 16)
            si = src_b[jm, 0, sl]
            di = dst_b[jm, 0, sl]
            esg = plsc.load_gather(esed_v, [si * 2])
            edg = plsc.load_gather(esed_v, [di * 2 + 1])
            u = esg + edg
            u = jnp.where(u >= 0.0, u, 0.2 * u)
            cd = cvv + edg
            cd = jnp.where(cd >= 0.0, cd, 0.2 * cd)
            w = _exp_sw(u - cd)
            w_c[sl] = w
            lane = lax.iota(jnp.int32, 16)
            for t2 in range(16):
                plsc.addupdate_scatter(s_acc, [di], w, mask=lane == t2)
            return c2
        lax.fori_loop(0, CH // 16, _sp, 0)

        pltpu.make_async_copy(drain, rows_g, sem).wait()

        def _rr(rr4, c2):
            for u2 in range(4):
                r = rr4 * 4 + u2
                wi = jnp.full((16,), r, jnp.int32)
                wv = plsc.load_gather(w_c, [wi])
                for q in range(HH // 16):
                    rows_g[r, 0, pl.ds(q * 16, 16)] = (
                        rows_g[r, 0, pl.ds(q * 16, 16)] * wv)
            return c2
        lax.fori_loop(0, CH // 4, _rr, 0)

        pltpu.sync_copy(rows_g, acc_sh.at[dst_b.at[jm, 0]], add=True)
        return carry
    lax.fori_loop(0, NCH, _rp, 0)

    plsc.subcore_barrier()
    pltpu.sync_copy(acc_sh.at[pl.ds(sid * RPT, RPT)],
                    acc_hbm.at[pl.ds(cid * NN + sid * RPT, RPT)])
    pltpu.sync_copy(s_acc, s_hbm.at[wid])



def kernel(x, edge_index, batch, W1, a_src1, a_dst1, b1, g1, be1,
           W2, a_src2, a_dst2, b2, g2, be2, W3, a_src3, a_dst3, b3, g3, be3,
           fcW, fcb):
    xp = jnp.pad(x, ((0, 0), (0, HH - x.shape[1])))
    W1p = jnp.pad(W1, ((0, HH - W1.shape[0]), (0, 0)))
    src4 = edge_index[0].reshape(EE // CH, 1, CH)
    dst4 = edge_index[1].reshape(EE // CH, 1, CH)

    h, esed, cvec = _tc_first(xp, W1p, jnp.stack([a_src1, a_dst1], axis=1))
    acc, sp = _sc_edge(h.reshape(NN, 1, HH), esed.reshape(2 * NN), cvec,
                       src4, dst4)
    h, esed, cvec = _tc_mid(acc.reshape(NC, NN, HH), sp, b1, g1, be1, W2,
                            jnp.stack([a_src2, a_dst2], axis=1))
    acc, sp = _sc_edge(h.reshape(NN, 1, HH), esed.reshape(2 * NN), cvec,
                       src4, dst4)
    h, esed, cvec = _tc_mid(acc.reshape(NC, NN, HH), sp, b2, g2, be2, W3,
                            jnp.stack([a_src3, a_dst3], axis=1))
    acc, sp = _sc_edge(h.reshape(NN, 1, HH), esed.reshape(2 * NN), cvec,
                       src4, dst4)
    return _tc_final(acc.reshape(NC, NN, HH), sp, b3, g3, be3, batch,
                     fcW, fcb)

# --- scband reference (transcript-rebuilt; emitter-appended) ---
"""Pipeline reference for scband-gat-nci1-59725815218467 (READ-ONLY COPY).

The authoritative reference and input builder live on the scoring server;
editing this copy changes nothing except your own understanding.
"""

import jax, jax.numpy as jnp
import numpy as np

N = 10000
E = 320000
G = 256
HID = 128
FEAT = 37

def setup_inputs(seed: int = 0):
    key = jax.random.key(seed)
    ks = jax.random.split(key, 32)
    inp = {}
    inp['x'] = jax.random.normal(ks[0], (N, FEAT), dtype=jnp.float32)
    inp['edge_index'] = jax.random.randint(ks[1], (2, E), 0, N, dtype=jnp.int32)
    inp['batch'] = jnp.sort(jax.random.randint(ks[2], (N,), 0, G, dtype=jnp.int32))
    dims = [(FEAT, HID), (HID, HID), (HID, HID)]
    for l in range(3):
        i = 3 + l * 6
        fin, fout = dims[l]
        inp['W%d' % (l + 1)] = jax.random.normal(ks[i], (fin, fout), dtype=jnp.float32) * (1.0 / np.sqrt(fin))
        inp['a_src%d' % (l + 1)] = jax.random.normal(ks[i + 1], (fout,), dtype=jnp.float32) * 0.1
        inp['a_dst%d' % (l + 1)] = jax.random.normal(ks[i + 2], (fout,), dtype=jnp.float32) * 0.1
        inp['b%d' % (l + 1)] = jnp.zeros((fout,), dtype=jnp.float32)
        inp['g%d' % (l + 1)] = jnp.ones((fout,), dtype=jnp.float32)
        inp['be%d' % (l + 1)] = jnp.zeros((fout,), dtype=jnp.float32)
    inp['fcW'] = jax.random.normal(ks[21], (HID, 2), dtype=jnp.float32) * (1.0 / np.sqrt(HID))
    inp['fcb'] = jnp.zeros((2,), dtype=jnp.float32)
    return inp

def _gat(x, src, dst, W, a_s, a_d, b):
    h = x @ W
    es = (h * a_s).sum(-1)
    ed = (h * a_d).sum(-1)
    e = jax.nn.leaky_relu(es[src] + ed[dst], 0.2)
    m = jax.ops.segment_max(e, dst, num_segments=N)
    m = jnp.where(jnp.isfinite(m), m, 0.0)
    ex = jnp.exp(e - m[dst])
    s = jax.ops.segment_sum(ex, dst, num_segments=N)
    alpha = ex / (s[dst] + 1e-16)
    out = jax.ops.segment_sum(h[src] * alpha[:, None], dst, num_segments=N)
    return out + b

def _bn(x, g, be):
    mu = x.mean(0)
    var = x.var(0)
    return (x - mu) / jnp.sqrt(var + 1e-5) * g + be

def reference(x, edge_index, batch, W1, a_src1, a_dst1, b1, g1, be1, W2, a_src2, a_dst2, b2, g2, be2, W3, a_src3, a_dst3, b3, g3, be3, fcW, fcb):
    src = edge_index[0]
    dst = edge_index[1]
    params = [(W1, a_src1, a_dst1, b1, g1, be1), (W2, a_src2, a_dst2, b2, g2, be2), (W3, a_src3, a_dst3, b3, g3, be3)]
    for (W, a_s, a_d, b, g, be) in params:
        x = _gat(x, src, dst, W, a_s, a_d, b)
        x = _bn(x, g, be)
        x = jax.nn.relu(x)
    graph = jax.ops.segment_sum(x, batch, num_segments=G)
    out = graph @ fcW + fcb
    return jax.nn.softmax(out, axis=1)

if __name__ == "__main__":
    import jax
    _d = setup_inputs()
    print(jax.jit(kernel)(*tuple(_d.values())))

</pallas_src>

<mosaic_0001>
#map = affine_map<(d0, d1) -> (0, 0, 0)>
#map1 = affine_map<(d0, d1) -> (0)>
#map2 = affine_map<(d0, d1) -> (0, 0)>
module attributes {stable_mosaic.version = 14 : i64} {
  func.func @_sc_edge(%arg0: i32, %arg1: i32, %arg2: memref<10000x1x128xf32, #tpu.memory_space<hbm>>, %arg3: memref<20000xf32, #tpu.memory_space<hbm>>, %arg4: memref<128xf32, #tpu.memory_space<hbm>>, %arg5: memref<4000x1x80xi32, #tpu.memory_space<hbm>>, %arg6: memref<4000x1x80xi32, #tpu.memory_space<hbm>>, %arg7: memref<20000x1x128xf32, #tpu.memory_space<hbm>>, %arg8: memref<32x10000xf32, #tpu.memory_space<hbm>>, %arg9: memref<20000xf32, #tpu.memory_space<vmem>>, %arg10: memref<5x1x80xi32, #tpu.memory_space<vmem>>, %arg11: memref<5x1x80xi32, #tpu.memory_space<vmem>>, %arg12: memref<80xf32, #tpu.memory_space<vmem>>, %arg13: memref<16xf32, #tpu.memory_space<vmem>>, %arg14: memref<80x1x128xf32, #tpu.memory_space<vmem>>, %arg15: memref<10000xf32, #tpu.memory_space<vmem>>, %arg16: memref<5x1x128xf32, #tpu.memory_space<vmem>>, %arg17: memref<10000x1x128xf32, #tpu.memory_space<vmem_shared>>, %arg18: memref<!tpu.dma_semaphore, #tpu.memory_space<semaphore_mem>>, %arg19: memref<!tpu.dma_semaphore, #tpu.memory_space<semaphore_mem>>) attributes {dimension_semantics = [#tpu.dimension_semantics<core_parallel>, #tpu.dimension_semantics<subcore_parallel>], iteration_bounds = array<i64: 2, 16>, scalar_prefetch = 0 : i64, scratch_operands = 11 : i64, tpu.core_type = #tpu.core_type<sc_vector_subcore>, window_params = [{transform_indices = #map}, {transform_indices = #map1}, {transform_indices = #map1}, {transform_indices = #map}, {transform_indices = #map}, {transform_indices = #map}, {transform_indices = #map2}]} {
    %mul3A = arith.constant 2 : i32
    %mul3A_0 = arith.muli %arg1, %mul3A : i32
    %add3A = arith.addi %mul3A_0, %arg0 : i32
    "tpu.region"() ({
      %run_scoped3A = tpu.sem_alloc : memref<!tpu.dma_semaphore, #tpu.memory_space<semaphore_mem>>
      tpu.enqueue_dma source(%arg3 : memref<20000xf32, #tpu.memory_space<hbm>>) target(%arg9 : memref<20000xf32, #tpu.memory_space<vmem>>) target_semaphore(%run_scoped3A : memref<!tpu.dma_semaphore, #tpu.memory_space<semaphore_mem>>)
      tpu.wait_dma2 semaphore(%run_scoped3A : memref<!tpu.dma_semaphore, #tpu.memory_space<semaphore_mem>>) src(%arg3 : memref<20000xf32, #tpu.memory_space<hbm>>) dst(%arg9 : memref<20000xf32, #tpu.memory_space<vmem>>)
      tpu.yield
    }) : () -> ()
    "tpu.region"() ({
      %run_scoped3A = tpu.sem_alloc : memref<!tpu.dma_semaphore, #tpu.memory_space<semaphore_mem>>
      %dma_start3A = arith.constant 0 : i32
      %dma_start3A_42 = tpu.memref_slice %arg4[%dma_start3A] : memref<128xf32, #tpu.memory_space<hbm>> -> memref<16xf32, #tpu.memory_space<hbm>>
      %dma_start3A_43 = arith.constant 0 : i32
      %dma_start3A_44 = tpu.memref_slice %arg4[%dma_start3A_43] : memref<128xf32, #tpu.memory_space<hbm>> -> memref<16xf32, #tpu.memory_space<hbm>>
      tpu.enqueue_dma source(%dma_start3A_44 : memref<16xf32, #tpu.memory_space<hbm>>) target(%arg13 : memref<16xf32, #tpu.memory_space<vmem>>) target_semaphore(%run_scoped3A : memref<!tpu.dma_semaphore, #tpu.memory_space<semaphore_mem>>)
      %dma_wait3A = arith.constant 0 : i32
      %dma_wait3A_45 = tpu.memref_slice %arg4[%dma_wait3A] : memref<128xf32, #tpu.memory_space<hbm>> -> memref<16xf32, #tpu.memory_space<hbm>>
      %dma_wait3A_46 = arith.constant 0 : i32
      %dma_wait3A_47 = tpu.memref_slice %arg4[%dma_wait3A_46] : memref<128xf32, #tpu.memory_space<hbm>> -> memref<16xf32, #tpu.memory_space<hbm>>
      tpu.wait_dma2 semaphore(%run_scoped3A : memref<!tpu.dma_semaphore, #tpu.memory_space<semaphore_mem>>) src(%dma_wait3A_47 : memref<16xf32, #tpu.memory_space<hbm>>) dst(%arg13 : memref<16xf32, #tpu.memory_space<vmem>>)
      tpu.yield
    }) : () -> ()
    %broadcast_in_dim3A = arith.constant 0.000000e+00 : f32
    %broadcast_in_dim3A_1 = vector.broadcast %broadcast_in_dim3A : f32 to vector<16xf32>
    %scan3A = arith.constant 0 : i32
    %scan3A_2 = arith.constant 0 : i32
    %scan3A_3 = arith.constant 40 : i32
    %scan3A_4 = arith.addi %scan3A_2, %scan3A_3 : i32
    %scan3A_5 = arith.constant 1 : i32
    scf.for %scan3A_42 = %scan3A_2 to %scan3A_4 step %scan3A_5  : i32 {
      %jit3A = arith.constant 8 : i32
      %div3A = arith.divsi %scan3A_42, %jit3A : i32
      %sign3A = arith.constant 0 : i32
      %sign3A_43 = arith.cmpi sgt, %scan3A_42, %sign3A : i32
      %sign3A_44 = arith.extui %sign3A_43 : i1 to i32
      %sign3A_45 = arith.constant 0 : i32
      %sign3A_46 = arith.cmpi slt, %scan3A_42, %sign3A_45 : i32
      %sign3A_47 = arith.extui %sign3A_46 : i1 to i32
      %sign3A_48 = arith.subi %sign3A_44, %sign3A_47 : i32
      %sign3A_49 = arith.constant 0 : i32
      %sign3A_50 = arith.cmpi sgt, %jit3A, %sign3A_49 : i32
      %sign3A_51 = arith.extui %sign3A_50 : i1 to i32
      %sign3A_52 = arith.constant 0 : i32
      %sign3A_53 = arith.cmpi slt, %jit3A, %sign3A_52 : i32
      %sign3A_54 = arith.extui %sign3A_53 : i1 to i32
      %sign3A_55 = arith.subi %sign3A_51, %sign3A_54 : i32
      %ne3A = arith.cmpi ne, %sign3A_48, %sign3A_55 : i32
      %rem3A = arith.remsi %scan3A_42, %jit3A : i32
      %ne3A_56 = arith.constant 0 : i32
      %ne3A_57 = arith.cmpi ne, %rem3A, %ne3A_56 : i32
      %and3A = arith.andi %ne3A, %ne3A_57 : i1
      %sub3A = arith.constant 1 : i32
      %sub3A_58 = arith.subi %div3A, %sub3A : i32
      %select_n3A = arith.select %and3A, %sub3A_58, %div3A : i32
      %jit3A_59 = arith.constant 8 : i32
      %eq3A = arith.constant 0 : i32
      %eq3A_60 = arith.cmpi eq, %jit3A_59, %eq3A : i32
      %jit3A_61 = arith.constant 1 : i32
      %select_n3A_62 = arith.select %eq3A_60, %jit3A_61, %jit3A_59 : i32
      %rem3A_63 = arith.remsi %scan3A_42, %select_n3A_62 : i32
      %ne3A_64 = arith.constant 0 : i32
      %ne3A_65 = arith.cmpi ne, %rem3A_63, %ne3A_64 : i32
      %lt3A = arith.constant 0 : i32
      %lt3A_66 = arith.cmpi slt, %rem3A_63, %lt3A : i32
      %lt3A_67 = arith.constant 0 : i32
      %lt3A_68 = arith.cmpi slt, %select_n3A_62, %lt3A_67 : i32
      %ne3A_69 = arith.xori %lt3A_66, %lt3A_68 : i1
      %and3A_70 = arith.andi %ne3A_69, %ne3A_65 : i1
      %add3A_71 = arith.addi %rem3A_63, %select_n3A_62 : i32
      %select_n3A_72 = arith.select %and3A_70, %add3A_71, %rem3A_63 : i32
      %mul3A_73 = arith.constant 16 : i32
      %mul3A_74 = arith.muli %select_n3A_72, %mul3A_73 : i32
      %swap3A = arith.constant 0 : i32
      %swap3A_75 = arith.index_cast %select_n3A : i32 to index
      %swap3A_76 = arith.index_cast %swap3A : i32 to index
      %swap3A_77 = arith.index_cast %mul3A_74 : i32 to index
      %swap3A_78 = tpu.vector_load %arg16[%swap3A_75, %swap3A_76, %swap3A_77] {strides = array<i32>} : memref<5x1x128xf32, #tpu.memory_space<vmem>>, vector<16xf32>,
      tpu.vector_store %arg16[%swap3A_75, %swap3A_76, %swap3A_77], %broadcast_in_dim3A_1 {strides = array<i32>} : memref<5x1x128xf32, #tpu.memory_space<vmem>>, vector<16xf32>,
    }
    %scan3A_6 = arith.constant 40 : i32
    %scan3A_7 = arith.constant 0 : i32
    %scan3A_8 = arith.constant 0 : i32
    %scan3A_9 = arith.constant 125 : i32
    %scan3A_10 = arith.addi %scan3A_8, %scan3A_9 : i32
    %scan3A_11 = arith.constant 1 : i32
    scf.for %scan3A_42 = %scan3A_8 to %scan3A_10 step %scan3A_11  : i32 {
      %mul3A_43 = arith.constant 625 : i32
      %mul3A_44 = arith.muli %arg1, %mul3A_43 : i32
      %mul3A_45 = arith.constant 5 : i32
      %mul3A_46 = arith.muli %scan3A_42, %mul3A_45 : i32
      %add3A_47 = arith.addi %mul3A_44, %mul3A_46 : i32
      %dma_start3A = arith.constant 0 : i32
      %dma_start3A_48 = arith.constant 0 : i32
      %dma_start3A_49 = tpu.memref_slice %arg17[%add3A_47, %dma_start3A, %dma_start3A_48] : memref<10000x1x128xf32, #tpu.memory_space<vmem_shared>> -> memref<5x1x128xf32, #tpu.memory_space<vmem_shared>>
      %dma_start3A_50 = arith.constant 0 : i32
      %dma_start3A_51 = arith.constant 0 : i32
      %dma_start3A_52 = tpu.memref_slice %arg17[%add3A_47, %dma_start3A_50, %dma_start3A_51] : memref<10000x1x128xf32, #tpu.memory_space<vmem_shared>> -> memref<5x1x128xf32, #tpu.memory_space<vmem_shared>>
      tpu.enqueue_dma source(%arg16 : memref<5x1x128xf32, #tpu.memory_space<vmem>>) target(%dma_start3A_52 : memref<5x1x128xf32, #tpu.memory_space<vmem_shared>>) target_semaphore(%arg19 : memref<!tpu.dma_semaphore, #tpu.memory_space<semaphore_mem>>)
    }
    %scan3A_12 = arith.constant 125 : i32
    %scan3A_13 = arith.constant 0 : i32
    %scan3A_14 = arith.constant 0 : i32
    %scan3A_15 = arith.constant 125 : i32
    %scan3A_16 = arith.addi %scan3A_14, %scan3A_15 : i32
    %scan3A_17 = arith.constant 1 : i32
    scf.for %scan3A_42 = %scan3A_14 to %scan3A_16 step %scan3A_17  : i32 {
      %mul3A_43 = arith.constant 625 : i32
      %mul3A_44 = arith.muli %arg1, %mul3A_43 : i32
      %dma_wait3A = arith.constant 0 : i32
      %dma_wait3A_45 = arith.constant 0 : i32
      %dma_wait3A_46 = tpu.memref_slice %arg17[%mul3A_44, %dma_wait3A, %dma_wait3A_45] : memref<10000x1x128xf32, #tpu.memory_space<vmem_shared>> -> memref<5x1x128xf32, #tpu.memory_space<vmem_shared>>
      %dma_wait3A_47 = arith.constant 0 : i32
      %dma_wait3A_48 = arith.constant 0 : i32
      %dma_wait3A_49 = arith.constant 0 : i32
      %dma_wait3A_50 = tpu.memref_slice %arg2[%dma_wait3A_47, %dma_wait3A_48, %dma_wait3A_49] : memref<10000x1x128xf32, #tpu.memory_space<hbm>> -> memref<5x1x128xf32, #tpu.memory_space<hbm>>
      tpu.wait_dma2 semaphore(%arg19 : memref<!tpu.dma_semaphore, #tpu.memory_space<semaphore_mem>>) src(%dma_wait3A_50 : memref<5x1x128xf32, #tpu.memory_space<hbm>>) dst(%dma_wait3A_46 : memref<5x1x128xf32, #tpu.memory_space<vmem_shared>>)
    }
    %scan3A_18 = arith.constant 125 : i32
    %scan3A_19 = arith.constant 0 : i32
    %scan3A_20 = arith.constant 0 : i32
    %scan3A_21 = arith.constant 625 : i32
    %scan3A_22 = arith.addi %scan3A_20, %scan3A_21 : i32
    %scan3A_23 = arith.constant 1 : i32
    scf.for %scan3A_42 = %scan3A_20 to %scan3A_22 step %scan3A_23  : i32 {
      %mul3A_43 = arith.constant 16 : i32
      %mul3A_44 = arith.muli %scan3A_42, %mul3A_43 : i32
      %swap3A = arith.index_cast %mul3A_44 : i32 to index
      %swap3A_45 = tpu.vector_load %arg15[%swap3A] {strides = array<i32>} : memref<10000xf32, #tpu.memory_space<vmem>>, vector<16xf32>,
      tpu.vector_store %arg15[%swap3A], %broadcast_in_dim3A_1 {strides = array<i32>} : memref<10000xf32, #tpu.memory_space<vmem>>, vector<16xf32>,
    }
    %scan3A_24 = arith.constant 625 : i32
    %barrier3A = arith.constant 0 : index
    tpu.barrier barrier_id(%barrier3A)
    %get3A = arith.constant 0 : index
    %get3A_25 = tpu.vector_load %arg13[%get3A] {strides = array<i32>} : memref<16xf32, #tpu.memory_space<vmem>>, vector<16xf32>,
    %mul3A_26 = arith.constant 125 : i32
    %mul3A_27 = arith.muli %add3A, %mul3A_26 : i32
    %scan3A_28 = arith.constant 0 : i32
    %scan3A_29 = arith.constant 0 : i32
    %scan3A_30 = arith.constant 125 : i32
    %scan3A_31 = arith.addi %scan3A_29, %scan3A_30 : i32
    %scan3A_32 = arith.constant 1 : i32
    scf.for %scan3A_42 = %scan3A_29 to %scan3A_31 step %scan3A_32  : i32 {
      %jit3A = arith.constant 5 : i32
      %eq3A = arith.constant 0 : i32
      %eq3A_43 = arith.cmpi eq, %jit3A, %eq3A : i32
      %jit3A_44 = arith.constant 1 : i32
      %select_n3A = arith.select %eq3A_43, %jit3A_44, %jit3A : i32
      %rem3A = arith.remsi %scan3A_42, %select_n3A : i32
      %ne3A = arith.constant 0 : i32
      %ne3A_45 = arith.cmpi ne, %rem3A, %ne3A : i32
      %lt3A = arith.constant 0 : i32
      %lt3A_46 = arith.cmpi slt, %rem3A, %lt3A : i32
      %lt3A_47 = arith.constant 0 : i32
      %lt3A_48 = arith.cmpi slt, %select_n3A, %lt3A_47 : i32
      %ne3A_49 = arith.xori %lt3A_46, %lt3A_48 : i1
      %and3A = arith.andi %ne3A_49, %ne3A_45 : i1
      %add3A_50 = arith.addi %rem3A, %select_n3A : i32
      %select_n3A_51 = arith.select %and3A, %add3A_50, %rem3A : i32
      %eq3A_52 = arith.constant 0 : i32
      %eq3A_53 = arith.cmpi eq, %select_n3A_51, %eq3A_52 : i32
      %convert_element_type3A = arith.extui %eq3A_53 : i1 to i32
      %cond3A = arith.constant 0 : i32
      %cond3A_54 = arith.cmpi ne, %convert_element_type3A, %cond3A : i32
      scf.if %cond3A_54 {
        %add3A_81 = arith.addi %mul3A_27, %scan3A_42 : i32
        "tpu.region"() ({
          %run_scoped3A_83 = tpu.sem_alloc : memref<!tpu.dma_semaphore, #tpu.memory_space<semaphore_mem>>
          %dma_start3A_84 = arith.constant 0 : i32
          %dma_start3A_85 = arith.constant 0 : i32
          %dma_start3A_86 = tpu.memref_slice %arg5[%add3A_81, %dma_start3A_84, %dma_start3A_85] : memref<4000x1x80xi32, #tpu.memory_space<hbm>> -> memref<5x1x80xi32, #tpu.memory_space<hbm>>
          %dma_start3A_87 = arith.constant 0 : i32
          %dma_start3A_88 = arith.constant 0 : i32
          %dma_start3A_89 = tpu.memref_slice %arg5[%add3A_81, %dma_start3A_87, %dma_start3A_88] : memref<4000x1x80xi32, #tpu.memory_space<hbm>> -> memref<5x1x80xi32, #tpu.memory_space<hbm>>
          tpu.enqueue_dma source(%dma_start3A_89 : memref<5x1x80xi32, #tpu.memory_space<hbm>>) target(%arg10 : memref<5x1x80xi32, #tpu.memory_space<vmem>>) target_semaphore(%run_scoped3A_83 : memref<!tpu.dma_semaphore, #tpu.memory_space<semaphore_mem>>)
          %dma_wait3A_90 = arith.constant 0 : i32
          %dma_wait3A_91 = arith.constant 0 : i32
          %dma_wait3A_92 = tpu.memref_slice %arg5[%add3A_81, %dma_wait3A_90, %dma_wait3A_91] : memref<4000x1x80xi32, #tpu.memory_space<hbm>> -> memref<5x1x80xi32, #tpu.memory_space<hbm>>
          %dma_wait3A_93 = arith.constant 0 : i32
          %dma_wait3A_94 = arith.constant 0 : i32
          %dma_wait3A_95 = tpu.memref_slice %arg5[%add3A_81, %dma_wait3A_93, %dma_wait3A_94] : memref<4000x1x80xi32, #tpu.memory_space<hbm>> -> memref<5x1x80xi32, #tpu.memory_space<hbm>>
          tpu.wait_dma2 semaphore(%run_scoped3A_83 : memref<!tpu.dma_semaphore, #tpu.memory_space<semaphore_mem>>) src(%dma_wait3A_95 : memref<5x1x80xi32, #tpu.memory_space<hbm>>) dst(%arg10 : memref<5x1x80xi32, #tpu.memory_space<vmem>>)
          tpu.yield
        }) : () -> ()
        %add3A_82 = arith.addi %mul3A_27, %scan3A_42 : i32
        "tpu.region"() ({
          %run_scoped3A_83 = tpu.sem_alloc : memref<!tpu.dma_semaphore, #tpu.memory_space<semaphore_mem>>
          %dma_start3A_84 = arith.constant 0 : i32
          %dma_start3A_85 = arith.constant 0 : i32
          %dma_start3A_86 = tpu.memref_slice %arg6[%add3A_82, %dma_start3A_84, %dma_start3A_85] : memref<4000x1x80xi32, #tpu.memory_space<hbm>> -> memref<5x1x80xi32, #tpu.memory_space<hbm>>
          %dma_start3A_87 = arith.constant 0 : i32
          %dma_start3A_88 = arith.constant 0 : i32
          %dma_start3A_89 = tpu.memref_slice %arg6[%add3A_82, %dma_start3A_87, %dma_start3A_88] : memref<4000x1x80xi32, #tpu.memory_space<hbm>> -> memref<5x1x80xi32, #tpu.memory_space<hbm>>
          tpu.enqueue_dma source(%dma_start3A_89 : memref<5x1x80xi32, #tpu.memory_space<hbm>>) target(%arg11 : memref<5x1x80xi32, #tpu.memory_space<vmem>>) target_semaphore(%run_scoped3A_83 : memref<!tpu.dma_semaphore, #tpu.memory_space<semaphore_mem>>)
          %dma_wait3A_90 = arith.constant 0 : i32
          %dma_wait3A_91 = arith.constant 0 : i32
          %dma_wait3A_92 = tpu.memref_slice %arg6[%add3A_82, %dma_wait3A_90, %dma_wait3A_91] : memref<4000x1x80xi32, #tpu.memory_space<hbm>> -> memref<5x1x80xi32, #tpu.memory_space<hbm>>
          %dma_wait3A_93 = arith.constant 0 : i32
          %dma_wait3A_94 = arith.constant 0 : i32
          %dma_wait3A_95 = tpu.memref_slice %arg6[%add3A_82, %dma_wait3A_93, %dma_wait3A_94] : memref<4000x1x80xi32, #tpu.memory_space<hbm>> -> memref<5x1x80xi32, #tpu.memory_space<hbm>>
          tpu.wait_dma2 semaphore(%run_scoped3A_83 : memref<!tpu.dma_semaphore, #tpu.memory_space<semaphore_mem>>) src(%dma_wait3A_95 : memref<5x1x80xi32, #tpu.memory_space<hbm>>) dst(%arg11 : memref<5x1x80xi32, #tpu.memory_space<vmem>>)
          tpu.yield
        }) : () -> ()
      } else {
      }
      %dma_start3A = arith.constant 0 : i32
      %dma_start3A_55 = arith.constant 0 : i32
      %dma_start3A_56 = tpu.memref_slice %arg10[%select_n3A_51, %dma_start3A, %dma_start3A_55] : memref<5x1x80xi32, #tpu.memory_space<vmem>> -> memref<1x1x80xi32, #tpu.memory_space<vmem>>
      %dma_start3A_57 = tpu.memref_squeeze %dma_start3A_56 : memref<1x1x80xi32, #tpu.memory_space<vmem>> -> memref<80xi32, #tpu.memory_space<vmem>>
      %dma_start3A_58 = arith.constant 0 : i32
      %dma_start3A_59 = arith.constant 0 : i32
      %dma_start3A_60 = arith.constant 0 : i32
      %dma_start3A_61 = tpu.memref_slice %arg2[%dma_start3A_58, %dma_start3A_59, %dma_start3A_60] : memref<10000x1x128xf32, #tpu.memory_space<hbm>> -> memref<10000x1x128xf32, #tpu.memory_space<hbm>>
      tpu.enqueue_indirect_dma source(%dma_start3A_61 : memref<10000x1x128xf32, #tpu.memory_space<hbm>>) target(%arg14 : memref<80x1x128xf32, #tpu.memory_space<vmem>>) offsets(%dma_start3A_57 : memref<80xi32, #tpu.memory_space<vmem>>) semaphore(%arg18 : memref<!tpu.dma_semaphore, #tpu.memory_space<semaphore_mem>>)
      %scan3A_62 = arith.constant 0 : i32
      %scan3A_63 = arith.constant 0 : i32
      %scan3A_64 = arith.constant 5 : i32
      %scan3A_65 = arith.addi %scan3A_63, %scan3A_64 : i32
      %scan3A_66 = arith.constant 1 : i32
      scf.for %scan3A_81 = %scan3A_63 to %scan3A_65 step %scan3A_66  : i32 {
        %mul3A_82 = arith.constant 16 : i32
        %mul3A_83 = arith.muli %scan3A_81, %mul3A_82 : i32
        %get3A_84 = arith.constant 0 : i32
        %get3A_85 = arith.index_cast %select_n3A_51 : i32 to index
        %get3A_86 = arith.index_cast %get3A_84 : i32 to index
        %get3A_87 = arith.index_cast %mul3A_83 : i32 to index
        %get3A_88 = tpu.vector_load %arg10[%get3A_85, %get3A_86, %get3A_87] {strides = array<i32>} : memref<5x1x80xi32, #tpu.memory_space<vmem>>, vector<16xi32>,
        %get3A_89 = arith.constant 0 : i32
        %get3A_90 = arith.index_cast %select_n3A_51 : i32 to index
        %get3A_91 = arith.index_cast %get3A_89 : i32 to index
        %get3A_92 = arith.index_cast %mul3A_83 : i32 to index
        %get3A_93 = tpu.vector_load %arg11[%get3A_90, %get3A_91, %get3A_92] {strides = array<i32>} : memref<5x1x80xi32, #tpu.memory_space<vmem>>, vector<16xi32>,
        %mul3A_94 = arith.constant 2 : i32
        %mul3A_95 = vector.broadcast %mul3A_94 : i32 to vector<16xi32>
        %mul3A_96 = arith.muli %get3A_88, %mul3A_95 : vector<16xi32>
        %gather3A = tpu.vector_load_idx %arg9[%mul3A_96] : memref<20000xf32, #tpu.memory_space<vmem>>[vector<16xi32>], vector<16xf32>,
        %mul3A_97 = arith.constant 2 : i32
        %mul3A_98 = vector.broadcast %mul3A_97 : i32 to vector<16xi32>
        %mul3A_99 = arith.muli %get3A_93, %mul3A_98 : vector<16xi32>
        %add3A_100 = arith.constant 1 : i32
        %add3A_101 = vector.broadcast %add3A_100 : i32 to vector<16xi32>
        %add3A_102 = arith.addi %mul3A_99, %add3A_101 : vector<16xi32>
        %gather3A_103 = tpu.vector_load_idx %arg9[%add3A_102] : memref<20000xf32, #tpu.memory_space<vmem>>[vector<16xi32>], vector<16xf32>,
        %add3A_104 = arith.addf %gather3A, %gather3A_103 : vector<16xf32>
        %ge3A = arith.constant 0.000000e+00 : f32
        %ge3A_105 = vector.broadcast %ge3A : f32 to vector<16xf32>
        %ge3A_106 = arith.cmpf oge, %add3A_104, %ge3A_105 : vector<16xf32>
        %mul3A_107 = arith.constant 2.000000e-01 : f32
        %mul3A_108 = vector.broadcast %mul3A_107 : f32 to vector<16xf32>
        %mul3A_109 = arith.mulf %mul3A_108, %add3A_104 : vector<16xf32>
        %select_n3A_110 = arith.select %ge3A_106, %add3A_104, %mul3A_109 : vector<16xi1>, vector<16xf32>
        %add3A_111 = arith.addf %get3A_25, %gather3A_103 : vector<16xf32>
        %ge3A_112 = arith.constant 0.000000e+00 : f32
        %ge3A_113 = vector.broadcast %ge3A_112 : f32 to vector<16xf32>
        %ge3A_114 = arith.cmpf oge, %add3A_111, %ge3A_113 : vector<16xf32>
        %mul3A_115 = arith.constant 2.000000e-01 : f32
        %mul3A_116 = vector.broadcast %mul3A_115 : f32 to vector<16xf32>
        %mul3A_117 = arith.mulf %mul3A_116, %add3A_111 : vector<16xf32>
        %select_n3A_118 = arith.select %ge3A_114, %add3A_111, %mul3A_117 : vector<16xi1>, vector<16xf32>
        %sub3A = arith.subf %select_n3A_110, %select_n3A_118 : vector<16xf32>
        %max3A = arith.constant -8.700000e+01 : f32
        %max3A_119 = vector.broadcast %max3A : f32 to vector<16xf32>
        %max3A_120 = arith.maximumf %sub3A, %max3A_119 : vector<16xf32>
        %mul3A_121 = arith.constant 1.44269502 : f32
        %mul3A_122 = vector.broadcast %mul3A_121 : f32 to vector<16xf32>
        %mul3A_123 = arith.mulf %max3A_120, %mul3A_122 : vector<16xf32>
        %sub3A_124 = arith.constant 5.000000e-01 : f32
        %sub3A_125 = vector.broadcast %sub3A_124 : f32 to vector<16xf32>
        %sub3A_126 = arith.subf %mul3A_123, %sub3A_125 : vector<16xf32>
        %convert_element_type3A_127 = arith.fptosi %sub3A_126 : vector<16xf32> to vector<16xi32>
        %convert_element_type3A_128 = arith.sitofp %convert_element_type3A_127 : vector<16xi32> to vector<16xf32>
        %mul3A_129 = arith.constant 0.693145751 : f32
        %mul3A_130 = vector.broadcast %mul3A_129 : f32 to vector<16xf32>
        %mul3A_131 = arith.mulf %convert_element_type3A_128, %mul3A_130 : vector<16xf32>
        %sub3A_132 = arith.subf %max3A_120, %mul3A_131 : vector<16xf32>
        %mul3A_133 = arith.constant 1.42860677E-6 : f32
        %mul3A_134 = vector.broadcast %mul3A_133 : f32 to vector<16xf32>
        %mul3A_135 = arith.mulf %convert_element_type3A_128, %mul3A_134 : vector<16xf32>
        %sub3A_136 = arith.subf %sub3A_132, %mul3A_135 : vector<16xf32>
        %mul3A_137 = arith.constant 0.00138888892 : f32
        %mul3A_138 = vector.broadcast %mul3A_137 : f32 to vector<16xf32>
        %mul3A_139 = arith.mulf %sub3A_136, %mul3A_138 : vector<16xf32>
        %add3A_140 = arith.constant 0.00833333377 : f32
        %add3A_141 = vector.broadcast %add3A_140 : f32 to vector<16xf32>
        %add3A_142 = arith.addf %add3A_141, %mul3A_139 : vector<16xf32>
        %mul3A_143 = arith.mulf %sub3A_136, %add3A_142 : vector<16xf32>
        %add3A_144 = arith.constant 0.0416666679 : f32
        %add3A_145 = vector.broadcast %add3A_144 : f32 to vector<16xf32>
        %add3A_146 = arith.addf %add3A_145, %mul3A_143 : vector<16xf32>
        %mul3A_147 = arith.mulf %sub3A_136, %add3A_146 : vector<16xf32>
        %add3A_148 = arith.constant 0.166666672 : f32
        %add3A_149 = vector.broadcast %add3A_148 : f32 to vector<16xf32>
        %add3A_150 = arith.addf %add3A_149, %mul3A_147 : vector<16xf32>
        %mul3A_151 = arith.mulf %sub3A_136, %add3A_150 : vector<16xf32>
        %add3A_152 = arith.constant 5.000000e-01 : f32
        %add3A_153 = vector.broadcast %add3A_152 : f32 to vector<16xf32>
        %add3A_154 = arith.addf %add3A_153, %mul3A_151 : vector<16xf32>
        %mul3A_155 = arith.mulf %sub3A_136, %add3A_154 : vector<16xf32>
        %add3A_156 = arith.constant 1.000000e+00 : f32
        %add3A_157 = vector.broadcast %add3A_156 : f32 to vector<16xf32>
        %add3A_158 = arith.addf %add3A_157, %mul3A_155 : vector<16xf32>
        %mul3A_159 = arith.mulf %sub3A_136, %add3A_158 : vector<16xf32>
        %add3A_160 = arith.constant 1.000000e+00 : f32
        %add3A_161 = vector.broadcast %add3A_160 : f32 to vector<16xf32>
        %add3A_162 = arith.addf %add3A_161, %mul3A_159 : vector<16xf32>
        %add3A_163 = arith.constant 127 : i32
        %add3A_164 = vector.broadcast %add3A_163 : i32 to vector<16xi32>
        %add3A_165 = arith.addi %convert_element_type3A_127, %add3A_164 : vector<16xi32>
        %shift_left3A = arith.constant 23 : i32
        %shift_left3A_166 = vector.broadcast %shift_left3A : i32 to vector<16xi32>
        %shift_left3A_167 = arith.shli %add3A_165, %shift_left3A_166 : vector<16xi32>
        %bitcast3A = vector.bitcast %shift_left3A_167 : vector<16xi32> to vector<16xf32>
        %mul3A_168 = arith.mulf %add3A_162, %bitcast3A : vector<16xf32>
        %swap3A = arith.index_cast %mul3A_83 : i32 to index
        %swap3A_169 = tpu.vector_load %arg12[%swap3A] {strides = array<i32>} : memref<80xf32, #tpu.memory_space<vmem>>, vector<16xf32>,
        tpu.vector_store %arg12[%swap3A], %mul3A_168 {strides = array<i32>} : memref<80xf32, #tpu.memory_space<vmem>>, vector<16xf32>,
        %iota3A = tpu.iota {dimensions = array<i32: 0>} : vector<16xi32>
        %eq3A_170 = arith.constant 0 : i32
        %eq3A_171 = vector.broadcast %eq3A_170 : i32 to vector<16xi32>
        %eq3A_172 = arith.cmpi eq, %iota3A, %eq3A_171 : vector<16xi32>
        tpu.vector_store_idx %arg15[%get3A_93], %mul3A_168 masked %eq3A_172 {add = true} : memref<10000xf32, #tpu.memory_space<vmem>>[vector<16xi32>], vector<16xf32>, vector<16xi1>
        %eq3A_173 = arith.constant 1 : i32
        %eq3A_174 = vector.broadcast %eq3A_173 : i32 to vector<16xi32>
        %eq3A_175 = arith.cmpi eq, %iota3A, %eq3A_174 : vector<16xi32>
        tpu.vector_store_idx %arg15[%get3A_93], %mul3A_168 masked %eq3A_175 {add = true} : memref<10000xf32, #tpu.memory_space<vmem>>[vector<16xi32>], vector<16xf32>, vector<16xi1>
        %eq3A_176 = arith.constant 2 : i32
        %eq3A_177 = vector.broadcast %eq3A_176 : i32 to vector<16xi32>
        %eq3A_178 = arith.cmpi eq, %iota3A, %eq3A_177 : vector<16xi32>
        tpu.vector_store_idx %arg15[%get3A_93], %mul3A_168 masked %eq3A_178 {add = true} : memref<10000xf32, #tpu.memory_space<vmem>>[vector<16xi32>], vector<16xf32>, vector<16xi1>
        %eq3A_179 = arith.constant 3 : i32
        %eq3A_180 = vector.broadcast %eq3A_179 : i32 to vector<16xi32>
        %eq3A_181 = arith.cmpi eq, %iota3A, %eq3A_180 : vector<16xi32>
        tpu.vector_store_idx %arg15[%get3A_93], %mul3A_168 masked %eq3A_181 {add = true} : memref<10000xf32, #tpu.memory_space<vmem>>[vector<16xi32>], vector<16xf32>, vector<16xi1>
        %eq3A_182 = arith.constant 4 : i32
        %eq3A_183 = vector.broadcast %eq3A_182 : i32 to vector<16xi32>
        %eq3A_184 = arith.cmpi eq, %iota3A, %eq3A_183 : vector<16xi32>
        tpu.vector_store_idx %arg15[%get3A_93], %mul3A_168 masked %eq3A_184 {add = true} : memref<10000xf32, #tpu.memory_space<vmem>>[vector<16xi32>], vector<16xf32>, vector<16xi1>
        %eq3A_185 = arith.constant 5 : i32
        %eq3A_186 = vector.broadcast %eq3A_185 : i32 to vector<16xi32>
        %eq3A_187 = arith.cmpi eq, %iota3A, %eq3A_186 : vector<16xi32>
        tpu.vector_store_idx %arg15[%get3A_93], %mul3A_168 masked %eq3A_187 {add = true} : memref<10000xf32, #tpu.memory_space<vmem>>[vector<16xi32>], vector<16xf32>, vector<16xi1>
        %eq3A_188 = arith.constant 6 : i32
        %eq3A_189 = vector.broadcast %eq3A_188 : i32 to vector<16xi32>
        %eq3A_190 = arith.cmpi eq, %iota3A, %eq3A_189 : vector<16xi32>
        tpu.vector_store_idx %arg15[%get3A_93], %mul3A_168 masked %eq3A_190 {add = true} : memref<10000xf32, #tpu.memory_space<vmem>>[vector<16xi32>], vector<16xf32>, vector<16xi1>
        %eq3A_191 = arith.constant 7 : i32
        %eq3A_192 = vector.broadcast %eq3A_191 : i32 to vector<16xi32>
        %eq3A_193 = arith.cmpi eq, %iota3A, %eq3A_192 : vector<16xi32>
        tpu.vector_store_idx %arg15[%get3A_93], %mul3A_168 masked %eq3A_193 {add = true} : memref<10000xf32, #tpu.memory_space<vmem>>[vector<16xi32>], vector<16xf32>, vector<16xi1>
        %eq3A_194 = arith.constant 8 : i32
        %eq3A_195 = vector.broadcast %eq3A_194 : i32 to vector<16xi32>
        %eq3A_196 = arith.cmpi eq, %iota3A, %eq3A_195 : vector<16xi32>
        tpu.vector_store_idx %arg15[%get3A_93], %mul3A_168 masked %eq3A_196 {add = true} : memref<10000xf32, #tpu.memory_space<vmem>>[vector<16xi32>], vector<16xf32>, vector<16xi1>
        %eq3A_197 = arith.constant 9 : i32
        %eq3A_198 = vector.broadcast %eq3A_197 : i32 to vector<16xi32>
        %eq3A_199 = arith.cmpi eq, %iota3A, %eq3A_198 : vector<16xi32>
        tpu.vector_store_idx %arg15[%get3A_93], %mul3A_168 masked %eq3A_199 {add = true} : memref<10000xf32, #tpu.memory_space<vmem>>[vector<16xi32>], vector<16xf32>, vector<16xi1>
        %eq3A_200 = arith.constant 10 : i32
        %eq3A_201 = vector.broadcast %eq3A_200 : i32 to vector<16xi32>
        %eq3A_202 = arith.cmpi eq, %iota3A, %eq3A_201 : vector<16xi32>
        tpu.vector_store_idx %arg15[%get3A_93], %mul3A_168 masked %eq3A_202 {add = true} : memref<10000xf32, #tpu.memory_space<vmem>>[vector<16xi32>], vector<16xf32>, vector<16xi1>
        %eq3A_203 = arith.constant 11 : i32
        %eq3A_204 = vector.broadcast %eq3A_203 : i32 to vector<16xi32>
        %eq3A_205 = arith.cmpi eq, %iota3A, %eq3A_204 : vector<16xi32>
        tpu.vector_store_idx %arg15[%get3A_93], %mul3A_168 masked %eq3A_205 {add = true} : memref<10000xf32, #tpu.memory_space<vmem>>[vector<16xi32>], vector<16xf32>, vector<16xi1>
        %eq3A_206 = arith.constant 12 : i32
        %eq3A_207 = vector.broadcast %eq3A_206 : i32 to vector<16xi32>
        %eq3A_208 = arith.cmpi eq, %iota3A, %eq3A_207 : vector<16xi32>
        tpu.vector_store_idx %arg15[%get3A_93], %mul3A_168 masked %eq3A_208 {add = true} : memref<10000xf32, #tpu.memory_space<vmem>>[vector<16xi32>], vector<16xf32>, vector<16xi1>
        %eq3A_209 = arith.constant 13 : i32
        %eq3A_210 = vector.broadcast %eq3A_209 : i32 to vector<16xi32>
        %eq3A_211 = arith.cmpi eq, %iota3A, %eq3A_210 : vector<16xi32>
        tpu.vector_store_idx %arg15[%get3A_93], %mul3A_168 masked %eq3A_211 {add = true} : memref<10000xf32, #tpu.memory_space<vmem>>[vector<16xi32>], vector<16xf32>, vector<16xi1>
        %eq3A_212 = arith.constant 14 : i32
        %eq3A_213 = vector.broadcast %eq3A_212 : i32 to vector<16xi32>
        %eq3A_214 = arith.cmpi eq, %iota3A, %eq3A_213 : vector<16xi32>
        tpu.vector_store_idx %arg15[%get3A_93], %mul3A_168 masked %eq3A_214 {add = true} : memref<10000xf32, #tpu.memory_space<vmem>>[vector<16xi32>], vector<16xf32>, vector<16xi1>
        %eq3A_215 = arith.constant 15 : i32
        %eq3A_216 = vector.broadcast %eq3A_215 : i32 to vector<16xi32>
        %eq3A_217 = arith.cmpi eq, %iota3A, %eq3A_216 : vector<16xi32>
        tpu.vector_store_idx %arg15[%get3A_93], %mul3A_168 masked %eq3A_217 {add = true} : memref<10000xf32, #tpu.memory_space<vmem>>[vector<16xi32>], vector<16xf32>, vector<16xi1>
      }
      %scan3A_67 = arith.constant 5 : i32
      %dma_wait3A = arith.constant 0 : i32
      %dma_wait3A_68 = arith.constant 0 : i32
      %dma_wait3A_69 = arith.constant 0 : i32
      %dma_wait3A_70 = tpu.memref_slice %arg2[%dma_wait3A, %dma_wait3A_68, %dma_wait3A_69] : memref<10000x1x128xf32, #tpu.memory_space<hbm>> -> memref<80x1x128xf32, #tpu.memory_space<hbm>>
      %dma_wait3A_71 = arith.constant 0 : i32
      %dma_wait3A_72 = arith.constant 0 : i32
      %dma_wait3A_73 = arith.constant 0 : i32
      %dma_wait3A_74 = tpu.memref_slice %arg2[%dma_wait3A_71, %dma_wait3A_72, %dma_wait3A_73] : memref<10000x1x128xf32, #tpu.memory_space<hbm>> -> memref<80x1x128xf32, #tpu.memory_space<hbm>>
      tpu.wait_dma2 semaphore(%arg18 : memref<!tpu.dma_semaphore, #tpu.memory_space<semaphore_mem>>) src(%dma_wait3A_74 : memref<80x1x128xf32, #tpu.memory_space<hbm>>) dst(%arg14 : memref<80x1x128xf32, #tpu.memory_space<vmem>>)
      %scan3A_75 = arith.constant 0 : i32
      %scan3A_76 = arith.constant 0 : i32
      %scan3A_77 = arith.constant 20 : i32
      %scan3A_78 = arith.addi %scan3A_76, %scan3A_77 : i32
      %scan3A_79 = arith.constant 1 : i32
      scf.for %scan3A_81 = %scan3A_76 to %scan3A_78 step %scan3A_79  : i32 {
        %mul3A_82 = arith.constant 4 : i32
        %mul3A_83 = arith.muli %scan3A_81, %mul3A_82 : i32
        %add3A_84 = arith.constant 0 : i32
        %add3A_85 = arith.addi %mul3A_83, %add3A_84 : i32
        %broadcast_in_dim3A_86 = vector.broadcast %add3A_85 : i32 to vector<16xi32>
        %gather3A = tpu.vector_load_idx %arg12[%broadcast_in_dim3A_86] : memref<80xf32, #tpu.memory_space<vmem>>[vector<16xi32>], vector<16xf32>,
        %get3A_87 = arith.constant 0 : i32
        %get3A_88 = arith.index_cast %add3A_85 : i32 to index
        %get3A_89 = arith.index_cast %get3A_87 : i32 to index
        %get3A_90 = arith.constant 0 : index
        %get3A_91 = tpu.vector_load %arg14[%get3A_88, %get3A_89, %get3A_90] {strides = array<i32>} : memref<80x1x128xf32, #tpu.memory_space<vmem>>, vector<16xf32>,
        %mul3A_92 = arith.mulf %get3A_91, %gather3A : vector<16xf32>
        %swap3A = arith.constant 0 : i32
        %swap3A_93 = arith.index_cast %add3A_85 : i32 to index
        %swap3A_94 = arith.index_cast %swap3A : i32 to index
        %swap3A_95 = arith.constant 0 : index
        %swap3A_96 = tpu.vector_load %arg14[%swap3A_93, %swap3A_94, %swap3A_95] {strides = array<i32>} : memref<80x1x128xf32, #tpu.memory_space<vmem>>, vector<16xf32>,
        tpu.vector_store %arg14[%swap3A_93, %swap3A_94, %swap3A_95], %mul3A_92 {strides = array<i32>} : memref<80x1x128xf32, #tpu.memory_space<vmem>>, vector<16xf32>,
        %get3A_97 = arith.constant 0 : i32
        %get3A_98 = arith.index_cast %add3A_85 : i32 to index
        %get3A_99 = arith.index_cast %get3A_97 : i32 to index
        %get3A_100 = arith.constant 16 : index
        %get3A_101 = tpu.vector_load %arg14[%get3A_98, %get3A_99, %get3A_100] {strides = array<i32>} : memref<80x1x128xf32, #tpu.memory_space<vmem>>, vector<16xf32>,
        %mul3A_102 = arith.mulf %get3A_101, %gather3A : vector<16xf32>
        %swap3A_103 = arith.constant 0 : i32
        %swap3A_104 = arith.index_cast %add3A_85 : i32 to index
        %swap3A_105 = arith.index_cast %swap3A_103 : i32 to index
        %swap3A_106 = arith.constant 16 : index
        %swap3A_107 = tpu.vector_load %arg14[%swap3A_104, %swap3A_105, %swap3A_106] {strides = array<i32>} : memref<80x1x128xf32, #tpu.memory_space<vmem>>, vector<16xf32>,
        tpu.vector_store %arg14[%swap3A_104, %swap3A_105, %swap3A_106], %mul3A_102 {strides = array<i32>} : memref<80x1x128xf32, #tpu.memory_space<vmem>>, vector<16xf32>,
        %get3A_108 = arith.constant 0 : i32
        %get3A_109 = arith.index_cast %add3A_85 : i32 to index
        %get3A_110 = arith.index_cast %get3A_108 : i32 to index
        %get3A_111 = arith.constant 32 : index
        %get3A_112 = tpu.vector_load %arg14[%get3A_109, %get3A_110, %get3A_111] {strides = array<i32>} : memref<80x1x128xf32, #tpu.memory_space<vmem>>, vector<16xf32>,
        %mul3A_113 = arith.mulf %get3A_112, %gather3A : vector<16xf32>
        %swap3A_114 = arith.constant 0 : i32
        %swap3A_115 = arith.index_cast %add3A_85 : i32 to index
        %swap3A_116 = arith.index_cast %swap3A_114 : i32 to index
        %swap3A_117 = arith.constant 32 : index
        %swap3A_118 = tpu.vector_load %arg14[%swap3A_115, %swap3A_116, %swap3A_117] {strides = array<i32>} : memref<80x1x128xf32, #tpu.memory_space<vmem>>, vector<16xf32>,
        tpu.vector_store %arg14[%swap3A_115, %swap3A_116, %swap3A_117], %mul3A_113 {strides = array<i32>} : memref<80x1x128xf32, #tpu.memory_space<vmem>>, vector<16xf32>,
        %get3A_119 = arith.constant 0 : i32
        %get3A_120 = arith.index_cast %add3A_85 : i32 to index
        %get3A_121 = arith.index_cast %get3A_119 : i32 to index
        %get3A_122 = arith.constant 48 : index
        %get3A_123 = tpu.vector_load %arg14[%get3A_120, %get3A_121, %get3A_122] {strides = array<i32>} : memref<80x1x128xf32, #tpu.memory_space<vmem>>, vector<16xf32>,
        %mul3A_124 = arith.mulf %get3A_123, %gather3A : vector<16xf32>
        %swap3A_125 = arith.constant 0 : i32
        %swap3A_126 = arith.index_cast %add3A_85 : i32 to index
        %swap3A_127 = arith.index_cast %swap3A_125 : i32 to index
        %swap3A_128 = arith.constant 48 : index
        %swap3A_129 = tpu.vector_load %arg14[%swap3A_126, %swap3A_127, %swap3A_128] {strides = array<i32>} : memref<80x1x128xf32, #tpu.memory_space<vmem>>, vector<16xf32>,
        tpu.vector_store %arg14[%swap3A_126, %swap3A_127, %swap3A_128], %mul3A_124 {strides = array<i32>} : memref<80x1x128xf32, #tpu.memory_space<vmem>>, vector<16xf32>,
        %get3A_130 = arith.constant 0 : i32
        %get3A_131 = arith.index_cast %add3A_85 : i32 to index
        %get3A_132 = arith.index_cast %get3A_130 : i32 to index
        %get3A_133 = arith.constant 64 : index
        %get3A_134 = tpu.vector_load %arg14[%get3A_131, %get3A_132, %get3A_133] {strides = array<i32>} : memref<80x1x128xf32, #tpu.memory_space<vmem>>, vector<16xf32>,
        %mul3A_135 = arith.mulf %get3A_134, %gather3A : vector<16xf32>
        %swap3A_136 = arith.constant 0 : i32
        %swap3A_137 = arith.index_cast %add3A_85 : i32 to index
        %swap3A_138 = arith.index_cast %swap3A_136 : i32 to index
        %swap3A_139 = arith.constant 64 : index
        %swap3A_140 = tpu.vector_load %arg14[%swap3A_137, %swap3A_138, %swap3A_139] {strides = array<i32>} : memref<80x1x128xf32, #tpu.memory_space<vmem>>, vector<16xf32>,
        tpu.vector_store %arg14[%swap3A_137, %swap3A_138, %swap3A_139], %mul3A_135 {strides = array<i32>} : memref<80x1x128xf32, #tpu.memory_space<vmem>>, vector<16xf32>,
        %get3A_141 = arith.constant 0 : i32
        %get3A_142 = arith.index_cast %add3A_85 : i32 to index
        %get3A_143 = arith.index_cast %get3A_141 : i32 to index
        %get3A_144 = arith.constant 80 : index
        %get3A_145 = tpu.vector_load %arg14[%get3A_142, %get3A_143, %get3A_144] {strides = array<i32>} : memref<80x1x128xf32, #tpu.memory_space<vmem>>, vector<16xf32>,
        %mul3A_146 = arith.mulf %get3A_145, %gather3A : vector<16xf32>
        %swap3A_147 = arith.constant 0 : i32
        %swap3A_148 = arith.index_cast %add3A_85 : i32 to index
        %swap3A_149 = arith.index_cast %swap3A_147 : i32 to index
        %swap3A_150 = arith.constant 80 : index
        %swap3A_151 = tpu.vector_load %arg14[%swap3A_148, %swap3A_149, %swap3A_150] {strides = array<i32>} : memref<80x1x128xf32, #tpu.memory_space<vmem>>, vector<16xf32>,
        tpu.vector_store %arg14[%swap3A_148, %swap3A_149, %swap3A_150], %mul3A_146 {strides = array<i32>} : memref<80x1x128xf32, #tpu.memory_space<vmem>>, vector<16xf32>,
        %get3A_152 = arith.constant 0 : i32
        %get3A_153 = arith.index_cast %add3A_85 : i32 to index
        %get3A_154 = arith.index_cast %get3A_152 : i32 to index
        %get3A_155 = arith.constant 96 : index
        %get3A_156 = tpu.vector_load %arg14[%get3A_153, %get3A_154, %get3A_155] {strides = array<i32>} : memref<80x1x128xf32, #tpu.memory_space<vmem>>, vector<16xf32>,
        %mul3A_157 = arith.mulf %get3A_156, %gather3A : vector<16xf32>
        %swap3A_158 = arith.constant 0 : i32
        %swap3A_159 = arith.index_cast %add3A_85 : i32 to index
        %swap3A_160 = arith.index_cast %swap3A_158 : i32 to index
        %swap3A_161 = arith.constant 96 : index
        %swap3A_162 = tpu.vector_load %arg14[%swap3A_159, %swap3A_160, %swap3A_161] {strides = array<i32>} : memref<80x1x128xf32, #tpu.memory_space<vmem>>, vector<16xf32>,
        tpu.vector_store %arg14[%swap3A_159, %swap3A_160, %swap3A_161], %mul3A_157 {strides = array<i32>} : memref<80x1x128xf32, #tpu.memory_space<vmem>>, vector<16xf32>,
        %get3A_163 = arith.constant 0 : i32
        %get3A_164 = arith.index_cast %add3A_85 : i32 to index
        %get3A_165 = arith.index_cast %get3A_163 : i32 to index
        %get3A_166 = arith.constant 112 : index
        %get3A_167 = tpu.vector_load %arg14[%get3A_164, %get3A_165, %get3A_166] {strides = array<i32>} : memref<80x1x128xf32, #tpu.memory_space<vmem>>, vector<16xf32>,
        %mul3A_168 = arith.mulf %get3A_167, %gather3A : vector<16xf32>
        %swap3A_169 = arith.constant 0 : i32
        %swap3A_170 = arith.index_cast %add3A_85 : i32 to index
        %swap3A_171 = arith.index_cast %swap3A_169 : i32 to index
        %swap3A_172 = arith.constant 112 : index
        %swap3A_173 = tpu.vector_load %arg14[%swap3A_170, %swap3A_171, %swap3A_172] {strides = array<i32>} : memref<80x1x128xf32, #tpu.memory_space<vmem>>, vector<16xf32>,
        tpu.vector_store %arg14[%swap3A_170, %swap3A_171, %swap3A_172], %mul3A_168 {strides = array<i32>} : memref<80x1x128xf32, #tpu.memory_space<vmem>>, vector<16xf32>,
        %mul3A_174 = arith.constant 4 : i32
        %mul3A_175 = arith.muli %scan3A_81, %mul3A_174 : i32
        %add3A_176 = arith.constant 1 : i32
        %add3A_177 = arith.addi %mul3A_175, %add3A_176 : i32
        %broadcast_in_dim3A_178 = vector.broadcast %add3A_177 : i32 to vector<16xi32>
        %gather3A_179 = tpu.vector_load_idx %arg12[%broadcast_in_dim3A_178] : memref<80xf32, #tpu.memory_space<vmem>>[vector<16xi32>], vector<16xf32>,
        %get3A_180 = arith.constant 0 : i32
        %get3A_181 = arith.index_cast %add3A_177 : i32 to index
        %get3A_182 = arith.index_cast %get3A_180 : i32 to index
        %get3A_183 = arith.constant 0 : index
        %get3A_184 = tpu.vector_load %arg14[%get3A_181, %get3A_182, %get3A_183] {strides = array<i32>} : memref<80x1x128xf32, #tpu.memory_space<vmem>>, vector<16xf32>,
        %mul3A_185 = arith.mulf %get3A_184, %gather3A_179 : vector<16xf32>
        %swap3A_186 = arith.constant 0 : i32
        %swap3A_187 = arith.index_cast %add3A_177 : i32 to index
        %swap3A_188 = arith.index_cast %swap3A_186 : i32 to index
        %swap3A_189 = arith.constant 0 : index
        %swap3A_190 = tpu.vector_load %arg14[%swap3A_187, %swap3A_188, %swap3A_189] {strides = array<i32>} : memref<80x1x128xf32, #tpu.memory_space<vmem>>, vector<16xf32>,
        tpu.vector_store %arg14[%swap3A_187, %swap3A_188, %swap3A_189], %mul3A_185 {strides = array<i32>} : memref<80x1x128xf32, #tpu.memory_space<vmem>>, vector<16xf32>,
        %get3A_191 = arith.constant 0 : i32
        %get3A_192 = arith.index_cast %add3A_177 : i32 to index
        %get3A_193 = arith.index_cast %get3A_191 : i32 to index
        %get3A_194 = arith.constant 16 : index
        %get3A_195 = tpu.vector_load %arg14[%get3A_192, %get3A_193, %get3A_194] {strides = array<i32>} : memref<80x1x128xf32, #tpu.memory_space<vmem>>, vector<16xf32>,
        %mul3A_196 = arith.mulf %get3A_195, %gather3A_179 : vector<16xf32>
        %swap3A_197 = arith.constant 0 : i32
        %swap3A_198 = arith.index_cast %add3A_177 : i32 to index
        %swap3A_199 = arith.index_cast %swap3A_197 : i32 to index
        %swap3A_200 = arith.constant 16 : index
        %swap3A_201 = tpu.vector_load %arg14[%swap3A_198, %swap3A_199, %swap3A_200] {strides = array<i32>} : memref<80x1x128xf32, #tpu.memory_space<vmem>>, vector<16xf32>,
        tpu.vector_store %arg14[%swap3A_198, %swap3A_199, %swap3A_200], %mul3A_196 {strides = array<i32>} : memref<80x1x128xf32, #tpu.memory_space<vmem>>, vector<16xf32>,
        %get3A_202 = arith.constant 0 : i32
        %get3A_203 = arith.index_cast %add3A_177 : i32 to index
        %get3A_204 = arith.index_cast %get3A_202 : i32 to index
        %get3A_205 = arith.constant 32 : index
        %get3A_206 = tpu.vector_load %arg14[%get3A_203, %get3A_204, %get3A_205] {strides = array<i32>} : memref<80x1x128xf32, #tpu.memory_space<vmem>>, vector<16xf32>,
        %mul3A_207 = arith.mulf %get3A_206, %gather3A_179 : vector<16xf32>
        %swap3A_208 = arith.constant 0 : i32
        %swap3A_209 = arith.index_cast %add3A_177 : i32 to index
        %swap3A_210 = arith.index_cast %swap3A_208 : i32 to index
        %swap3A_211 = arith.constant 32 : index
        %swap3A_212 = tpu.vector_load %arg14[%swap3A_209, %swap3A_210, %swap3A_211] {strides = array<i32>} : memref<80x1x128xf32, #tpu.memory_space<vmem>>, vector<16xf32>,
        tpu.vector_store %arg14[%swap3A_209, %swap3A_210, %swap3A_211], %mul3A_207 {strides = array<i32>} : memref<80x1x128xf32, #tpu.memory_space<vmem>>, vector<16xf32>,
        %get3A_213 = arith.constant 0 : i32
        %get3A_214 = arith.index_cast %add3A_177 : i32 to index
        %get3A_215 = arith.index_cast %get3A_213 : i32 to index
        %get3A_216 = arith.constant 48 : index
        %get3A_217 = tpu.vector_load %arg14[%get3A_214, %get3A_215, %get3A_216] {strides = array<i32>} : memref<80x1x128xf32, #tpu.memory_space<vmem>>, vector<16xf32>,
        %mul3A_218 = arith.mulf %get3A_217, %gather3A_179 : vector<16xf32>
        %swap3A_219 = arith.constant 0 : i32
        %swap3A_220 = arith.index_cast %add3A_177 : i32 to index
        %swap3A_221 = arith.index_cast %swap3A_219 : i32 to index
        %swap3A_222 = arith.constant 48 : index
        %swap3A_223 = tpu.vector_load %arg14[%swap3A_220, %swap3A_221, %swap3A_222] {strides = array<i32>} : memref<80x1x128xf32, #tpu.memory_space<vmem>>, vector<16xf32>,
        tpu.vector_store %arg14[%swap3A_220, %swap3A_221, %swap3A_222], %mul3A_218 {strides = array<i32>} : memref<80x1x128xf32, #tpu.memory_space<vmem>>, vector<16xf32>,
        %get3A_224 = arith.constant 0 : i32
        %get3A_225 = arith.index_cast %add3A_177 : i32 to index
        %get3A_226 = arith.index_cast %get3A_224 : i32 to index
        %get3A_227 = arith.constant 64 : index
        %get3A_228 = tpu.vector_load %arg14[%get3A_225, %get3A_226, %get3A_227] {strides = array<i32>} : memref<80x1x128xf32, #tpu.memory_space<vmem>>, vector<16xf32>,
        %mul3A_229 = arith.mulf %get3A_228, %gather3A_179 : vector<16xf32>
        %swap3A_230 = arith.constant 0 : i32
        %swap3A_231 = arith.index_cast %add3A_177 : i32 to index
        %swap3A_232 = arith.index_cast %swap3A_230 : i32 to index
        %swap3A_233 = arith.constant 64 : index
        %swap3A_234 = tpu.vector_load %arg14[%swap3A_231, %swap3A_232, %swap3A_233] {strides = array<i32>} : memref<80x1x128xf32, #tpu.memory_space<vmem>>, vector<16xf32>,
        tpu.vector_store %arg14[%swap3A_231, %swap3A_232, %swap3A_233], %mul3A_229 {strides = array<i32>} : memref<80x1x128xf32, #tpu.memory_space<vmem>>, vector<16xf32>,
        %get3A_235 = arith.constant 0 : i32
        %get3A_236 = arith.index_cast %add3A_177 : i32 to index
        %get3A_237 = arith.index_cast %get3A_235 : i32 to index
        %get3A_238 = arith.constant 80 : index
        %get3A_239 = tpu.vector_load %arg14[%get3A_236, %get3A_237, %get3A_238] {strides = array<i32>} : memref<80x1x128xf32, #tpu.memory_space<vmem>>, vector<16xf32>,
        %mul3A_240 = arith.mulf %get3A_239, %gather3A_179 : vector<16xf32>
        %swap3A_241 = arith.constant 0 : i32
        %swap3A_242 = arith.index_cast %add3A_177 : i32 to index
        %swap3A_243 = arith.index_cast %swap3A_241 : i32 to index
        %swap3A_244 = arith.constant 80 : index
        %swap3A_245 = tpu.vector_load %arg14[%swap3A_242, %swap3A_243, %swap3A_244] {strides = array<i32>} : memref<80x1x128xf32, #tpu.memory_space<vmem>>, vector<16xf32>,
        tpu.vector_store %arg14[%swap3A_242, %swap3A_243, %swap3A_244], %mul3A_240 {strides = array<i32>} : memref<80x1x128xf32, #tpu.memory_space<vmem>>, vector<16xf32>,
        %get3A_246 = arith.constant 0 : i32
        %get3A_247 = arith.index_cast %add3A_177 : i32 to index
        %get3A_248 = arith.index_cast %get3A_246 : i32 to index
        %get3A_249 = arith.constant 96 : index
        %get3A_250 = tpu.vector_load %arg14[%get3A_247, %get3A_248, %get3A_249] {strides = array<i32>} : memref<80x1x128xf32, #tpu.memory_space<vmem>>, vector<16xf32>,
        %mul3A_251 = arith.mulf %get3A_250, %gather3A_179 : vector<16xf32>
        %swap3A_252 = arith.constant 0 : i32
        %swap3A_253 = arith.index_cast %add3A_177 : i32 to index
        %swap3A_254 = arith.index_cast %swap3A_252 : i32 to index
        %swap3A_255 = arith.constant 96 : index
        %swap3A_256 = tpu.vector_load %arg14[%swap3A_253, %swap3A_254, %swap3A_255] {strides = array<i32>} : memref<80x1x128xf32, #tpu.memory_space<vmem>>, vector<16xf32>,
        tpu.vector_store %arg14[%swap3A_253, %swap3A_254, %swap3A_255], %mul3A_251 {strides = array<i32>} : memref<80x1x128xf32, #tpu.memory_space<vmem>>, vector<16xf32>,
        %get3A_257 = arith.constant 0 : i32
        %get3A_258 = arith.index_cast %add3A_177 : i32 to index
        %get3A_259 = arith.index_cast %get3A_257 : i32 to index
        %get3A_260 = arith.constant 112 : index
        %get3A_261 = tpu.vector_load %arg14[%get3A_258, %get3A_259, %get3A_260] {strides = array<i32>} : memref<80x1x128xf32, #tpu.memory_space<vmem>>, vector<16xf32>,
        %mul3A_262 = arith.mulf %get3A_261, %gather3A_179 : vector<16xf32>
        %swap3A_263 = arith.constant 0 : i32
        %swap3A_264 = arith.index_cast %add3A_177 : i32 to index
        %swap3A_265 = arith.index_cast %swap3A_263 : i32 to index
        %swap3A_266 = arith.constant 112 : index
        %swap3A_267 = tpu.vector_load %arg14[%swap3A_264, %swap3A_265, %swap3A_266] {strides = array<i32>} : memref<80x1x128xf32, #tpu.memory_space<vmem>>, vector<16xf32>,
        tpu.vector_store %arg14[%swap3A_264, %swap3A_265, %swap3A_266], %mul3A_262 {strides = array<i32>} : memref<80x1x128xf32, #tpu.memory_space<vmem>>, vector<16xf32>,
        %mul3A_268 = arith.constant 4 : i32
        %mul3A_269 = arith.muli %scan3A_81, %mul3A_268 : i32
        %add3A_270 = arith.constant 2 : i32
        %add3A_271 = arith.addi %mul3A_269, %add3A_270 : i32
        %broadcast_in_dim3A_272 = vector.broadcast %add3A_271 : i32 to vector<16xi32>
        %gather3A_273 = tpu.vector_load_idx %arg12[%broadcast_in_dim3A_272] : memref<80xf32, #tpu.memory_space<vmem>>[vector<16xi32>], vector<16xf32>,
        %get3A_274 = arith.constant 0 : i32
        %get3A_275 = arith.index_cast %add3A_271 : i32 to index
        %get3A_276 = arith.index_cast %get3A_274 : i32 to index
        %get3A_277 = arith.constant 0 : index
        %get3A_278 = tpu.vector_load %arg14[%get3A_275, %get3A_276, %get3A_277] {strides = array<i32>} : memref<80x1x128xf32, #tpu.memory_space<vmem>>, vector<16xf32>,
        %mul3A_279 = arith.mulf %get3A_278, %gather3A_273 : vector<16xf32>
        %swap3A_280 = arith.constant 0 : i32
        %swap3A_281 = arith.index_cast %add3A_271 : i32 to index
        %swap3A_282 = arith.index_cast %swap3A_280 : i32 to index
        %swap3A_283 = arith.constant 0 : index
        %swap3A_284 = tpu.vector_load %arg14[%swap3A_281, %swap3A_282, %swap3A_283] {strides = array<i32>} : memref<80x1x128xf32, #tpu.memory_space<vmem>>, vector<16xf32>,
        tpu.vector_store %arg14[%swap3A_281, %swap3A_282, %swap3A_283], %mul3A_279 {strides = array<i32>} : memref<80x1x128xf32, #tpu.memory_space<vmem>>, vector<16xf32>,
        %get3A_285 = arith.constant 0 : i32
        %get3A_286 = arith.index_cast %add3A_271 : i32 to index
        %get3A_287 = arith.index_cast %get3A_285 : i32 to index
        %get3A_288 = arith.constant 16 : index
        %get3A_289 = tpu.vector_load %arg14[%get3A_286, %get3A_287, %get3A_288] {strides = array<i32>} : memref<80x1x128xf32, #tpu.memory_space<vmem>>, vector<16xf32>,
        %mul3A_290 = arith.mulf %get3A_289, %gather3A_273 : vector<16xf32>
        %swap3A_291 = arith.constant 0 : i32
        %swap3A_292 = arith.index_cast %add3A_271 : i32 to index
        %swap3A_293 = arith.index_cast %swap3A_291 : i32 to index
        %swap3A_294 = arith.constant 16 : index
        %swap3A_295 = tpu.vector_load %arg14[%swap3A_292, %swap3A_293, %swap3A_294] {strides = array<i32>} : memref<80x1x128xf32, #tpu.memory_space<vmem>>, vector<16xf32>,
        tpu.vector_store %arg14[%swap3A_292, %swap3A_293, %swap3A_294], %mul3A_290 {strides = array<i32>} : memref<80x1x128xf32, #tpu.memory_space<vmem>>, vector<16xf32>,
        %get3A_296 = arith.constant 0 : i32
        %get3A_297 = arith.index_cast %add3A_271 : i32 to index
        %get3A_298 = arith.index_cast %get3A_296 : i32 to index
        %get3A_299 = arith.constant 32 : index
        %get3A_300 = tpu.vector_load %arg14[%get3A_297, %get3A_298, %get3A_299] {strides = array<i32>} : memref<80x1x128xf32, #tpu.memory_space<vmem>>, vector<16xf32>,
        %mul3A_301 = arith.mulf %get3A_300, %gather3A_273 : vector<16xf32>
        %swap3A_302 = arith.constant 0 : i32
        %swap3A_303 = arith.index_cast %add3A_271 : i32 to index
        %swap3A_304 = arith.index_cast %swap3A_302 : i32 to index
        %swap3A_305 = arith.constant 32 : index
        %swap3A_306 = tpu.vector_load %arg14[%swap3A_303, %swap3A_304, %swap3A_305] {strides = array<i32>} : memref<80x1x128xf32, #tpu.memory_space<vmem>>, vector<16xf32>,
        tpu.vector_store %arg14[%swap3A_303, %swap3A_304, %swap3A_305], %mul3A_301 {strides = array<i32>} : memref<80x1x128xf32, #tpu.memory_space<vmem>>, vector<16xf32>,
        %get3A_307 = arith.constant 0 : i32
        %get3A_308 = arith.index_cast %add3A_271 : i32 to index
        %get3A_309 = arith.index_cast %get3A_307 : i32 to index
        %get3A_310 = arith.constant 48 : index
        %get3A_311 = tpu.vector_load %arg14[%get3A_308, %get3A_309, %get3A_310] {strides = array<i32>} : memref<80x1x128xf32, #tpu.memory_space<vmem>>, vector<16xf32>,
        %mul3A_312 = arith.mulf %get3A_311, %gather3A_273 : vector<16xf32>
        %swap3A_313 = arith.constant 0 : i32
        %swap3A_314 = arith.index_cast %add3A_271 : i32 to index
        %swap3A_315 = arith.index_cast %swap3A_313 : i32 to index
        %swap3A_316 = arith.constant 48 : index
        %swap3A_317 = tpu.vector_load %arg14[%swap3A_314, %swap3A_315, %swap3A_316] {strides = array<i32>} : memref<80x1x128xf32, #tpu.memory_space<vmem>>, vector<16xf32>,
        tpu.vector_store %arg14[%swap3A_314, %swap3A_315, %swap3A_316], %mul3A_312 {strides = array<i32>} : memref<80x1x128xf32, #tpu.memory_space<vmem>>, vector<16xf32>,
        %get3A_318 = arith.constant 0 : i32
        %get3A_319 = arith.index_cast %add3A_271 : i32 to index
        %get3A_320 = arith.index_cast %get3A_318 : i32 to index
        %get3A_321 = arith.constant 64 : index
        %get3A_322 = tpu.vector_load %arg14[%get3A_319, %get3A_320, %get3A_321] {strides = array<i32>} : memref<80x1x128xf32, #tpu.memory_space<vmem>>, vector<16xf32>,
        %mul3A_323 = arith.mulf %get3A_322, %gather3A_273 : vector<16xf32>
        %swap3A_324 = arith.constant 0 : i32
        %swap3A_325 = arith.index_cast %add3A_271 : i32 to index
        %swap3A_326 = arith.index_cast %swap3A_324 : i32 to index
        %swap3A_327 = arith.constant 64 : index
        %swap3A_328 = tpu.vector_load %arg14[%swap3A_325, %swap3A_326, %swap3A_327] {strides = array<i32>} : memref<80x1x128xf32, #tpu.memory_space<vmem>>, vector<16xf32>,
        tpu.vector_store %arg14[%swap3A_325, %swap3A_326, %swap3A_327], %mul3A_323 {strides = array<i32>} : memref<80x1x128xf32, #tpu.memory_space<vmem>>, vector<16xf32>,
        %get3A_329 = arith.constant 0 : i32
        %get3A_330 = arith.index_cast %add3A_271 : i32 to index
        %get3A_331 = arith.index_cast %get3A_329 : i32 to index
        %get3A_332 = arith.constant 80 : index
        %get3A_333 = tpu.vector_load %arg14[%get3A_330, %get3A_331, %get3A_332] {strides = array<i32>} : memref<80x1x128xf32, #tpu.memory_space<vmem>>, vector<16xf32>,
        %mul3A_334 = arith.mulf %get3A_333, %gather3A_273 : vector<16xf32>
        %swap3A_335 = arith.constant 0 : i32
        %swap3A_336 = arith.index_cast %add3A_271 : i32 to index
        %swap3A_337 = arith.index_cast %swap3A_335 : i32 to index
        %swap3A_338 = arith.constant 80 : index
        %swap3A_339 = tpu.vector_load %arg14[%swap3A_336, %swap3A_337, %swap3A_338] {strides = array<i32>} : memref<80x1x128xf32, #tpu.memory_space<vmem>>, vector<16xf32>,
        tpu.vector_store %arg14[%swap3A_336, %swap3A_337, %swap3A_338], %mul3A_334 {strides = array<i32>} : memref<80x1x128xf32, #tpu.memory_space<vmem>>, vector<16xf32>,
        %get3A_340 = arith.constant 0 : i32
        %get3A_341 = arith.index_cast %add3A_271 : i32 to index
        %get3A_342 = arith.index_cast %get3A_340 : i32 to index
        %get3A_343 = arith.constant 96 : index
        %get3A_344 = tpu.vector_load %arg14[%get3A_341, %get3A_342, %get3A_343] {strides = array<i32>} : memref<80x1x128xf32, #tpu.memory_space<vmem>>, vector<16xf32>,
        %mul3A_345 = arith.mulf %get3A_344, %gather3A_273 : vector<16xf32>
        %swap3A_346 = arith.constant 0 : i32
        %swap3A_347 = arith.index_cast %add3A_271 : i32 to index
        %swap3A_348 = arith.index_cast %swap3A_346 : i32 to index
        %swap3A_349 = arith.constant 96 : index
        %swap3A_350 = tpu.vector_load %arg14[%swap3A_347, %swap3A_348, %swap3A_349] {strides = array<i32>} : memref<80x1x128xf32, #tpu.memory_space<vmem>>, vector<16xf32>,
        tpu.vector_store %arg14[%swap3A_347, %swap3A_348, %swap3A_349], %mul3A_345 {strides = array<i32>} : memref<80x1x128xf32, #tpu.memory_space<vmem>>, vector<16xf32>,
        %get3A_351 = arith.constant 0 : i32
        %get3A_352 = arith.index_cast %add3A_271 : i32 to index
        %get3A_353 = arith.index_cast %get3A_351 : i32 to index
        %get3A_354 = arith.constant 112 : index
        %get3A_355 = tpu.vector_load %arg14[%get3A_352, %get3A_353, %get3A_354] {strides = array<i32>} : memref<80x1x128xf32, #tpu.memory_space<vmem>>, vector<16xf32>,
        %mul3A_356 = arith.mulf %get3A_355, %gather3A_273 : vector<16xf32>
        %swap3A_357 = arith.constant 0 : i32
        %swap3A_358 = arith.index_cast %add3A_271 : i32 to index
        %swap3A_359 = arith.index_cast %swap3A_357 : i32 to index
        %swap3A_360 = arith.constant 112 : index
        %swap3A_361 = tpu.vector_load %arg14[%swap3A_358, %swap3A_359, %swap3A_360] {strides = array<i32>} : memref<80x1x128xf32, #tpu.memory_space<vmem>>, vector<16xf32>,
        tpu.vector_store %arg14[%swap3A_358, %swap3A_359, %swap3A_360], %mul3A_356 {strides = array<i32>} : memref<80x1x128xf32, #tpu.memory_space<vmem>>, vector<16xf32>,
        %mul3A_362 = arith.constant 4 : i32
        %mul3A_363 = arith.muli %scan3A_81, %mul3A_362 : i32
        %add3A_364 = arith.constant 3 : i32
        %add3A_365 = arith.addi %mul3A_363, %add3A_364 : i32
        %broadcast_in_dim3A_366 = vector.broadcast %add3A_365 : i32 to vector<16xi32>
        %gather3A_367 = tpu.vector_load_idx %arg12[%broadcast_in_dim3A_366] : memref<80xf32, #tpu.memory_space<vmem>>[vector<16xi32>], vector<16xf32>,
        %get3A_368 = arith.constant 0 : i32
        %get3A_369 = arith.index_cast %add3A_365 : i32 to index
        %get3A_370 = arith.index_cast %get3A_368 : i32 to index
        %get3A_371 = arith.constant 0 : index
        %get3A_372 = tpu.vector_load %arg14[%get3A_369, %get3A_370, %get3A_371] {strides = array<i32>} : memref<80x1x128xf32, #tpu.memory_space<vmem>>, vector<16xf32>,
        %mul3A_373 = arith.mulf %get3A_372, %gather3A_367 : vector<16xf32>
        %swap3A_374 = arith.constant 0 : i32
        %swap3A_375 = arith.index_cast %add3A_365 : i32 to index
        %swap3A_376 = arith.index_cast %swap3A_374 : i32 to index
        %swap3A_377 = arith.constant 0 : index
        %swap3A_378 = tpu.vector_load %arg14[%swap3A_375, %swap3A_376, %swap3A_377] {strides = array<i32>} : memref<80x1x128xf32, #tpu.memory_space<vmem>>, vector<16xf32>,
        tpu.vector_store %arg14[%swap3A_375, %swap3A_376, %swap3A_377], %mul3A_373 {strides = array<i32>} : memref<80x1x128xf32, #tpu.memory_space<vmem>>, vector<16xf32>,
        %get3A_379 = arith.constant 0 : i32
        %get3A_380 = arith.index_cast %add3A_365 : i32 to index
        %get3A_381 = arith.index_cast %get3A_379 : i32 to index
        %get3A_382 = arith.constant 16 : index
        %get3A_383 = tpu.vector_load %arg14[%get3A_380, %get3A_381, %get3A_382] {strides = array<i32>} : memref<80x1x128xf32, #tpu.memory_space<vmem>>, vector<16xf32>,
        %mul3A_384 = arith.mulf %get3A_383, %gather3A_367 : vector<16xf32>
        %swap3A_385 = arith.constant 0 : i32
        %swap3A_386 = arith.index_cast %add3A_365 : i32 to index
        %swap3A_387 = arith.index_cast %swap3A_385 : i32 to index
        %swap3A_388 = arith.constant 16 : index
        %swap3A_389 = tpu.vector_load %arg14[%swap3A_386, %swap3A_387, %swap3A_388] {strides = array<i32>} : memref<80x1x128xf32, #tpu.memory_space<vmem>>, vector<16xf32>,
        tpu.vector_store %arg14[%swap3A_386, %swap3A_387, %swap3A_388], %mul3A_384 {strides = array<i32>} : memref<80x1x128xf32, #tpu.memory_space<vmem>>, vector<16xf32>,
        %get3A_390 = arith.constant 0 : i32
        %get3A_391 = arith.index_cast %add3A_365 : i32 to index
        %get3A_392 = arith.index_cast %get3A_390 : i32 to index
        %get3A_393 = arith.constant 32 : index
        %get3A_394 = tpu.vector_load %arg14[%get3A_391, %get3A_392, %get3A_393] {strides = array<i32>} : memref<80x1x128xf32, #tpu.memory_space<vmem>>, vector<16xf32>,
        %mul3A_395 = arith.mulf %get3A_394, %gather3A_367 : vector<16xf32>
        %swap3A_396 = arith.constant 0 : i32
        %swap3A_397 = arith.index_cast %add3A_365 : i32 to index
        %swap3A_398 = arith.index_cast %swap3A_396 : i32 to index
        %swap3A_399 = arith.constant 32 : index
        %swap3A_400 = tpu.vector_load %arg14[%swap3A_397, %swap3A_398, %swap3A_399] {strides = array<i32>} : memref<80x1x128xf32, #tpu.memory_space<vmem>>, vector<16xf32>,
        tpu.vector_store %arg14[%swap3A_397, %swap3A_398, %swap3A_399], %mul3A_395 {strides = array<i32>} : memref<80x1x128xf32, #tpu.memory_space<vmem>>, vector<16xf32>,
        %get3A_401 = arith.constant 0 : i32
        %get3A_402 = arith.index_cast %add3A_365 : i32 to index
        %get3A_403 = arith.index_cast %get3A_401 : i32 to index
        %get3A_404 = arith.constant 48 : index
        %get3A_405 = tpu.vector_load %arg14[%get3A_402, %get3A_403, %get3A_404] {strides = array<i32>} : memref<80x1x128xf32, #tpu.memory_space<vmem>>, vector<16xf32>,
        %mul3A_406 = arith.mulf %get3A_405, %gather3A_367 : vector<16xf32>
        %swap3A_407 = arith.constant 0 : i32
        %swap3A_408 = arith.index_cast %add3A_365 : i32 to index
        %swap3A_409 = arith.index_cast %swap3A_407 : i32 to index
        %swap3A_410 = arith.constant 48 : index
        %swap3A_411 = tpu.vector_load %arg14[%swap3A_408, %swap3A_409, %swap3A_410] {strides = array<i32>} : memref<80x1x128xf32, #tpu.memory_space<vmem>>, vector<16xf32>,
        tpu.vector_store %arg14[%swap3A_408, %swap3A_409, %swap3A_410], %mul3A_406 {strides = array<i32>} : memref<80x1x128xf32, #tpu.memory_space<vmem>>, vector<16xf32>,
        %get3A_412 = arith.constant 0 : i32
        %get3A_413 = arith.index_cast %add3A_365 : i32 to index
        %get3A_414 = arith.index_cast %get3A_412 : i32 to index
        %get3A_415 = arith.constant 64 : index
        %get3A_416 = tpu.vector_load %arg14[%get3A_413, %get3A_414, %get3A_415] {strides = array<i32>} : memref<80x1x128xf32, #tpu.memory_space<vmem>>, vector<16xf32>,
        %mul3A_417 = arith.mulf %get3A_416, %gather3A_367 : vector<16xf32>
        %swap3A_418 = arith.constant 0 : i32
        %swap3A_419 = arith.index_cast %add3A_365 : i32 to index
        %swap3A_420 = arith.index_cast %swap3A_418 : i32 to index
        %swap3A_421 = arith.constant 64 : index
        %swap3A_422 = tpu.vector_load %arg14[%swap3A_419, %swap3A_420, %swap3A_421] {strides = array<i32>} : memref<80x1x128xf32, #tpu.memory_space<vmem>>, vector<16xf32>,
        tpu.vector_store %arg14[%swap3A_419, %swap3A_420, %swap3A_421], %mul3A_417 {strides = array<i32>} : memref<80x1x128xf32, #tpu.memory_space<vmem>>, vector<16xf32>,
        %get3A_423 = arith.constant 0 : i32
        %get3A_424 = arith.index_cast %add3A_365 : i32 to index
        %get3A_425 = arith.index_cast %get3A_423 : i32 to index
        %get3A_426 = arith.constant 80 : index
        %get3A_427 = tpu.vector_load %arg14[%get3A_424, %get3A_425, %get3A_426] {strides = array<i32>} : memref<80x1x128xf32, #tpu.memory_space<vmem>>, vector<16xf32>,
        %mul3A_428 = arith.mulf %get3A_427, %gather3A_367 : vector<16xf32>
        %swap3A_429 = arith.constant 0 : i32
        %swap3A_430 = arith.index_cast %add3A_365 : i32 to index
        %swap3A_431 = arith.index_cast %swap3A_429 : i32 to index
        %swap3A_432 = arith.constant 80 : index
        %swap3A_433 = tpu.vector_load %arg14[%swap3A_430, %swap3A_431, %swap3A_432] {strides = array<i32>} : memref<80x1x128xf32, #tpu.memory_space<vmem>>, vector<16xf32>,
        tpu.vector_store %arg14[%swap3A_430, %swap3A_431, %swap3A_432], %mul3A_428 {strides = array<i32>} : memref<80x1x128xf32, #tpu.memory_space<vmem>>, vector<16xf32>,
        %get3A_434 = arith.constant 0 : i32
        %get3A_435 = arith.index_cast %add3A_365 : i32 to index
        %get3A_436 = arith.index_cast %get3A_434 : i32 to index
        %get3A_437 = arith.constant 96 : index
        %get3A_438 = tpu.vector_load %arg14[%get3A_435, %get3A_436, %get3A_437] {strides = array<i32>} : memref<80x1x128xf32, #tpu.memory_space<vmem>>, vector<16xf32>,
        %mul3A_439 = arith.mulf %get3A_438, %gather3A_367 : vector<16xf32>
        %swap3A_440 = arith.constant 0 : i32
        %swap3A_441 = arith.index_cast %add3A_365 : i32 to index
        %swap3A_442 = arith.index_cast %swap3A_440 : i32 to index
        %swap3A_443 = arith.constant 96 : index
        %swap3A_444 = tpu.vector_load %arg14[%swap3A_441, %swap3A_442, %swap3A_443] {strides = array<i32>} : memref<80x1x128xf32, #tpu.memory_space<vmem>>, vector<16xf32>,
        tpu.vector_store %arg14[%swap3A_441, %swap3A_442, %swap3A_443], %mul3A_439 {strides = array<i32>} : memref<80x1x128xf32, #tpu.memory_space<vmem>>, vector<16xf32>,
        %get3A_445 = arith.constant 0 : i32
        %get3A_446 = arith.index_cast %add3A_365 : i32 to index
        %get3A_447 = arith.index_cast %get3A_445 : i32 to index
        %get3A_448 = arith.constant 112 : index
        %get3A_449 = tpu.vector_load %arg14[%get3A_446, %get3A_447, %get3A_448] {strides = array<i32>} : memref<80x1x128xf32, #tpu.memory_space<vmem>>, vector<16xf32>,
        %mul3A_450 = arith.mulf %get3A_449, %gather3A_367 : vector<16xf32>
        %swap3A_451 = arith.constant 0 : i32
        %swap3A_452 = arith.index_cast %add3A_365 : i32 to index
        %swap3A_453 = arith.index_cast %swap3A_451 : i32 to index
        %swap3A_454 = arith.constant 112 : index
        %swap3A_455 = tpu.vector_load %arg14[%swap3A_452, %swap3A_453, %swap3A_454] {strides = array<i32>} : memref<80x1x128xf32, #tpu.memory_space<vmem>>, vector<16xf32>,
        tpu.vector_store %arg14[%swap3A_452, %swap3A_453, %swap3A_454], %mul3A_450 {strides = array<i32>} : memref<80x1x128xf32, #tpu.memory_space<vmem>>, vector<16xf32>,
      }
      %scan3A_80 = arith.constant 20 : i32
      %run_scoped3A = arith.constant 0 : i32
      "tpu.region"() ({
        %run_scoped3A_81 = tpu.sem_alloc : memref<!tpu.dma_semaphore, #tpu.memory_space<semaphore_mem>>
        %dma_start3A_82 = arith.constant 0 : i32
        %dma_start3A_83 = tpu.memref_slice %arg11[%select_n3A_51, %run_scoped3A, %dma_start3A_82] : memref<5x1x80xi32, #tpu.memory_space<vmem>> -> memref<1x1x80xi32, #tpu.memory_space<vmem>>
        %dma_start3A_84 = tpu.memref_squeeze %dma_start3A_83 : memref<1x1x80xi32, #tpu.memory_space<vmem>> -> memref<80xi32, #tpu.memory_space<vmem>>
        %dma_start3A_85 = arith.constant 0 : i32
        %dma_start3A_86 = arith.constant 0 : i32
        %dma_start3A_87 = arith.constant 0 : i32
        %dma_start3A_88 = tpu.memref_slice %arg17[%dma_start3A_85, %dma_start3A_86, %dma_start3A_87] : memref<10000x1x128xf32, #tpu.memory_space<vmem_shared>> -> memref<10000x1x128xf32, #tpu.memory_space<vmem_shared>>
        tpu.enqueue_indirect_dma source(%arg14 : memref<80x1x128xf32, #tpu.memory_space<vmem>>) target(%dma_start3A_88 : memref<10000x1x128xf32, #tpu.memory_space<vmem_shared>>) offsets(%dma_start3A_84 : memref<80xi32, #tpu.memory_space<vmem>>) semaphore(%run_scoped3A_81 : memref<!tpu.dma_semaphore, #tpu.memory_space<semaphore_mem>>) {add = true}
        %dma_wait3A_89 = arith.constant 0 : i32
        %dma_wait3A_90 = tpu.memref_slice %arg11[%select_n3A_51, %run_scoped3A, %dma_wait3A_89] : memref<5x1x80xi32, #tpu.memory_space<vmem>> -> memref<1x1x80xi32, #tpu.memory_space<vmem>>
        %dma_wait3A_91 = tpu.memref_squeeze %dma_wait3A_90 : memref<1x1x80xi32, #tpu.memory_space<vmem>> -> memref<80xi32, #tpu.memory_space<vmem>>
        %dma_wait3A_92 = arith.constant 0 : i32
        %dma_wait3A_93 = arith.constant 0 : i32
        %dma_wait3A_94 = arith.constant 0 : i32
        %dma_wait3A_95 = tpu.memref_slice %arg17[%dma_wait3A_92, %dma_wait3A_93, %dma_wait3A_94] : memref<10000x1x128xf32, #tpu.memory_space<vmem_shared>> -> memref<10000x1x128xf32, #tpu.memory_space<vmem_shared>>
        tpu.wait_indirect_dma semaphore(%run_scoped3A_81 : memref<!tpu.dma_semaphore, #tpu.memory_space<semaphore_mem>>) src(%arg14 : memref<80x1x128xf32, #tpu.memory_space<vmem>>) dst(%dma_wait3A_95 : memref<10000x1x128xf32, #tpu.memory_space<vmem_shared>>)
        tpu.yield
      }) : () -> ()
    }
    %scan3A_33 = arith.constant 125 : i32
    %barrier3A_34 = arith.constant 0 : index
    tpu.barrier barrier_id(%barrier3A_34)
    %mul3A_35 = arith.constant 625 : i32
    %mul3A_36 = arith.muli %arg1, %mul3A_35 : i32
    %mul3A_37 = arith.constant 10000 : i32
    %mul3A_38 = arith.muli %arg0, %mul3A_37 : i32
    %mul3A_39 = arith.constant 625 : i32
    %mul3A_40 = arith.muli %arg1, %mul3A_39 : i32
    %add3A_41 = arith.addi %mul3A_38, %mul3A_40 : i32
    "tpu.region"() ({
      %run_scoped3A = tpu.sem_alloc : memref<!tpu.dma_semaphore, #tpu.memory_space<semaphore_mem>>
      %dma_start3A = arith.constant 0 : i32
      %dma_start3A_42 = arith.constant 0 : i32
      %dma_start3A_43 = tpu.memref_slice %arg7[%add3A_41, %dma_start3A, %dma_start3A_42] : memref<20000x1x128xf32, #tpu.memory_space<hbm>> -> memref<625x1x128xf32, #tpu.memory_space<hbm>>
      %dma_start3A_44 = arith.constant 0 : i32
      %dma_start3A_45 = arith.constant 0 : i32
      %dma_start3A_46 = tpu.memref_slice %arg17[%mul3A_36, %dma_start3A_44, %dma_start3A_45] : memref<10000x1x128xf32, #tpu.memory_space<vmem_shared>> -> memref<625x1x128xf32, #tpu.memory_space<vmem_shared>>
      tpu.enqueue_dma source(%dma_start3A_46 : memref<625x1x128xf32, #tpu.memory_space<vmem_shared>>) target(%dma_start3A_43 : memref<625x1x128xf32, #tpu.memory_space<hbm>>) target_semaphore(%run_scoped3A : memref<!tpu.dma_semaphore, #tpu.memory_space<semaphore_mem>>)
      %dma_wait3A = arith.constant 0 : i32
      %dma_wait3A_47 = arith.constant 0 : i32
      %dma_wait3A_48 = tpu.memref_slice %arg7[%add3A_41, %dma_wait3A, %dma_wait3A_47] : memref<20000x1x128xf32, #tpu.memory_space<hbm>> -> memref<625x1x128xf32, #tpu.memory_space<hbm>>
      %dma_wait3A_49 = arith.constant 0 : i32
      %dma_wait3A_50 = arith.constant 0 : i32
      %dma_wait3A_51 = tpu.memref_slice %arg17[%mul3A_36, %dma_wait3A_49, %dma_wait3A_50] : memref<10000x1x128xf32, #tpu.memory_space<vmem_shared>> -> memref<625x1x128xf32, #tpu.memory_space<vmem_shared>>
      tpu.wait_dma2 semaphore(%run_scoped3A : memref<!tpu.dma_semaphore, #tpu.memory_space<semaphore_mem>>) src(%dma_wait3A_51 : memref<625x1x128xf32, #tpu.memory_space<vmem_shared>>) dst(%dma_wait3A_48 : memref<625x1x128xf32, #tpu.memory_space<hbm>>)
      tpu.yield
    }) : () -> ()
    "tpu.region"() ({
      %run_scoped3A = tpu.sem_alloc : memref<!tpu.dma_semaphore, #tpu.memory_space<semaphore_mem>>
      %dma_start3A = arith.constant 0 : i32
      %dma_start3A_42 = tpu.memref_slice %arg8[%add3A, %dma_start3A] : memref<32x10000xf32, #tpu.memory_space<hbm>> -> memref<1x10000xf32, #tpu.memory_space<hbm>>
      %dma_start3A_43 = tpu.memref_squeeze %dma_start3A_42 : memref<1x10000xf32, #tpu.memory_space<hbm>> -> memref<10000xf32, #tpu.memory_space<hbm>>
      %dma_start3A_44 = arith.constant 0 : i32
      %dma_start3A_45 = tpu.memref_slice %arg8[%add3A, %dma_start3A_44] : memref<32x10000xf32, #tpu.memory_space<hbm>> -> memref<1x10000xf32, #tpu.memory_space<hbm>>
      %dma_start3A_46 = tpu.memref_squeeze %dma_start3A_45 : memref<1x10000xf32, #tpu.memory_space<hbm>> -> memref<10000xf32, #tpu.memory_space<hbm>>
      tpu.enqueue_dma source(%arg15 : memref<10000xf32, #tpu.memory_space<vmem>>) target(%dma_start3A_46 : memref<10000xf32, #tpu.memory_space<hbm>>) target_semaphore(%run_scoped3A : memref<!tpu.dma_semaphore, #tpu.memory_space<semaphore_mem>>)
      %dma_wait3A = arith.constant 0 : i32
      %dma_wait3A_47 = tpu.memref_slice %arg8[%add3A, %dma_wait3A] : memref<32x10000xf32, #tpu.memory_space<hbm>> -> memref<1x10000xf32, #tpu.memory_space<hbm>>
      %dma_wait3A_48 = tpu.memref_squeeze %dma_wait3A_47 : memref<1x10000xf32, #tpu.memory_space<hbm>> -> memref<10000xf32, #tpu.memory_space<hbm>>
      %dma_wait3A_49 = arith.constant 0 : i32
      %dma_wait3A_50 = tpu.memref_slice %arg8[%add3A, %dma_wait3A_49] : memref<32x10000xf32, #tpu.memory_space<hbm>> -> memref<1x10000xf32, #tpu.memory_space<hbm>>
      %dma_wait3A_51 = tpu.memref_squeeze %dma_wait3A_50 : memref<1x10000xf32, #tpu.memory_space<hbm>> -> memref<10000xf32, #tpu.memory_space<hbm>>
      tpu.wait_dma2 semaphore(%run_scoped3A : memref<!tpu.dma_semaphore, #tpu.memory_space<semaphore_mem>>) src(%arg15 : memref<10000xf32, #tpu.memory_space<vmem>>) dst(%dma_wait3A_51 : memref<10000xf32, #tpu.memory_space<hbm>>)
      tpu.yield
    }) : () -> ()
    return
  }
}

#map = affine_map<(d0, d1) -> (0, 0, 0)>
#map1 = affine_map<(d0, d1) -> (0)>
#map2 = affine_map<(d0, d1) -> (0, 0)>
module attributes {stable_mosaic.version = 14 : i64} {
  func.func @_sc_edge(%arg0: i32, %arg1: i32, %arg2: memref<10000x1x128xf32, #tpu.memory_space<hbm>>, %arg3: memref<20000xf32, #tpu.memory_space<hbm>>, %arg4: memref<128xf32, #tpu.memory_space<hbm>>, %arg5: memref<4000x1x80xi32, #tpu.memory_space<hbm>>, %arg6: memref<4000x1x80xi32, #tpu.memory_space<hbm>>, %arg7: memref<20000x1x128xf32, #tpu.memory_space<hbm>>, %arg8: memref<32x10000xf32, #tpu.memory_space<hbm>>, %arg9: memref<20000xf32, #tpu.memory_space<vmem>>, %arg10: memref<5x1x80xi32, #tpu.memory_space<vmem>>, %arg11: memref<5x1x80xi32, #tpu.memory_space<vmem>>, %arg12: memref<80xf32, #tpu.memory_space<vmem>>, %arg13: memref<16xf32, #tpu.memory_space<vmem>>, %arg14: memref<80x1x128xf32, #tpu.memory_space<vmem>>, %arg15: memref<10000xf32, #tpu.memory_space<vmem>>, %arg16: memref<5x1x128xf32, #tpu.memory_space<vmem>>, %arg17: memref<10000x1x128xf32, #tpu.memory_space<vmem_shared>>, %arg18: memref<!tpu.dma_semaphore, #tpu.memory_space<semaphore_mem>>, %arg19: memref<!tpu.dma_semaphore, #tpu.memory_space<semaphore_mem>>) attributes {dimension_semantics = [#tpu.dimension_semantics<core_parallel>, #tpu.dimension_semantics<subcore_parallel>], iteration_bounds = array<i64: 2, 16>, scalar_prefetch = 0 : i64, scratch_operands = 11 : i64, tpu.core_type = #tpu.core_type<sc_vector_subcore>, window_params = [{transform_indices = #map}, {transform_indices = #map1}, {transform_indices = #map1}, {transform_indices = #map}, {transform_indices = #map}, {transform_indices = #map}, {transform_indices = #map2}]} {
    %mul3A = arith.constant 2 : i32
    %mul3A_0 = arith.muli %arg1, %mul3A : i32
    %add3A = arith.addi %mul3A_0, %arg0 : i32
    "tpu.region"() ({
      %run_scoped3A = tpu.sem_alloc : memref<!tpu.dma_semaphore, #tpu.memory_space<semaphore_mem>>
      tpu.enqueue_dma source(%arg3 : memref<20000xf32, #tpu.memory_space<hbm>>) target(%arg9 : memref<20000xf32, #tpu.memory_space<vmem>>) target_semaphore(%run_scoped3A : memref<!tpu.dma_semaphore, #tpu.memory_space<semaphore_mem>>)
      tpu.wait_dma2 semaphore(%run_scoped3A : memref<!tpu.dma_semaphore, #tpu.memory_space<semaphore_mem>>) src(%arg3 : memref<20000xf32, #tpu.memory_space<hbm>>) dst(%arg9 : memref<20000xf32, #tpu.memory_space<vmem>>)
      tpu.yield
    }) : () -> ()
    "tpu.region"() ({
      %run_scoped3A = tpu.sem_alloc : memref<!tpu.dma_semaphore, #tpu.memory_space<semaphore_mem>>
      %dma_start3A = arith.constant 0 : i32
      %dma_start3A_42 = tpu.memref_slice %arg4[%dma_start3A] : memref<128xf32, #tpu.memory_space<hbm>> -> memref<16xf32, #tpu.memory_space<hbm>>
      %dma_start3A_43 = arith.constant 0 : i32
      %dma_start3A_44 = tpu.memref_slice %arg4[%dma_start3A_43] : memref<128xf32, #tpu.memory_space<hbm>> -> memref<16xf32, #tpu.memory_space<hbm>>
      tpu.enqueue_dma source(%dma_start3A_44 : memref<16xf32, #tpu.memory_space<hbm>>) target(%arg13 : memref<16xf32, #tpu.memory_space<vmem>>) target_semaphore(%run_scoped3A : memref<!tpu.dma_semaphore, #tpu.memory_space<semaphore_mem>>)
      %dma_wait3A = arith.constant 0 : i32
      %dma_wait3A_45 = tpu.memref_slice %arg4[%dma_wait3A] : memref<128xf32, #tpu.memory_space<hbm>> -> memref<16xf32, #tpu.memory_space<hbm>>
      %dma_wait3A_46 = arith.constant 0 : i32
      %dma_wait3A_47 = tpu.memref_slice %arg4[%dma_wait3A_46] : memref<128xf32, #tpu.memory_space<hbm>> -> memref<16xf32, #tpu.memory_space<hbm>>
      tpu.wait_dma2 semaphore(%run_scoped3A : memref<!tpu.dma_semaphore, #tpu.memory_space<semaphore_mem>>) src(%dma_wait3A_47 : memref<16xf32, #tpu.memory_space<hbm>>) dst(%arg13 : memref<16xf32, #tpu.memory_space<vmem>>)
      tpu.yield
    }) : () -> ()
    %broadcast_in_dim3A = arith.constant 0.000000e+00 : f32
    %broadcast_in_dim3A_1 = vector.broadcast %broadcast_in_dim3A : f32 to vector<16xf32>
    %scan3A = arith.constant 0 : i32
    %scan3A_2 = arith.constant 0 : i32
    %scan3A_3 = arith.constant 40 : i32
    %scan3A_4 = arith.addi %scan3A_2, %scan3A_3 : i32
    %scan3A_5 = arith.constant 1 : i32
    scf.for %scan3A_42 = %scan3A_2 to %scan3A_4 step %scan3A_5  : i32 {
      %jit3A = arith.constant 8 : i32
      %div3A = arith.divsi %scan3A_42, %jit3A : i32
      %sign3A = arith.constant 0 : i32
      %sign3A_43 = arith.cmpi sgt, %scan3A_42, %sign3A : i32
      %sign3A_44 = arith.extui %sign3A_43 : i1 to i32
      %sign3A_45 = arith.constant 0 : i32
      %sign3A_46 = arith.cmpi slt, %scan3A_42, %sign3A_45 : i32
      %sign3A_47 = arith.extui %sign3A_46 : i1 to i32
      %sign3A_48 = arith.subi %sign3A_44, %sign3A_47 : i32
      %sign3A_49 = arith.constant 0 : i32
      %sign3A_50 = arith.cmpi sgt, %jit3A, %sign3A_49 : i32
      %sign3A_51 = arith.extui %sign3A_50 : i1 to i32
      %sign3A_52 = arith.constant 0 : i32
      %sign3A_53 = arith.cmpi slt, %jit3A, %sign3A_52 : i32
      %sign3A_54 = arith.extui %sign3A_53 : i1 to i32
      %sign3A_55 = arith.subi %sign3A_51, %sign3A_54 : i32
      %ne3A = arith.cmpi ne, %sign3A_48, %sign3A_55 : i32
      %rem3A = arith.remsi %scan3A_42, %jit3A : i32
      %ne3A_56 = arith.constant 0 : i32
      %ne3A_57 = arith.cmpi ne, %rem3A, %ne3A_56 : i32
      %and3A = arith.andi %ne3A, %ne3A_57 : i1
      %sub3A = arith.constant 1 : i32
      %sub3A_58 = arith.subi %div3A, %sub3A : i32
      %select_n3A = arith.select %and3A, %sub3A_58, %div3A : i32
      %jit3A_59 = arith.constant 8 : i32
      %eq3A = arith.constant 0 : i32
      %eq3A_60 = arith.cmpi eq, %jit3A_59, %eq3A : i32
      %jit3A_61 = arith.constant 1 : i32
      %select_n3A_62 = arith.select %eq3A_60, %jit3A_61, %jit3A_59 : i32
      %rem3A_63 = arith.remsi %scan3A_42, %select_n3A_62 : i32
      %ne3A_64 = arith.constant 0 : i32
      %ne3A_65 = arith.cmpi ne, %rem3A_63, %ne3A_64 : i32
      %lt3A = arith.constant 0 : i32
      %lt3A_66 = arith.cmpi slt, %rem3A_63, %lt3A : i32
      %lt3A_67 = arith.constant 0 : i32
      %lt3A_68 = arith.cmpi slt, %select_n3A_62, %lt3A_67 : i32
      %ne3A_69 = arith.xori %lt3A_66, %lt3A_68 : i1
      %and3A_70 = arith.andi %ne3A_69, %ne3A_65 : i1
      %add3A_71 = arith.addi %rem3A_63, %select_n3A_62 : i32
      %select_n3A_72 = arith.select %and3A_70, %add3A_71, %rem3A_63 : i32
      %mul3A_73 = arith.constant 16 : i32
      %mul3A_74 = arith.muli %select_n3A_72, %mul3A_73 : i32
      %swap3A = arith.constant 0 : i32
      %swap3A_75 = arith.index_cast %select_n3A : i32 to index
      %swap3A_76 = arith.index_cast %swap3A : i32 to index
      %swap3A_77 = arith.index_cast %mul3A_74 : i32 to index
      %swap3A_78 = tpu.vector_load %arg16[%swap3A_75, %swap3A_76, %swap3A_77] {strides = array<i32>} : memref<5x1x128xf32, #tpu.memory_space<vmem>>, vector<16xf32>,
      tpu.vector_store %arg16[%swap3A_75, %swap3A_76, %swap3A_77], %broadcast_in_dim3A_1 {strides = array<i32>} : memref<5x1x128xf32, #tpu.memory_space<vmem>>, vector<16xf32>,
    }
    %scan3A_6 = arith.constant 40 : i32
    %scan3A_7 = arith.constant 0 : i32
    %scan3A_8 = arith.constant 0 : i32
    %scan3A_9 = arith.constant 125 : i32
    %scan3A_10 = arith.addi %scan3A_8, %scan3A_9 : i32
    %scan3A_11 = arith.constant 1 : i32
    scf.for %scan3A_42 = %scan3A_8 to %scan3A_10 step %scan3A_11  : i32 {
      %mul3A_43 = arith.constant 625 : i32
      %mul3A_44 = arith.muli %arg1, %mul3A_43 : i32
      %mul3A_45 = arith.constant 5 : i32
      %mul3A_46 = arith.muli %scan3A_42, %mul3A_45 : i32
      %add3A_47 = arith.addi %mul3A_44, %mul3A_46 : i32
      %dma_start3A = arith.constant 0 : i32
      %dma_start3A_48 = arith.constant 0 : i32
      %dma_start3A_49 = tpu.memref_slice %arg17[%add3A_47, %dma_start3A, %dma_start3A_48] : memref<10000x1x128xf32, #tpu.memory_space<vmem_shared>> -> memref<5x1x128xf32, #tpu.memory_space<vmem_shared>>
      %dma_start3A_50 = arith.constant 0 : i32
      %dma_start3A_51 = arith.constant 0 : i32
      %dma_start3A_52 = tpu.memref_slice %arg17[%add3A_47, %dma_start3A_50, %dma_start3A_51] : memref<10000x1x128xf32, #tpu.memory_space<vmem_shared>> -> memref<5x1x128xf32, #tpu.memory_space<vmem_shared>>
      tpu.enqueue_dma source(%arg16 : memref<5x1x128xf32, #tpu.memory_space<vmem>>) target(%dma_start3A_52 : memref<5x1x128xf32, #tpu.memory_space<vmem_shared>>) target_semaphore(%arg19 : memref<!tpu.dma_semaphore, #tpu.memory_space<semaphore_mem>>)
    }
    %scan3A_12 = arith.constant 125 : i32
    %scan3A_13 = arith.constant 0 : i32
    %scan3A_14 = arith.constant 0 : i32
    %scan3A_15 = arith.constant 125 : i32
    %scan3A_16 = arith.addi %scan3A_14, %scan3A_15 : i32
    %scan3A_17 = arith.constant 1 : i32
    scf.for %scan3A_42 = %scan3A_14 to %scan3A_16 step %scan3A_17  : i32 {
      %mul3A_43 = arith.constant 625 : i32
      %mul3A_44 = arith.muli %arg1, %mul3A_43 : i32
      %dma_wait3A = arith.constant 0 : i32
      %dma_wait3A_45 = arith.constant 0 : i32
      %dma_wait3A_46 = tpu.memref_slice %arg17[%mul3A_44, %dma_wait3A, %dma_wait3A_45] : memref<10000x1x128xf32, #tpu.memory_space<vmem_shared>> -> memref<5x1x128xf32, #tpu.memory_space<vmem_shared>>
      %dma_wait3A_47 = arith.constant 0 : i32
      %dma_wait3A_48 = arith.constant 0 : i32
      %dma_wait3A_49 = arith.constant 0 : i32
      %dma_wait3A_50 = tpu.memref_slice %arg2[%dma_wait3A_47, %dma_wait3A_48, %dma_wait3A_49] : memref<10000x1x128xf32, #tpu.memory_space<hbm>> -> memref<5x1x128xf32, #tpu.memory_space<hbm>>
      tpu.wait_dma2 semaphore(%arg19 : memref<!tpu.dma_semaphore, #tpu.memory_space<semaphore_mem>>) src(%dma_wait3A_50 : memref<5x1x128xf32, #tpu.memory_space<hbm>>) dst(%dma_wait3A_46 : memref<5x1x128xf32, #tpu.memory_space<vmem_shared>>)
    }
    %scan3A_18 = arith.constant 125 : i32
    %scan3A_19 = arith.constant 0 : i32
    %scan3A_20 = arith.constant 0 : i32
    %scan3A_21 = arith.constant 625 : i32
    %scan3A_22 = arith.addi %scan3A_20, %scan3A_21 : i32
    %scan3A_23 = arith.constant 1 : i32
    scf.for %scan3A_42 = %scan3A_20 to %scan3A_22 step %scan3A_23  : i32 {
      %mul3A_43 = arith.constant 16 : i32
      %mul3A_44 = arith.muli %scan3A_42, %mul3A_43 : i32
      %swap3A = arith.index_cast %mul3A_44 : i32 to index
      %swap3A_45 = tpu.vector_load %arg15[%swap3A] {strides = array<i32>} : memref<10000xf32, #tpu.memory_space<vmem>>, vector<16xf32>,
      tpu.vector_store %arg15[%swap3A], %broadcast_in_dim3A_1 {strides = array<i32>} : memref<10000xf32, #tpu.memory_space<vmem>>, vector<16xf32>,
    }
    %scan3A_24 = arith.constant 625 : i32
    %barrier3A = arith.constant 0 : index
    tpu.barrier barrier_id(%barrier3A)
    %get3A = arith.constant 0 : index
    %get3A_25 = tpu.vector_load %arg13[%get3A] {strides = array<i32>} : memref<16xf32, #tpu.memory_space<vmem>>, vector<16xf32>,
    %mul3A_26 = arith.constant 125 : i32
    %mul3A_27 = arith.muli %add3A, %mul3A_26 : i32
    %scan3A_28 = arith.constant 0 : i32
    %scan3A_29 = arith.constant 0 : i32
    %scan3A_30 = arith.constant 125 : i32
    %scan3A_31 = arith.addi %scan3A_29, %scan3A_30 : i32
    %scan3A_32 = arith.constant 1 : i32
    scf.for %scan3A_42 = %scan3A_29 to %scan3A_31 step %scan3A_32  : i32 {
      %jit3A = arith.constant 5 : i32
      %eq3A = arith.constant 0 : i32
      %eq3A_43 = arith.cmpi eq, %jit3A, %eq3A : i32
      %jit3A_44 = arith.constant 1 : i32
      %select_n3A = arith.select %eq3A_43, %jit3A_44, %jit3A : i32
      %rem3A = arith.remsi %scan3A_42, %select_n3A : i32
      %ne3A = arith.constant 0 : i32
      %ne3A_45 = arith.cmpi ne, %rem3A, %ne3A : i32
      %lt3A = arith.constant 0 : i32
      %lt3A_46 = arith.cmpi slt, %rem3A, %lt3A : i32
      %lt3A_47 = arith.constant 0 : i32
      %lt3A_48 = arith.cmpi slt, %select_n3A, %lt3A_47 : i32
      %ne3A_49 = arith.xori %lt3A_46, %lt3A_48 : i1
      %and3A = arith.andi %ne3A_49, %ne3A_45 : i1
      %add3A_50 = arith.addi %rem3A, %select_n3A : i32
      %select_n3A_51 = arith.select %and3A, %add3A_50, %rem3A : i32
      %eq3A_52 = arith.constant 0 : i32
      %eq3A_53 = arith.cmpi eq, %select_n3A_51, %eq3A_52 : i32
      %convert_element_type3A = arith.extui %eq3A_53 : i1 to i32
      %cond3A = arith.constant 0 : i32
      %cond3A_54 = arith.cmpi ne, %convert_element_type3A, %cond3A : i32
      scf.if %cond3A_54 {
        %add3A_81 = arith.addi %mul3A_27, %scan3A_42 : i32
        "tpu.region"() ({
          %run_scoped3A_83 = tpu.sem_alloc : memref<!tpu.dma_semaphore, #tpu.memory_space<semaphore_mem>>
          %dma_start3A_84 = arith.constant 0 : i32
          %dma_start3A_85 = arith.constant 0 : i32
          %dma_start3A_86 = tpu.memref_slice %arg5[%add3A_81, %dma_start3A_84, %dma_start3A_85] : memref<4000x1x80xi32, #tpu.memory_space<hbm>> -> memref<5x1x80xi32, #tpu.memory_space<hbm>>
          %dma_start3A_87 = arith.constant 0 : i32
          %dma_start3A_88 = arith.constant 0 : i32
          %dma_start3A_89 = tpu.memref_slice %arg5[%add3A_81, %dma_start3A_87, %dma_start3A_88] : memref<4000x1x80xi32, #tpu.memory_space<hbm>> -> memref<5x1x80xi32, #tpu.memory_space<hbm>>
          tpu.enqueue_dma source(%dma_start3A_89 : memref<5x1x80xi32, #tpu.memory_space<hbm>>) target(%arg10 : memref<5x1x80xi32, #tpu.memory_space<vmem>>) target_semaphore(%run_scoped3A_83 : memref<!tpu.dma_semaphore, #tpu.memory_space<semaphore_mem>>)
          %dma_wait3A_90 = arith.constant 0 : i32
          %dma_wait3A_91 = arith.constant 0 : i32
          %dma_wait3A_92 = tpu.memref_slice %arg5[%add3A_81, %dma_wait3A_90, %dma_wait3A_91] : memref<4000x1x80xi32, #tpu.memory_space<hbm>> -> memref<5x1x80xi32, #tpu.memory_space<hbm>>
          %dma_wait3A_93 = arith.constant 0 : i32
          %dma_wait3A_94 = arith.constant 0 : i32
          %dma_wait3A_95 = tpu.memref_slice %arg5[%add3A_81, %dma_wait3A_93, %dma_wait3A_94] : memref<4000x1x80xi32, #tpu.memory_space<hbm>> -> memref<5x1x80xi32, #tpu.memory_space<hbm>>
          tpu.wait_dma2 semaphore(%run_scoped3A_83 : memref<!tpu.dma_semaphore, #tpu.memory_space<semaphore_mem>>) src(%dma_wait3A_95 : memref<5x1x80xi32, #tpu.memory_space<hbm>>) dst(%arg10 : memref<5x1x80xi32, #tpu.memory_space<vmem>>)
          tpu.yield
        }) : () -> ()
        %add3A_82 = arith.addi %mul3A_27, %scan3A_42 : i32
        "tpu.region"() ({
          %run_scoped3A_83 = tpu.sem_alloc : memref<!tpu.dma_semaphore, #tpu.memory_space<semaphore_mem>>
          %dma_start3A_84 = arith.constant 0 : i32
          %dma_start3A_85 = arith.constant 0 : i32
          %dma_start3A_86 = tpu.memref_slice %arg6[%add3A_82, %dma_start3A_84, %dma_start3A_85] : memref<4000x1x80xi32, #tpu.memory_space<hbm>> -> memref<5x1x80xi32, #tpu.memory_space<hbm>>
          %dma_start3A_87 = arith.constant 0 : i32
          %dma_start3A_88 = arith.constant 0 : i32
          %dma_start3A_89 = tpu.memref_slice %arg6[%add3A_82, %dma_start3A_87, %dma_start3A_88] : memref<4000x1x80xi32, #tpu.memory_space<hbm>> -> memref<5x1x80xi32, #tpu.memory_space<hbm>>
          tpu.enqueue_dma source(%dma_start3A_89 : memref<5x1x80xi32, #tpu.memory_space<hbm>>) target(%arg11 : memref<5x1x80xi32, #tpu.memory_space<vmem>>) target_semaphore(%run_scoped3A_83 : memref<!tpu.dma_semaphore, #tpu.memory_space<semaphore_mem>>)
          %dma_wait3A_90 = arith.constant 0 : i32
          %dma_wait3A_91 = arith.constant 0 : i32
          %dma_wait3A_92 = tpu.memref_slice %arg6[%add3A_82, %dma_wait3A_90, %dma_wait3A_91] : memref<4000x1x80xi32, #tpu.memory_space<hbm>> -> memref<5x1x80xi32, #tpu.memory_space<hbm>>
          %dma_wait3A_93 = arith.constant 0 : i32
          %dma_wait3A_94 = arith.constant 0 : i32
          %dma_wait3A_95 = tpu.memref_slice %arg6[%add3A_82, %dma_wait3A_93, %dma_wait3A_94] : memref<4000x1x80xi32, #tpu.memory_space<hbm>> -> memref<5x1x80xi32, #tpu.memory_space<hbm>>
          tpu.wait_dma2 semaphore(%run_scoped3A_83 : memref<!tpu.dma_semaphore, #tpu.memory_space<semaphore_mem>>) src(%dma_wait3A_95 : memref<5x1x80xi32, #tpu.memory_space<hbm>>) dst(%arg11 : memref<5x1x80xi32, #tpu.memory_space<vmem>>)
          tpu.yield
        }) : () -> ()
      } else {
      }
      %dma_start3A = arith.constant 0 : i32
      %dma_start3A_55 = arith.constant 0 : i32
      %dma_start3A_56 = tpu.memref_slice %arg10[%select_n3A_51, %dma_start3A, %dma_start3A_55] : memref<5x1x80xi32, #tpu.memory_space<vmem>> -> memref<1x1x80xi32, #tpu.memory_space<vmem>>
      %dma_start3A_57 = tpu.memref_squeeze %dma_start3A_56 : memref<1x1x80xi32, #tpu.memory_space<vmem>> -> memref<80xi32, #tpu.memory_space<vmem>>
      %dma_start3A_58 = arith.constant 0 : i32
      %dma_start3A_59 = arith.constant 0 : i32
      %dma_start3A_60 = arith.constant 0 : i32
      %dma_start3A_61 = tpu.memref_slice %arg2[%dma_start3A_58, %dma_start3A_59, %dma_start3A_60] : memref<10000x1x128xf32, #tpu.memory_space<hbm>> -> memref<10000x1x128xf32, #tpu.memory_space<hbm>>
      tpu.enqueue_indirect_dma source(%dma_start3A_61 : memref<10000x1x128xf32, #tpu.memory_space<hbm>>) target(%arg14 : memref<80x1x128xf32, #tpu.memory_space<vmem>>) offsets(%dma_start3A_57 : memref<80xi32, #tpu.memory_space<vmem>>) semaphore(%arg18 : memref<!tpu.dma_semaphore, #tpu.memory_space<semaphore_mem>>)
      %scan3A_62 = arith.constant 0 : i32
      %scan3A_63 = arith.constant 0 : i32
      %scan3A_64 = arith.constant 5 : i32
      %scan3A_65 = arith.addi %scan3A_63, %scan3A_64 : i32
      %scan3A_66 = arith.constant 1 : i32
      scf.for %scan3A_81 = %scan3A_63 to %scan3A_65 step %scan3A_66  : i32 {
        %mul3A_82 = arith.constant 16 : i32
        %mul3A_83 = arith.muli %scan3A_81, %mul3A_82 : i32
        %get3A_84 = arith.constant 0 : i32
        %get3A_85 = arith.index_cast %select_n3A_51 : i32 to index
        %get3A_86 = arith.index_cast %get3A_84 : i32 to index
        %get3A_87 = arith.index_cast %mul3A_83 : i32 to index
        %get3A_88 = tpu.vector_load %arg10[%get3A_85, %get3A_86, %get3A_87] {strides = array<i32>} : memref<5x1x80xi32, #tpu.memory_space<vmem>>, vector<16xi32>,
        %get3A_89 = arith.constant 0 : i32
        %get3A_90 = arith.index_cast %select_n3A_51 : i32 to index
        %get3A_91 = arith.index_cast %get3A_89 : i32 to index
        %get3A_92 = arith.index_cast %mul3A_83 : i32 to index
        %get3A_93 = tpu.vector_load %arg11[%get3A_90, %get3A_91, %get3A_92] {strides = array<i32>} : memref<5x1x80xi32, #tpu.memory_space<vmem>>, vector<16xi32>,
        %mul3A_94 = arith.constant 2 : i32
        %mul3A_95 = vector.broadcast %mul3A_94 : i32 to vector<16xi32>
        %mul3A_96 = arith.muli %get3A_88, %mul3A_95 : vector<16xi32>
        %gather3A = tpu.vector_load_idx %arg9[%mul3A_96] : memref<20000xf32, #tpu.memory_space<vmem>>[vector<16xi32>], vector<16xf32>,
        %mul3A_97 = arith.constant 2 : i32
        %mul3A_98 = vector.broadcast %mul3A_97 : i32 to vector<16xi32>
        %mul3A_99 = arith.muli %get3A_93, %mul3A_98 : vector<16xi32>
        %add3A_100 = arith.constant 1 : i32
        %add3A_101 = vector.broadcast %add3A_100 : i32 to vector<16xi32>
        %add3A_102 = arith.addi %mul3A_99, %add3A_101 : vector<16xi32>
        %gather3A_103 = tpu.vector_load_idx %arg9[%add3A_102] : memref<20000xf32, #tpu.memory_space<vmem>>[vector<16xi32>], vector<16xf32>,
        %add3A_104 = arith.addf %gather3A, %gather3A_103 : vector<16xf32>
        %ge3A = arith.constant 0.000000e+00 : f32
        %ge3A_105 = vector.broadcast %ge3A : f32 to vector<16xf32>
        %ge3A_106 = arith.cmpf oge, %add3A_104, %ge3A_105 : vector<16xf32>
        %mul3A_107 = arith.constant 2.000000e-01 : f32
        %mul3A_108 = vector.broadcast %mul3A_107 : f32 to vector<16xf32>
        %mul3A_109 = arith.mulf %mul3A_108, %add3A_104 : vector<16xf32>
        %select_n3A_110 = arith.select %ge3A_106, %add3A_104, %mul3A_109 : vector<16xi1>, vector<16xf32>
        %add3A_111 = arith.addf %get3A_25, %gather3A_103 : vector<16xf32>
        %ge3A_112 = arith.constant 0.000000e+00 : f32
        %ge3A_113 = vector.broadcast %ge3A_112 : f32 to vector<16xf32>
        %ge3A_114 = arith.cmpf oge, %add3A_111, %ge3A_113 : vector<16xf32>
        %mul3A_115 = arith.constant 2.000000e-01 : f32
        %mul3A_116 = vector.broadcast %mul3A_115 : f32 to vector<16xf32>
        %mul3A_117 = arith.mulf %mul3A_116, %add3A_111 : vector<16xf32>
        %select_n3A_118 = arith.select %ge3A_114, %add3A_111, %mul3A_117 : vector<16xi1>, vector<16xf32>
        %sub3A = arith.subf %select_n3A_110, %select_n3A_118 : vector<16xf32>
        %max3A = arith.constant -8.700000e+01 : f32
        %max3A_119 = vector.broadcast %max3A : f32 to vector<16xf32>
        %max3A_120 = arith.maximumf %sub3A, %max3A_119 : vector<16xf32>
        %mul3A_121 = arith.constant 1.44269502 : f32
        %mul3A_122 = vector.broadcast %mul3A_121 : f32 to vector<16xf32>
        %mul3A_123 = arith.mulf %max3A_120, %mul3A_122 : vector<16xf32>
        %sub3A_124 = arith.constant 5.000000e-01 : f32
        %sub3A_125 = vector.broadcast %sub3A_124 : f32 to vector<16xf32>
        %sub3A_126 = arith.subf %mul3A_123, %sub3A_125 : vector<16xf32>
        %convert_element_type3A_127 = arith.fptosi %sub3A_126 : vector<16xf32> to vector<16xi32>
        %convert_element_type3A_128 = arith.sitofp %convert_element_type3A_127 : vector<16xi32> to vector<16xf32>
        %mul3A_129 = arith.constant 0.693145751 : f32
        %mul3A_130 = vector.broadcast %mul3A_129 : f32 to vector<16xf32>
        %mul3A_131 = arith.mulf %convert_element_type3A_128, %mul3A_130 : vector<16xf32>
        %sub3A_132 = arith.subf %max3A_120, %mul3A_131 : vector<16xf32>
        %mul3A_133 = arith.constant 1.42860677E-6 : f32
        %mul3A_134 = vector.broadcast %mul3A_133 : f32 to vector<16xf32>
        %mul3A_135 = arith.mulf %convert_element_type3A_128, %mul3A_134 : vector<16xf32>
        %sub3A_136 = arith.subf %sub3A_132, %mul3A_135 : vector<16xf32>
        %mul3A_137 = arith.constant 0.00138888892 : f32
        %mul3A_138 = vector.broadcast %mul3A_137 : f32 to vector<16xf32>
        %mul3A_139 = arith.mulf %sub3A_136, %mul3A_138 : vector<16xf32>
        %add3A_140 = arith.constant 0.00833333377 : f32
        %add3A_141 = vector.broadcast %add3A_140 : f32 to vector<16xf32>
        %add3A_142 = arith.addf %add3A_141, %mul3A_139 : vector<16xf32>
        %mul3A_143 = arith.mulf %sub3A_136, %add3A_142 : vector<16xf32>
        %add3A_144 = arith.constant 0.0416666679 : f32
        %add3A_145 = vector.broadcast %add3A_144 : f32 to vector<16xf32>
        %add3A_146 = arith.addf %add3A_145, %mul3A_143 : vector<16xf32>
        %mul3A_147 = arith.mulf %sub3A_136, %add3A_146 : vector<16xf32>
        %add3A_148 = arith.constant 0.166666672 : f32
        %add3A_149 = vector.broadcast %add3A_148 : f32 to vector<16xf32>
        %add3A_150 = arith.addf %add3A_149, %mul3A_147 : vector<16xf32>
        %mul3A_151 = arith.mulf %sub3A_136, %add3A_150 : vector<16xf32>
        %add3A_152 = arith.constant 5.000000e-01 : f32
        %add3A_153 = vector.broadcast %add3A_152 : f32 to vector<16xf32>
        %add3A_154 = arith.addf %add3A_153, %mul3A_151 : vector<16xf32>
        %mul3A_155 = arith.mulf %sub3A_136, %add3A_154 : vector<16xf32>
        %add3A_156 = arith.constant 1.000000e+00 : f32
        %add3A_157 = vector.broadcast %add3A_156 : f32 to vector<16xf32>
        %add3A_158 = arith.addf %add3A_157, %mul3A_155 : vector<16xf32>
        %mul3A_159 = arith.mulf %sub3A_136, %add3A_158 : vector<16xf32>
        %add3A_160 = arith.constant 1.000000e+00 : f32
        %add3A_161 = vector.broadcast %add3A_160 : f32 to vector<16xf32>
        %add3A_162 = arith.addf %add3A_161, %mul3A_159 : vector<16xf32>
        %add3A_163 = arith.constant 127 : i32
        %add3A_164 = vector.broadcast %add3A_163 : i32 to vector<16xi32>
        %add3A_165 = arith.addi %convert_element_type3A_127, %add3A_164 : vector<16xi32>
        %shift_left3A = arith.constant 23 : i32
        %shift_left3A_166 = vector.broadcast %shift_left3A : i32 to vector<16xi32>
        %shift_left3A_167 = arith.shli %add3A_165, %shift_left3A_166 : vector<16xi32>
        %bitcast3A = vector.bitcast %shift_left3A_167 : vector<16xi32> to vector<16xf32>
        %mul3A_168 = arith.mulf %add3A_162, %bitcast3A : vector<16xf32>
        %swap3A = arith.index_cast %mul3A_83 : i32 to index
        %swap3A_169 = tpu.vector_load %arg12[%swap3A] {strides = array<i32>} : memref<80xf32, #tpu.memory_space<vmem>>, vector<16xf32>,
        tpu.vector_store %arg12[%swap3A], %mul3A_168 {strides = array<i32>} : memref<80xf32, #tpu.memory_space<vmem>>, vector<16xf32>,
        %iota3A = tpu.iota {dimensions = array<i32: 0>} : vector<16xi32>
        %eq3A_170 = arith.constant 0 : i32
        %eq3A_171 = vector.broadcast %eq3A_170 : i32 to vector<16xi32>
        %eq3A_172 = arith.cmpi eq, %iota3A, %eq3A_171 : vector<16xi32>
        tpu.vector_store_idx %arg15[%get3A_93], %mul3A_168 masked %eq3A_172 {add = true} : memref<10000xf32, #tpu.memory_space<vmem>>[vector<16xi32>], vector<16xf32>, vector<16xi1>
        %eq3A_173 = arith.constant 1 : i32
        %eq3A_174 = vector.broadcast %eq3A_173 : i32 to vector<16xi32>
        %eq3A_175 = arith.cmpi eq, %iota3A, %eq3A_174 : vector<16xi32>
        tpu.vector_store_idx %arg15[%get3A_93], %mul3A_168 masked %eq3A_175 {add = true} : memref<10000xf32, #tpu.memory_space<vmem>>[vector<16xi32>], vector<16xf32>, vector<16xi1>
        %eq3A_176 = arith.constant 2 : i32
        %eq3A_177 = vector.broadcast %eq3A_176 : i32 to vector<16xi32>
        %eq3A_178 = arith.cmpi eq, %iota3A, %eq3A_177 : vector<16xi32>
        tpu.vector_store_idx %arg15[%get3A_93], %mul3A_168 masked %eq3A_178 {add = true} : memref<10000xf32, #tpu.memory_space<vmem>>[vector<16xi32>], vector<16xf32>, vector<16xi1>
        %eq3A_179 = arith.constant 3 : i32
        %eq3A_180 = vector.broadcast %eq3A_179 : i32 to vector<16xi32>
        %eq3A_181 = arith.cmpi eq, %iota3A, %eq3A_180 : vector<16xi32>
        tpu.vector_store_idx %arg15[%get3A_93], %mul3A_168 masked %eq3A_181 {add = true} : memref<10000xf32, #tpu.memory_space<vmem>>[vector<16xi32>], vector<16xf32>, vector<16xi1>
        %eq3A_182 = arith.constant 4 : i32
        %eq3A_183 = vector.broadcast %eq3A_182 : i32 to vector<16xi32>
        %eq3A_184 = arith.cmpi eq, %iota3A, %eq3A_183 : vector<16xi32>
        tpu.vector_store_idx %arg15[%get3A_93], %mul3A_168 masked %eq3A_184 {add = true} : memref<10000xf32, #tpu.memory_space<vmem>>[vector<16xi32>], vector<16xf32>, vector<16xi1>
        %eq3A_185 = arith.constant 5 : i32
        %eq3A_186 = vector.broadcast %eq3A_185 : i32 to vector<16xi32>
        %eq3A_187 = arith.cmpi eq, %iota3A, %eq3A_186 : vector<16xi32>
        tpu.vector_store_idx %arg15[%get3A_93], %mul3A_168 masked %eq3A_187 {add = true} : memref<10000xf32, #tpu.memory_space<vmem>>[vector<16xi32>], vector<16xf32>, vector<16xi1>
        %eq3A_188 = arith.constant 6 : i32
        %eq3A_189 = vector.broadcast %eq3A_188 : i32 to vector<16xi32>
        %eq3A_190 = arith.cmpi eq, %iota3A, %eq3A_189 : vector<16xi32>
        tpu.vector_store_idx %arg15[%get3A_93], %mul3A_168 masked %eq3A_190 {add = true} : memref<10000xf32, #tpu.memory_space<vmem>>[vector<16xi32>], vector<16xf32>, vector<16xi1>
        %eq3A_191 = arith.constant 7 : i32
        %eq3A_192 = vector.broadcast %eq3A_191 : i32 to vector<16xi32>
        %eq3A_193 = arith.cmpi eq, %iota3A, %eq3A_192 : vector<16xi32>
        tpu.vector_store_idx %arg15[%get3A_93], %mul3A_168 masked %eq3A_193 {add = true} : memref<10000xf32, #tpu.memory_space<vmem>>[vector<16xi32>], vector<16xf32>, vector<16xi1>
        %eq3A_194 = arith.constant 8 : i32
        %eq3A_195 = vector.broadcast %eq3A_194 : i32 to vector<16xi32>
        %eq3A_196 = arith.cmpi eq, %iota3A, %eq3A_195 : vector<16xi32>
        tpu.vector_store_idx %arg15[%get3A_93], %mul3A_168 masked %eq3A_196 {add = true} : memref<10000xf32, #tpu.memory_space<vmem>>[vector<16xi32>], vector<16xf32>, vector<16xi1>
        %eq3A_197 = arith.constant 9 : i32
        %eq3A_198 = vector.broadcast %eq3A_197 : i32 to vector<16xi32>
        %eq3A_199 = arith.cmpi eq, %iota3A, %eq3A_198 : vector<16xi32>
        tpu.vector_store_idx %arg15[%get3A_93], %mul3A_168 masked %eq3A_199 {add = true} : memref<10000xf32, #tpu.memory_space<vmem>>[vector<16xi32>], vector<16xf32>, vector<16xi1>
        %eq3A_200 = arith.constant 10 : i32
        %eq3A_201 = vector.broadcast %eq3A_200 : i32 to vector<16xi32>
        %eq3A_202 = arith.cmpi eq, %iota3A, %eq3A_201 : vector<16xi32>
        tpu.vector_store_idx %arg15[%get3A_93], %mul3A_168 masked %eq3A_202 {add = true} : memref<10000xf32, #tpu.memory_space<vmem>>[vector<16xi32>], vector<16xf32>, vector<16xi1>
        %eq3A_203 = arith.constant 11 : i32
        %eq3A_204 = vector.broadcast %eq3A_203 : i32 to vector<16xi32>
        %eq3A_205 = arith.cmpi eq, %iota3A, %eq3A_204 : vector<16xi32>
        tpu.vector_store_idx %arg15[%get3A_93], %mul3A_168 masked %eq3A_205 {add = true} : memref<10000xf32, #tpu.memory_space<vmem>>[vector<16xi32>], vector<16xf32>, vector<16xi1>
        %eq3A_206 = arith.constant 12 : i32
        %eq3A_207 = vector.broadcast %eq3A_206 : i32 to vector<16xi32>
        %eq3A_208 = arith.cmpi eq, %iota3A, %eq3A_207 : vector<16xi32>
        tpu.vector_store_idx %arg15[%get3A_93], %mul3A_168 masked %eq3A_208 {add = true} : memref<10000xf32, #tpu.memory_space<vmem>>[vector<16xi32>], vector<16xf32>, vector<16xi1>
        %eq3A_209 = arith.constant 13 : i32
        %eq3A_210 = vector.broadcast %eq3A_209 : i32 to vector<16xi32>
        %eq3A_211 = arith.cmpi eq, %iota3A, %eq3A_210 : vector<16xi32>
        tpu.vector_store_idx %arg15[%get3A_93], %mul3A_168 masked %eq3A_211 {add = true} : memref<10000xf32, #tpu.memory_space<vmem>>[vector<16xi32>], vector<16xf32>, vector<16xi1>
        %eq3A_212 = arith.constant 14 : i32
        %eq3A_213 = vector.broadcast %eq3A_212 : i32 to vector<16xi32>
        %eq3A_214 = arith.cmpi eq, %iota3A, %eq3A_213 : vector<16xi32>
        tpu.vector_store_idx %arg15[%get3A_93], %mul3A_168 masked %eq3A_214 {add = true} : memref<10000xf32, #tpu.memory_space<vmem>>[vector<16xi32>], vector<16xf32>, vector<16xi1>
        %eq3A_215 = arith.constant 15 : i32
        %eq3A_216 = vector.broadcast %eq3A_215 : i32 to vector<16xi32>
        %eq3A_217 = arith.cmpi eq, %iota3A, %eq3A_216 : vector<16xi32>
        tpu.vector_store_idx %arg15[%get3A_93], %mul3A_168 masked %eq3A_217 {add = true} : memref<10000xf32, #tpu.memory_space<vmem>>[vector<16xi32>], vector<16xf32>, vector<16xi1>
      }
      %scan3A_67 = arith.constant 5 : i32
      %dma_wait3A = arith.constant 0 : i32
      %dma_wait3A_68 = arith.constant 0 : i32
      %dma_wait3A_69 = arith.constant 0 : i32
      %dma_wait3A_70 = tpu.memref_slice %arg2[%dma_wait3A, %dma_wait3A_68, %dma_wait3A_69] : memref<10000x1x128xf32, #tpu.memory_space<hbm>> -> memref<80x1x128xf32, #tpu.memory_space<hbm>>
      %dma_wait3A_71 = arith.constant 0 : i32
      %dma_wait3A_72 = arith.constant 0 : i32
      %dma_wait3A_73 = arith.constant 0 : i32
      %dma_wait3A_74 = tpu.memref_slice %arg2[%dma_wait3A_71, %dma_wait3A_72, %dma_wait3A_73] : memref<10000x1x128xf32, #tpu.memory_space<hbm>> -> memref<80x1x128xf32, #tpu.memory_space<hbm>>
      tpu.wait_dma2 semaphore(%arg18 : memref<!tpu.dma_semaphore, #tpu.memory_space<semaphore_mem>>) src(%dma_wait3A_74 : memref<80x1x128xf32, #tpu.memory_space<hbm>>) dst(%arg14 : memref<80x1x128xf32, #tpu.memory_space<vmem>>)
      %scan3A_75 = arith.constant 0 : i32
      %scan3A_76 = arith.constant 0 : i32
      %scan3A_77 = arith.constant 20 : i32
      %scan3A_78 = arith.addi %scan3A_76, %scan3A_77 : i32
      %scan3A_79 = arith.constant 1 : i32
      scf.for %scan3A_81 = %scan3A_76 to %scan3A_78 step %scan3A_79  : i32 {
        %mul3A_82 = arith.constant 4 : i32
        %mul3A_83 = arith.muli %scan3A_81, %mul3A_82 : i32
        %add3A_84 = arith.constant 0 : i32
        %add3A_85 = arith.addi %mul3A_83, %add3A_84 : i32
        %broadcast_in_dim3A_86 = vector.broadcast %add3A_85 : i32 to vector<16xi32>
        %gather3A = tpu.vector_load_idx %arg12[%broadcast_in_dim3A_86] : memref<80xf32, #tpu.memory_space<vmem>>[vector<16xi32>], vector<16xf32>,
        %get3A_87 = arith.constant 0 : i32
        %get3A_88 = arith.index_cast %add3A_85 : i32 to index
        %get3A_89 = arith.index_cast %get3A_87 : i32 to index
        %get3A_90 = arith.constant 0 : index
        %get3A_91 = tpu.vector_load %arg14[%get3A_88, %get3A_89, %get3A_90] {strides = array<i32>} : memref<80x1x128xf32, #tpu.memory_space<vmem>>, vector<16xf32>,
        %mul3A_92 = arith.mulf %get3A_91, %gather3A : vector<16xf32>
        %swap3A = arith.constant 0 : i32
        %swap3A_93 = arith.index_cast %add3A_85 : i32 to index
        %swap3A_94 = arith.index_cast %swap3A : i32 to index
        %swap3A_95 = arith.constant 0 : index
        %swap3A_96 = tpu.vector_load %arg14[%swap3A_93, %swap3A_94, %swap3A_95] {strides = array<i32>} : memref<80x1x128xf32, #tpu.memory_space<vmem>>, vector<16xf32>,
        tpu.vector_store %arg14[%swap3A_93, %swap3A_94, %swap3A_95], %mul3A_92 {strides = array<i32>} : memref<80x1x128xf32, #tpu.memory_space<vmem>>, vector<16xf32>,
        %get3A_97 = arith.constant 0 : i32
        %get3A_98 = arith.index_cast %add3A_85 : i32 to index
        %get3A_99 = arith.index_cast %get3A_97 : i32 to index
        %get3A_100 = arith.constant 16 : index
        %get3A_101 = tpu.vector_load %arg14[%get3A_98, %get3A_99, %get3A_100] {strides = array<i32>} : memref<80x1x128xf32, #tpu.memory_space<vmem>>, vector<16xf32>,
        %mul3A_102 = arith.mulf %get3A_101, %gather3A : vector<16xf32>
        %swap3A_103 = arith.constant 0 : i32
        %swap3A_104 = arith.index_cast %add3A_85 : i32 to index
        %swap3A_105 = arith.index_cast %swap3A_103 : i32 to index
        %swap3A_106 = arith.constant 16 : index
        %swap3A_107 = tpu.vector_load %arg14[%swap3A_104, %swap3A_105, %swap3A_106] {strides = array<i32>} : memref<80x1x128xf32, #tpu.memory_space<vmem>>, vector<16xf32>,
        tpu.vector_store %arg14[%swap3A_104, %swap3A_105, %swap3A_106], %mul3A_102 {strides = array<i32>} : memref<80x1x128xf32, #tpu.memory_space<vmem>>, vector<16xf32>,
        %get3A_108 = arith.constant 0 : i32
        %get3A_109 = arith.index_cast %add3A_85 : i32 to index
        %get3A_110 = arith.index_cast %get3A_108 : i32 to index
        %get3A_111 = arith.constant 32 : index
        %get3A_112 = tpu.vector_load %arg14[%get3A_109, %get3A_110, %get3A_111] {strides = array<i32>} : memref<80x1x128xf32, #tpu.memory_space<vmem>>, vector<16xf32>,
        %mul3A_113 = arith.mulf %get3A_112, %gather3A : vector<16xf32>
        %swap3A_114 = arith.constant 0 : i32
        %swap3A_115 = arith.index_cast %add3A_85 : i32 to index
        %swap3A_116 = arith.index_cast %swap3A_114 : i32 to index
        %swap3A_117 = arith.constant 32 : index
        %swap3A_118 = tpu.vector_load %arg14[%swap3A_115, %swap3A_116, %swap3A_117] {strides = array<i32>} : memref<80x1x128xf32, #tpu.memory_space<vmem>>, vector<16xf32>,
        tpu.vector_store %arg14[%swap3A_115, %swap3A_116, %swap3A_117], %mul3A_113 {strides = array<i32>} : memref<80x1x128xf32, #tpu.memory_space<vmem>>, vector<16xf32>,
        %get3A_119 = arith.constant 0 : i32
        %get3A_120 = arith.index_cast %add3A_85 : i32 to index
        %get3A_121 = arith.index_cast %get3A_119 : i32 to index
        %get3A_122 = arith.constant 48 : index
        %get3A_123 = tpu.vector_load %arg14[%get3A_120, %get3A_121, %get3A_122] {strides = array<i32>} : memref<80x1x128xf32, #tpu.memory_space<vmem>>, vector<16xf32>,
        %mul3A_124 = arith.mulf %get3A_123, %gather3A : vector<16xf32>
        %swap3A_125 = arith.constant 0 : i32
        %swap3A_126 = arith.index_cast %add3A_85 : i32 to index
        %swap3A_127 = arith.index_cast %swap3A_125 : i32 to index
        %swap3A_128 = arith.constant 48 : index
        %swap3A_129 = tpu.vector_load %arg14[%swap3A_126, %swap3A_127, %swap3A_128] {strides = array<i32>} : memref<80x1x128xf32, #tpu.memory_space<vmem>>, vector<16xf32>,
        tpu.vector_store %arg14[%swap3A_126, %swap3A_127, %swap3A_128], %mul3A_124 {strides = array<i32>} : memref<80x1x128xf32, #tpu.memory_space<vmem>>, vector<16xf32>,
        %get3A_130 = arith.constant 0 : i32
        %get3A_131 = arith.index_cast %add3A_85 : i32 to index
        %get3A_132 = arith.index_cast %get3A_130 : i32 to index
        %get3A_133 = arith.constant 64 : index
        %get3A_134 = tpu.vector_load %arg14[%get3A_131, %get3A_132, %get3A_133] {strides = array<i32>} : memref<80x1x128xf32, #tpu.memory_space<vmem>>, vector<16xf32>,
        %mul3A_135 = arith.mulf %get3A_134, %gather3A : vector<16xf32>
        %swap3A_136 = arith.constant 0 : i32
        %swap3A_137 = arith.index_cast %add3A_85 : i32 to index
        %swap3A_138 = arith.index_cast %swap3A_136 : i32 to index
        %swap3A_139 = arith.constant 64 : index
        %swap3A_140 = tpu.vector_load %arg14[%swap3A_137, %swap3A_138, %swap3A_139] {strides = array<i32>} : memref<80x1x128xf32, #tpu.memory_space<vmem>>, vector<16xf32>,
        tpu.vector_store %arg14[%swap3A_137, %swap3A_138, %swap3A_139], %mul3A_135 {strides = array<i32>} : memref<80x1x128xf32, #tpu.memory_space<vmem>>, vector<16xf32>,
        %get3A_141 = arith.constant 0 : i32
        %get3A_142 = arith.index_cast %add3A_85 : i32 to index
        %get3A_143 = arith.index_cast %get3A_141 : i32 to index
        %get3A_144 = arith.constant 80 : index
        %get3A_145 = tpu.vector_load %arg14[%get3A_142, %get3A_143, %get3A_144] {strides = array<i32>} : memref<80x1x128xf32, #tpu.memory_space<vmem>>, vector<16xf32>,
        %mul3A_146 = arith.mulf %get3A_145, %gather3A : vector<16xf32>
        %swap3A_147 = arith.constant 0 : i32
        %swap3A_148 = arith.index_cast %add3A_85 : i32 to index
        %swap3A_149 = arith.index_cast %swap3A_147 : i32 to index
        %swap3A_150 = arith.constant 80 : index
        %swap3A_151 = tpu.vector_load %arg14[%swap3A_148, %swap3A_149, %swap3A_150] {strides = array<i32>} : memref<80x1x128xf32, #tpu.memory_space<vmem>>, vector<16xf32>,
        tpu.vector_store %arg14[%swap3A_148, %swap3A_149, %swap3A_150], %mul3A_146 {strides = array<i32>} : memref<80x1x128xf32, #tpu.memory_space<vmem>>, vector<16xf32>,
        %get3A_152 = arith.constant 0 : i32
        %get3A_153 = arith.index_cast %add3A_85 : i32 to index
        %get3A_154 = arith.index_cast %get3A_152 : i32 to index
        %get3A_155 = arith.constant 96 : index
        %get3A_156 = tpu.vector_load %arg14[%get3A_153, %get3A_154, %get3A_155] {strides = array<i32>} : memref<80x1x128xf32, #tpu.memory_space<vmem>>, vector<16xf32>,
        %mul3A_157 = arith.mulf %get3A_156, %gather3A : vector<16xf32>
        %swap3A_158 = arith.constant 0 : i32
        %swap3A_159 = arith.index_cast %add3A_85 : i32 to index
        %swap3A_160 = arith.index_cast %swap3A_158 : i32 to index
        %swap3A_161 = arith.constant 96 : index
        %swap3A_162 = tpu.vector_load %arg14[%swap3A_159, %swap3A_160, %swap3A_161] {strides = array<i32>} : memref<80x1x128xf32, #tpu.memory_space<vmem>>, vector<16xf32>,
        tpu.vector_store %arg14[%swap3A_159, %swap3A_160, %swap3A_161], %mul3A_157 {strides = array<i32>} : memref<80x1x128xf32, #tpu.memory_space<vmem>>, vector<16xf32>,
        %get3A_163 = arith.constant 0 : i32
        %get3A_164 = arith.index_cast %add3A_85 : i32 to index
        %get3A_165 = arith.index_cast %get3A_163 : i32 to index
        %get3A_166 = arith.constant 112 : index
        %get3A_167 = tpu.vector_load %arg14[%get3A_164, %get3A_165, %get3A_166] {strides = array<i32>} : memref<80x1x128xf32, #tpu.memory_space<vmem>>, vector<16xf32>,
        %mul3A_168 = arith.mulf %get3A_167, %gather3A : vector<16xf32>
        %swap3A_169 = arith.constant 0 : i32
        %swap3A_170 = arith.index_cast %add3A_85 : i32 to index
        %swap3A_171 = arith.index_cast %swap3A_169 : i32 to index
        %swap3A_172 = arith.constant 112 : index
        %swap3A_173 = tpu.vector_load %arg14[%swap3A_170, %swap3A_171, %swap3A_172] {strides = array<i32>} : memref<80x1x128xf32, #tpu.memory_space<vmem>>, vector<16xf32>,
        tpu.vector_store %arg14[%swap3A_170, %swap3A_171, %swap3A_172], %mul3A_168 {strides = array<i32>} : memref<80x1x128xf32, #tpu.memory_space<vmem>>, vector<16xf32>,
        %mul3A_174 = arith.constant 4 : i32
        %mul3A_175 = arith.muli %scan3A_81, %mul3A_174 : i32
        %add3A_176 = arith.constant 1 : i32
        %add3A_177 = arith.addi %mul3A_175, %add3A_176 : i32
        %broadcast_in_dim3A_178 = vector.broadcast %add3A_177 : i32 to vector<16xi32>
        %gather3A_179 = tpu.vector_load_idx %arg12[%broadcast_in_dim3A_178] : memref<80xf32, #tpu.memory_space<vmem>>[vector<16xi32>], vector<16xf32>,
        %get3A_180 = arith.constant 0 : i32
        %get3A_181 = arith.index_cast %add3A_177 : i32 to index
        %get3A_182 = arith.index_cast %get3A_180 : i32 to index
        %get3A_183 = arith.constant 0 : index
        %get3A_184 = tpu.vector_load %arg14[%get3A_181, %get3A_182, %get3A_183] {strides = array<i32>} : memref<80x1x128xf32, #tpu.memory_space<vmem>>, vector<16xf32>,
        %mul3A_185 = arith.mulf %get3A_184, %gather3A_179 : vector<16xf32>
        %swap3A_186 = arith.constant 0 : i32
        %swap3A_187 = arith.index_cast %add3A_177 : i32 to index
        %swap3A_188 = arith.index_cast %swap3A_186 : i32 to index
        %swap3A_189 = arith.constant 0 : index
        %swap3A_190 = tpu.vector_load %arg14[%swap3A_187, %swap3A_188, %swap3A_189] {strides = array<i32>} : memref<80x1x128xf32, #tpu.memory_space<vmem>>, vector<16xf32>,
        tpu.vector_store %arg14[%swap3A_187, %swap3A_188, %swap3A_189], %mul3A_185 {strides = array<i32>} : memref<80x1x128xf32, #tpu.memory_space<vmem>>, vector<16xf32>,
        %get3A_191 = arith.constant 0 : i32
        %get3A_192 = arith.index_cast %add3A_177 : i32 to index
        %get3A_193 = arith.index_cast %get3A_191 : i32 to index
        %get3A_194 = arith.constant 16 : index
        %get3A_195 = tpu.vector_load %arg14[%get3A_192, %get3A_193, %get3A_194] {strides = array<i32>} : memref<80x1x128xf32, #tpu.memory_space<vmem>>, vector<16xf32>,
        %mul3A_196 = arith.mulf %get3A_195, %gather3A_179 : vector<16xf32>
        %swap3A_197 = arith.constant 0 : i32
        %swap3A_198 = arith.index_cast %add3A_177 : i32 to index
        %swap3A_199 = arith.index_cast %swap3A_197 : i32 to index
        %swap3A_200 = arith.constant 16 : index
        %swap3A_201 = tpu.vector_load %arg14[%swap3A_198, %swap3A_199, %swap3A_200] {strides = array<i32>} : memref<80x1x128xf32, #tpu.memory_space<vmem>>, vector<16xf32>,
        tpu.vector_store %arg14[%swap3A_198, %swap3A_199, %swap3A_200], %mul3A_196 {strides = array<i32>} : memref<80x1x128xf32, #tpu.memory_space<vmem>>, vector<16xf32>,
        %get3A_202 = arith.constant 0 : i32
        %get3A_203 = arith.index_cast %add3A_177 : i32 to index
        %get3A_204 = arith.index_cast %get3A_202 : i32 to index
        %get3A_205 = arith.constant 32 : index
        %get3A_206 = tpu.vector_load %arg14[%get3A_203, %get3A_204, %get3A_205] {strides = array<i32>} : memref<80x1x128xf32, #tpu.memory_space<vmem>>, vector<16xf32>,
        %mul3A_207 = arith.mulf %get3A_206, %gather3A_179 : vector<16xf32>
        %swap3A_208 = arith.constant 0 : i32
        %swap3A_209 = arith.index_cast %add3A_177 : i32 to index
        %swap3A_210 = arith.index_cast %swap3A_208 : i32 to index
        %swap3A_211 = arith.constant 32 : index
        %swap3A_212 = tpu.vector_load %arg14[%swap3A_209, %swap3A_210, %swap3A_211] {strides = array<i32>} : memref<80x1x128xf32, #tpu.memory_space<vmem>>, vector<16xf32>,
        tpu.vector_store %arg14[%swap3A_209, %swap3A_210, %swap3A_211], %mul3A_207 {strides = array<i32>} : memref<80x1x128xf32, #tpu.memory_space<vmem>>, vector<16xf32>,
        %get3A_213 = arith.constant 0 : i32
        %get3A_214 = arith.index_cast %add3A_177 : i32 to index
        %get3A_215 = arith.index_cast %get3A_213 : i32 to index
        %get3A_216 = arith.constant 48 : index
        %get3A_217 = tpu.vector_load %arg14[%get3A_214, %get3A_215, %get3A_216] {strides = array<i32>} : memref<80x1x128xf32, #tpu.memory_space<vmem>>, vector<16xf32>,
        %mul3A_218 = arith.mulf %get3A_217, %gather3A_179 : vector<16xf32>
        %swap3A_219 = arith.constant 0 : i32
        %swap3A_220 = arith.index_cast %add3A_177 : i32 to index
        %swap3A_221 = arith.index_cast %swap3A_219 : i32 to index
        %swap3A_222 = arith.constant 48 : index
        %swap3A_223 = tpu.vector_load %arg14[%swap3A_220, %swap3A_221, %swap3A_222] {strides = array<i32>} : memref<80x1x128xf32, #tpu.memory_space<vmem>>, vector<16xf32>,
        tpu.vector_store %arg14[%swap3A_220, %swap3A_221, %swap3A_222], %mul3A_218 {strides = array<i32>} : memref<80x1x128xf32, #tpu.memory_space<vmem>>, vector<16xf32>,
        %get3A_224 = arith.constant 0 : i32
        %get3A_225 = arith.index_cast %add3A_177 : i32 to index
        %get3A_226 = arith.index_cast %get3A_224 : i32 to index
        %get3A_227 = arith.constant 64 : index
        %get3A_228 = tpu.vector_load %arg14[%get3A_225, %get3A_226, %get3A_227] {strides = array<i32>} : memref<80x1x128xf32, #tpu.memory_space<vmem>>, vector<16xf32>,
        %mul3A_229 = arith.mulf %get3A_228, %gather3A_179 : vector<16xf32>
        %swap3A_230 = arith.constant 0 : i32
        %swap3A_231 = arith.index_cast %add3A_177 : i32 to index
        %swap3A_232 = arith.index_cast %swap3A_230 : i32 to index
        %swap3A_233 = arith.constant 64 : index
        %swap3A_234 = tpu.vector_load %arg14[%swap3A_231, %swap3A_232, %swap3A_233] {strides = array<i32>} : memref<80x1x128xf32, #tpu.memory_space<vmem>>, vector<16xf32>,
        tpu.vector_store %arg14[%swap3A_231, %swap3A_232, %swap3A_233], %mul3A_229 {strides = array<i32>} : memref<80x1x128xf32, #tpu.memory_space<vmem>>, vector<16xf32>,
        %get3A_235 = arith.constant 0 : i32
        %get3A_236 = arith.index_cast %add3A_177 : i32 to index
        %get3A_237 = arith.index_cast %get3A_235 : i32 to index
        %get3A_238 = arith.constant 80 : index
        %get3A_239 = tpu.vector_load %arg14[%get3A_236, %get3A_237, %get3A_238] {strides = array<i32>} : memref<80x1x128xf32, #tpu.memory_space<vmem>>, vector<16xf32>,
        %mul3A_240 = arith.mulf %get3A_239, %gather3A_179 : vector<16xf32>
        %swap3A_241 = arith.constant 0 : i32
        %swap3A_242 = arith.index_cast %add3A_177 : i32 to index
        %swap3A_243 = arith.index_cast %swap3A_241 : i32 to index
        %swap3A_244 = arith.constant 80 : index
        %swap3A_245 = tpu.vector_load %arg14[%swap3A_242, %swap3A_243, %swap3A_244] {strides = array<i32>} : memref<80x1x128xf32, #tpu.memory_space<vmem>>, vector<16xf32>,
        tpu.vector_store %arg14[%swap3A_242, %swap3A_243, %swap3A_244], %mul3A_240 {strides = array<i32>} : memref<80x1x128xf32, #tpu.memory_space<vmem>>, vector<16xf32>,
        %get3A_246 = arith.constant 0 : i32
        %get3A_247 = arith.index_cast %add3A_177 : i32 to index
        %get3A_248 = arith.index_cast %get3A_246 : i32 to index
        %get3A_249 = arith.constant 96 : index
        %get3A_250 = tpu.vector_load %arg14[%get3A_247, %get3A_248, %get3A_249] {strides = array<i32>} : memref<80x1x128xf32, #tpu.memory_space<vmem>>, vector<16xf32>,
        %mul3A_251 = arith.mulf %get3A_250, %gather3A_179 : vector<16xf32>
        %swap3A_252 = arith.constant 0 : i32
        %swap3A_253 = arith.index_cast %add3A_177 : i32 to index
        %swap3A_254 = arith.index_cast %swap3A_252 : i32 to index
        %swap3A_255 = arith.constant 96 : index
        %swap3A_256 = tpu.vector_load %arg14[%swap3A_253, %swap3A_254, %swap3A_255] {strides = array<i32>} : memref<80x1x128xf32, #tpu.memory_space<vmem>>, vector<16xf32>,
        tpu.vector_store %arg14[%swap3A_253, %swap3A_254, %swap3A_255], %mul3A_251 {strides = array<i32>} : memref<80x1x128xf32, #tpu.memory_space<vmem>>, vector<16xf32>,
        %get3A_257 = arith.constant 0 : i32
        %get3A_258 = arith.index_cast %add3A_177 : i32 to index
        %get3A_259 = arith.index_cast %get3A_257 : i32 to index
        %get3A_260 = arith.constant 112 : index
        %get3A_261 = tpu.vector_load %arg14[%get3A_258, %get3A_259, %get3A_260] {strides = array<i32>} : memref<80x1x128xf32, #tpu.memory_space<vmem>>, vector<16xf32>,
        %mul3A_262 = arith.mulf %get3A_261, %gather3A_179 : vector<16xf32>
        %swap3A_263 = arith.constant 0 : i32
        %swap3A_264 = arith.index_cast %add3A_177 : i32 to index
        %swap3A_265 = arith.index_cast %swap3A_263 : i32 to index
        %swap3A_266 = arith.constant 112 : index
        %swap3A_267 = tpu.vector_load %arg14[%swap3A_264, %swap3A_265, %swap3A_266] {strides = array<i32>} : memref<80x1x128xf32, #tpu.memory_space<vmem>>, vector<16xf32>,
        tpu.vector_store %arg14[%swap3A_264, %swap3A_265, %swap3A_266], %mul3A_262 {strides = array<i32>} : memref<80x1x128xf32, #tpu.memory_space<vmem>>, vector<16xf32>,
        %mul3A_268 = arith.constant 4 : i32
        %mul3A_269 = arith.muli %scan3A_81, %mul3A_268 : i32
        %add3A_270 = arith.constant 2 : i32
        %add3A_271 = arith.addi %mul3A_269, %add3A_270 : i32
        %broadcast_in_dim3A_272 = vector.broadcast %add3A_271 : i32 to vector<16xi32>
        %gather3A_273 = tpu.vector_load_idx %arg12[%broadcast_in_dim3A_272] : memref<80xf32, #tpu.memory_space<vmem>>[vector<16xi32>], vector<16xf32>,
        %get3A_274 = arith.constant 0 : i32
        %get3A_275 = arith.index_cast %add3A_271 : i32 to index
        %get3A_276 = arith.index_cast %get3A_274 : i32 to index
        %get3A_277 = arith.constant 0 : index
        %get3A_278 = tpu.vector_load %arg14[%get3A_275, %get3A_276, %get3A_277] {strides = array<i32>} : memref<80x1x128xf32, #tpu.memory_space<vmem>>, vector<16xf32>,
        %mul3A_279 = arith.mulf %get3A_278, %gather3A_273 : vector<16xf32>
        %swap3A_280 = arith.constant 0 : i32
        %swap3A_281 = arith.index_cast %add3A_271 : i32 to index
        %swap3A_282 = arith.index_cast %swap3A_280 : i32 to index
        %swap3A_283 = arith.constant 0 : index
        %swap3A_284 = tpu.vector_load %arg14[%swap3A_281, %swap3A_282, %swap3A_283] {strides = array<i32>} : memref<80x1x128xf32, #tpu.memory_space<vmem>>, vector<16xf32>,
        tpu.vector_store %arg14[%swap3A_281, %swap3A_282, %swap3A_283], %mul3A_279 {strides = array<i32>} : memref<80x1x128xf32, #tpu.memory_space<vmem>>, vector<16xf32>,
        %get3A_285 = arith.constant 0 : i32
        %get3A_286 = arith.index_cast %add3A_271 : i32 to index
        %get3A_287 = arith.index_cast %get3A_285 : i32 to index
        %get3A_288 = arith.constant 16 : index
        %get3A_289 = tpu.vector_load %arg14[%get3A_286, %get3A_287, %get3A_288] {strides = array<i32>} : memref<80x1x128xf32, #tpu.memory_space<vmem>>, vector<16xf32>,
        %mul3A_290 = arith.mulf %get3A_289, %gather3A_273 : vector<16xf32>
        %swap3A_291 = arith.constant 0 : i32
        %swap3A_292 = arith.index_cast %add3A_271 : i32 to index
        %swap3A_293 = arith.index_cast %swap3A_291 : i32 to index
        %swap3A_294 = arith.constant 16 : index
        %swap3A_295 = tpu.vector_load %arg14[%swap3A_292, %swap3A_293, %swap3A_294] {strides = array<i32>} : memref<80x1x128xf32, #tpu.memory_space<vmem>>, vector<16xf32>,
        tpu.vector_store %arg14[%swap3A_292, %swap3A_293, %swap3A_294], %mul3A_290 {strides = array<i32>} : memref<80x1x128xf32, #tpu.memory_space<vmem>>, vector<16xf32>,
        %get3A_296 = arith.constant 0 : i32
        %get3A_297 = arith.index_cast %add3A_271 : i32 to index
        %get3A_298 = arith.index_cast %get3A_296 : i32 to index
        %get3A_299 = arith.constant 32 : index
        %get3A_300 = tpu.vector_load %arg14[%get3A_297, %get3A_298, %get3A_299] {strides = array<i32>} : memref<80x1x128xf32, #tpu.memory_space<vmem>>, vector<16xf32>,
        %mul3A_301 = arith.mulf %get3A_300, %gather3A_273 : vector<16xf32>
        %swap3A_302 = arith.constant 0 : i32
        %swap3A_303 = arith.index_cast %add3A_271 : i32 to index
        %swap3A_304 = arith.index_cast %swap3A_302 : i32 to index
        %swap3A_305 = arith.constant 32 : index
        %swap3A_306 = tpu.vector_load %arg14[%swap3A_303, %swap3A_304, %swap3A_305] {strides = array<i32>} : memref<80x1x128xf32, #tpu.memory_space<vmem>>, vector<16xf32>,
        tpu.vector_store %arg14[%swap3A_303, %swap3A_304, %swap3A_305], %mul3A_301 {strides = array<i32>} : memref<80x1x128xf32, #tpu.memory_space<vmem>>, vector<16xf32>,
        %get3A_307 = arith.constant 0 : i32
        %get3A_308 = arith.index_cast %add3A_271 : i32 to index
        %get3A_309 = arith.index_cast %get3A_307 : i32 to index
        %get3A_310 = arith.constant 48 : index
        %get3A_311 = tpu.vector_load %arg14[%get3A_308, %get3A_309, %get3A_310] {strides = array<i32>} : memref<80x1x128xf32, #tpu.memory_space<vmem>>, vector<16xf32>,
        %mul3A_312 = arith.mulf %get3A_311, %gather3A_273 : vector<16xf32>
        %swap3A_313 = arith.constant 0 : i32
        %swap3A_314 = arith.index_cast %add3A_271 : i32 to index
        %swap3A_315 = arith.index_cast %swap3A_313 : i32 to index
        %swap3A_316 = arith.constant 48 : index
        %swap3A_317 = tpu.vector_load %arg14[%swap3A_314, %swap3A_315, %swap3A_316] {strides = array<i32>} : memref<80x1x128xf32, #tpu.memory_space<vmem>>, vector<16xf32>,
        tpu.vector_store %arg14[%swap3A_314, %swap3A_315, %swap3A_316], %mul3A_312 {strides = array<i32>} : memref<80x1x128xf32, #tpu.memory_space<vmem>>, vector<16xf32>,
        %get3A_318 = arith.constant 0 : i32
        %get3A_319 = arith.index_cast %add3A_271 : i32 to index
        %get3A_320 = arith.index_cast %get3A_318 : i32 to index
        %get3A_321 = arith.constant 64 : index
        %get3A_322 = tpu.vector_load %arg14[%get3A_319, %get3A_320, %get3A_321] {strides = array<i32>} : memref<80x1x128xf32, #tpu.memory_space<vmem>>, vector<16xf32>,
        %mul3A_323 = arith.mulf %get3A_322, %gather3A_273 : vector<16xf32>
        %swap3A_324 = arith.constant 0 : i32
        %swap3A_325 = arith.index_cast %add3A_271 : i32 to index
        %swap3A_326 = arith.index_cast %swap3A_324 : i32 to index
        %swap3A_327 = arith.constant 64 : index
        %swap3A_328 = tpu.vector_load %arg14[%swap3A_325, %swap3A_326, %swap3A_327] {strides = array<i32>} : memref<80x1x128xf32, #tpu.memory_space<vmem>>, vector<16xf32>,
        tpu.vector_store %arg14[%swap3A_325, %swap3A_326, %swap3A_327], %mul3A_323 {strides = array<i32>} : memref<80x1x128xf32, #tpu.memory_space<vmem>>, vector<16xf32>,
        %get3A_329 = arith.constant 0 : i32
        %get3A_330 = arith.index_cast %add3A_271 : i32 to index
        %get3A_331 = arith.index_cast %get3A_329 : i32 to index
        %get3A_332 = arith.constant 80 : index
        %get3A_333 = tpu.vector_load %arg14[%get3A_330, %get3A_331, %get3A_332] {strides = array<i32>} : memref<80x1x128xf32, #tpu.memory_space<vmem>>, vector<16xf32>,
        %mul3A_334 = arith.mulf %get3A_333, %gather3A_273 : vector<16xf32>
        %swap3A_335 = arith.constant 0 : i32
        %swap3A_336 = arith.index_cast %add3A_271 : i32 to index
        %swap3A_337 = arith.index_cast %swap3A_335 : i32 to index
        %swap3A_338 = arith.constant 80 : index
        %swap3A_339 = tpu.vector_load %arg14[%swap3A_336, %swap3A_337, %swap3A_338] {strides = array<i32>} : memref<80x1x128xf32, #tpu.memory_space<vmem>>, vector<16xf32>,
        tpu.vector_store %arg14[%swap3A_336, %swap3A_337, %swap3A_338], %mul3A_334 {strides = array<i32>} : memref<80x1x128xf32, #tpu.memory_space<vmem>>, vector<16xf32>,
        %get3A_340 = arith.constant 0 : i32
        %get3A_341 = arith.index_cast %add3A_271 : i32 to index
        %get3A_342 = arith.index_cast %get3A_340 : i32 to index
        %get3A_343 = arith.constant 96 : index
        %get3A_344 = tpu.vector_load %arg14[%get3A_341, %get3A_342, %get3A_343] {strides = array<i32>} : memref<80x1x128xf32, #tpu.memory_space<vmem>>, vector<16xf32>,
        %mul3A_345 = arith.mulf %get3A_344, %gather3A_273 : vector<16xf32>
        %swap3A_346 = arith.constant 0 : i32
        %swap3A_347 = arith.index_cast %add3A_271 : i32 to index
        %swap3A_348 = arith.index_cast %swap3A_346 : i32 to index
        %swap3A_349 = arith.constant 96 : index
        %swap3A_350 = tpu.vector_load %arg14[%swap3A_347, %swap3A_348, %swap3A_349] {strides = array<i32>} : memref<80x1x128xf32, #tpu.memory_space<vmem>>, vector<16xf32>,
        tpu.vector_store %arg14[%swap3A_347, %swap3A_348, %swap3A_349], %mul3A_345 {strides = array<i32>} : memref<80x1x128xf32, #tpu.memory_space<vmem>>, vector<16xf32>,
        %get3A_351 = arith.constant 0 : i32
        %get3A_352 = arith.index_cast %add3A_271 : i32 to index
        %get3A_353 = arith.index_cast %get3A_351 : i32 to index
        %get3A_354 = arith.constant 112 : index
        %get3A_355 = tpu.vector_load %arg14[%get3A_352, %get3A_353, %get3A_354] {strides = array<i32>} : memref<80x1x128xf32, #tpu.memory_space<vmem>>, vector<16xf32>,
        %mul3A_356 = arith.mulf %get3A_355, %gather3A_273 : vector<16xf32>
        %swap3A_357 = arith.constant 0 : i32
        %swap3A_358 = arith.index_cast %add3A_271 : i32 to index
        %swap3A_359 = arith.index_cast %swap3A_357 : i32 to index
        %swap3A_360 = arith.constant 112 : index
        %swap3A_361 = tpu.vector_load %arg14[%swap3A_358, %swap3A_359, %swap3A_360] {strides = array<i32>} : memref<80x1x128xf32, #tpu.memory_space<vmem>>, vector<16xf32>,
        tpu.vector_store %arg14[%swap3A_358, %swap3A_359, %swap3A_360], %mul3A_356 {strides = array<i32>} : memref<80x1x128xf32, #tpu.memory_space<vmem>>, vector<16xf32>,
        %mul3A_362 = arith.constant 4 : i32
        %mul3A_363 = arith.muli %scan3A_81, %mul3A_362 : i32
        %add3A_364 = arith.constant 3 : i32
        %add3A_365 = arith.addi %mul3A_363, %add3A_364 : i32
        %broadcast_in_dim3A_366 = vector.broadcast %add3A_365 : i32 to vector<16xi32>
        %gather3A_367 = tpu.vector_load_idx %arg12[%broadcast_in_dim3A_366] : memref<80xf32, #tpu.memory_space<vmem>>[vector<16xi32>], vector<16xf32>,
        %get3A_368 = arith.constant 0 : i32
        %get3A_369 = arith.index_cast %add3A_365 : i32 to index
        %get3A_370 = arith.index_cast %get3A_368 : i32 to index
        %get3A_371 = arith.constant 0 : index
        %get3A_372 = tpu.vector_load %arg14[%get3A_369, %get3A_370, %get3A_371] {strides = array<i32>} : memref<80x1x128xf32, #tpu.memory_space<vmem>>, vector<16xf32>,
        %mul3A_373 = arith.mulf %get3A_372, %gather3A_367 : vector<16xf32>
        %swap3A_374 = arith.constant 0 : i32
        %swap3A_375 = arith.index_cast %add3A_365 : i32 to index
        %swap3A_376 = arith.index_cast %swap3A_374 : i32 to index
        %swap3A_377 = arith.constant 0 : index
        %swap3A_378 = tpu.vector_load %arg14[%swap3A_375, %swap3A_376, %swap3A_377] {strides = array<i32>} : memref<80x1x128xf32, #tpu.memory_space<vmem>>, vector<16xf32>,
        tpu.vector_store %arg14[%swap3A_375, %swap3A_376, %swap3A_377], %mul3A_373 {strides = array<i32>} : memref<80x1x128xf32, #tpu.memory_space<vmem>>, vector<16xf32>,
        %get3A_379 = arith.constant 0 : i32
        %get3A_380 = arith.index_cast %add3A_365 : i32 to index
        %get3A_381 = arith.index_cast %get3A_379 : i32 to index
        %get3A_382 = arith.constant 16 : index
        %get3A_383 = tpu.vector_load %arg14[%get3A_380, %get3A_381, %get3A_382] {strides = array<i32>} : memref<80x1x128xf32, #tpu.memory_space<vmem>>, vector<16xf32>,
        %mul3A_384 = arith.mulf %get3A_383, %gather3A_367 : vector<16xf32>
        %swap3A_385 = arith.constant 0 : i32
        %swap3A_386 = arith.index_cast %add3A_365 : i32 to index
        %swap3A_387 = arith.index_cast %swap3A_385 : i32 to index
        %swap3A_388 = arith.constant 16 : index
        %swap3A_389 = tpu.vector_load %arg14[%swap3A_386, %swap3A_387, %swap3A_388] {strides = array<i32>} : memref<80x1x128xf32, #tpu.memory_space<vmem>>, vector<16xf32>,
        tpu.vector_store %arg14[%swap3A_386, %swap3A_387, %swap3A_388], %mul3A_384 {strides = array<i32>} : memref<80x1x128xf32, #tpu.memory_space<vmem>>, vector<16xf32>,
        %get3A_390 = arith.constant 0 : i32
        %get3A_391 = arith.index_cast %add3A_365 : i32 to index
        %get3A_392 = arith.index_cast %get3A_390 : i32 to index
        %get3A_393 = arith.constant 32 : index
        %get3A_394 = tpu.vector_load %arg14[%get3A_391, %get3A_392, %get3A_393] {strides = array<i32>} : memref<80x1x128xf32, #tpu.memory_space<vmem>>, vector<16xf32>,
        %mul3A_395 = arith.mulf %get3A_394, %gather3A_367 : vector<16xf32>
        %swap3A_396 = arith.constant 0 : i32
        %swap3A_397 = arith.index_cast %add3A_365 : i32 to index
        %swap3A_398 = arith.index_cast %swap3A_396 : i32 to index
        %swap3A_399 = arith.constant 32 : index
        %swap3A_400 = tpu.vector_load %arg14[%swap3A_397, %swap3A_398, %swap3A_399] {strides = array<i32>} : memref<80x1x128xf32, #tpu.memory_space<vmem>>, vector<16xf32>,
        tpu.vector_store %arg14[%swap3A_397, %swap3A_398, %swap3A_399], %mul3A_395 {strides = array<i32>} : memref<80x1x128xf32, #tpu.memory_space<vmem>>, vector<16xf32>,
        %get3A_401 = arith.constant 0 : i32
        %get3A_402 = arith.index_cast %add3A_365 : i32 to index
        %get3A_403 = arith.index_cast %get3A_401 : i32 to index
        %get3A_404 = arith.constant 48 : index
        %get3A_405 = tpu.vector_load %arg14[%get3A_402, %get3A_403, %get3A_404] {strides = array<i32>} : memref<80x1x128xf32, #tpu.memory_space<vmem>>, vector<16xf32>,
        %mul3A_406 = arith.mulf %get3A_405, %gather3A_367 : vector<16xf32>
        %swap3A_407 = arith.constant 0 : i32
        %swap3A_408 = arith.index_cast %add3A_365 : i32 to index
        %swap3A_409 = arith.index_cast %swap3A_407 : i32 to index
        %swap3A_410 = arith.constant 48 : index
        %swap3A_411 = tpu.vector_load %arg14[%swap3A_408, %swap3A_409, %swap3A_410] {strides = array<i32>} : memref<80x1x128xf32, #tpu.memory_space<vmem>>, vector<16xf32>,
        tpu.vector_store %arg14[%swap3A_408, %swap3A_409, %swap3A_410], %mul3A_406 {strides = array<i32>} : memref<80x1x128xf32, #tpu.memory_space<vmem>>, vector<16xf32>,
        %get3A_412 = arith.constant 0 : i32
        %get3A_413 = arith.index_cast %add3A_365 : i32 to index
        %get3A_414 = arith.index_cast %get3A_412 : i32 to index
        %get3A_415 = arith.constant 64 : index
        %get3A_416 = tpu.vector_load %arg14[%get3A_413, %get3A_414, %get3A_415] {strides = array<i32>} : memref<80x1x128xf32, #tpu.memory_space<vmem>>, vector<16xf32>,
        %mul3A_417 = arith.mulf %get3A_416, %gather3A_367 : vector<16xf32>
        %swap3A_418 = arith.constant 0 : i32
        %swap3A_419 = arith.index_cast %add3A_365 : i32 to index
        %swap3A_420 = arith.index_cast %swap3A_418 : i32 to index
        %swap3A_421 = arith.constant 64 : index
        %swap3A_422 = tpu.vector_load %arg14[%swap3A_419, %swap3A_420, %swap3A_421] {strides = array<i32>} : memref<80x1x128xf32, #tpu.memory_space<vmem>>, vector<16xf32>,
        tpu.vector_store %arg14[%swap3A_419, %swap3A_420, %swap3A_421], %mul3A_417 {strides = array<i32>} : memref<80x1x128xf32, #tpu.memory_space<vmem>>, vector<16xf32>,
        %get3A_423 = arith.constant 0 : i32
        %get3A_424 = arith.index_cast %add3A_365 : i32 to index
        %get3A_425 = arith.index_cast %get3A_423 : i32 to index
        %get3A_426 = arith.constant 80 : index
        %get3A_427 = tpu.vector_load %arg14[%get3A_424, %get3A_425, %get3A_426] {strides = array<i32>} : memref<80x1x128xf32, #tpu.memory_space<vmem>>, vector<16xf32>,
        %mul3A_428 = arith.mulf %get3A_427, %gather3A_367 : vector<16xf32>
        %swap3A_429 = arith.constant 0 : i32
        %swap3A_430 = arith.index_cast %add3A_365 : i32 to index
        %swap3A_431 = arith.index_cast %swap3A_429 : i32 to index
        %swap3A_432 = arith.constant 80 : index
        %swap3A_433 = tpu.vector_load %arg14[%swap3A_430, %swap3A_431, %swap3A_432] {strides = array<i32>} : memref<80x1x128xf32, #tpu.memory_space<vmem>>, vector<16xf32>,
        tpu.vector_store %arg14[%swap3A_430, %swap3A_431, %swap3A_432], %mul3A_428 {strides = array<i32>} : memref<80x1x128xf32, #tpu.memory_space<vmem>>, vector<16xf32>,
        %get3A_434 = arith.constant 0 : i32
        %get3A_435 = arith.index_cast %add3A_365 : i32 to index
        %get3A_436 = arith.index_cast %get3A_434 : i32 to index
        %get3A_437 = arith.constant 96 : index
        %get3A_438 = tpu.vector_load %arg14[%get3A_435, %get3A_436, %get3A_437] {strides = array<i32>} : memref<80x1x128xf32, #tpu.memory_space<vmem>>, vector<16xf32>,
        %mul3A_439 = arith.mulf %get3A_438, %gather3A_367 : vector<16xf32>
        %swap3A_440 = arith.constant 0 : i32
        %swap3A_441 = arith.index_cast %add3A_365 : i32 to index
        %swap3A_442 = arith.index_cast %swap3A_440 : i32 to index
        %swap3A_443 = arith.constant 96 : index
        %swap3A_444 = tpu.vector_load %arg14[%swap3A_441, %swap3A_442, %swap3A_443] {strides = array<i32>} : memref<80x1x128xf32, #tpu.memory_space<vmem>>, vector<16xf32>,
        tpu.vector_store %arg14[%swap3A_441, %swap3A_442, %swap3A_443], %mul3A_439 {strides = array<i32>} : memref<80x1x128xf32, #tpu.memory_space<vmem>>, vector<16xf32>,
        %get3A_445 = arith.constant 0 : i32
        %get3A_446 = arith.index_cast %add3A_365 : i32 to index
        %get3A_447 = arith.index_cast %get3A_445 : i32 to index
        %get3A_448 = arith.constant 112 : index
        %get3A_449 = tpu.vector_load %arg14[%get3A_446, %get3A_447, %get3A_448] {strides = array<i32>} : memref<80x1x128xf32, #tpu.memory_space<vmem>>, vector<16xf32>,
        %mul3A_450 = arith.mulf %get3A_449, %gather3A_367 : vector<16xf32>
        %swap3A_451 = arith.constant 0 : i32
        %swap3A_452 = arith.index_cast %add3A_365 : i32 to index
        %swap3A_453 = arith.index_cast %swap3A_451 : i32 to index
        %swap3A_454 = arith.constant 112 : index
        %swap3A_455 = tpu.vector_load %arg14[%swap3A_452, %swap3A_453, %swap3A_454] {strides = array<i32>} : memref<80x1x128xf32, #tpu.memory_space<vmem>>, vector<16xf32>,
        tpu.vector_store %arg14[%swap3A_452, %swap3A_453, %swap3A_454], %mul3A_450 {strides = array<i32>} : memref<80x1x128xf32, #tpu.memory_space<vmem>>, vector<16xf32>,
      }
      %scan3A_80 = arith.constant 20 : i32
      %run_scoped3A = arith.constant 0 : i32
      "tpu.region"() ({
        %run_scoped3A_81 = tpu.sem_alloc : memref<!tpu.dma_semaphore, #tpu.memory_space<semaphore_mem>>
        %dma_start3A_82 = arith.constant 0 : i32
        %dma_start3A_83 = tpu.memref_slice %arg11[%select_n3A_51, %run_scoped3A, %dma_start3A_82] : memref<5x1x80xi32, #tpu.memory_space<vmem>> -> memref<1x1x80xi32, #tpu.memory_space<vmem>>
        %dma_start3A_84 = tpu.memref_squeeze %dma_start3A_83 : memref<1x1x80xi32, #tpu.memory_space<vmem>> -> memref<80xi32, #tpu.memory_space<vmem>>
        %dma_start3A_85 = arith.constant 0 : i32
        %dma_start3A_86 = arith.constant 0 : i32
        %dma_start3A_87 = arith.constant 0 : i32
        %dma_start3A_88 = tpu.memref_slice %arg17[%dma_start3A_85, %dma_start3A_86, %dma_start3A_87] : memref<10000x1x128xf32, #tpu.memory_space<vmem_shared>> -> memref<10000x1x128xf32, #tpu.memory_space<vmem_shared>>
        tpu.enqueue_indirect_dma source(%arg14 : memref<80x1x128xf32, #tpu.memory_space<vmem>>) target(%dma_start3A_88 : memref<10000x1x128xf32, #tpu.memory_space<vmem_shared>>) offsets(%dma_start3A_84 : memref<80xi32, #tpu.memory_space<vmem>>) semaphore(%run_scoped3A_81 : memref<!tpu.dma_semaphore, #tpu.memory_space<semaphore_mem>>) {add = true}
        %dma_wait3A_89 = arith.constant 0 : i32
        %dma_wait3A_90 = tpu.memref_slice %arg11[%select_n3A_51, %run_scoped3A, %dma_wait3A_89] : memref<5x1x80xi32, #tpu.memory_space<vmem>> -> memref<1x1x80xi32, #tpu.memory_space<vmem>>
        %dma_wait3A_91 = tpu.memref_squeeze %dma_wait3A_90 : memref<1x1x80xi32, #tpu.memory_space<vmem>> -> memref<80xi32, #tpu.memory_space<vmem>>
        %dma_wait3A_92 = arith.constant 0 : i32
        %dma_wait3A_93 = arith.constant 0 : i32
        %dma_wait3A_94 = arith.constant 0 : i32
        %dma_wait3A_95 = tpu.memref_slice %arg17[%dma_wait3A_92, %dma_wait3A_93, %dma_wait3A_94] : memref<10000x1x128xf32, #tpu.memory_space<vmem_shared>> -> memref<10000x1x128xf32, #tpu.memory_space<vmem_shared>>
        tpu.wait_indirect_dma semaphore(%run_scoped3A_81 : memref<!tpu.dma_semaphore, #tpu.memory_space<semaphore_mem>>) src(%arg14 : memref<80x1x128xf32, #tpu.memory_space<vmem>>) dst(%dma_wait3A_95 : memref<10000x1x128xf32, #tpu.memory_space<vmem_shared>>)
        tpu.yield
      }) : () -> ()
    }
    %scan3A_33 = arith.constant 125 : i32
    %barrier3A_34 = arith.constant 0 : index
    tpu.barrier barrier_id(%barrier3A_34)
    %mul3A_35 = arith.constant 625 : i32
    %mul3A_36 = arith.muli %arg1, %mul3A_35 : i32
    %mul3A_37 = arith.constant 10000 : i32
    %mul3A_38 = arith.muli %arg0, %mul3A_37 : i32
    %mul3A_39 = arith.constant 625 : i32
    %mul3A_40 = arith.muli %arg1, %mul3A_39 : i32
    %add3A_41 = arith.addi %mul3A_38, %mul3A_40 : i32
    "tpu.region"() ({
      %run_scoped3A = tpu.sem_alloc : memref<!tpu.dma_semaphore, #tpu.memory_space<semaphore_mem>>
      %dma_start3A = arith.constant 0 : i32
      %dma_start3A_42 = arith.constant 0 : i32
      %dma_start3A_43 = tpu.memref_slice %arg7[%add3A_41, %dma_start3A, %dma_start3A_42] : memref<20000x1x128xf32, #tpu.memory_space<hbm>> -> memref<625x1x128xf32, #tpu.memory_space<hbm>>
      %dma_start3A_44 = arith.constant 0 : i32
      %dma_start3A_45 = arith.constant 0 : i32
      %dma_start3A_46 = tpu.memref_slice %arg17[%mul3A_36, %dma_start3A_44, %dma_start3A_45] : memref<10000x1x128xf32, #tpu.memory_space<vmem_shared>> -> memref<625x1x128xf32, #tpu.memory_space<vmem_shared>>
      tpu.enqueue_dma source(%dma_start3A_46 : memref<625x1x128xf32, #tpu.memory_space<vmem_shared>>) target(%dma_start3A_43 : memref<625x1x128xf32, #tpu.memory_space<hbm>>) target_semaphore(%run_scoped3A : memref<!tpu.dma_semaphore, #tpu.memory_space<semaphore_mem>>)
      %dma_wait3A = arith.constant 0 : i32
      %dma_wait3A_47 = arith.constant 0 : i32
      %dma_wait3A_48 = tpu.memref_slice %arg7[%add3A_41, %dma_wait3A, %dma_wait3A_47] : memref<20000x1x128xf32, #tpu.memory_space<hbm>> -> memref<625x1x128xf32, #tpu.memory_space<hbm>>
      %dma_wait3A_49 = arith.constant 0 : i32
      %dma_wait3A_50 = arith.constant 0 : i32
      %dma_wait3A_51 = tpu.memref_slice %arg17[%mul3A_36, %dma_wait3A_49, %dma_wait3A_50] : memref<10000x1x128xf32, #tpu.memory_space<vmem_shared>> -> memref<625x1x128xf32, #tpu.memory_space<vmem_shared>>
      tpu.wait_dma2 semaphore(%run_scoped3A : memref<!tpu.dma_semaphore, #tpu.memory_space<semaphore_mem>>) src(%dma_wait3A_51 : memref<625x1x128xf32, #tpu.memory_space<vmem_shared>>) dst(%dma_wait3A_48 : memref<625x1x128xf32, #tpu.memory_space<hbm>>)
      tpu.yield
    }) : () -> ()
    "tpu.region"() ({
      %run_scoped3A = tpu.sem_alloc : memref<!tpu.dma_semaphore, #tpu.memory_space<semaphore_mem>>
      %dma_start3A = arith.constant 0 : i32
      %dma_start3A_42 = tpu.memref_slice %arg8[%add3A, %dma_start3A] : memref<32x10000xf32, #tpu.memory_space<hbm>> -> memref<1x10000xf32, #tpu.memory_space<hbm>>
      %dma_start3A_43 = tpu.memref_squeeze %dma_start3A_42 : memref<1x10000xf32, #tpu.memory_space<hbm>> -> memref<10000xf32, #tpu.memory_space<hbm>>
      %dma_start3A_44 = arith.constant 0 : i32
      %dma_start3A_45 = tpu.memref_slice %arg8[%add3A, %dma_start3A_44] : memref<32x10000xf32, #tpu.memory_space<hbm>> -> memref<1x10000xf32, #tpu.memory_space<hbm>>
      %dma_start3A_46 = tpu.memref_squeeze %dma_start3A_45 : memref<1x10000xf32, #tpu.memory_space<hbm>> -> memref<10000xf32, #tpu.memory_space<hbm>>
      tpu.enqueue_dma source(%arg15 : memref<10000xf32, #tpu.memory_space<vmem>>) target(%dma_start3A_46 : memref<10000xf32, #tpu.memory_space<hbm>>) target_semaphore(%run_scoped3A : memref<!tpu.dma_semaphore, #tpu.memory_space<semaphore_mem>>)
      %dma_wait3A = arith.constant 0 : i32
      %dma_wait3A_47 = tpu.memref_slice %arg8[%add3A, %dma_wait3A] : memref<32x10000xf32, #tpu.memory_space<hbm>> -> memref<1x10000xf32, #tpu.memory_space<hbm>>
      %dma_wait3A_48 = tpu.memref_squeeze %dma_wait3A_47 : memref<1x10000xf32, #tpu.memory_space<hbm>> -> memref<10000xf32, #tpu.memory_space<hbm>>
      %dma_wait3A_49 = arith.constant 0 : i32
      %dma_wait3A_50 = tpu.memref_slice %arg8[%add3A, %dma_wait3A_49] : memref<32x10000xf32, #tpu.memory_space<hbm>> -> memref<1x10000xf32, #tpu.memory_space<hbm>>
      %dma_wait3A_51 = tpu.memref_squeeze %dma_wait3A_50 : memref<1x10000xf32, #tpu.memory_space<hbm>> -> memref<10000xf32, #tpu.memory_space<hbm>>
      tpu.wait_dma2 semaphore(%run_scoped3A : memref<!tpu.dma_semaphore, #tpu.memory_space<semaphore_mem>>) src(%arg15 : memref<10000xf32, #tpu.memory_space<vmem>>) dst(%dma_wait3A_51 : memref<10000xf32, #tpu.memory_space<hbm>>)
      tpu.yield
    }) : () -> ()
    return
  }
}

#map = affine_map<(d0, d1) -> (0, 0, 0)>
#map1 = affine_map<(d0, d1) -> (0)>
#map2 = affine_map<(d0, d1) -> (0, 0)>
module attributes {stable_mosaic.version = 14 : i64} {
  func.func @_sc_edge(%arg0: i32, %arg1: i32, %arg2: memref<10000x1x128xf32, #tpu.memory_space<hbm>>, %arg3: memref<20000xf32, #tpu.memory_space<hbm>>, %arg4: memref<128xf32, #tpu.memory_space<hbm>>, %arg5: memref<4000x1x80xi32, #tpu.memory_space<hbm>>, %arg6: memref<4000x1x80xi32, #tpu.memory_space<hbm>>, %arg7: memref<20000x1x128xf32, #tpu.memory_space<hbm>>, %arg8: memref<32x10000xf32, #tpu.memory_space<hbm>>, %arg9: memref<20000xf32, #tpu.memory_space<vmem>>, %arg10: memref<5x1x80xi32, #tpu.memory_space<vmem>>, %arg11: memref<5x1x80xi32, #tpu.memory_space<vmem>>, %arg12: memref<80xf32, #tpu.memory_space<vmem>>, %arg13: memref<16xf32, #tpu.memory_space<vmem>>, %arg14: memref<80x1x128xf32, #tpu.memory_space<vmem>>, %arg15: memref<10000xf32, #tpu.memory_space<vmem>>, %arg16: memref<5x1x128xf32, #tpu.memory_space<vmem>>, %arg17: memref<10000x1x128xf32, #tpu.memory_space<vmem_shared>>, %arg18: memref<!tpu.dma_semaphore, #tpu.memory_space<semaphore_mem>>, %arg19: memref<!tpu.dma_semaphore, #tpu.memory_space<semaphore_mem>>) attributes {dimension_semantics = [#tpu.dimension_semantics<core_parallel>, #tpu.dimension_semantics<subcore_parallel>], iteration_bounds = array<i64: 2, 16>, scalar_prefetch = 0 : i64, scratch_operands = 11 : i64, tpu.core_type = #tpu.core_type<sc_vector_subcore>, window_params = [{transform_indices = #map}, {transform_indices = #map1}, {transform_indices = #map1}, {transform_indices = #map}, {transform_indices = #map}, {transform_indices = #map}, {transform_indices = #map2}]} {
    %mul3A = arith.constant 2 : i32
    %mul3A_0 = arith.muli %arg1, %mul3A : i32
    %add3A = arith.addi %mul3A_0, %arg0 : i32
    "tpu.region"() ({
      %run_scoped3A = tpu.sem_alloc : memref<!tpu.dma_semaphore, #tpu.memory_space<semaphore_mem>>
      tpu.enqueue_dma source(%arg3 : memref<20000xf32, #tpu.memory_space<hbm>>) target(%arg9 : memref<20000xf32, #tpu.memory_space<vmem>>) target_semaphore(%run_scoped3A : memref<!tpu.dma_semaphore, #tpu.memory_space<semaphore_mem>>)
      tpu.wait_dma2 semaphore(%run_scoped3A : memref<!tpu.dma_semaphore, #tpu.memory_space<semaphore_mem>>) src(%arg3 : memref<20000xf32, #tpu.memory_space<hbm>>) dst(%arg9 : memref<20000xf32, #tpu.memory_space<vmem>>)
      tpu.yield
    }) : () -> ()
    "tpu.region"() ({
      %run_scoped3A = tpu.sem_alloc : memref<!tpu.dma_semaphore, #tpu.memory_space<semaphore_mem>>
      %dma_start3A = arith.constant 0 : i32
      %dma_start3A_42 = tpu.memref_slice %arg4[%dma_start3A] : memref<128xf32, #tpu.memory_space<hbm>> -> memref<16xf32, #tpu.memory_space<hbm>>
      %dma_start3A_43 = arith.constant 0 : i32
      %dma_start3A_44 = tpu.memref_slice %arg4[%dma_start3A_43] : memref<128xf32, #tpu.memory_space<hbm>> -> memref<16xf32, #tpu.memory_space<hbm>>
      tpu.enqueue_dma source(%dma_start3A_44 : memref<16xf32, #tpu.memory_space<hbm>>) target(%arg13 : memref<16xf32, #tpu.memory_space<vmem>>) target_semaphore(%run_scoped3A : memref<!tpu.dma_semaphore, #tpu.memory_space<semaphore_mem>>)
      %dma_wait3A = arith.constant 0 : i32
      %dma_wait3A_45 = tpu.memref_slice %arg4[%dma_wait3A] : memref<128xf32, #tpu.memory_space<hbm>> -> memref<16xf32, #tpu.memory_space<hbm>>
      %dma_wait3A_46 = arith.constant 0 : i32
      %dma_wait3A_47 = tpu.memref_slice %arg4[%dma_wait3A_46] : memref<128xf32, #tpu.memory_space<hbm>> -> memref<16xf32, #tpu.memory_space<hbm>>
      tpu.wait_dma2 semaphore(%run_scoped3A : memref<!tpu.dma_semaphore, #tpu.memory_space<semaphore_mem>>) src(%dma_wait3A_47 : memref<16xf32, #tpu.memory_space<hbm>>) dst(%arg13 : memref<16xf32, #tpu.memory_space<vmem>>)
      tpu.yield
    }) : () -> ()
    %broadcast_in_dim3A = arith.constant 0.000000e+00 : f32
    %broadcast_in_dim3A_1 = vector.broadcast %broadcast_in_dim3A : f32 to vector<16xf32>
    %scan3A = arith.constant 0 : i32
    %scan3A_2 = arith.constant 0 : i32
    %scan3A_3 = arith.constant 40 : i32
    %scan3A_4 = arith.addi %scan3A_2, %scan3A_3 : i32
    %scan3A_5 = arith.constant 1 : i32
    scf.for %scan3A_42 = %scan3A_2 to %scan3A_4 step %scan3A_5  : i32 {
      %jit3A = arith.constant 8 : i32
      %div3A = arith.divsi %scan3A_42, %jit3A : i32
      %sign3A = arith.constant 0 : i32
      %sign3A_43 = arith.cmpi sgt, %scan3A_42, %sign3A : i32
      %sign3A_44 = arith.extui %sign3A_43 : i1 to i32
      %sign3A_45 = arith.constant 0 : i32
      %sign3A_46 = arith.cmpi slt, %scan3A_42, %sign3A_45 : i32
      %sign3A_47 = arith.extui %sign3A_46 : i1 to i32
      %sign3A_48 = arith.subi %sign3A_44, %sign3A_47 : i32
      %sign3A_49 = arith.constant 0 : i32
      %sign3A_50 = arith.cmpi sgt, %jit3A, %sign3A_49 : i32
      %sign3A_51 = arith.extui %sign3A_50 : i1 to i32
      %sign3A_52 = arith.constant 0 : i32
      %sign3A_53 = arith.cmpi slt, %jit3A, %sign3A_52 : i32
      %sign3A_54 = arith.extui %sign3A_53 : i1 to i32
      %sign3A_55 = arith.subi %sign3A_51, %sign3A_54 : i32
      %ne3A = arith.cmpi ne, %sign3A_48, %sign3A_55 : i32
      %rem3A = arith.remsi %scan3A_42, %jit3A : i32
      %ne3A_56 = arith.constant 0 : i32
      %ne3A_57 = arith.cmpi ne, %rem3A, %ne3A_56 : i32
      %and3A = arith.andi %ne3A, %ne3A_57 : i1
      %sub3A = arith.constant 1 : i32
      %sub3A_58 = arith.subi %div3A, %sub3A : i32
      %select_n3A = arith.select %and3A, %sub3A_58, %div3A : i32
      %jit3A_59 = arith.constant 8 : i32
      %eq3A = arith.constant 0 : i32
      %eq3A_60 = arith.cmpi eq, %jit3A_59, %eq3A : i32
      %jit3A_61 = arith.constant 1 : i32
      %select_n3A_62 = arith.select %eq3A_60, %jit3A_61, %jit3A_59 : i32
      %rem3A_63 = arith.remsi %scan3A_42, %select_n3A_62 : i32
      %ne3A_64 = arith.constant 0 : i32
      %ne3A_65 = arith.cmpi ne, %rem3A_63, %ne3A_64 : i32
      %lt3A = arith.constant 0 : i32
      %lt3A_66 = arith.cmpi slt, %rem3A_63, %lt3A : i32
      %lt3A_67 = arith.constant 0 : i32
      %lt3A_68 = arith.cmpi slt, %select_n3A_62, %lt3A_67 : i32
      %ne3A_69 = arith.xori %lt3A_66, %lt3A_68 : i1
      %and3A_70 = arith.andi %ne3A_69, %ne3A_65 : i1
      %add3A_71 = arith.addi %rem3A_63, %select_n3A_62 : i32
      %select_n3A_72 = arith.select %and3A_70, %add3A_71, %rem3A_63 : i32
      %mul3A_73 = arith.constant 16 : i32
      %mul3A_74 = arith.muli %select_n3A_72, %mul3A_73 : i32
      %swap3A = arith.constant 0 : i32
      %swap3A_75 = arith.index_cast %select_n3A : i32 to index
      %swap3A_76 = arith.index_cast %swap3A : i32 to index
      %swap3A_77 = arith.index_cast %mul3A_74 : i32 to index
      %swap3A_78 = tpu.vector_load %arg16[%swap3A_75, %swap3A_76, %swap3A_77] {strides = array<i32>} : memref<5x1x128xf32, #tpu.memory_space<vmem>>, vector<16xf32>,
      tpu.vector_store %arg16[%swap3A_75, %swap3A_76, %swap3A_77], %broadcast_in_dim3A_1 {strides = array<i32>} : memref<5x1x128xf32, #tpu.memory_space<vmem>>, vector<16xf32>,
    }
    %scan3A_6 = arith.constant 40 : i32
    %scan3A_7 = arith.constant 0 : i32
    %scan3A_8 = arith.constant 0 : i32
    %scan3A_9 = arith.constant 125 : i32
    %scan3A_10 = arith.addi %scan3A_8, %scan3A_9 : i32
    %scan3A_11 = arith.constant 1 : i32
    scf.for %scan3A_42 = %scan3A_8 to %scan3A_10 step %scan3A_11  : i32 {
      %mul3A_43 = arith.constant 625 : i32
      %mul3A_44 = arith.muli %arg1, %mul3A_43 : i32
      %mul3A_45 = arith.constant 5 : i32
      %mul3A_46 = arith.muli %scan3A_42, %mul3A_45 : i32
      %add3A_47 = arith.addi %mul3A_44, %mul3A_46 : i32
      %dma_start3A = arith.constant 0 : i32
      %dma_start3A_48 = arith.constant 0 : i32
      %dma_start3A_49 = tpu.memref_slice %arg17[%add3A_47, %dma_start3A, %dma_start3A_48] : memref<10000x1x128xf32, #tpu.memory_space<vmem_shared>> -> memref<5x1x128xf32, #tpu.memory_space<vmem_shared>>
      %dma_start3A_50 = arith.constant 0 : i32
      %dma_start3A_51 = arith.constant 0 : i32
      %dma_start3A_52 = tpu.memref_slice %arg17[%add3A_47, %dma_start3A_50, %dma_start3A_51] : memref<10000x1x128xf32, #tpu.memory_space<vmem_shared>> -> memref<5x1x128xf32, #tpu.memory_space<vmem_shared>>
      tpu.enqueue_dma source(%arg16 : memref<5x1x128xf32, #tpu.memory_space<vmem>>) target(%dma_start3A_52 : memref<5x1x128xf32, #tpu.memory_space<vmem_shared>>) target_semaphore(%arg19 : memref<!tpu.dma_semaphore, #tpu.memory_space<semaphore_mem>>)
    }
    %scan3A_12 = arith.constant 125 : i32
    %scan3A_13 = arith.constant 0 : i32
    %scan3A_14 = arith.constant 0 : i32
    %scan3A_15 = arith.constant 125 : i32
    %scan3A_16 = arith.addi %scan3A_14, %scan3A_15 : i32
    %scan3A_17 = arith.constant 1 : i32
    scf.for %scan3A_42 = %scan3A_14 to %scan3A_16 step %scan3A_17  : i32 {
      %mul3A_43 = arith.constant 625 : i32
      %mul3A_44 = arith.muli %arg1, %mul3A_43 : i32
      %dma_wait3A = arith.constant 0 : i32
      %dma_wait3A_45 = arith.constant 0 : i32
      %dma_wait3A_46 = tpu.memref_slice %arg17[%mul3A_44, %dma_wait3A, %dma_wait3A_45] : memref<10000x1x128xf32, #tpu.memory_space<vmem_shared>> -> memref<5x1x128xf32, #tpu.memory_space<vmem_shared>>
      %dma_wait3A_47 = arith.constant 0 : i32
      %dma_wait3A_48 = arith.constant 0 : i32
      %dma_wait3A_49 = arith.constant 0 : i32
      %dma_wait3A_50 = tpu.memref_slice %arg2[%dma_wait3A_47, %dma_wait3A_48, %dma_wait3A_49] : memref<10000x1x128xf32, #tpu.memory_space<hbm>> -> memref<5x1x128xf32, #tpu.memory_space<hbm>>
      tpu.wait_dma2 semaphore(%arg19 : memref<!tpu.dma_semaphore, #tpu.memory_space<semaphore_mem>>) src(%dma_wait3A_50 : memref<5x1x128xf32, #tpu.memory_space<hbm>>) dst(%dma_wait3A_46 : memref<5x1x128xf32, #tpu.memory_space<vmem_shared>>)
    }
    %scan3A_18 = arith.constant 125 : i32
    %scan3A_19 = arith.constant 0 : i32
    %scan3A_20 = arith.constant 0 : i32
    %scan3A_21 = arith.constant 625 : i32
    %scan3A_22 = arith.addi %scan3A_20, %scan3A_21 : i32
    %scan3A_23 = arith.constant 1 : i32
    scf.for %scan3A_42 = %scan3A_20 to %scan3A_22 step %scan3A_23  : i32 {
      %mul3A_43 = arith.constant 16 : i32
      %mul3A_44 = arith.muli %scan3A_42, %mul3A_43 : i32
      %swap3A = arith.index_cast %mul3A_44 : i32 to index
      %swap3A_45 = tpu.vector_load %arg15[%swap3A] {strides = array<i32>} : memref<10000xf32, #tpu.memory_space<vmem>>, vector<16xf32>,
      tpu.vector_store %arg15[%swap3A], %broadcast_in_dim3A_1 {strides = array<i32>} : memref<10000xf32, #tpu.memory_space<vmem>>, vector<16xf32>,
    }
    %scan3A_24 = arith.constant 625 : i32
    %barrier3A = arith.constant 0 : index
    tpu.barrier barrier_id(%barrier3A)
    %get3A = arith.constant 0 : index
    %get3A_25 = tpu.vector_load %arg13[%get3A] {strides = array<i32>} : memref<16xf32, #tpu.memory_space<vmem>>, vector<16xf32>,
    %mul3A_26 = arith.constant 125 : i32
    %mul3A_27 = arith.muli %add3A, %mul3A_26 : i32
    %scan3A_28 = arith.constant 0 : i32
    %scan3A_29 = arith.constant 0 : i32
    %scan3A_30 = arith.constant 125 : i32
    %scan3A_31 = arith.addi %scan3A_29, %scan3A_30 : i32
    %scan3A_32 = arith.constant 1 : i32
    scf.for %scan3A_42 = %scan3A_29 to %scan3A_31 step %scan3A_32  : i32 {
      %jit3A = arith.constant 5 : i32
      %eq3A = arith.constant 0 : i32
      %eq3A_43 = arith.cmpi eq, %jit3A, %eq3A : i32
      %jit3A_44 = arith.constant 1 : i32
      %select_n3A = arith.select %eq3A_43, %jit3A_44, %jit3A : i32
      %rem3A = arith.remsi %scan3A_42, %select_n3A : i32
      %ne3A = arith.constant 0 : i32
      %ne3A_45 = arith.cmpi ne, %rem3A, %ne3A : i32
      %lt3A = arith.constant 0 : i32
      %lt3A_46 = arith.cmpi slt, %rem3A, %lt3A : i32
      %lt3A_47 = arith.constant 0 : i32
      %lt3A_48 = arith.cmpi slt, %select_n3A, %lt3A_47 : i32
      %ne3A_49 = arith.xori %lt3A_46, %lt3A_48 : i1
      %and3A = arith.andi %ne3A_49, %ne3A_45 : i1
      %add3A_50 = arith.addi %rem3A, %select_n3A : i32
      %select_n3A_51 = arith.select %and3A, %add3A_50, %rem3A : i32
      %eq3A_52 = arith.constant 0 : i32
      %eq3A_53 = arith.cmpi eq, %select_n3A_51, %eq3A_52 : i32
      %convert_element_type3A = arith.extui %eq3A_53 : i1 to i32
      %cond3A = arith.constant 0 : i32
      %cond3A_54 = arith.cmpi ne, %convert_element_type3A, %cond3A : i32
      scf.if %cond3A_54 {
        %add3A_81 = arith.addi %mul3A_27, %scan3A_42 : i32
        "tpu.region"() ({
          %run_scoped3A_83 = tpu.sem_alloc : memref<!tpu.dma_semaphore, #tpu.memory_space<semaphore_mem>>
          %dma_start3A_84 = arith.constant 0 : i32
          %dma_start3A_85 = arith.constant 0 : i32
          %dma_start3A_86 = tpu.memref_slice %arg5[%add3A_81, %dma_start3A_84, %dma_start3A_85] : memref<4000x1x80xi32, #tpu.memory_space<hbm>> -> memref<5x1x80xi32, #tpu.memory_space<hbm>>
          %dma_start3A_87 = arith.constant 0 : i32
          %dma_start3A_88 = arith.constant 0 : i32
          %dma_start3A_89 = tpu.memref_slice %arg5[%add3A_81, %dma_start3A_87, %dma_start3A_88] : memref<4000x1x80xi32, #tpu.memory_space<hbm>> -> memref<5x1x80xi32, #tpu.memory_space<hbm>>
          tpu.enqueue_dma source(%dma_start3A_89 : memref<5x1x80xi32, #tpu.memory_space<hbm>>) target(%arg10 : memref<5x1x80xi32, #tpu.memory_space<vmem>>) target_semaphore(%run_scoped3A_83 : memref<!tpu.dma_semaphore, #tpu.memory_space<semaphore_mem>>)
          %dma_wait3A_90 = arith.constant 0 : i32
          %dma_wait3A_91 = arith.constant 0 : i32
          %dma_wait3A_92 = tpu.memref_slice %arg5[%add3A_81, %dma_wait3A_90, %dma_wait3A_91] : memref<4000x1x80xi32, #tpu.memory_space<hbm>> -> memref<5x1x80xi32, #tpu.memory_space<hbm>>
          %dma_wait3A_93 = arith.constant 0 : i32
          %dma_wait3A_94 = arith.constant 0 : i32
          %dma_wait3A_95 = tpu.memref_slice %arg5[%add3A_81, %dma_wait3A_93, %dma_wait3A_94] : memref<4000x1x80xi32, #tpu.memory_space<hbm>> -> memref<5x1x80xi32, #tpu.memory_space<hbm>>
          tpu.wait_dma2 semaphore(%run_scoped3A_83 : memref<!tpu.dma_semaphore, #tpu.memory_space<semaphore_mem>>) src(%dma_wait3A_95 : memref<5x1x80xi32, #tpu.memory_space<hbm>>) dst(%arg10 : memref<5x1x80xi32, #tpu.memory_space<vmem>>)
          tpu.yield
        }) : () -> ()
        %add3A_82 = arith.addi %mul3A_27, %scan3A_42 : i32
        "tpu.region"() ({
          %run_scoped3A_83 = tpu.sem_alloc : memref<!tpu.dma_semaphore, #tpu.memory_space<semaphore_mem>>
          %dma_start3A_84 = arith.constant 0 : i32
          %dma_start3A_85 = arith.constant 0 : i32
          %dma_start3A_86 = tpu.memref_slice %arg6[%add3A_82, %dma_start3A_84, %dma_start3A_85] : memref<4000x1x80xi32, #tpu.memory_space<hbm>> -> memref<5x1x80xi32, #tpu.memory_space<hbm>>
          %dma_start3A_87 = arith.constant 0 : i32
          %dma_start3A_88 = arith.constant 0 : i32
          %dma_start3A_89 = tpu.memref_slice %arg6[%add3A_82, %dma_start3A_87, %dma_start3A_88] : memref<4000x1x80xi32, #tpu.memory_space<hbm>> -> memref<5x1x80xi32, #tpu.memory_space<hbm>>
          tpu.enqueue_dma source(%dma_start3A_89 : memref<5x1x80xi32, #tpu.memory_space<hbm>>) target(%arg11 : memref<5x1x80xi32, #tpu.memory_space<vmem>>) target_semaphore(%run_scoped3A_83 : memref<!tpu.dma_semaphore, #tpu.memory_space<semaphore_mem>>)
          %dma_wait3A_90 = arith.constant 0 : i32
          %dma_wait3A_91 = arith.constant 0 : i32
          %dma_wait3A_92 = tpu.memref_slice %arg6[%add3A_82, %dma_wait3A_90, %dma_wait3A_91] : memref<4000x1x80xi32, #tpu.memory_space<hbm>> -> memref<5x1x80xi32, #tpu.memory_space<hbm>>
          %dma_wait3A_93 = arith.constant 0 : i32
          %dma_wait3A_94 = arith.constant 0 : i32
          %dma_wait3A_95 = tpu.memref_slice %arg6[%add3A_82, %dma_wait3A_93, %dma_wait3A_94] : memref<4000x1x80xi32, #tpu.memory_space<hbm>> -> memref<5x1x80xi32, #tpu.memory_space<hbm>>
          tpu.wait_dma2 semaphore(%run_scoped3A_83 : memref<!tpu.dma_semaphore, #tpu.memory_space<semaphore_mem>>) src(%dma_wait3A_95 : memref<5x1x80xi32, #tpu.memory_space<hbm>>) dst(%arg11 : memref<5x1x80xi32, #tpu.memory_space<vmem>>)
          tpu.yield
        }) : () -> ()
      } else {
      }
      %dma_start3A = arith.constant 0 : i32
      %dma_start3A_55 = arith.constant 0 : i32
      %dma_start3A_56 = tpu.memref_slice %arg10[%select_n3A_51, %dma_start3A, %dma_start3A_55] : memref<5x1x80xi32, #tpu.memory_space<vmem>> -> memref<1x1x80xi32, #tpu.memory_space<vmem>>
      %dma_start3A_57 = tpu.memref_squeeze %dma_start3A_56 : memref<1x1x80xi32, #tpu.memory_space<vmem>> -> memref<80xi32, #tpu.memory_space<vmem>>
      %dma_start3A_58 = arith.constant 0 : i32
      %dma_start3A_59 = arith.constant 0 : i32
      %dma_start3A_60 = arith.constant 0 : i32
      %dma_start3A_61 = tpu.memref_slice %arg2[%dma_start3A_58, %dma_start3A_59, %dma_start3A_60] : memref<10000x1x128xf32, #tpu.memory_space<hbm>> -> memref<10000x1x128xf32, #tpu.memory_space<hbm>>
      tpu.enqueue_indirect_dma source(%dma_start3A_61 : memref<10000x1x128xf32, #tpu.memory_space<hbm>>) target(%arg14 : memref<80x1x128xf32, #tpu.memory_space<vmem>>) offsets(%dma_start3A_57 : memref<80xi32, #tpu.memory_space<vmem>>) semaphore(%arg18 : memref<!tpu.dma_semaphore, #tpu.memory_space<semaphore_mem>>)
      %scan3A_62 = arith.constant 0 : i32
      %scan3A_63 = arith.constant 0 : i32
      %scan3A_64 = arith.constant 5 : i32
      %scan3A_65 = arith.addi %scan3A_63, %scan3A_64 : i32
      %scan3A_66 = arith.constant 1 : i32
      scf.for %scan3A_81 = %scan3A_63 to %scan3A_65 step %scan3A_66  : i32 {
        %mul3A_82 = arith.constant 16 : i32
        %mul3A_83 = arith.muli %scan3A_81, %mul3A_82 : i32
        %get3A_84 = arith.constant 0 : i32
        %get3A_85 = arith.index_cast %select_n3A_51 : i32 to index
        %get3A_86 = arith.index_cast %get3A_84 : i32 to index
        %get3A_87 = arith.index_cast %mul3A_83 : i32 to index
        %get3A_88 = tpu.vector_load %arg10[%get3A_85, %get3A_86, %get3A_87] {strides = array<i32>} : memref<5x1x80xi32, #tpu.memory_space<vmem>>, vector<16xi32>,
        %get3A_89 = arith.constant 0 : i32
        %get3A_90 = arith.index_cast %select_n3A_51 : i32 to index
        %get3A_91 = arith.index_cast %get3A_89 : i32 to index
        %get3A_92 = arith.index_cast %mul3A_83 : i32 to index
        %get3A_93 = tpu.vector_load %arg11[%get3A_90, %get3A_91, %get3A_92] {strides = array<i32>} : memref<5x1x80xi32, #tpu.memory_space<vmem>>, vector<16xi32>,
        %mul3A_94 = arith.constant 2 : i32
        %mul3A_95 = vector.broadcast %mul3A_94 : i32 to vector<16xi32>
        %mul3A_96 = arith.muli %get3A_88, %mul3A_95 : vector<16xi32>
        %gather3A = tpu.vector_load_idx %arg9[%mul3A_96] : memref<20000xf32, #tpu.memory_space<vmem>>[vector<16xi32>], vector<16xf32>,
        %mul3A_97 = arith.constant 2 : i32
        %mul3A_98 = vector.broadcast %mul3A_97 : i32 to vector<16xi32>
        %mul3A_99 = arith.muli %get3A_93, %mul3A_98 : vector<16xi32>
        %add3A_100 = arith.constant 1 : i32
        %add3A_101 = vector.broadcast %add3A_100 : i32 to vector<16xi32>
        %add3A_102 = arith.addi %mul3A_99, %add3A_101 : vector<16xi32>
        %gather3A_103 = tpu.vector_load_idx %arg9[%add3A_102] : memref<20000xf32, #tpu.memory_space<vmem>>[vector<16xi32>], vector<16xf32>,
        %add3A_104 = arith.addf %gather3A, %gather3A_103 : vector<16xf32>
        %ge3A = arith.constant 0.000000e+00 : f32
        %ge3A_105 = vector.broadcast %ge3A : f32 to vector<16xf32>
        %ge3A_106 = arith.cmpf oge, %add3A_104, %ge3A_105 : vector<16xf32>
        %mul3A_107 = arith.constant 2.000000e-01 : f32
        %mul3A_108 = vector.broadcast %mul3A_107 : f32 to vector<16xf32>
        %mul3A_109 = arith.mulf %mul3A_108, %add3A_104 : vector<16xf32>
        %select_n3A_110 = arith.select %ge3A_106, %add3A_104, %mul3A_109 : vector<16xi1>, vector<16xf32>
        %add3A_111 = arith.addf %get3A_25, %gather3A_103 : vector<16xf32>
        %ge3A_112 = arith.constant 0.000000e+00 : f32
        %ge3A_113 = vector.broadcast %ge3A_112 : f32 to vector<16xf32>
        %ge3A_114 = arith.cmpf oge, %add3A_111, %ge3A_113 : vector<16xf32>
        %mul3A_115 = arith.constant 2.000000e-01 : f32
        %mul3A_116 = vector.broadcast %mul3A_115 : f32 to vector<16xf32>
        %mul3A_117 = arith.mulf %mul3A_116, %add3A_111 : vector<16xf32>
        %select_n3A_118 = arith.select %ge3A_114, %add3A_111, %mul3A_117 : vector<16xi1>, vector<16xf32>
        %sub3A = arith.subf %select_n3A_110, %select_n3A_118 : vector<16xf32>
        %max3A = arith.constant -8.700000e+01 : f32
        %max3A_119 = vector.broadcast %max3A : f32 to vector<16xf32>
        %max3A_120 = arith.maximumf %sub3A, %max3A_119 : vector<16xf32>
        %mul3A_121 = arith.constant 1.44269502 : f32
        %mul3A_122 = vector.broadcast %mul3A_121 : f32 to vector<16xf32>
        %mul3A_123 = arith.mulf %max3A_120, %mul3A_122 : vector<16xf32>
        %sub3A_124 = arith.constant 5.000000e-01 : f32
        %sub3A_125 = vector.broadcast %sub3A_124 : f32 to vector<16xf32>
        %sub3A_126 = arith.subf %mul3A_123, %sub3A_125 : vector<16xf32>
        %convert_element_type3A_127 = arith.fptosi %sub3A_126 : vector<16xf32> to vector<16xi32>
        %convert_element_type3A_128 = arith.sitofp %convert_element_type3A_127 : vector<16xi32> to vector<16xf32>
        %mul3A_129 = arith.constant 0.693145751 : f32
        %mul3A_130 = vector.broadcast %mul3A_129 : f32 to vector<16xf32>
        %mul3A_131 = arith.mulf %convert_element_type3A_128, %mul3A_130 : vector<16xf32>
        %sub3A_132 = arith.subf %max3A_120, %mul3A_131 : vector<16xf32>
        %mul3A_133 = arith.constant 1.42860677E-6 : f32
        %mul3A_134 = vector.broadcast %mul3A_133 : f32 to vector<16xf32>
        %mul3A_135 = arith.mulf %convert_element_type3A_128, %mul3A_134 : vector<16xf32>
        %sub3A_136 = arith.subf %sub3A_132, %mul3A_135 : vector<16xf32>
        %mul3A_137 = arith.constant 0.00138888892 : f32
        %mul3A_138 = vector.broadcast %mul3A_137 : f32 to vector<16xf32>
        %mul3A_139 = arith.mulf %sub3A_136, %mul3A_138 : vector<16xf32>
        %add3A_140 = arith.constant 0.00833333377 : f32
        %add3A_141 = vector.broadcast %add3A_140 : f32 to vector<16xf32>
        %add3A_142 = arith.addf %add3A_141, %mul3A_139 : vector<16xf32>
        %mul3A_143 = arith.mulf %sub3A_136, %add3A_142 : vector<16xf32>
        %add3A_144 = arith.constant 0.0416666679 : f32
        %add3A_145 = vector.broadcast %add3A_144 : f32 to vector<16xf32>
        %add3A_146 = arith.addf %add3A_145, %mul3A_143 : vector<16xf32>
        %mul3A_147 = arith.mulf %sub3A_136, %add3A_146 : vector<16xf32>
        %add3A_148 = arith.constant 0.166666672 : f32
        %add3A_149 = vector.broadcast %add3A_148 : f32 to vector<16xf32>
        %add3A_150 = arith.addf %add3A_149, %mul3A_147 : vector<16xf32>
        %mul3A_151 = arith.mulf %sub3A_136, %add3A_150 : vector<16xf32>
        %add3A_152 = arith.constant 5.000000e-01 : f32
        %add3A_153 = vector.broadcast %add3A_152 : f32 to vector<16xf32>
        %add3A_154 = arith.addf %add3A_153, %mul3A_151 : vector<16xf32>
        %mul3A_155 = arith.mulf %sub3A_136, %add3A_154 : vector<16xf32>
        %add3A_156 = arith.constant 1.000000e+00 : f32
        %add3A_157 = vector.broadcast %add3A_156 : f32 to vector<16xf32>
        %add3A_158 = arith.addf %add3A_157, %mul3A_155 : vector<16xf32>
        %mul3A_159 = arith.mulf %sub3A_136, %add3A_158 : vector<16xf32>
        %add3A_160 = arith.constant 1.000000e+00 : f32
        %add3A_161 = vector.broadcast %add3A_160 : f32 to vector<16xf32>
        %add3A_162 = arith.addf %add3A_161, %mul3A_159 : vector<16xf32>
        %add3A_163 = arith.constant 127 : i32
        %add3A_164 = vector.broadcast %add3A_163 : i32 to vector<16xi32>
        %add3A_165 = arith.addi %convert_element_type3A_127, %add3A_164 : vector<16xi32>
        %shift_left3A = arith.constant 23 : i32
        %shift_left3A_166 = vector.broadcast %shift_left3A : i32 to vector<16xi32>
        %shift_left3A_167 = arith.shli %add3A_165, %shift_left3A_166 : vector<16xi32>
        %bitcast3A = vector.bitcast %shift_left3A_167 : vector<16xi32> to vector<16xf32>
        %mul3A_168 = arith.mulf %add3A_162, %bitcast3A : vector<16xf32>
        %swap3A = arith.index_cast %mul3A_83 : i32 to index
        %swap3A_169 = tpu.vector_load %arg12[%swap3A] {strides = array<i32>} : memref<80xf32, #tpu.memory_space<vmem>>, vector<16xf32>,
        tpu.vector_store %arg12[%swap3A], %mul3A_168 {strides = array<i32>} : memref<80xf32, #tpu.memory_space<vmem>>, vector<16xf32>,
        %iota3A = tpu.iota {dimensions = array<i32: 0>} : vector<16xi32>
        %eq3A_170 = arith.constant 0 : i32
        %eq3A_171 = vector.broadcast %eq3A_170 : i32 to vector<16xi32>
        %eq3A_172 = arith.cmpi eq, %iota3A, %eq3A_171 : vector<16xi32>
        tpu.vector_store_idx %arg15[%get3A_93], %mul3A_168 masked %eq3A_172 {add = true} : memref<10000xf32, #tpu.memory_space<vmem>>[vector<16xi32>], vector<16xf32>, vector<16xi1>
        %eq3A_173 = arith.constant 1 : i32
        %eq3A_174 = vector.broadcast %eq3A_173 : i32 to vector<16xi32>
        %eq3A_175 = arith.cmpi eq, %iota3A, %eq3A_174 : vector<16xi32>
        tpu.vector_store_idx %arg15[%get3A_93], %mul3A_168 masked %eq3A_175 {add = true} : memref<10000xf32, #tpu.memory_space<vmem>>[vector<16xi32>], vector<16xf32>, vector<16xi1>
        %eq3A_176 = arith.constant 2 : i32
        %eq3A_177 = vector.broadcast %eq3A_176 : i32 to vector<16xi32>
        %eq3A_178 = arith.cmpi eq, %iota3A, %eq3A_177 : vector<16xi32>
        tpu.vector_store_idx %arg15[%get3A_93], %mul3A_168 masked %eq3A_178 {add = true} : memref<10000xf32, #tpu.memory_space<vmem>>[vector<16xi32>], vector<16xf32>, vector<16xi1>
        %eq3A_179 = arith.constant 3 : i32
        %eq3A_180 = vector.broadcast %eq3A_179 : i32 to vector<16xi32>
        %eq3A_181 = arith.cmpi eq, %iota3A, %eq3A_180 : vector<16xi32>
        tpu.vector_store_idx %arg15[%get3A_93], %mul3A_168 masked %eq3A_181 {add = true} : memref<10000xf32, #tpu.memory_space<vmem>>[vector<16xi32>], vector<16xf32>, vector<16xi1>
        %eq3A_182 = arith.constant 4 : i32
        %eq3A_183 = vector.broadcast %eq3A_182 : i32 to vector<16xi32>
        %eq3A_184 = arith.cmpi eq, %iota3A, %eq3A_183 : vector<16xi32>
        tpu.vector_store_idx %arg15[%get3A_93], %mul3A_168 masked %eq3A_184 {add = true} : memref<10000xf32, #tpu.memory_space<vmem>>[vector<16xi32>], vector<16xf32>, vector<16xi1>
        %eq3A_185 = arith.constant 5 : i32
        %eq3A_186 = vector.broadcast %eq3A_185 : i32 to vector<16xi32>
        %eq3A_187 = arith.cmpi eq, %iota3A, %eq3A_186 : vector<16xi32>
        tpu.vector_store_idx %arg15[%get3A_93], %mul3A_168 masked %eq3A_187 {add = true} : memref<10000xf32, #tpu.memory_space<vmem>>[vector<16xi32>], vector<16xf32>, vector<16xi1>
        %eq3A_188 = arith.constant 6 : i32
        %eq3A_189 = vector.broadcast %eq3A_188 : i32 to vector<16xi32>
        %eq3A_190 = arith.cmpi eq, %iota3A, %eq3A_189 : vector<16xi32>
        tpu.vector_store_idx %arg15[%get3A_93], %mul3A_168 masked %eq3A_190 {add = true} : memref<10000xf32, #tpu.memory_space<vmem>>[vector<16xi32>], vector<16xf32>, vector<16xi1>
        %eq3A_191 = arith.constant 7 : i32
        %eq3A_192 = vector.broadcast %eq3A_191 : i32 to vector<16xi32>
        %eq3A_193 = arith.cmpi eq, %iota3A, %eq3A_192 : vector<16xi32>
        tpu.vector_store_idx %arg15[%get3A_93], %mul3A_168 masked %eq3A_193 {add = true} : memref<10000xf32, #tpu.memory_space<vmem>>[vector<16xi32>], vector<16xf32>, vector<16xi1>
        %eq3A_194 = arith.constant 8 : i32
        %eq3A_195 = vector.broadcast %eq3A_194 : i32 to vector<16xi32>
        %eq3A_196 = arith.cmpi eq, %iota3A, %eq3A_195 : vector<16xi32>
        tpu.vector_store_idx %arg15[%get3A_93], %mul3A_168 masked %eq3A_196 {add = true} : memref<10000xf32, #tpu.memory_space<vmem>>[vector<16xi32>], vector<16xf32>, vector<16xi1>
        %eq3A_197 = arith.constant 9 : i32
        %eq3A_198 = vector.broadcast %eq3A_197 : i32 to vector<16xi32>
        %eq3A_199 = arith.cmpi eq, %iota3A, %eq3A_198 : vector<16xi32>
        tpu.vector_store_idx %arg15[%get3A_93], %mul3A_168 masked %eq3A_199 {add = true} : memref<10000xf32, #tpu.memory_space<vmem>>[vector<16xi32>], vector<16xf32>, vector<16xi1>
        %eq3A_200 = arith.constant 10 : i32
        %eq3A_201 = vector.broadcast %eq3A_200 : i32 to vector<16xi32>
        %eq3A_202 = arith.cmpi eq, %iota3A, %eq3A_201 : vector<16xi32>
        tpu.vector_store_idx %arg15[%get3A_93], %mul3A_168 masked %eq3A_202 {add = true} : memref<10000xf32, #tpu.memory_space<vmem>>[vector<16xi32>], vector<16xf32>, vector<16xi1>
        %eq3A_203 = arith.constant 11 : i32
        %eq3A_204 = vector.broadcast %eq3A_203 : i32 to vector<16xi32>
        %eq3A_205 = arith.cmpi eq, %iota3A, %eq3A_204 : vector<16xi32>
        tpu.vector_store_idx %arg15[%get3A_93], %mul3A_168 masked %eq3A_205 {add = true} : memref<10000xf32, #tpu.memory_space<vmem>>[vector<16xi32>], vector<16xf32>, vector<16xi1>
        %eq3A_206 = arith.constant 12 : i32
        %eq3A_207 = vector.broadcast %eq3A_206 : i32 to vector<16xi32>
        %eq3A_208 = arith.cmpi eq, %iota3A, %eq3A_207 : vector<16xi32>
        tpu.vector_store_idx %arg15[%get3A_93], %mul3A_168 masked %eq3A_208 {add = true} : memref<10000xf32, #tpu.memory_space<vmem>>[vector<16xi32>], vector<16xf32>, vector<16xi1>
        %eq3A_209 = arith.constant 13 : i32
        %eq3A_210 = vector.broadcast %eq3A_209 : i32 to vector<16xi32>
        %eq3A_211 = arith.cmpi eq, %iota3A, %eq3A_210 : vector<16xi32>
        tpu.vector_store_idx %arg15[%get3A_93], %mul3A_168 masked %eq3A_211 {add = true} : memref<10000xf32, #tpu.memory_space<vmem>>[vector<16xi32>], vector<16xf32>, vector<16xi1>
        %eq3A_212 = arith.constant 14 : i32
        %eq3A_213 = vector.broadcast %eq3A_212 : i32 to vector<16xi32>
        %eq3A_214 = arith.cmpi eq, %iota3A, %eq3A_213 : vector<16xi32>
        tpu.vector_store_idx %arg15[%get3A_93], %mul3A_168 masked %eq3A_214 {add = true} : memref<10000xf32, #tpu.memory_space<vmem>>[vector<16xi32>], vector<16xf32>, vector<16xi1>
        %eq3A_215 = arith.constant 15 : i32
        %eq3A_216 = vector.broadcast %eq3A_215 : i32 to vector<16xi32>
        %eq3A_217 = arith.cmpi eq, %iota3A, %eq3A_216 : vector<16xi32>
        tpu.vector_store_idx %arg15[%get3A_93], %mul3A_168 masked %eq3A_217 {add = true} : memref<10000xf32, #tpu.memory_space<vmem>>[vector<16xi32>], vector<16xf32>, vector<16xi1>
      }
      %scan3A_67 = arith.constant 5 : i32
      %dma_wait3A = arith.constant 0 : i32
      %dma_wait3A_68 = arith.constant 0 : i32
      %dma_wait3A_69 = arith.constant 0 : i32
      %dma_wait3A_70 = tpu.memref_slice %arg2[%dma_wait3A, %dma_wait3A_68, %dma_wait3A_69] : memref<10000x1x128xf32, #tpu.memory_space<hbm>> -> memref<80x1x128xf32, #tpu.memory_space<hbm>>
      %dma_wait3A_71 = arith.constant 0 : i32
      %dma_wait3A_72 = arith.constant 0 : i32
      %dma_wait3A_73 = arith.constant 0 : i32
      %dma_wait3A_74 = tpu.memref_slice %arg2[%dma_wait3A_71, %dma_wait3A_72, %dma_wait3A_73] : memref<10000x1x128xf32, #tpu.memory_space<hbm>> -> memref<80x1x128xf32, #tpu.memory_space<hbm>>
      tpu.wait_dma2 semaphore(%arg18 : memref<!tpu.dma_semaphore, #tpu.memory_space<semaphore_mem>>) src(%dma_wait3A_74 : memref<80x1x128xf32, #tpu.memory_space<hbm>>) dst(%arg14 : memref<80x1x128xf32, #tpu.memory_space<vmem>>)
      %scan3A_75 = arith.constant 0 : i32
      %scan3A_76 = arith.constant 0 : i32
      %scan3A_77 = arith.constant 20 : i32
      %scan3A_78 = arith.addi %scan3A_76, %scan3A_77 : i32
      %scan3A_79 = arith.constant 1 : i32
      scf.for %scan3A_81 = %scan3A_76 to %scan3A_78 step %scan3A_79  : i32 {
        %mul3A_82 = arith.constant 4 : i32
        %mul3A_83 = arith.muli %scan3A_81, %mul3A_82 : i32
        %add3A_84 = arith.constant 0 : i32
        %add3A_85 = arith.addi %mul3A_83, %add3A_84 : i32
        %broadcast_in_dim3A_86 = vector.broadcast %add3A_85 : i32 to vector<16xi32>
        %gather3A = tpu.vector_load_idx %arg12[%broadcast_in_dim3A_86] : memref<80xf32, #tpu.memory_space<vmem>>[vector<16xi32>], vector<16xf32>,
        %get3A_87 = arith.constant 0 : i32
        %get3A_88 = arith.index_cast %add3A_85 : i32 to index
        %get3A_89 = arith.index_cast %get3A_87 : i32 to index
        %get3A_90 = arith.constant 0 : index
        %get3A_91 = tpu.vector_load %arg14[%get3A_88, %get3A_89, %get3A_90] {strides = array<i32>} : memref<80x1x128xf32, #tpu.memory_space<vmem>>, vector<16xf32>,
        %mul3A_92 = arith.mulf %get3A_91, %gather3A : vector<16xf32>
        %swap3A = arith.constant 0 : i32
        %swap3A_93 = arith.index_cast %add3A_85 : i32 to index
        %swap3A_94 = arith.index_cast %swap3A : i32 to index
        %swap3A_95 = arith.constant 0 : index
        %swap3A_96 = tpu.vector_load %arg14[%swap3A_93, %swap3A_94, %swap3A_95] {strides = array<i32>} : memref<80x1x128xf32, #tpu.memory_space<vmem>>, vector<16xf32>,
        tpu.vector_store %arg14[%swap3A_93, %swap3A_94, %swap3A_95], %mul3A_92 {strides = array<i32>} : memref<80x1x128xf32, #tpu.memory_space<vmem>>, vector<16xf32>,
        %get3A_97 = arith.constant 0 : i32
        %get3A_98 = arith.index_cast %add3A_85 : i32 to index
        %get3A_99 = arith.index_cast %get3A_97 : i32 to index
        %get3A_100 = arith.constant 16 : index
        %get3A_101 = tpu.vector_load %arg14[%get3A_98, %get3A_99, %get3A_100] {strides = array<i32>} : memref<80x1x128xf32, #tpu.memory_space<vmem>>, vector<16xf32>,
        %mul3A_102 = arith.mulf %get3A_101, %gather3A : vector<16xf32>
        %swap3A_103 = arith.constant 0 : i32
        %swap3A_104 = arith.index_cast %add3A_85 : i32 to index
        %swap3A_105 = arith.index_cast %swap3A_103 : i32 to index
        %swap3A_106 = arith.constant 16 : index
        %swap3A_107 = tpu.vector_load %arg14[%swap3A_104, %swap3A_105, %swap3A_106] {strides = array<i32>} : memref<80x1x128xf32, #tpu.memory_space<vmem>>, vector<16xf32>,
        tpu.vector_store %arg14[%swap3A_104, %swap3A_105, %swap3A_106], %mul3A_102 {strides = array<i32>} : memref<80x1x128xf32, #tpu.memory_space<vmem>>, vector<16xf32>,
        %get3A_108 = arith.constant 0 : i32
        %get3A_109 = arith.index_cast %add3A_85 : i32 to index
        %get3A_110 = arith.index_cast %get3A_108 : i32 to index
        %get3A_111 = arith.constant 32 : index
        %get3A_112 = tpu.vector_load %arg14[%get3A_109, %get3A_110, %get3A_111] {strides = array<i32>} : memref<80x1x128xf32, #tpu.memory_space<vmem>>, vector<16xf32>,
        %mul3A_113 = arith.mulf %get3A_112, %gather3A : vector<16xf32>
        %swap3A_114 = arith.constant 0 : i32
        %swap3A_115 = arith.index_cast %add3A_85 : i32 to index
        %swap3A_116 = arith.index_cast %swap3A_114 : i32 to index
        %swap3A_117 = arith.constant 32 : index
        %swap3A_118 = tpu.vector_load %arg14[%swap3A_115, %swap3A_116, %swap3A_117] {strides = array<i32>} : memref<80x1x128xf32, #tpu.memory_space<vmem>>, vector<16xf32>,
        tpu.vector_store %arg14[%swap3A_115, %swap3A_116, %swap3A_117], %mul3A_113 {strides = array<i32>} : memref<80x1x128xf32, #tpu.memory_space<vmem>>, vector<16xf32>,
        %get3A_119 = arith.constant 0 : i32
        %get3A_120 = arith.index_cast %add3A_85 : i32 to index
        %get3A_121 = arith.index_cast %get3A_119 : i32 to index
        %get3A_122 = arith.constant 48 : index
        %get3A_123 = tpu.vector_load %arg14[%get3A_120, %get3A_121, %get3A_122] {strides = array<i32>} : memref<80x1x128xf32, #tpu.memory_space<vmem>>, vector<16xf32>,
        %mul3A_124 = arith.mulf %get3A_123, %gather3A : vector<16xf32>
        %swap3A_125 = arith.constant 0 : i32
        %swap3A_126 = arith.index_cast %add3A_85 : i32 to index
        %swap3A_127 = arith.index_cast %swap3A_125 : i32 to index
        %swap3A_128 = arith.constant 48 : index
        %swap3A_129 = tpu.vector_load %arg14[%swap3A_126, %swap3A_127, %swap3A_128] {strides = array<i32>} : memref<80x1x128xf32, #tpu.memory_space<vmem>>, vector<16xf32>,
        tpu.vector_store %arg14[%swap3A_126, %swap3A_127, %swap3A_128], %mul3A_124 {strides = array<i32>} : memref<80x1x128xf32, #tpu.memory_space<vmem>>, vector<16xf32>,
        %get3A_130 = arith.constant 0 : i32
        %get3A_131 = arith.index_cast %add3A_85 : i32 to index
        %get3A_132 = arith.index_cast %get3A_130 : i32 to index
        %get3A_133 = arith.constant 64 : index
        %get3A_134 = tpu.vector_load %arg14[%get3A_131, %get3A_132, %get3A_133] {strides = array<i32>} : memref<80x1x128xf32, #tpu.memory_space<vmem>>, vector<16xf32>,
        %mul3A_135 = arith.mulf %get3A_134, %gather3A : vector<16xf32>
        %swap3A_136 = arith.constant 0 : i32
        %swap3A_137 = arith.index_cast %add3A_85 : i32 to index
        %swap3A_138 = arith.index_cast %swap3A_136 : i32 to index
        %swap3A_139 = arith.constant 64 : index
        %swap3A_140 = tpu.vector_load %arg14[%swap3A_137, %swap3A_138, %swap3A_139] {strides = array<i32>} : memref<80x1x128xf32, #tpu.memory_space<vmem>>, vector<16xf32>,
        tpu.vector_store %arg14[%swap3A_137, %swap3A_138, %swap3A_139], %mul3A_135 {strides = array<i32>} : memref<80x1x128xf32, #tpu.memory_space<vmem>>, vector<16xf32>,
        %get3A_141 = arith.constant 0 : i32
        %get3A_142 = arith.index_cast %add3A_85 : i32 to index
        %get3A_143 = arith.index_cast %get3A_141 : i32 to index
        %get3A_144 = arith.constant 80 : index
        %get3A_145 = tpu.vector_load %arg14[%get3A_142, %get3A_143, %get3A_144] {strides = array<i32>} : memref<80x1x128xf32, #tpu.memory_space<vmem>>, vector<16xf32>,
        %mul3A_146 = arith.mulf %get3A_145, %gather3A : vector<16xf32>
        %swap3A_147 = arith.constant 0 : i32
        %swap3A_148 = arith.index_cast %add3A_85 : i32 to index
        %swap3A_149 = arith.index_cast %swap3A_147 : i32 to index
        %swap3A_150 = arith.constant 80 : index
        %swap3A_151 = tpu.vector_load %arg14[%swap3A_148, %swap3A_149, %swap3A_150] {strides = array<i32>} : memref<80x1x128xf32, #tpu.memory_space<vmem>>, vector<16xf32>,
        tpu.vector_store %arg14[%swap3A_148, %swap3A_149, %swap3A_150], %mul3A_146 {strides = array<i32>} : memref<80x1x128xf32, #tpu.memory_space<vmem>>, vector<16xf32>,
        %get3A_152 = arith.constant 0 : i32
        %get3A_153 = arith.index_cast %add3A_85 : i32 to index
        %get3A_154 = arith.index_cast %get3A_152 : i32 to index
        %get3A_155 = arith.constant 96 : index
        %get3A_156 = tpu.vector_load %arg14[%get3A_153, %get3A_154, %get3A_155] {strides = array<i32>} : memref<80x1x128xf32, #tpu.memory_space<vmem>>, vector<16xf32>,
        %mul3A_157 = arith.mulf %get3A_156, %gather3A : vector<16xf32>
        %swap3A_158 = arith.constant 0 : i32
        %swap3A_159 = arith.index_cast %add3A_85 : i32 to index
        %swap3A_160 = arith.index_cast %swap3A_158 : i32 to index
        %swap3A_161 = arith.constant 96 : index
        %swap3A_162 = tpu.vector_load %arg14[%swap3A_159, %swap3A_160, %swap3A_161] {strides = array<i32>} : memref<80x1x128xf32, #tpu.memory_space<vmem>>, vector<16xf32>,
        tpu.vector_store %arg14[%swap3A_159, %swap3A_160, %swap3A_161], %mul3A_157 {strides = array<i32>} : memref<80x1x128xf32, #tpu.memory_space<vmem>>, vector<16xf32>,
        %get3A_163 = arith.constant 0 : i32
        %get3A_164 = arith.index_cast %add3A_85 : i32 to index
        %get3A_165 = arith.index_cast %get3A_163 : i32 to index
        %get3A_166 = arith.constant 112 : index
        %get3A_167 = tpu.vector_load %arg14[%get3A_164, %get3A_165, %get3A_166] {strides = array<i32>} : memref<80x1x128xf32, #tpu.memory_space<vmem>>, vector<16xf32>,
        %mul3A_168 = arith.mulf %get3A_167, %gather3A : vector<16xf32>
        %swap3A_169 = arith.constant 0 : i32
        %swap3A_170 = arith.index_cast %add3A_85 : i32 to index
        %swap3A_171 = arith.index_cast %swap3A_169 : i32 to index
        %swap3A_172 = arith.constant 112 : index
        %swap3A_173 = tpu.vector_load %arg14[%swap3A_170, %swap3A_171, %swap3A_172] {strides = array<i32>} : memref<80x1x128xf32, #tpu.memory_space<vmem>>, vector<16xf32>,
        tpu.vector_store %arg14[%swap3A_170, %swap3A_171, %swap3A_172], %mul3A_168 {strides = array<i32>} : memref<80x1x128xf32, #tpu.memory_space<vmem>>, vector<16xf32>,
        %mul3A_174 = arith.constant 4 : i32
        %mul3A_175 = arith.muli %scan3A_81, %mul3A_174 : i32
        %add3A_176 = arith.constant 1 : i32
        %add3A_177 = arith.addi %mul3A_175, %add3A_176 : i32
        %broadcast_in_dim3A_178 = vector.broadcast %add3A_177 : i32 to vector<16xi32>
        %gather3A_179 = tpu.vector_load_idx %arg12[%broadcast_in_dim3A_178] : memref<80xf32, #tpu.memory_space<vmem>>[vector<16xi32>], vector<16xf32>,
        %get3A_180 = arith.constant 0 : i32
        %get3A_181 = arith.index_cast %add3A_177 : i32 to index
        %get3A_182 = arith.index_cast %get3A_180 : i32 to index
        %get3A_183 = arith.constant 0 : index
        %get3A_184 = tpu.vector_load %arg14[%get3A_181, %get3A_182, %get3A_183] {strides = array<i32>} : memref<80x1x128xf32, #tpu.memory_space<vmem>>, vector<16xf32>,
        %mul3A_185 = arith.mulf %get3A_184, %gather3A_179 : vector<16xf32>
        %swap3A_186 = arith.constant 0 : i32
        %swap3A_187 = arith.index_cast %add3A_177 : i32 to index
        %swap3A_188 = arith.index_cast %swap3A_186 : i32 to index
        %swap3A_189 = arith.constant 0 : index
        %swap3A_190 = tpu.vector_load %arg14[%swap3A_187, %swap3A_188, %swap3A_189] {strides = array<i32>} : memref<80x1x128xf32, #tpu.memory_space<vmem>>, vector<16xf32>,
        tpu.vector_store %arg14[%swap3A_187, %swap3A_188, %swap3A_189], %mul3A_185 {strides = array<i32>} : memref<80x1x128xf32, #tpu.memory_space<vmem>>, vector<16xf32>,
        %get3A_191 = arith.constant 0 : i32
        %get3A_192 = arith.index_cast %add3A_177 : i32 to index
        %get3A_193 = arith.index_cast %get3A_191 : i32 to index
        %get3A_194 = arith.constant 16 : index
        %get3A_195 = tpu.vector_load %arg14[%get3A_192, %get3A_193, %get3A_194] {strides = array<i32>} : memref<80x1x128xf32, #tpu.memory_space<vmem>>, vector<16xf32>,
        %mul3A_196 = arith.mulf %get3A_195, %gather3A_179 : vector<16xf32>
        %swap3A_197 = arith.constant 0 : i32
        %swap3A_198 = arith.index_cast %add3A_177 : i32 to index
        %swap3A_199 = arith.index_cast %swap3A_197 : i32 to index
        %swap3A_200 = arith.constant 16 : index
        %swap3A_201 = tpu.vector_load %arg14[%swap3A_198, %swap3A_199, %swap3A_200] {strides = array<i32>} : memref<80x1x128xf32, #tpu.memory_space<vmem>>, vector<16xf32>,
        tpu.vector_store %arg14[%swap3A_198, %swap3A_199, %swap3A_200], %mul3A_196 {strides = array<i32>} : memref<80x1x128xf32, #tpu.memory_space<vmem>>, vector<16xf32>,
        %get3A_202 = arith.constant 0 : i32
        %get3A_203 = arith.index_cast %add3A_177 : i32 to index
        %get3A_204 = arith.index_cast %get3A_202 : i32 to index
        %get3A_205 = arith.constant 32 : index
        %get3A_206 = tpu.vector_load %arg14[%get3A_203, %get3A_204, %get3A_205] {strides = array<i32>} : memref<80x1x128xf32, #tpu.memory_space<vmem>>, vector<16xf32>,
        %mul3A_207 = arith.mulf %get3A_206, %gather3A_179 : vector<16xf32>
        %swap3A_208 = arith.constant 0 : i32
        %swap3A_209 = arith.index_cast %add3A_177 : i32 to index
        %swap3A_210 = arith.index_cast %swap3A_208 : i32 to index
        %swap3A_211 = arith.constant 32 : index
        %swap3A_212 = tpu.vector_load %arg14[%swap3A_209, %swap3A_210, %swap3A_211] {strides = array<i32>} : memref<80x1x128xf32, #tpu.memory_space<vmem>>, vector<16xf32>,
        tpu.vector_store %arg14[%swap3A_209, %swap3A_210, %swap3A_211], %mul3A_207 {strides = array<i32>} : memref<80x1x128xf32, #tpu.memory_space<vmem>>, vector<16xf32>,
        %get3A_213 = arith.constant 0 : i32
        %get3A_214 = arith.index_cast %add3A_177 : i32 to index
        %get3A_215 = arith.index_cast %get3A_213 : i32 to index
        %get3A_216 = arith.constant 48 : index
        %get3A_217 = tpu.vector_load %arg14[%get3A_214, %get3A_215, %get3A_216] {strides = array<i32>} : memref<80x1x128xf32, #tpu.memory_space<vmem>>, vector<16xf32>,
        %mul3A_218 = arith.mulf %get3A_217, %gather3A_179 : vector<16xf32>
        %swap3A_219 = arith.constant 0 : i32
        %swap3A_220 = arith.index_cast %add3A_177 : i32 to index
        %swap3A_221 = arith.index_cast %swap3A_219 : i32 to index
        %swap3A_222 = arith.constant 48 : index
        %swap3A_223 = tpu.vector_load %arg14[%swap3A_220, %swap3A_221, %swap3A_222] {strides = array<i32>} : memref<80x1x128xf32, #tpu.memory_space<vmem>>, vector<16xf32>,
        tpu.vector_store %arg14[%swap3A_220, %swap3A_221, %swap3A_222], %mul3A_218 {strides = array<i32>} : memref<80x1x128xf32, #tpu.memory_space<vmem>>, vector<16xf32>,
        %get3A_224 = arith.constant 0 : i32
        %get3A_225 = arith.index_cast %add3A_177 : i32 to index
        %get3A_226 = arith.index_cast %get3A_224 : i32 to index
        %get3A_227 = arith.constant 64 : index
        %get3A_228 = tpu.vector_load %arg14[%get3A_225, %get3A_226, %get3A_227] {strides = array<i32>} : memref<80x1x128xf32, #tpu.memory_space<vmem>>, vector<16xf32>,
        %mul3A_229 = arith.mulf %get3A_228, %gather3A_179 : vector<16xf32>
        %swap3A_230 = arith.constant 0 : i32
        %swap3A_231 = arith.index_cast %add3A_177 : i32 to index
        %swap3A_232 = arith.index_cast %swap3A_230 : i32 to index
        %swap3A_233 = arith.constant 64 : index
        %swap3A_234 = tpu.vector_load %arg14[%swap3A_231, %swap3A_232, %swap3A_233] {strides = array<i32>} : memref<80x1x128xf32, #tpu.memory_space<vmem>>, vector<16xf32>,
        tpu.vector_store %arg14[%swap3A_231, %swap3A_232, %swap3A_233], %mul3A_229 {strides = array<i32>} : memref<80x1x128xf32, #tpu.memory_space<vmem>>, vector<16xf32>,
        %get3A_235 = arith.constant 0 : i32
        %get3A_236 = arith.index_cast %add3A_177 : i32 to index
        %get3A_237 = arith.index_cast %get3A_235 : i32 to index
        %get3A_238 = arith.constant 80 : index
        %get3A_239 = tpu.vector_load %arg14[%get3A_236, %get3A_237, %get3A_238] {strides = array<i32>} : memref<80x1x128xf32, #tpu.memory_space<vmem>>, vector<16xf32>,
        %mul3A_240 = arith.mulf %get3A_239, %gather3A_179 : vector<16xf32>
        %swap3A_241 = arith.constant 0 : i32
        %swap3A_242 = arith.index_cast %add3A_177 : i32 to index
        %swap3A_243 = arith.index_cast %swap3A_241 : i32 to index
        %swap3A_244 = arith.constant 80 : index
        %swap3A_245 = tpu.vector_load %arg14[%swap3A_242, %swap3A_243, %swap3A_244] {strides = array<i32>} : memref<80x1x128xf32, #tpu.memory_space<vmem>>, vector<16xf32>,
        tpu.vector_store %arg14[%swap3A_242, %swap3A_243, %swap3A_244], %mul3A_240 {strides = array<i32>} : memref<80x1x128xf32, #tpu.memory_space<vmem>>, vector<16xf32>,
        %get3A_246 = arith.constant 0 : i32
        %get3A_247 = arith.index_cast %add3A_177 : i32 to index
        %get3A_248 = arith.index_cast %get3A_246 : i32 to index
        %get3A_249 = arith.constant 96 : index
        %get3A_250 = tpu.vector_load %arg14[%get3A_247, %get3A_248, %get3A_249] {strides = array<i32>} : memref<80x1x128xf32, #tpu.memory_space<vmem>>, vector<16xf32>,
        %mul3A_251 = arith.mulf %get3A_250, %gather3A_179 : vector<16xf32>
        %swap3A_252 = arith.constant 0 : i32
        %swap3A_253 = arith.index_cast %add3A_177 : i32 to index
        %swap3A_254 = arith.index_cast %swap3A_252 : i32 to index
        %swap3A_255 = arith.constant 96 : index
        %swap3A_256 = tpu.vector_load %arg14[%swap3A_253, %swap3A_254, %swap3A_255] {strides = array<i32>} : memref<80x1x128xf32, #tpu.memory_space<vmem>>, vector<16xf32>,
        tpu.vector_store %arg14[%swap3A_253, %swap3A_254, %swap3A_255], %mul3A_251 {strides = array<i32>} : memref<80x1x128xf32, #tpu.memory_space<vmem>>, vector<16xf32>,
        %get3A_257 = arith.constant 0 : i32
        %get3A_258 = arith.index_cast %add3A_177 : i32 to index
        %get3A_259 = arith.index_cast %get3A_257 : i32 to index
        %get3A_260 = arith.constant 112 : index
        %get3A_261 = tpu.vector_load %arg14[%get3A_258, %get3A_259, %get3A_260] {strides = array<i32>} : memref<80x1x128xf32, #tpu.memory_space<vmem>>, vector<16xf32>,
        %mul3A_262 = arith.mulf %get3A_261, %gather3A_179 : vector<16xf32>
        %swap3A_263 = arith.constant 0 : i32
        %swap3A_264 = arith.index_cast %add3A_177 : i32 to index
        %swap3A_265 = arith.index_cast %swap3A_263 : i32 to index
        %swap3A_266 = arith.constant 112 : index
        %swap3A_267 = tpu.vector_load %arg14[%swap3A_264, %swap3A_265, %swap3A_266] {strides = array<i32>} : memref<80x1x128xf32, #tpu.memory_space<vmem>>, vector<16xf32>,
        tpu.vector_store %arg14[%swap3A_264, %swap3A_265, %swap3A_266], %mul3A_262 {strides = array<i32>} : memref<80x1x128xf32, #tpu.memory_space<vmem>>, vector<16xf32>,
        %mul3A_268 = arith.constant 4 : i32
        %mul3A_269 = arith.muli %scan3A_81, %mul3A_268 : i32
        %add3A_270 = arith.constant 2 : i32
        %add3A_271 = arith.addi %mul3A_269, %add3A_270 : i32
        %broadcast_in_dim3A_272 = vector.broadcast %add3A_271 : i32 to vector<16xi32>
        %gather3A_273 = tpu.vector_load_idx %arg12[%broadcast_in_dim3A_272] : memref<80xf32, #tpu.memory_space<vmem>>[vector<16xi32>], vector<16xf32>,
        %get3A_274 = arith.constant 0 : i32
        %get3A_275 = arith.index_cast %add3A_271 : i32 to index
        %get3A_276 = arith.index_cast %get3A_274 : i32 to index
        %get3A_277 = arith.constant 0 : index
        %get3A_278 = tpu.vector_load %arg14[%get3A_275, %get3A_276, %get3A_277] {strides = array<i32>} : memref<80x1x128xf32, #tpu.memory_space<vmem>>, vector<16xf32>,
        %mul3A_279 = arith.mulf %get3A_278, %gather3A_273 : vector<16xf32>
        %swap3A_280 = arith.constant 0 : i32
        %swap3A_281 = arith.index_cast %add3A_271 : i32 to index
        %swap3A_282 = arith.index_cast %swap3A_280 : i32 to index
        %swap3A_283 = arith.constant 0 : index
        %swap3A_284 = tpu.vector_load %arg14[%swap3A_281, %swap3A_282, %swap3A_283] {strides = array<i32>} : memref<80x1x128xf32, #tpu.memory_space<vmem>>, vector<16xf32>,
        tpu.vector_store %arg14[%swap3A_281, %swap3A_282, %swap3A_283], %mul3A_279 {strides = array<i32>} : memref<80x1x128xf32, #tpu.memory_space<vmem>>, vector<16xf32>,
        %get3A_285 = arith.constant 0 : i32
        %get3A_286 = arith.index_cast %add3A_271 : i32 to index
        %get3A_287 = arith.index_cast %get3A_285 : i32 to index
        %get3A_288 = arith.constant 16 : index
        %get3A_289 = tpu.vector_load %arg14[%get3A_286, %get3A_287, %get3A_288] {strides = array<i32>} : memref<80x1x128xf32, #tpu.memory_space<vmem>>, vector<16xf32>,
        %mul3A_290 = arith.mulf %get3A_289, %gather3A_273 : vector<16xf32>
        %swap3A_291 = arith.constant 0 : i32
        %swap3A_292 = arith.index_cast %add3A_271 : i32 to index
        %swap3A_293 = arith.index_cast %swap3A_291 : i32 to index
        %swap3A_294 = arith.constant 16 : index
        %swap3A_295 = tpu.vector_load %arg14[%swap3A_292, %swap3A_293, %swap3A_294] {strides = array<i32>} : memref<80x1x128xf32, #tpu.memory_space<vmem>>, vector<16xf32>,
        tpu.vector_store %arg14[%swap3A_292, %swap3A_293, %swap3A_294], %mul3A_290 {strides = array<i32>} : memref<80x1x128xf32, #tpu.memory_space<vmem>>, vector<16xf32>,
        %get3A_296 = arith.constant 0 : i32
        %get3A_297 = arith.index_cast %add3A_271 : i32 to index
        %get3A_298 = arith.index_cast %get3A_296 : i32 to index
        %get3A_299 = arith.constant 32 : index
        %get3A_300 = tpu.vector_load %arg14[%get3A_297, %get3A_298, %get3A_299] {strides = array<i32>} : memref<80x1x128xf32, #tpu.memory_space<vmem>>, vector<16xf32>,
        %mul3A_301 = arith.mulf %get3A_300, %gather3A_273 : vector<16xf32>
        %swap3A_302 = arith.constant 0 : i32
        %swap3A_303 = arith.index_cast %add3A_271 : i32 to index
        %swap3A_304 = arith.index_cast %swap3A_302 : i32 to index
        %swap3A_305 = arith.constant 32 : index
        %swap3A_306 = tpu.vector_load %arg14[%swap3A_303, %swap3A_304, %swap3A_305] {strides = array<i32>} : memref<80x1x128xf32, #tpu.memory_space<vmem>>, vector<16xf32>,
        tpu.vector_store %arg14[%swap3A_303, %swap3A_304, %swap3A_305], %mul3A_301 {strides = array<i32>} : memref<80x1x128xf32, #tpu.memory_space<vmem>>, vector<16xf32>,
        %get3A_307 = arith.constant 0 : i32
        %get3A_308 = arith.index_cast %add3A_271 : i32 to index
        %get3A_309 = arith.index_cast %get3A_307 : i32 to index
        %get3A_310 = arith.constant 48 : index
        %get3A_311 = tpu.vector_load %arg14[%get3A_308, %get3A_309, %get3A_310] {strides = array<i32>} : memref<80x1x128xf32, #tpu.memory_space<vmem>>, vector<16xf32>,
        %mul3A_312 = arith.mulf %get3A_311, %gather3A_273 : vector<16xf32>
        %swap3A_313 = arith.constant 0 : i32
        %swap3A_314 = arith.index_cast %add3A_271 : i32 to index
        %swap3A_315 = arith.index_cast %swap3A_313 : i32 to index
        %swap3A_316 = arith.constant 48 : index
        %swap3A_317 = tpu.vector_load %arg14[%swap3A_314, %swap3A_315, %swap3A_316] {strides = array<i32>} : memref<80x1x128xf32, #tpu.memory_space<vmem>>, vector<16xf32>,
        tpu.vector_store %arg14[%swap3A_314, %swap3A_315, %swap3A_316], %mul3A_312 {strides = array<i32>} : memref<80x1x128xf32, #tpu.memory_space<vmem>>, vector<16xf32>,
        %get3A_318 = arith.constant 0 : i32
        %get3A_319 = arith.index_cast %add3A_271 : i32 to index
        %get3A_320 = arith.index_cast %get3A_318 : i32 to index
        %get3A_321 = arith.constant 64 : index
        %get3A_322 = tpu.vector_load %arg14[%get3A_319, %get3A_320, %get3A_321] {strides = array<i32>} : memref<80x1x128xf32, #tpu.memory_space<vmem>>, vector<16xf32>,
        %mul3A_323 = arith.mulf %get3A_322, %gather3A_273 : vector<16xf32>
        %swap3A_324 = arith.constant 0 : i32
        %swap3A_325 = arith.index_cast %add3A_271 : i32 to index
        %swap3A_326 = arith.index_cast %swap3A_324 : i32 to index
        %swap3A_327 = arith.constant 64 : index
        %swap3A_328 = tpu.vector_load %arg14[%swap3A_325, %swap3A_326, %swap3A_327] {strides = array<i32>} : memref<80x1x128xf32, #tpu.memory_space<vmem>>, vector<16xf32>,
        tpu.vector_store %arg14[%swap3A_325, %swap3A_326, %swap3A_327], %mul3A_323 {strides = array<i32>} : memref<80x1x128xf32, #tpu.memory_space<vmem>>, vector<16xf32>,
        %get3A_329 = arith.constant 0 : i32
        %get3A_330 = arith.index_cast %add3A_271 : i32 to index
        %get3A_331 = arith.index_cast %get3A_329 : i32 to index
        %get3A_332 = arith.constant 80 : index
        %get3A_333 = tpu.vector_load %arg14[%get3A_330, %get3A_331, %get3A_332] {strides = array<i32>} : memref<80x1x128xf32, #tpu.memory_space<vmem>>, vector<16xf32>,
        %mul3A_334 = arith.mulf %get3A_333, %gather3A_273 : vector<16xf32>
        %swap3A_335 = arith.constant 0 : i32
        %swap3A_336 = arith.index_cast %add3A_271 : i32 to index
        %swap3A_337 = arith.index_cast %swap3A_335 : i32 to index
        %swap3A_338 = arith.constant 80 : index
        %swap3A_339 = tpu.vector_load %arg14[%swap3A_336, %swap3A_337, %swap3A_338] {strides = array<i32>} : memref<80x1x128xf32, #tpu.memory_space<vmem>>, vector<16xf32>,
        tpu.vector_store %arg14[%swap3A_336, %swap3A_337, %swap3A_338], %mul3A_334 {strides = array<i32>} : memref<80x1x128xf32, #tpu.memory_space<vmem>>, vector<16xf32>,
        %get3A_340 = arith.constant 0 : i32
        %get3A_341 = arith.index_cast %add3A_271 : i32 to index
        %get3A_342 = arith.index_cast %get3A_340 : i32 to index
        %get3A_343 = arith.constant 96 : index
        %get3A_344 = tpu.vector_load %arg14[%get3A_341, %get3A_342, %get3A_343] {strides = array<i32>} : memref<80x1x128xf32, #tpu.memory_space<vmem>>, vector<16xf32>,
        %mul3A_345 = arith.mulf %get3A_344, %gather3A_273 : vector<16xf32>
        %swap3A_346 = arith.constant 0 : i32
        %swap3A_347 = arith.index_cast %add3A_271 : i32 to index
        %swap3A_348 = arith.index_cast %swap3A_346 : i32 to index
        %swap3A_349 = arith.constant 96 : index
        %swap3A_350 = tpu.vector_load %arg14[%swap3A_347, %swap3A_348, %swap3A_349] {strides = array<i32>} : memref<80x1x128xf32, #tpu.memory_space<vmem>>, vector<16xf32>,
        tpu.vector_store %arg14[%swap3A_347, %swap3A_348, %swap3A_349], %mul3A_345 {strides = array<i32>} : memref<80x1x128xf32, #tpu.memory_space<vmem>>, vector<16xf32>,
        %get3A_351 = arith.constant 0 : i32
        %get3A_352 = arith.index_cast %add3A_271 : i32 to index
        %get3A_353 = arith.index_cast %get3A_351 : i32 to index
        %get3A_354 = arith.constant 112 : index
        %get3A_355 = tpu.vector_load %arg14[%get3A_352, %get3A_353, %get3A_354] {strides = array<i32>} : memref<80x1x128xf32, #tpu.memory_space<vmem>>, vector<16xf32>,
        %mul3A_356 = arith.mulf %get3A_355, %gather3A_273 : vector<16xf32>
        %swap3A_357 = arith.constant 0 : i32
        %swap3A_358 = arith.index_cast %add3A_271 : i32 to index
        %swap3A_359 = arith.index_cast %swap3A_357 : i32 to index
        %swap3A_360 = arith.constant 112 : index
        %swap3A_361 = tpu.vector_load %arg14[%swap3A_358, %swap3A_359, %swap3A_360] {strides = array<i32>} : memref<80x1x128xf32, #tpu.memory_space<vmem>>, vector<16xf32>,
        tpu.vector_store %arg14[%swap3A_358, %swap3A_359, %swap3A_360], %mul3A_356 {strides = array<i32>} : memref<80x1x128xf32, #tpu.memory_space<vmem>>, vector<16xf32>,
        %mul3A_362 = arith.constant 4 : i32
        %mul3A_363 = arith.muli %scan3A_81, %mul3A_362 : i32
        %add3A_364 = arith.constant 3 : i32
        %add3A_365 = arith.addi %mul3A_363, %add3A_364 : i32
        %broadcast_in_dim3A_366 = vector.broadcast %add3A_365 : i32 to vector<16xi32>
        %gather3A_367 = tpu.vector_load_idx %arg12[%broadcast_in_dim3A_366] : memref<80xf32, #tpu.memory_space<vmem>>[vector<16xi32>], vector<16xf32>,
        %get3A_368 = arith.constant 0 : i32
        %get3A_369 = arith.index_cast %add3A_365 : i32 to index
        %get3A_370 = arith.index_cast %get3A_368 : i32 to index
        %get3A_371 = arith.constant 0 : index
        %get3A_372 = tpu.vector_load %arg14[%get3A_369, %get3A_370, %get3A_371] {strides = array<i32>} : memref<80x1x128xf32, #tpu.memory_space<vmem>>, vector<16xf32>,
        %mul3A_373 = arith.mulf %get3A_372, %gather3A_367 : vector<16xf32>
        %swap3A_374 = arith.constant 0 : i32
        %swap3A_375 = arith.index_cast %add3A_365 : i32 to index
        %swap3A_376 = arith.index_cast %swap3A_374 : i32 to index
        %swap3A_377 = arith.constant 0 : index
        %swap3A_378 = tpu.vector_load %arg14[%swap3A_375, %swap3A_376, %swap3A_377] {strides = array<i32>} : memref<80x1x128xf32, #tpu.memory_space<vmem>>, vector<16xf32>,
        tpu.vector_store %arg14[%swap3A_375, %swap3A_376, %swap3A_377], %mul3A_373 {strides = array<i32>} : memref<80x1x128xf32, #tpu.memory_space<vmem>>, vector<16xf32>,
        %get3A_379 = arith.constant 0 : i32
        %get3A_380 = arith.index_cast %add3A_365 : i32 to index
        %get3A_381 = arith.index_cast %get3A_379 : i32 to index
        %get3A_382 = arith.constant 16 : index
        %get3A_383 = tpu.vector_load %arg14[%get3A_380, %get3A_381, %get3A_382] {strides = array<i32>} : memref<80x1x128xf32, #tpu.memory_space<vmem>>, vector<16xf32>,
        %mul3A_384 = arith.mulf %get3A_383, %gather3A_367 : vector<16xf32>
        %swap3A_385 = arith.constant 0 : i32
        %swap3A_386 = arith.index_cast %add3A_365 : i32 to index
        %swap3A_387 = arith.index_cast %swap3A_385 : i32 to index
        %swap3A_388 = arith.constant 16 : index
        %swap3A_389 = tpu.vector_load %arg14[%swap3A_386, %swap3A_387, %swap3A_388] {strides = array<i32>} : memref<80x1x128xf32, #tpu.memory_space<vmem>>, vector<16xf32>,
        tpu.vector_store %arg14[%swap3A_386, %swap3A_387, %swap3A_388], %mul3A_384 {strides = array<i32>} : memref<80x1x128xf32, #tpu.memory_space<vmem>>, vector<16xf32>,
        %get3A_390 = arith.constant 0 : i32
        %get3A_391 = arith.index_cast %add3A_365 : i32 to index
        %get3A_392 = arith.index_cast %get3A_390 : i32 to index
        %get3A_393 = arith.constant 32 : index
        %get3A_394 = tpu.vector_load %arg14[%get3A_391, %get3A_392, %get3A_393] {strides = array<i32>} : memref<80x1x128xf32, #tpu.memory_space<vmem>>, vector<16xf32>,
        %mul3A_395 = arith.mulf %get3A_394, %gather3A_367 : vector<16xf32>
        %swap3A_396 = arith.constant 0 : i32
        %swap3A_397 = arith.index_cast %add3A_365 : i32 to index
        %swap3A_398 = arith.index_cast %swap3A_396 : i32 to index
        %swap3A_399 = arith.constant 32 : index
        %swap3A_400 = tpu.vector_load %arg14[%swap3A_397, %swap3A_398, %swap3A_399] {strides = array<i32>} : memref<80x1x128xf32, #tpu.memory_space<vmem>>, vector<16xf32>,
        tpu.vector_store %arg14[%swap3A_397, %swap3A_398, %swap3A_399], %mul3A_395 {strides = array<i32>} : memref<80x1x128xf32, #tpu.memory_space<vmem>>, vector<16xf32>,
        %get3A_401 = arith.constant 0 : i32
        %get3A_402 = arith.index_cast %add3A_365 : i32 to index
        %get3A_403 = arith.index_cast %get3A_401 : i32 to index
        %get3A_404 = arith.constant 48 : index
        %get3A_405 = tpu.vector_load %arg14[%get3A_402, %get3A_403, %get3A_404] {strides = array<i32>} : memref<80x1x128xf32, #tpu.memory_space<vmem>>, vector<16xf32>,
        %mul3A_406 = arith.mulf %get3A_405, %gather3A_367 : vector<16xf32>
        %swap3A_407 = arith.constant 0 : i32
        %swap3A_408 = arith.index_cast %add3A_365 : i32 to index
        %swap3A_409 = arith.index_cast %swap3A_407 : i32 to index
        %swap3A_410 = arith.constant 48 : index
        %swap3A_411 = tpu.vector_load %arg14[%swap3A_408, %swap3A_409, %swap3A_410] {strides = array<i32>} : memref<80x1x128xf32, #tpu.memory_space<vmem>>, vector<16xf32>,
        tpu.vector_store %arg14[%swap3A_408, %swap3A_409, %swap3A_410], %mul3A_406 {strides = array<i32>} : memref<80x1x128xf32, #tpu.memory_space<vmem>>, vector<16xf32>,
        %get3A_412 = arith.constant 0 : i32
        %get3A_413 = arith.index_cast %add3A_365 : i32 to index
        %get3A_414 = arith.index_cast %get3A_412 : i32 to index
        %get3A_415 = arith.constant 64 : index
        %get3A_416 = tpu.vector_load %arg14[%get3A_413, %get3A_414, %get3A_415] {strides = array<i32>} : memref<80x1x128xf32, #tpu.memory_space<vmem>>, vector<16xf32>,
        %mul3A_417 = arith.mulf %get3A_416, %gather3A_367 : vector<16xf32>
        %swap3A_418 = arith.constant 0 : i32
        %swap3A_419 = arith.index_cast %add3A_365 : i32 to index
        %swap3A_420 = arith.index_cast %swap3A_418 : i32 to index
        %swap3A_421 = arith.constant 64 : index
        %swap3A_422 = tpu.vector_load %arg14[%swap3A_419, %swap3A_420, %swap3A_421] {strides = array<i32>} : memref<80x1x128xf32, #tpu.memory_space<vmem>>, vector<16xf32>,
        tpu.vector_store %arg14[%swap3A_419, %swap3A_420, %swap3A_421], %mul3A_417 {strides = array<i32>} : memref<80x1x128xf32, #tpu.memory_space<vmem>>, vector<16xf32>,
        %get3A_423 = arith.constant 0 : i32
        %get3A_424 = arith.index_cast %add3A_365 : i32 to index
        %get3A_425 = arith.index_cast %get3A_423 : i32 to index
        %get3A_426 = arith.constant 80 : index
        %get3A_427 = tpu.vector_load %arg14[%get3A_424, %get3A_425, %get3A_426] {strides = array<i32>} : memref<80x1x128xf32, #tpu.memory_space<vmem>>, vector<16xf32>,
        %mul3A_428 = arith.mulf %get3A_427, %gather3A_367 : vector<16xf32>
        %swap3A_429 = arith.constant 0 : i32
        %swap3A_430 = arith.index_cast %add3A_365 : i32 to index
        %swap3A_431 = arith.index_cast %swap3A_429 : i32 to index
        %swap3A_432 = arith.constant 80 : index
        %swap3A_433 = tpu.vector_load %arg14[%swap3A_430, %swap3A_431, %swap3A_432] {strides = array<i32>} : memref<80x1x128xf32, #tpu.memory_space<vmem>>, vector<16xf32>,
        tpu.vector_store %arg14[%swap3A_430, %swap3A_431, %swap3A_432], %mul3A_428 {strides = array<i32>} : memref<80x1x128xf32, #tpu.memory_space<vmem>>, vector<16xf32>,
        %get3A_434 = arith.constant 0 : i32
        %get3A_435 = arith.index_cast %add3A_365 : i32 to index
        %get3A_436 = arith.index_cast %get3A_434 : i32 to index
        %get3A_437 = arith.constant 96 : index
        %get3A_438 = tpu.vector_load %arg14[%get3A_435, %get3A_436, %get3A_437] {strides = array<i32>} : memref<80x1x128xf32, #tpu.memory_space<vmem>>, vector<16xf32>,
        %mul3A_439 = arith.mulf %get3A_438, %gather3A_367 : vector<16xf32>
        %swap3A_440 = arith.constant 0 : i32
        %swap3A_441 = arith.index_cast %add3A_365 : i32 to index
        %swap3A_442 = arith.index_cast %swap3A_440 : i32 to index
        %swap3A_443 = arith.constant 96 : index
        %swap3A_444 = tpu.vector_load %arg14[%swap3A_441, %swap3A_442, %swap3A_443] {strides = array<i32>} : memref<80x1x128xf32, #tpu.memory_space<vmem>>, vector<16xf32>,
        tpu.vector_store %arg14[%swap3A_441, %swap3A_442, %swap3A_443], %mul3A_439 {strides = array<i32>} : memref<80x1x128xf32, #tpu.memory_space<vmem>>, vector<16xf32>,
        %get3A_445 = arith.constant 0 : i32
        %get3A_446 = arith.index_cast %add3A_365 : i32 to index
        %get3A_447 = arith.index_cast %get3A_445 : i32 to index
        %get3A_448 = arith.constant 112 : index
        %get3A_449 = tpu.vector_load %arg14[%get3A_446, %get3A_447, %get3A_448] {strides = array<i32>} : memref<80x1x128xf32, #tpu.memory_space<vmem>>, vector<16xf32>,
        %mul3A_450 = arith.mulf %get3A_449, %gather3A_367 : vector<16xf32>
        %swap3A_451 = arith.constant 0 : i32
        %swap3A_452 = arith.index_cast %add3A_365 : i32 to index
        %swap3A_453 = arith.index_cast %swap3A_451 : i32 to index
        %swap3A_454 = arith.constant 112 : index
        %swap3A_455 = tpu.vector_load %arg14[%swap3A_452, %swap3A_453, %swap3A_454] {strides = array<i32>} : memref<80x1x128xf32, #tpu.memory_space<vmem>>, vector<16xf32>,
        tpu.vector_store %arg14[%swap3A_452, %swap3A_453, %swap3A_454], %mul3A_450 {strides = array<i32>} : memref<80x1x128xf32, #tpu.memory_space<vmem>>, vector<16xf32>,
      }
      %scan3A_80 = arith.constant 20 : i32
      %run_scoped3A = arith.constant 0 : i32
      "tpu.region"() ({
        %run_scoped3A_81 = tpu.sem_alloc : memref<!tpu.dma_semaphore, #tpu.memory_space<semaphore_mem>>
        %dma_start3A_82 = arith.constant 0 : i32
        %dma_start3A_83 = tpu.memref_slice %arg11[%select_n3A_51, %run_scoped3A, %dma_start3A_82] : memref<5x1x80xi32, #tpu.memory_space<vmem>> -> memref<1x1x80xi32, #tpu.memory_space<vmem>>
        %dma_start3A_84 = tpu.memref_squeeze %dma_start3A_83 : memref<1x1x80xi32, #tpu.memory_space<vmem>> -> memref<80xi32, #tpu.memory_space<vmem>>
        %dma_start3A_85 = arith.constant 0 : i32
        %dma_start3A_86 = arith.constant 0 : i32
        %dma_start3A_87 = arith.constant 0 : i32
        %dma_start3A_88 = tpu.memref_slice %arg17[%dma_start3A_85, %dma_start3A_86, %dma_start3A_87] : memref<10000x1x128xf32, #tpu.memory_space<vmem_shared>> -> memref<10000x1x128xf32, #tpu.memory_space<vmem_shared>>
        tpu.enqueue_indirect_dma source(%arg14 : memref<80x1x128xf32, #tpu.memory_space<vmem>>) target(%dma_start3A_88 : memref<10000x1x128xf32, #tpu.memory_space<vmem_shared>>) offsets(%dma_start3A_84 : memref<80xi32, #tpu.memory_space<vmem>>) semaphore(%run_scoped3A_81 : memref<!tpu.dma_semaphore, #tpu.memory_space<semaphore_mem>>) {add = true}
        %dma_wait3A_89 = arith.constant 0 : i32
        %dma_wait3A_90 = tpu.memref_slice %arg11[%select_n3A_51, %run_scoped3A, %dma_wait3A_89] : memref<5x1x80xi32, #tpu.memory_space<vmem>> -> memref<1x1x80xi32, #tpu.memory_space<vmem>>
        %dma_wait3A_91 = tpu.memref_squeeze %dma_wait3A_90 : memref<1x1x80xi32, #tpu.memory_space<vmem>> -> memref<80xi32, #tpu.memory_space<vmem>>
        %dma_wait3A_92 = arith.constant 0 : i32
        %dma_wait3A_93 = arith.constant 0 : i32
        %dma_wait3A_94 = arith.constant 0 : i32
        %dma_wait3A_95 = tpu.memref_slice %arg17[%dma_wait3A_92, %dma_wait3A_93, %dma_wait3A_94] : memref<10000x1x128xf32, #tpu.memory_space<vmem_shared>> -> memref<10000x1x128xf32, #tpu.memory_space<vmem_shared>>
        tpu.wait_indirect_dma semaphore(%run_scoped3A_81 : memref<!tpu.dma_semaphore, #tpu.memory_space<semaphore_mem>>) src(%arg14 : memref<80x1x128xf32, #tpu.memory_space<vmem>>) dst(%dma_wait3A_95 : memref<10000x1x128xf32, #tpu.memory_space<vmem_shared>>)
        tpu.yield
      }) : () -> ()
    }
    %scan3A_33 = arith.constant 125 : i32
    %barrier3A_34 = arith.constant 0 : index
    tpu.barrier barrier_id(%barrier3A_34)
    %mul3A_35 = arith.constant 625 : i32
    %mul3A_36 = arith.muli %arg1, %mul3A_35 : i32
    %mul3A_37 = arith.constant 10000 : i32
    %mul3A_38 = arith.muli %arg0, %mul3A_37 : i32
    %mul3A_39 = arith.constant 625 : i32
    %mul3A_40 = arith.muli %arg1, %mul3A_39 : i32
    %add3A_41 = arith.addi %mul3A_38, %mul3A_40 : i32
    "tpu.region"() ({
      %run_scoped3A = tpu.sem_alloc : memref<!tpu.dma_semaphore, #tpu.memory_space<semaphore_mem>>
      %dma_start3A = arith.constant 0 : i32
      %dma_start3A_42 = arith.constant 0 : i32
      %dma_start3A_43 = tpu.memref_slice %arg7[%add3A_41, %dma_start3A, %dma_start3A_42] : memref<20000x1x128xf32, #tpu.memory_space<hbm>> -> memref<625x1x128xf32, #tpu.memory_space<hbm>>
      %dma_start3A_44 = arith.constant 0 : i32
      %dma_start3A_45 = arith.constant 0 : i32
      %dma_start3A_46 = tpu.memref_slice %arg17[%mul3A_36, %dma_start3A_44, %dma_start3A_45] : memref<10000x1x128xf32, #tpu.memory_space<vmem_shared>> -> memref<625x1x128xf32, #tpu.memory_space<vmem_shared>>
      tpu.enqueue_dma source(%dma_start3A_46 : memref<625x1x128xf32, #tpu.memory_space<vmem_shared>>) target(%dma_start3A_43 : memref<625x1x128xf32, #tpu.memory_space<hbm>>) target_semaphore(%run_scoped3A : memref<!tpu.dma_semaphore, #tpu.memory_space<semaphore_mem>>)
      %dma_wait3A = arith.constant 0 : i32
      %dma_wait3A_47 = arith.constant 0 : i32
      %dma_wait3A_48 = tpu.memref_slice %arg7[%add3A_41, %dma_wait3A, %dma_wait3A_47] : memref<20000x1x128xf32, #tpu.memory_space<hbm>> -> memref<625x1x128xf32, #tpu.memory_space<hbm>>
      %dma_wait3A_49 = arith.constant 0 : i32
      %dma_wait3A_50 = arith.constant 0 : i32
      %dma_wait3A_51 = tpu.memref_slice %arg17[%mul3A_36, %dma_wait3A_49, %dma_wait3A_50] : memref<10000x1x128xf32, #tpu.memory_space<vmem_shared>> -> memref<625x1x128xf32, #tpu.memory_space<vmem_shared>>
      tpu.wait_dma2 semaphore(%run_scoped3A : memref<!tpu.dma_semaphore, #tpu.memory_space<semaphore_mem>>) src(%dma_wait3A_51 : memref<625x1x128xf32, #tpu.memory_space<vmem_shared>>) dst(%dma_wait3A_48 : memref<625x1x128xf32, #tpu.memory_space<hbm>>)
      tpu.yield
    }) : () -> ()
    "tpu.region"() ({
      %run_scoped3A = tpu.sem_alloc : memref<!tpu.dma_semaphore, #tpu.memory_space<semaphore_mem>>
      %dma_start3A = arith.constant 0 : i32
      %dma_start3A_42 = tpu.memref_slice %arg8[%add3A, %dma_start3A] : memref<32x10000xf32, #tpu.memory_space<hbm>> -> memref<1x10000xf32, #tpu.memory_space<hbm>>
      %dma_start3A_43 = tpu.memref_squeeze %dma_start3A_42 : memref<1x10000xf32, #tpu.memory_space<hbm>> -> memref<10000xf32, #tpu.memory_space<hbm>>
      %dma_start3A_44 = arith.constant 0 : i32
      %dma_start3A_45 = tpu.memref_slice %arg8[%add3A, %dma_start3A_44] : memref<32x10000xf32, #tpu.memory_space<hbm>> -> memref<1x10000xf32, #tpu.memory_space<hbm>>
      %dma_start3A_46 = tpu.memref_squeeze %dma_start3A_45 : memref<1x10000xf32, #tpu.memory_space<hbm>> -> memref<10000xf32, #tpu.memory_space<hbm>>
      tpu.enqueue_dma source(%arg15 : memref<10000xf32, #tpu.memory_space<vmem>>) target(%dma_start3A_46 : memref<10000xf32, #tpu.memory_space<hbm>>) target_semaphore(%run_scoped3A : memref<!tpu.dma_semaphore, #tpu.memory_space<semaphore_mem>>)
      %dma_wait3A = arith.constant 0 : i32
      %dma_wait3A_47 = tpu.memref_slice %arg8[%add3A, %dma_wait3A] : memref<32x10000xf32, #tpu.memory_space<hbm>> -> memref<1x10000xf32, #tpu.memory_space<hbm>>
      %dma_wait3A_48 = tpu.memref_squeeze %dma_wait3A_47 : memref<1x10000xf32, #tpu.memory_space<hbm>> -> memref<10000xf32, #tpu.memory_space<hbm>>
      %dma_wait3A_49 = arith.constant 0 : i32
      %dma_wait3A_50 = tpu.memref_slice %arg8[%add3A, %dma_wait3A_49] : memref<32x10000xf32, #tpu.memory_space<hbm>> -> memref<1x10000xf32, #tpu.memory_space<hbm>>
      %dma_wait3A_51 = tpu.memref_squeeze %dma_wait3A_50 : memref<1x10000xf32, #tpu.memory_space<hbm>> -> memref<10000xf32, #tpu.memory_space<hbm>>
      tpu.wait_dma2 semaphore(%run_scoped3A : memref<!tpu.dma_semaphore, #tpu.memory_space<semaphore_mem>>) src(%arg15 : memref<10000xf32, #tpu.memory_space<vmem>>) dst(%dma_wait3A_51 : memref<10000xf32, #tpu.memory_space<hbm>>)
      tpu.yield
    }) : () -> ()
    return
  }
}

module attributes {stable_mosaic.version = 14 : i64} {
  func.func @_tc_first_body(%arg0: memref<10000x128xf32, #tpu.memory_space<vmem>>, %arg1: memref<128x128xf32, #tpu.memory_space<vmem>>, %arg2: memref<128x2xf32, #tpu.memory_space<vmem>>, %arg3: memref<10000x128xf32, #tpu.memory_space<vmem>>, %arg4: memref<10000x2xf32, #tpu.memory_space<vmem>>, %arg5: memref<128xf32, #tpu.memory_space<vmem>>) attributes {dimension_semantics = [], scalar_prefetch = 0 : i64, scratch_operands = 0 : i64, tpu.core_type = #tpu.core_type<tc>} {
    %get3A = arith.constant 0 : index
    %get3A_0 = arith.constant 0 : index
    %get3A_1 = vector.load %arg0[%get3A, %get3A_0] : memref<10000x128xf32, #tpu.memory_space<vmem>>, vector<10000x128xf32>
    %get3A_2 = arith.constant 0 : index
    %get3A_3 = arith.constant 0 : index
    %get3A_4 = vector.load %arg1[%get3A_2, %get3A_3] : memref<128x128xf32, #tpu.memory_space<vmem>>, vector<128x128xf32>
    %dot_general3A = arith.constant dense<0.000000e+00> : vector<10000x128xf32>
    %dot_general3A_5 = tpu.matmul %get3A_1, %get3A_4, %dot_general3A {dimension_numbers = #tpu.dot_dimension_numbers<[1], [0], [0], [1], [0, 0, 1, 1], [], []>, transpose_lhs_hint = false} : vector<10000x128xf32>, vector<128x128xf32>, vector<10000x128xf32> -> vector<10000x128xf32>
    %swap3A = arith.constant 0 : index
    %swap3A_6 = arith.constant 0 : index
    %swap3A_7 = vector.load %arg3[%swap3A, %swap3A_6] : memref<10000x128xf32, #tpu.memory_space<vmem>>, vector<10000x128xf32>
    tpu.vector_store %arg3[%swap3A, %swap3A_6], %dot_general3A_5 {strides = array<i32>} : memref<10000x128xf32, #tpu.memory_space<vmem>>, vector<10000x128xf32>,
    %get3A_8 = arith.constant 0 : index
    %get3A_9 = arith.constant 0 : index
    %get3A_10 = vector.load %arg2[%get3A_8, %get3A_9] : memref<128x2xf32, #tpu.memory_space<vmem>>, vector<128x2xf32>
    %dot_general3A_11 = arith.constant dense<0.000000e+00> : vector<10000x2xf32>
    %dot_general3A_12 = tpu.matmul %dot_general3A_5, %get3A_10, %dot_general3A_11 {dimension_numbers = #tpu.dot_dimension_numbers<[1], [0], [0], [1], [0, 0, 1, 1], [], []>, precision = #tpu.contract_precision<fp32>, transpose_lhs_hint = false} : vector<10000x128xf32>, vector<128x2xf32>, vector<10000x2xf32> -> vector<10000x2xf32>
    %swap3A_13 = arith.constant 0 : index
    %swap3A_14 = arith.constant 0 : index
    %swap3A_15 = vector.load %arg4[%swap3A_13, %swap3A_14] : memref<10000x2xf32, #tpu.memory_space<vmem>>, vector<10000x2xf32>
    tpu.vector_store %arg4[%swap3A_13, %swap3A_14], %dot_general3A_12 {strides = array<i32>} : memref<10000x2xf32, #tpu.memory_space<vmem>>, vector<10000x2xf32>,
    %slice3A = vector.extract_strided_slice %dot_general3A_12 {offsets = [0, 0], sizes = [10000, 1], strides = [1, 1]} : vector<10000x2xf32> to vector<10000x1xf32>
    %reduce_max3A = vector.shape_cast %slice3A : vector<10000x1xf32> to vector<1x10000x1xf32>
    %reduce_max3A_16 = arith.constant dense<0xFF800000> : vector<1xf32>
    %reduce_max3A_17 = vector.multi_reduction <maximumf>, %reduce_max3A, %reduce_max3A_16 [1, 2] : vector<1x10000x1xf32> to vector<1xf32>
    %reduce_max3A_18 = vector.shape_cast %reduce_max3A_17 : vector<1xf32> to vector<1x1x1xf32>
    %reduce_max3A_19 = vector.extract %reduce_max3A_18[0, 0, 0] : f32 from vector<1x1x1xf32>
    %broadcast_in_dim3A = vector.broadcast %reduce_max3A_19 : f32 to vector<128xf32>
    %swap3A_20 = arith.constant 0 : index
    %swap3A_21 = vector.load %arg5[%swap3A_20] : memref<128xf32, #tpu.memory_space<vmem>>, vector<128xf32>
    tpu.vector_store %arg5[%swap3A_20], %broadcast_in_dim3A {strides = array<i32>} : memref<128xf32, #tpu.memory_space<vmem>>, vector<128xf32>,
    return
  }
}

module attributes {stable_mosaic.version = 14 : i64} {
  func.func @_tc_mid_body(%arg0: memref<2x10000x128xf32, #tpu.memory_space<vmem>>, %arg1: memref<32x10000xf32, #tpu.memory_space<vmem>>, %arg2: memref<128xf32, #tpu.memory_space<vmem>>, %arg3: memref<128xf32, #tpu.memory_space<vmem>>, %arg4: memref<128xf32, #tpu.memory_space<vmem>>, %arg5: memref<128x128xf32, #tpu.memory_space<vmem>>, %arg6: memref<128x2xf32, #tpu.memory_space<vmem>>, %arg7: memref<10000x128xf32, #tpu.memory_space<vmem>>, %arg8: memref<10000x2xf32, #tpu.memory_space<vmem>>, %arg9: memref<128xf32, #tpu.memory_space<vmem>>) attributes {dimension_semantics = [], scalar_prefetch = 0 : i64, scratch_operands = 0 : i64, tpu.core_type = #tpu.core_type<tc>} {
    %get3A = arith.constant 0 : index
    %get3A_0 = arith.constant 0 : index
    %get3A_1 = arith.constant 0 : index
    %get3A_2 = vector.load %arg0[%get3A, %get3A_0, %get3A_1] : memref<2x10000x128xf32, #tpu.memory_space<vmem>>, vector<1x10000x128xf32>
    %get3A_3 = vector.shape_cast %get3A_2 : vector<1x10000x128xf32> to vector<10000x128xf32>
    %get3A_4 = arith.constant 1 : index
    %get3A_5 = arith.constant 0 : index
    %get3A_6 = arith.constant 0 : index
    %get3A_7 = vector.load %arg0[%get3A_4, %get3A_5, %get3A_6] : memref<2x10000x128xf32, #tpu.memory_space<vmem>>, vector<1x10000x128xf32>
    %get3A_8 = vector.shape_cast %get3A_7 : vector<1x10000x128xf32> to vector<10000x128xf32>
    %add3A = arith.addf %get3A_3, %get3A_8 : vector<10000x128xf32>
    %get3A_9 = arith.constant 0 : index
    %get3A_10 = arith.constant 0 : index
    %get3A_11 = vector.load %arg1[%get3A_9, %get3A_10] : memref<32x10000xf32, #tpu.memory_space<vmem>>, vector<32x10000xf32>
    %broadcast_in_dim3A = arith.constant 1.000000e+00 : f32
    %broadcast_in_dim3A_12 = vector.broadcast %broadcast_in_dim3A : f32 to vector<32x1xf32>
    %dot_general3A = arith.constant dense<0.000000e+00> : vector<10000x1xf32>
    %dot_general3A_13 = tpu.matmul %get3A_11, %broadcast_in_dim3A_12, %dot_general3A {dimension_numbers = #tpu.dot_dimension_numbers<[0], [0], [1], [1], [0, 1, 1, 1], [], []>, precision = #tpu.contract_precision<fp32>, transpose_lhs_hint = false} : vector<32x10000xf32>, vector<32x1xf32>, vector<10000x1xf32> -> vector<10000x1xf32>
    %add3A_14 = arith.constant 1.000000e-16 : f32
    %add3A_15 = vector.broadcast %add3A_14 : f32 to vector<10000x1xf32>
    %add3A_16 = arith.addf %dot_general3A_13, %add3A_15 : vector<10000x1xf32>
    %div3A = vector.broadcast %add3A_16 : vector<10000x1xf32> to vector<10000x128xf32>
    %div3A_17 = arith.divf %add3A, %div3A : vector<10000x128xf32>
    %get3A_18 = arith.constant 0 : index
    %get3A_19 = vector.load %arg2[%get3A_18] : memref<128xf32, #tpu.memory_space<vmem>>, vector<128xf32>
    %broadcast_in_dim3A_20 = vector.shape_cast %get3A_19 : vector<128xf32> to vector<1x128xf32>
    %add3A_21 = vector.broadcast %broadcast_in_dim3A_20 : vector<1x128xf32> to vector<10000x128xf32>
    %add3A_22 = arith.addf %div3A_17, %add3A_21 : vector<10000x128xf32>
    %reduce_sum3A = arith.constant dense<0.000000e+00> : vector<128xf32>
    %reduce_sum3A_23 = vector.multi_reduction <add>, %add3A_22, %reduce_sum3A [0] : vector<10000x128xf32> to vector<128xf32>
    %div3A_24 = arith.constant 1.000000e+04 : f32
    %div3A_25 = vector.broadcast %div3A_24 : f32 to vector<128xf32>
    %div3A_26 = arith.divf %reduce_sum3A_23, %div3A_25 : vector<128xf32>
    %broadcast_in_dim3A_27 = vector.shape_cast %div3A_26 : vector<128xf32> to vector<1x128xf32>
    %sub3A = vector.broadcast %broadcast_in_dim3A_27 : vector<1x128xf32> to vector<10000x128xf32>
    %sub3A_28 = arith.subf %add3A_22, %sub3A : vector<10000x128xf32>
    %integer_pow3A = arith.mulf %sub3A_28, %sub3A_28 : vector<10000x128xf32>
    %reduce_sum3A_29 = arith.constant dense<0.000000e+00> : vector<128xf32>
    %reduce_sum3A_30 = vector.multi_reduction <add>, %integer_pow3A, %reduce_sum3A_29 [0] : vector<10000x128xf32> to vector<128xf32>
    %div3A_31 = arith.constant 1.000000e+04 : f32
    %div3A_32 = vector.broadcast %div3A_31 : f32 to vector<128xf32>
    %div3A_33 = arith.divf %reduce_sum3A_30, %div3A_32 : vector<128xf32>
    %broadcast_in_dim3A_34 = vector.shape_cast %div3A_26 : vector<128xf32> to vector<1x128xf32>
    %sub3A_35 = vector.broadcast %broadcast_in_dim3A_34 : vector<1x128xf32> to vector<10000x128xf32>
    %sub3A_36 = arith.subf %add3A_22, %sub3A_35 : vector<10000x128xf32>
    %add3A_37 = arith.constant 9.99999974E-6 : f32
    %add3A_38 = vector.broadcast %add3A_37 : f32 to vector<128xf32>
    %add3A_39 = arith.addf %div3A_33, %add3A_38 : vector<128xf32>
    %sqrt3A = math.sqrt %add3A_39 : vector<128xf32>
    %broadcast_in_dim3A_40 = vector.shape_cast %sqrt3A : vector<128xf32> to vector<1x128xf32>
    %div3A_41 = vector.broadcast %broadcast_in_dim3A_40 : vector<1x128xf32> to vector<10000x128xf32>
    %div3A_42 = arith.divf %sub3A_36, %div3A_41 : vector<10000x128xf32>
    %get3A_43 = arith.constant 0 : index
    %get3A_44 = vector.load %arg3[%get3A_43] : memref<128xf32, #tpu.memory_space<vmem>>, vector<128xf32>
    %broadcast_in_dim3A_45 = vector.shape_cast %get3A_44 : vector<128xf32> to vector<1x128xf32>
    %mul3A = vector.broadcast %broadcast_in_dim3A_45 : vector<1x128xf32> to vector<10000x128xf32>
    %mul3A_46 = arith.mulf %div3A_42, %mul3A : vector<10000x128xf32>
    %get3A_47 = arith.constant 0 : index
    %get3A_48 = vector.load %arg4[%get3A_47] : memref<128xf32, #tpu.memory_space<vmem>>, vector<128xf32>
    %broadcast_in_dim3A_49 = vector.shape_cast %get3A_48 : vector<128xf32> to vector<1x128xf32>
    %add3A_50 = vector.broadcast %broadcast_in_dim3A_49 : vector<1x128xf32> to vector<10000x128xf32>
    %add3A_51 = arith.addf %mul3A_46, %add3A_50 : vector<10000x128xf32>
    %max3A = arith.constant 0.000000e+00 : f32
    %max3A_52 = vector.broadcast %max3A : f32 to vector<10000x128xf32>
    %max3A_53 = arith.maximumf %add3A_51, %max3A_52 : vector<10000x128xf32>
    %get3A_54 = arith.constant 0 : index
    %get3A_55 = arith.constant 0 : index
    %get3A_56 = vector.load %arg5[%get3A_54, %get3A_55] : memref<128x128xf32, #tpu.memory_space<vmem>>, vector<128x128xf32>
    %dot_general3A_57 = arith.constant dense<0.000000e+00> : vector<10000x128xf32>
    %dot_general3A_58 = tpu.matmul %max3A_53, %get3A_56, %dot_general3A_57 {dimension_numbers = #tpu.dot_dimension_numbers<[1], [0], [0], [1], [0, 0, 1, 1], [], []>, transpose_lhs_hint = false} : vector<10000x128xf32>, vector<128x128xf32>, vector<10000x128xf32> -> vector<10000x128xf32>
    %swap3A = arith.constant 0 : index
    %swap3A_59 = arith.constant 0 : index
    %swap3A_60 = vector.load %arg7[%swap3A, %swap3A_59] : memref<10000x128xf32, #tpu.memory_space<vmem>>, vector<10000x128xf32>
    tpu.vector_store %arg7[%swap3A, %swap3A_59], %dot_general3A_58 {strides = array<i32>} : memref<10000x128xf32, #tpu.memory_space<vmem>>, vector<10000x128xf32>,
    %get3A_61 = arith.constant 0 : index
    %get3A_62 = arith.constant 0 : index
    %get3A_63 = vector.load %arg6[%get3A_61, %get3A_62] : memref<128x2xf32, #tpu.memory_space<vmem>>, vector<128x2xf32>
    %dot_general3A_64 = arith.constant dense<0.000000e+00> : vector<10000x2xf32>
    %dot_general3A_65 = tpu.matmul %dot_general3A_58, %get3A_63, %dot_general3A_64 {dimension_numbers = #tpu.dot_dimension_numbers<[1], [0], [0], [1], [0, 0, 1, 1], [], []>, precision = #tpu.contract_precision<fp32>, transpose_lhs_hint = false} : vector<10000x128xf32>, vector<128x2xf32>, vector<10000x2xf32> -> vector<10000x2xf32>
    %swap3A_66 = arith.constant 0 : index
    %swap3A_67 = arith.constant 0 : index
    %swap3A_68 = vector.load %arg8[%swap3A_66, %swap3A_67] : memref<10000x2xf32, #tpu.memory_space<vmem>>, vector<10000x2xf32>
    tpu.vector_store %arg8[%swap3A_66, %swap3A_67], %dot_general3A_65 {strides = array<i32>} : memref<10000x2xf32, #tpu.memory_space<vmem>>, vector<10000x2xf32>,
    %slice3A = vector.extract_strided_slice %dot_general3A_65 {offsets = [0, 0], sizes = [10000, 1], strides = [1, 1]} : vector<10000x2xf32> to vector<10000x1xf32>
    %reduce_max3A = vector.shape_cast %slice3A : vector<10000x1xf32> to vector<1x10000x1xf32>
    %reduce_max3A_69 = arith.constant dense<0xFF800000> : vector<1xf32>
    %reduce_max3A_70 = vector.multi_reduction <maximumf>, %reduce_max3A, %reduce_max3A_69 [1, 2] : vector<1x10000x1xf32> to vector<1xf32>
    %reduce_max3A_71 = vector.shape_cast %reduce_max3A_70 : vector<1xf32> to vector<1x1x1xf32>
    %reduce_max3A_72 = vector.extract %reduce_max3A_71[0, 0, 0] : f32 from vector<1x1x1xf32>
    %broadcast_in_dim3A_73 = vector.broadcast %reduce_max3A_72 : f32 to vector<128xf32>
    %swap3A_74 = arith.constant 0 : index
    %swap3A_75 = vector.load %arg9[%swap3A_74] : memref<128xf32, #tpu.memory_space<vmem>>, vector<128xf32>
    tpu.vector_store %arg9[%swap3A_74], %broadcast_in_dim3A_73 {strides = array<i32>} : memref<128xf32, #tpu.memory_space<vmem>>, vector<128xf32>,
    return
  }
}

module attributes {stable_mosaic.version = 14 : i64} {
  func.func @_tc_final_body(%arg0: memref<2x10000x128xf32, #tpu.memory_space<vmem>>, %arg1: memref<32x10000xf32, #tpu.memory_space<vmem>>, %arg2: memref<128xf32, #tpu.memory_space<vmem>>, %arg3: memref<128xf32, #tpu.memory_space<vmem>>, %arg4: memref<128xf32, #tpu.memory_space<vmem>>, %arg5: memref<10000xi32, #tpu.memory_space<vmem>>, %arg6: memref<128x2xf32, #tpu.memory_space<vmem>>, %arg7: memref<2xf32, #tpu.memory_space<vmem>>, %arg8: memref<256x2xf32, #tpu.memory_space<vmem>>) attributes {dimension_semantics = [], scalar_prefetch = 0 : i64, scratch_operands = 0 : i64, tpu.core_type = #tpu.core_type<tc>} {
    %get3A = arith.constant 0 : index
    %get3A_0 = arith.constant 0 : index
    %get3A_1 = arith.constant 0 : index
    %get3A_2 = vector.load %arg0[%get3A, %get3A_0, %get3A_1] : memref<2x10000x128xf32, #tpu.memory_space<vmem>>, vector<1x10000x128xf32>
    %get3A_3 = vector.shape_cast %get3A_2 : vector<1x10000x128xf32> to vector<10000x128xf32>
    %get3A_4 = arith.constant 1 : index
    %get3A_5 = arith.constant 0 : index
    %get3A_6 = arith.constant 0 : index
    %get3A_7 = vector.load %arg0[%get3A_4, %get3A_5, %get3A_6] : memref<2x10000x128xf32, #tpu.memory_space<vmem>>, vector<1x10000x128xf32>
    %get3A_8 = vector.shape_cast %get3A_7 : vector<1x10000x128xf32> to vector<10000x128xf32>
    %add3A = arith.addf %get3A_3, %get3A_8 : vector<10000x128xf32>
    %get3A_9 = arith.constant 0 : index
    %get3A_10 = arith.constant 0 : index
    %get3A_11 = vector.load %arg1[%get3A_9, %get3A_10] : memref<32x10000xf32, #tpu.memory_space<vmem>>, vector<32x10000xf32>
    %broadcast_in_dim3A = arith.constant 1.000000e+00 : f32
    %broadcast_in_dim3A_12 = vector.broadcast %broadcast_in_dim3A : f32 to vector<32x1xf32>
    %dot_general3A = arith.constant dense<0.000000e+00> : vector<10000x1xf32>
    %dot_general3A_13 = tpu.matmul %get3A_11, %broadcast_in_dim3A_12, %dot_general3A {dimension_numbers = #tpu.dot_dimension_numbers<[0], [0], [1], [1], [0, 1, 1, 1], [], []>, precision = #tpu.contract_precision<fp32>, transpose_lhs_hint = false} : vector<32x10000xf32>, vector<32x1xf32>, vector<10000x1xf32> -> vector<10000x1xf32>
    %add3A_14 = arith.constant 1.000000e-16 : f32
    %add3A_15 = vector.broadcast %add3A_14 : f32 to vector<10000x1xf32>
    %add3A_16 = arith.addf %dot_general3A_13, %add3A_15 : vector<10000x1xf32>
    %div3A = vector.broadcast %add3A_16 : vector<10000x1xf32> to vector<10000x128xf32>
    %div3A_17 = arith.divf %add3A, %div3A : vector<10000x128xf32>
    %get3A_18 = arith.constant 0 : index
    %get3A_19 = vector.load %arg2[%get3A_18] : memref<128xf32, #tpu.memory_space<vmem>>, vector<128xf32>
    %broadcast_in_dim3A_20 = vector.shape_cast %get3A_19 : vector<128xf32> to vector<1x128xf32>
    %add3A_21 = vector.broadcast %broadcast_in_dim3A_20 : vector<1x128xf32> to vector<10000x128xf32>
    %add3A_22 = arith.addf %div3A_17, %add3A_21 : vector<10000x128xf32>
    %reduce_sum3A = arith.constant dense<0.000000e+00> : vector<128xf32>
    %reduce_sum3A_23 = vector.multi_reduction <add>, %add3A_22, %reduce_sum3A [0] : vector<10000x128xf32> to vector<128xf32>
    %div3A_24 = arith.constant 1.000000e+04 : f32
    %div3A_25 = vector.broadcast %div3A_24 : f32 to vector<128xf32>
    %div3A_26 = arith.divf %reduce_sum3A_23, %div3A_25 : vector<128xf32>
    %broadcast_in_dim3A_27 = vector.shape_cast %div3A_26 : vector<128xf32> to vector<1x128xf32>
    %sub3A = vector.broadcast %broadcast_in_dim3A_27 : vector<1x128xf32> to vector<10000x128xf32>
    %sub3A_28 = arith.subf %add3A_22, %sub3A : vector<10000x128xf32>
    %integer_pow3A = arith.mulf %sub3A_28, %sub3A_28 : vector<10000x128xf32>
    %reduce_sum3A_29 = arith.constant dense<0.000000e+00> : vector<128xf32>
    %reduce_sum3A_30 = vector.multi_reduction <add>, %integer_pow3A, %reduce_sum3A_29 [0] : vector<10000x128xf32> to vector<128xf32>
    %div3A_31 = arith.constant 1.000000e+04 : f32
    %div3A_32 = vector.broadcast %div3A_31 : f32 to vector<128xf32>
    %div3A_33 = arith.divf %reduce_sum3A_30, %div3A_32 : vector<128xf32>
    %broadcast_in_dim3A_34 = vector.shape_cast %div3A_26 : vector<128xf32> to vector<1x128xf32>
    %sub3A_35 = vector.broadcast %broadcast_in_dim3A_34 : vector<1x128xf32> to vector<10000x128xf32>
    %sub3A_36 = arith.subf %add3A_22, %sub3A_35 : vector<10000x128xf32>
    %add3A_37 = arith.constant 9.99999974E-6 : f32
    %add3A_38 = vector.broadcast %add3A_37 : f32 to vector<128xf32>
    %add3A_39 = arith.addf %div3A_33, %add3A_38 : vector<128xf32>
    %sqrt3A = math.sqrt %add3A_39 : vector<128xf32>
    %broadcast_in_dim3A_40 = vector.shape_cast %sqrt3A : vector<128xf32> to vector<1x128xf32>
    %div3A_41 = vector.broadcast %broadcast_in_dim3A_40 : vector<1x128xf32> to vector<10000x128xf32>
    %div3A_42 = arith.divf %sub3A_36, %div3A_41 : vector<10000x128xf32>
    %get3A_43 = arith.constant 0 : index
    %get3A_44 = vector.load %arg3[%get3A_43] : memref<128xf32, #tpu.memory_space<vmem>>, vector<128xf32>
    %broadcast_in_dim3A_45 = vector.shape_cast %get3A_44 : vector<128xf32> to vector<1x128xf32>
    %mul3A = vector.broadcast %broadcast_in_dim3A_45 : vector<1x128xf32> to vector<10000x128xf32>
    %mul3A_46 = arith.mulf %div3A_42, %mul3A : vector<10000x128xf32>
    %get3A_47 = arith.constant 0 : index
    %get3A_48 = vector.load %arg4[%get3A_47] : memref<128xf32, #tpu.memory_space<vmem>>, vector<128xf32>
    %broadcast_in_dim3A_49 = vector.shape_cast %get3A_48 : vector<128xf32> to vector<1x128xf32>
    %add3A_50 = vector.broadcast %broadcast_in_dim3A_49 : vector<1x128xf32> to vector<10000x128xf32>
    %add3A_51 = arith.addf %mul3A_46, %add3A_50 : vector<10000x128xf32>
    %max3A = arith.constant 0.000000e+00 : f32
    %max3A_52 = vector.broadcast %max3A : f32 to vector<10000x128xf32>
    %max3A_53 = arith.maximumf %add3A_51, %max3A_52 : vector<10000x128xf32>
    %get3A_54 = arith.constant 0 : index
    %get3A_55 = vector.load %arg5[%get3A_54] : memref<10000xi32, #tpu.memory_space<vmem>>, vector<10000xi32>
    %iota3A = tpu.iota {dimensions = array<i32: 0>} : vector<256x10000xi32>
    %broadcast_in_dim3A_56 = vector.shape_cast %get3A_55 : vector<10000xi32> to vector<1x10000xi32>
    %eq3A = vector.broadcast %broadcast_in_dim3A_56 : vector<1x10000xi32> to vector<256x10000xi32>
    %eq3A_57 = arith.cmpi eq, %iota3A, %eq3A : vector<256x10000xi32>
    %convert_element_type3A = arith.extui %eq3A_57 : vector<256x10000xi1> to vector<256x10000xi32>
    %convert_element_type3A_58 = arith.sitofp %convert_element_type3A : vector<256x10000xi32> to vector<256x10000xf32>
    %dot_general3A_59 = arith.constant dense<0.000000e+00> : vector<256x128xf32>
    %dot_general3A_60 = tpu.matmul %convert_element_type3A_58, %max3A_53, %dot_general3A_59 {dimension_numbers = #tpu.dot_dimension_numbers<[1], [0], [0], [1], [0, 0, 1, 1], [], []>, precision = #tpu.contract_precision<fp32>, transpose_lhs_hint = false} : vector<256x10000xf32>, vector<10000x128xf32>, vector<256x128xf32> -> vector<256x128xf32>
    %get3A_61 = arith.constant 0 : index
    %get3A_62 = arith.constant 0 : index
    %get3A_63 = vector.load %arg6[%get3A_61, %get3A_62] : memref<128x2xf32, #tpu.memory_space<vmem>>, vector<128x2xf32>
    %dot_general3A_64 = arith.constant dense<0.000000e+00> : vector<256x2xf32>
    %dot_general3A_65 = tpu.matmul %dot_general3A_60, %get3A_63, %dot_general3A_64 {dimension_numbers = #tpu.dot_dimension_numbers<[1], [0], [0], [1], [0, 0, 1, 1], [], []>, precision = #tpu.contract_precision<fp32>, transpose_lhs_hint = false} : vector<256x128xf32>, vector<128x2xf32>, vector<256x2xf32> -> vector<256x2xf32>
    %get3A_66 = arith.constant 0 : index
    %get3A_67 = vector.load %arg7[%get3A_66] : memref<2xf32, #tpu.memory_space<vmem>>, vector<2xf32>
    %broadcast_in_dim3A_68 = vector.shape_cast %get3A_67 : vector<2xf32> to vector<1x2xf32>
    %add3A_69 = vector.broadcast %broadcast_in_dim3A_68 : vector<1x2xf32> to vector<256x2xf32>
    %add3A_70 = arith.addf %dot_general3A_65, %add3A_69 : vector<256x2xf32>
    %reduce_max3A = arith.constant dense<0xFF800000> : vector<256xf32>
    %reduce_max3A_71 = vector.multi_reduction <maximumf>, %add3A_70, %reduce_max3A [1] : vector<256x2xf32> to vector<256xf32>
    %broadcast_in_dim3A_72 = vector.shape_cast %reduce_max3A_71 : vector<256xf32> to vector<256x1xf32>
    %sub3A_73 = vector.broadcast %broadcast_in_dim3A_72 : vector<256x1xf32> to vector<256x2xf32>
    %sub3A_74 = arith.subf %add3A_70, %sub3A_73 : vector<256x2xf32>
    %exp3A = math.exp %sub3A_74 : vector<256x2xf32>
    %reduce_sum3A_75 = arith.constant dense<0.000000e+00> : vector<256xf32>
    %reduce_sum3A_76 = vector.multi_reduction <add>, %exp3A, %reduce_sum3A_75 [1] : vector<256x2xf32> to vector<256xf32>
    %broadcast_in_dim3A_77 = vector.shape_cast %reduce_sum3A_76 : vector<256xf32> to vector<256x1xf32>
    %div3A_78 = vector.broadcast %broadcast_in_dim3A_77 : vector<256x1xf32> to vector<256x2xf32>
    %div3A_79 = arith.divf %exp3A, %div3A_78 : vector<256x2xf32>
    %swap3A = arith.constant 0 : index
    %swap3A_80 = arith.constant 0 : index
    %swap3A_81 = vector.load %arg8[%swap3A, %swap3A_80] : memref<256x2xf32, #tpu.memory_space<vmem>>, vector<256x2xf32>
    tpu.vector_store %arg8[%swap3A, %swap3A_80], %div3A_79 {strides = array<i32>} : memref<256x2xf32, #tpu.memory_space<vmem>>, vector<256x2xf32>,
    return
  }
}

</mosaic_0001>

<sc_bundles>
// kernel: kernel.12.cloned.1.call-start
scs
__scs_entry_jumppad:
0x0: {  	(pc) =	sbr.rel $0x88, $3  }
0x1: {  	(tag) =	ssettag $0x0;
	lr =	simm.s32 $0x1  }
0x2: {  	[smem:$0x3F8A] =	sst lr;
	_ =	strace $0xD0000000  }
0x3: {  	_ = 	snop  }
0x4: {  	_ = 	snop  }
0x5: {  	_ = 	snop  }
0x6: {  	_ = 	snop  }
0x7: {  	_ = 	snop  }
__scs_overlays_trampoline_lowered:
0x8: {  	[smem:$0x3F99] =	sst s0  }
0x9: {  	[smem:$0x3F9A] =	sst s1  }
0xa: {  	[smem:$0x3F9B] =	sst s2  }
0xb: {  	[smem:$0x3F9C] =	sst s3  }
0xc: {  	[smem:$0x3F9D] =	sst s4  }
0xd: {  	[smem:$0x3F9E] =	sst s5  }
0xe: {  	[smem:$0x3F9F] =	sst s6  }
0xf: {  	[smem:$0x3FA0] =	sst s7  }
0x10: {  	[smem:$0x3FA1] =	sst s8  }
0x11: {  	[smem:$0x3FA2] =	sst s9;
	s0 =	simm.s32 @!p0 $0x0  }
0x12: {  	s1 =	sld [smem:$0x3F88];
	s0 =	simm.s32 @p0 $0x1  }
0x13: {  	[smem:$0x3FA3] =	sst s0;
	s0 =	simm.s32 @!p1 $0x0  }
0x14: {  	s2 =	sld [smem:$0x3F87];
	s0 =	simm.s32 @p1 $0x1  }
0x15: {  	[smem:$0x3FA4] =	sst s0;
	s0 =	simm.s32 @!p2 $0x0  }
0x16: {  	s3 =	sld [smem:$0x3FDB];
	s0 =	simm.s32 @p2 $0x1  }
0x17: {  	s4 =	simm.s32 $0x1BF5;
	[smem:$0x3FA6] =	sst s0  }
0x18: {  	s0 =	sld [smem:$0x3F89];
	_ =	swait.ge [sflag:s4], $0x0  }
0x19: {  	s7 =	sld [smem:$0x3F8A]  }
0x1a: {  	s8 =	sadd.s32 $0xFFFFE003, lr  }
0x1b: {  	s9 =	sadd.s32 $0xFFFFFEF7, lr;
	s5 =	simm.s32 $0xFFFFFFFF;
	p2 =	slt.u32 s8, $0xFFFFF086  }
0x1c: {  	p1 =	slt.u32 s9, $0xF7A;
	s5 =	simm.s32 @!p2 $0x0  }
0x1d: {  	s5 =	simm.s32 @p1 $0x1;
	p0 =	seq.s32 s7, s2  }
0x1e: {  	s7 =	smul.u32 @!p0 $0xF7A, s2;
	p2 =	seq.s32 @!p0 s5, $0x0  }
0x1f: {  	s9 =	smul.u32 $0xF7A, s1;
	s8 =	simm.s32 @!p0 $0x1BF5;
	p2 =	por !p2, p0  }
0x20: {  	[sflag:s8] =	ssyncset.s32 @!p0 $0xFFFFF086;
	s6 =	sadd.s32 @!p0 s3, s7;
	s7 =	simm.s32 @!p0 $0x108  }
0x21: {  	s3 =	sadd.s32 s3, s9;
	s6 =	sadd.s32 @!p0 $0x88, s6;
	s7 =	simm.s32 @p2 $0x1082  }
0x22: {  	[simem:s7], [sflag:s8] =	dma.local @!p0 [hbm:s6], $0xF7A  }
0x23: {  	s9 =	sor.u32 $0xD0000000, s2;
	s6 =	simm.s32 $0x108;
	_ =	swait.ge @!p0 [sflag:s8], $0x0  }
0x24: {  	s3 =	sadd.s32 $0x88, s3;
	s6 =	simm.s32 @!p1 $0x1082;
	[sflag:s4] =	ssyncset.s32 $0xFFFFF086  }
0x25: {  	[simem:s6], [sflag:s4] =	dma.local [hbm:s3], $0xF7A  }
0x26: {  	[smem:$0x3F8A] =	sst s1;
	(tag) =	ssettag s2;
	_ =	strace s9  }
0x27: {  	s1 =	sld [smem:$0x3F9A]  }
0x28: {  	s2 =	sld [smem:$0x3F9B]  }
0x29: {  	s4 =	sld [smem:$0x3F9D]  }
0x2a: {  	p0 =	seq.s32 s5, $0x0;
	s5 =	sld [smem:$0x3F9E]  }
0x2b: {  	s6 =	sld [smem:$0x3F9F]  }
0x2c: {  	s7 =	sld [smem:$0x3FA0]  }
0x2d: {  	s3 =	simm.s32 $0x108;
	s8 =	sld [smem:$0x3FA1]  }
0x2e: {  	s3 =	simm.s32 @!p0 $0x1082;
	s9 =	sld [smem:$0x3FA2]  }
0x2f: {  	lr =	sadd.s32 s0, s3;
	s0 =	sld [smem:$0x3F99]  }
0x30: {  	s3 =	sld [smem:$0x3F9C]  }
0x31: {  	[smem:$0x3FA5] =	sst s10  }
0x32: {  	s10 =	sld [smem:$0x3FA3];
	_ =	sdelay $0x3  }
0x33: {  	p0 =	seq.s32 s10, $0x1;
	s10 =	sld [smem:$0x3FA5];
	_ =	sdelay $0x3  }
0x34: {  	[smem:$0x3FA5] =	sst s10  }
0x35: {  	s10 =	sld [smem:$0x3FA4];
	_ =	sdelay $0x3  }
0x36: {  	p1 =	seq.s32 s10, $0x1;
	s10 =	sld [smem:$0x3FA5];
	_ =	sdelay $0x3  }
0x37: {  	[smem:$0x3FA5] =	sst s10  }
0x38: {  	s10 =	sld [smem:$0x3FA6]  }
0x39: {  	_ = 	snop;
	(pc) =	sbr.ind lr, $3  }
0x3a: {  	_ = 	snop  }
0x3b: {  	_ = 	snop  }
0x3c: {  	p2 =	seq.s32 s10, $0x1;
	s10 =	sld [smem:$0x3FA5]  }
0x3d: {  	_ =	shalt  }
0x3e: {  	_ =	shalt  }
0x3f: {  	_ =	shalt  }
0x40: {  	_ =	shalt  }
0x41: {  	_ =	shalt  }
0x42: {  	_ =	shalt  }
0x43: {  	_ =	shalt  }
0x44: {  	_ =	shalt  }
0x45: {  	_ =	shalt  }
0x46: {  	_ =	shalt  }
0x47: {  	_ =	shalt  }
0x48: {  	_ =	shalt  }
0x49: {  	_ =	shalt  }
0x4a: {  	_ =	shalt  }
0x4b: {  	_ =	shalt  }
0x4c: {  	_ =	shalt  }
0x4d: {  	_ =	shalt  }
0x4e: {  	_ =	shalt  }
0x4f: {  	_ =	shalt  }
0x50: {  	_ =	shalt  }
0x51: {  	_ =	shalt  }
0x52: {  	_ =	shalt  }
0x53: {  	_ =	shalt  }
0x54: {  	_ =	shalt  }
0x55: {  	_ =	shalt  }
0x56: {  	_ =	shalt  }
0x57: {  	_ =	shalt  }
0x58: {  	_ =	shalt  }
0x59: {  	_ =	shalt  }
0x5a: {  	_ =	shalt  }
0x5b: {  	_ =	shalt  }
0x5c: {  	_ =	shalt  }
0x5d: {  	_ =	shalt  }
0x5e: {  	_ =	shalt  }
0x5f: {  	_ =	shalt  }
0x60: {  	_ =	shalt  }
0x61: {  	_ =	shalt  }
0x62: {  	_ =	shalt  }
0x63: {  	_ =	shalt  }
0x64: {  	_ =	shalt  }
0x65: {  	_ =	shalt  }
0x66: {  	_ =	shalt  }
0x67: {  	_ =	shalt  }
0x68: {  	_ =	shalt  }
0x69: {  	_ =	shalt  }
0x6a: {  	_ =	shalt  }
0x6b: {  	_ =	shalt  }
0x6c: {  	_ =	shalt  }
0x6d: {  	_ =	shalt  }
0x6e: {  	_ =	shalt  }
0x6f: {  	_ =	shalt  }
0x70: {  	_ =	shalt  }
0x71: {  	_ =	shalt  }
0x72: {  	_ =	shalt  }
0x73: {  	_ =	shalt  }
0x74: {  	_ =	shalt  }
0x75: {  	_ =	shalt  }
0x76: {  	_ =	shalt  }
0x77: {  	_ =	shalt  }
0x78: {  	_ =	shalt  }
0x79: {  	_ =	shalt  }
0x7a: {  	_ =	shalt  }
0x7b: {  	_ =	shalt  }
0x7c: {  	_ =	shalt  }
0x7d: {  	_ =	shalt  }
0x7e: {  	_ =	shalt  }
0x7f: {  	_ =	shalt  }
0x80: {  	_ =	shalt  }
0x81: {  	_ =	shalt  }
0x82: {  	_ =	shalt  }
0x83: {  	_ =	shalt  }
0x84: {  	_ =	shalt  }
0x85: {  	_ =	shalt  }
0x86: {  	_ =	shalt  }
0x87: {  	_ =	shalt  }
.Lfunc_end0:
.L_simem_size_0:
called_computation.1_lowered:
.L_overlay_start_0:
0x88: {  	s2 =	sld [smem:$0x3FD9]  }
0x89: {  	s3 =	sld [smem:$0x3FFE];
	_ =	sdelay $0x1  }
0x8a: {  	s1 =	srdreg.scid  }
0x8b: {  	s0 =	sand.u32 $0x1, s1  }
0x8c: {  	s17 =	sshll.u32 s0, $0xA;
	s2 =	sadd.s32 s3, s2  }
0x8d: {  	s2 =	sadd.s32 s2, s17  }
0x8e: {  	[smem:$0x3FB1] =	sst s2  }
0x8f: {  	_ = 	snop  }
0x90: {  	s2 =	sld [smem:$0x3FD0];
	(tm) =	ssettm $0x1  }
0x91: {  	s18 =	sld [smem:$0x3FFB];
	_ =	sdelay $0x3  }
0x92: {  	_ =	strace s18  }
0x93: {  	s3 =	sld [smem:$0x3FFC];
	_ =	sdelay $0x3  }
0x94: {  	_ =	strace s3  }
0x95: {  	s3 =	sld [smem:$0x3FFD];
	_ =	sdelay $0x3  }
0x96: {  	_ =	strace s3  }
0x97: {  	_ =	strace $0x8FFFFFFF  }
0x98: {  	s19 =	sld [smem:$0x3FDB];
	_ =	sdelay $0x1  }
0x99: {  	s4 =	simm.s32 $_scs_section_size  }
0x9a: {  	s5 =	simm.s32 $_size__tile_overlayer_lowered;
	s6 =	simm.s32 $_tile_overlayer_lowered  }
0x9b: {  	s22 =	simm.s32 $0x1BFF;
	s21 =	sshll.u32 s6, $0x1;
	s3 =	sadd.s32 s4, s19  }
0x9c: {  	s7 =	simm.s32 $0x0;
	s20 =	sshll.u32 s5, $0x1;
	s5 =	sadd.s32 s21, s3  }
0x9d: {  	[timem:s7], [sflag:s22] =	dma.local [hbm:s5], s20  }
0x9e: {  	_ =	swait.ge [sflag:s22], s20  }
0x9f: {  	s4 =	ssub.s32 $0x0, s20;
	[sflag:s22] =	ssyncset.done $0x0  }
0xa0: {  	[sflag:s22] =	ssyncadd.s32 s4;
	_ =	sdelay $0x1  }
0xa1: {  	s23 =	simm.s32 $0x1B8B  }
0xa2: {  	_ =	swait.ge [sflag:s23], $0x1  }
0xa3: {  	[sflag:s23] =	ssyncset.done $0x0  }
0xa4: {  	s25 =	simm.s32 $0x1B8E;
	s24 =	sld [smem:$0x3FFE];
	[sflag:s23] =	ssyncadd.s32 $0xFFFFFFFF  }
0xa5: {  	s26 =	simm.s32 $execute0_lowered;
	[smem:$0x3FD2] =	sst s25  }
0xa6: {  	s5 =	sshll.u32 s26, $0x1;
	_ =	strace $0x80000049;
	[dreg:$0x1] =	wrdreg $0xFFFFFFFF  }
0xa7: {  	s28 =	simm.s32 $_size_execute0_lowered;
	s3 =	sadd.s32 s3, s5;
	[dreg:$0x0] =	wrdreg $0x0  }
0xa8: {  	s5 =	sshll.u32 s28, $0x1;
	[dreg:$0x2] =	wrdreg s3  }
0xa9: {  	[dreg:$0x3] =	wrdreg s5  }
0xaa: {  	[dreg:$0x4] =	wrdreg $0xC0  }
0xab: {  	_ =	task [dreg:s7], $0x5FFFF  }
0xac: {  	[dreg:$0x1] =	wrdreg $0xFFFFFFFF  }
0xad: {  	[dreg:$0x0] =	wrdreg $0x60  }
0xae: {  	[dreg:$0x2] =	wrdreg s24  }
0xaf: {  	[dreg:$0x3] =	wrdreg s2  }
0xb0: {  	[dreg:$0x4] =	wrdreg $0xA6800  }
0xb1: {  	[dreg:$0x5] =	wrdreg $0x9  }
0xb2: {  	_ =	task.clear_ibuf [dreg:s7], $0x6FFFF;
	_ =	strace $0x90000049  }
0xb3: {  	s29 =	simm.s32 $0x9;
	_ =	strace $0x8000004B  }
0xb4: {  	_ =	swait.ge [sflag:s29], $0x1  }
0xb5: {  	[sflag:s29] =	ssyncadd.s32 $0xFFFFFFFF  }
0xb6: {  	_ =	strace $0x9000004B  }
0xb7: {  	_ =	sfence  }
0xb8: {  	s30 =	sld [smem:$0x0];
	_ =	sdelay $0x2  }
0xb9: {  	s31 =	sshll.u32 s1, $0xD;
	s1 =	sshrl.u32 s1, $0x2  }
0xba: {  	s3 =	sand.u32 $0x4000, s31;
	s1 =	sadd.s32 s1, s30  }
0xbb: {  	s0 =	sor.u32 s3, s0;
	s1 =	sshll.u32 s1, $0x11  }
0xbc: {  	s0 =	sor.u32 s1, s0  }
0xbd: {  	s0 =	sadd.s32 $0x8F2B, s0  }
0xbe: {  	[sflag:s0] =	ssyncadd.remote.s32 $0x1  }
0xbf: {  	_ =	sfence.sel $0xFFFF  }
0xc0: {  	[dreg:$0x0] =	wrdreg $0xFFFFFFFF;
	(pc) =	sbr.abs _section_cstart, $3  }
0xc1: {  	[dreg:$0x1] =	wrdreg $0xFFFFFFFF  }
0xc2: {  	_ =	task.clear_ibuf [dreg:s7], $0x2FFFF;
	_ =	strace $0x9FFFFFFF  }
0xc3: {  	(tm) =	ssettm $0x7FFFFFFF  }
tec
execute0_lowered:
.L_overlay_start_1:
0x0: {  	(tag) =	ssettag $0x1  }
0x1: {  	s0 =	rddreg [dreg:$0x0]  }
0x2: {  	s2 =	rddreg [dreg:$0x2]  }
0x3: {  	s4 =	simm.s32 $0x0;
	s1 =	srdreg.scid;
	s3 =	stileid.u32  }
0x4: {  	s16 =	simm.s32 $0xA400;
	s17 =	simm.s32 $0x2;
	s18 =	simm.s32 $0x50  }
0x5: {  	s19 =	simm.s32 $0x5480;
	s20 =	simm.s32 $0x7C80;
	s21 =	simm.s32 $0x1  }
0x6: {  	s22 =	simm.s32 $0x5380;
	s25 =	simm.s32 $0x0;
	[smem:$0x7FF] =	sst s4  }
0x7: {  	s1 =	sand.u32 $0x1, s1;
	s5 =	sadd.s32 $0x24E00, s0;
	s10 =	smul.u32 $0x2710, s3  }
0x8: {  	s6 =	sshll.u32 s3, $0x1;
	s7 =	sshrl.u32 s3, $0x2;
	s30 =	smul.u32 $0x4E200, s3  }
0x9: {  	s8 =	sadd.s32 $0x15400, s0;
	_ =	strace $0x8000004A;
	s9 =	smul.u32 $0x27100, s1  }
0xa: {  	s11 =	sor.u32 s1, s6;
	s6 =	sadd.s32 $0x4C000, s0;
	s12 =	smul.u32 $0x13C00, s7  }
0xb: {  	vm13 =	vcmask $0x3B38;
	s7 =	sadd.s32 $0x5A00, s0;
	s1 =	ssub.s32 $0x2, s1;
	s13 =	sshll.u32 s11, $0x7  }
0xc: {  	v0 =	vimm.f32 $0.0e+00;
	vm0 =	vcmask $0x704;
	vm14 =	vcmask $0x3F3C;
	s29 =	sshrl.u32 s1, $0x1;
	s31 =	sshrl.u32 s30, $0x2;
	s13 =	sand.u32 $0x380, s13  }
0xd: {  	vm1 =	vcmask $0xB08;
	vm2 =	vcmask $0xF0C;
	vm3 =	vcmask $0x1310;
	s9 =	sadd.s32 s10, s9;
	s1 =	ssub.s32 s1, s29;
	s28 =	sor.u32 s12, s13  }
0xe: {  	vm4 =	vcmask $0x1714;
	vm5 =	vcmask $0x1B18;
	vm6 =	vcmask $0x1F1C;
	s14 =	sadd.s32 s9, s0;
	s9 =	smul.u32 $0x7D, s11;
	s10 =	sshrl.u32 s28, $0x3  }
0xf: {  	vm7 =	vcmask $0x2320;
	vm8 =	vcmask $0x2724;
	vm9 =	vcmask $0x2B28;
	s11 =	sadd.s32 s31, s2;
	s13 =	smax.u32 s1, $0x1;
	s0 =	sadd.s32 s10, s0  }
0x10: {  	vm10 =	vcmask $0x2F2C;
	vm11 =	vcmask $0x3330;
	vm12 =	vcmask $0x3734;
	s10 =	sadd.s32 $0x4CA00, s14;
	s14 =	simm.s32 $0x3;
	s12 =	sadd.s32 $0x9AC00, s0  }
.LBB2_1:
0x11: {  	[tilespmem:s4], [sflag:$0x3] =	stream.linear.gather [hbm4b:s6+s4], $0x4E80, $0x38;
	[tilespmem:$0x1DF00] =	vst v63  }
0x12: {  	_ =	swait.ge [sflag:s14], $0x4E80  }
0x13: {  	[sflag:s14] =	ssyncset.done $0x0  }
0x14: {  	[sflag:s14] =	ssyncadd.s32 $0xFFFFB180  }
0x15: {  	s1 =	simm.s32 $0x5400;
	s0 =	rddreg [dreg:$0x1]  }
0x16: {  	[tilespmem:s1], [sflag:$0x3] =	stream.linear.gather [hbm4b:s0+s4], $0x10, $0x38;
	[tilespmem:$0x1DF00] =	vst v63  }
0x17: {  	_ =	swait.ge [sflag:s14], $0x10  }
0x18: {  	[sflag:s14] =	ssyncset.done $0x0  }
0x19: {  	s0 =	simm.s32 $0x0;
	s1 =	simm.s32 $0x0;
	[sflag:s14] =	ssyncadd.s32 $0xFFFFFFF0  }
.LBB2_2:
0x1a: {  	p0 =	sne.s32 s1, $0x9C0  }
.Ltmp0:
0x1b: {  	_ = 	snop;
	(pc) =	sbr.rel @p0 .LBB2_2-.Ltmp0, $4  }
0x1c: {  	s15 =	sand.u32 $0xE00, s1  }
0x1d: {  	s26 =	sand.u32 $0x70, s0;
	s15 =	sshrl.u32 s15, $0x2  }
0x1e: {  	s15 =	sor.u32 s26, s15  }
0x1f: {  	s0 =	sadd.s32 $0x10, s0;
	s1 =	sadd.s32 $0x40, s1;
	[tilespmem:s15+$0xA400] =	vst v0  }
0x20: {  	s0 =	simm.s32 $0x0  }
.LBB2_4:
0x21: {  	p0 =	sne.s32 s0, $0x4D800  }
.Ltmp1:
0x22: {  	_ = 	snop;
	(pc) =	sbr.rel @p0 .LBB2_4-.Ltmp1, $4  }
0x23: {  	_ = 	snop  }
0x24: {  	s1 =	sshra.s32 s0, $0x2  }
0x25: {  	s0 =	sadd.s32 $0xA00, s0;
	s1 =	sadd.s32 s1, s11  }
0x26: {  	[spmem:s1] =	stream.linear.scatter [tilespmem:s16], [sflag:$0x2], $0x280, $0x38;
	[tilespmem:$0x1DF00] =	vst v63  }
0x27: {  	s0 =	simm.s32 $0x7D  }
.LBB2_6:
0x28: {  	p0 =	sne.s32 s0, $0x1  }
.Ltmp2:
0x29: {  	_ = 	snop;
	(pc) =	sbr.rel @p0 .LBB2_6-.Ltmp2, $4  }
0x2a: {  	_ = 	snop  }
0x2b: {  	_ =	swait.ge [sflag:s17], $0x50  }
0x2c: {  	[sflag:s17] =	ssyncset.done $0x0  }
0x2d: {  	s0 =	sadd.s32 $0xFFFFFFFF, s0;
	[sflag:s17] =	ssyncadd.s32 $0xFFFFFFB0  }
0x2e: {  	s0 =	simm.s32 $0x40;
	s1 =	simm.s32 $0x0  }
.LBB2_8:
0x2f: {  	p0 =	sne.s32 s0, $0x9C00;
	[tilespmem:s1+$0x7C80] =	vst v0;
	s1 =	smov.u32 s0;
	s0 =	sadd.s32 $0x40, s0  }
.Ltmp3:
0x30: {  	(pc) =	sbr.rel @p0 .LBB2_8-.Ltmp3, $2  }
0x31: {  	_ =	sdelay $0x2  }
0x32: {  	s1 =	sshra.s32 s1, $0x2  }
0x33: {  	[tilespmem:s1+$0x7C80] =	vst v0  }
0x34: {  	[bflag:$0x0] =	sbarrier.arrive $0xFFFF  }
0x35: {  	s26 =	simm.s32 $0x0;
	s28 =	simm.s32 $0x4E80;
	s29 =	simm.s32 $0x5100;
	v1 =	vld [tilespmem:$0x5400]  }
.LBB2_10:
0x36: {  	s0 =	smul.u32 $0xCD, s26;
	_ =	sdelay $0x1  }
0x37: {  	s0 =	sshrl.u32 s0, $0xA  }
0x38: {  	s0 =	sand.u32 $0x3F, s0  }
0x39: {  	s0 =	smul.u32 $0x5, s0;
	_ =	sdelay $0x1  }
0x3a: {  	s0 =	ssub.s32 s26, s0  }
0x3b: {  	s1 =	smulhi.u32 $0xCCCCCCCD, s26;
	s0 =	sand.u32 $0xFF, s0  }
0x3c: {  	p0 =	sne.s32 s0, $0x0  }
0x3d: {  	s1 =	sshrl.u32 s1, $0x2;
	s15 =	sadd.s32 @!p0 s9, s26  }
0x3e: {  	s1 =	smul.u32 $0xFFFFF600, s1;
	s15 =	sshll.u32 @!p0 s15, $0x4  }
0x3f: {  	s31 =	simm.s32 @!p0 $0x0;
	s23 =	simm.s32 @!p0 $0x4E80;
	s30 =	sadd.s32 @!p0 s7, s15  }
0x40: {  	[tilespmem:s23], [sflag:$0x3] =	stream.linear.gather @!p0 [hbm4b:s30+s31], $0x280, $0x38;
	[tilespmem:$0x1DF00] =	vst v63  }
0x41: {  	s23 =	simm.s32 @!p0 $0x3  }
0x42: {  	s1 =	sshra.s32 s1, $0x2;
	_ =	swait.ge @!p0 [sflag:s23], $0x280  }
0x43: {  	s24 =	simm.s32 @!p0 $0x5100;
	s15 =	sadd.s32 @!p0 s8, s15;
	[sflag:s23] =	ssyncset.done @!p0 $0x0  }
0x44: {  	s30 =	sadd.s32 s1, s29;
	s1 =	sadd.s32 s1, s28;
	[sflag:s23] =	ssyncadd.s32 @!p0 $0xFFFFFD80  }
0x45: {  	v2 =	vmov s30;
	[tilespmem:s24], [sflag:$0x3] =	stream.linear.gather @!p0 [hbm4b:s15+s31], $0x280, $0x38;
	[tilespmem:$0x1DF00] =	vst v63  }
0x46: {  	v4 =	vmov s1;
	_ =	swait.ge @!p0 [sflag:s23], $0x280  }
0x47: {  	s30 =	sshll.u32 s0, $0x7;
	[sflag:s23] =	ssyncset.done @!p0 $0x0  }
0x48: {  	s0 =	sadd.s32 $0x4E80, s30;
	s31 =	simm.s32 $0x0;
	[sflag:s23] =	ssyncadd.s32 @!p0 $0xFFFFFD80  }
0x49: {  	[tilespmem:s19], [sflag:$0x1] =	stream.indirect.gather [hbm4b:s5+s18], $0x80, s0, s18, $0xb8;
	[tilespmem:$0x1DF00] =	vst v63  }
0x4a: {  	v3 =	vld.idx.msk [tilespmem:v2+s31+$0x0 ss:$0x1], $0xffff  }
0x4b: {  	v5 =	vld.idx.msk [tilespmem:v4+s31+$0x0 ss:$0x1], $0xffff;
	_ =	sdelay $0x4  }
0x4c: {  	v6 =	vshll.u32 v3, $0x1;
	v5 =	vshll.u32 v5, $0x1  }
0x4d: {  	v6 =	vor.u32 $0x1, v6;
	_ =	sdelay $0x3  }
0x4e: {  	v5 =	vld.idx.msk [tilespmem:v5+s4+$0x0], $0xffff  }
0x4f: {  	v6 =	vld.idx.msk [tilespmem:v6+s4+$0x0], $0xffff;
	_ =	sdelay $0x4  }
0x50: {  	v5 =	vadd.f32 v6, v5  }
0x51: {  	v7 =	vadd.f32 v6, v1  }
0x52: {  	v9 =	vimm.s32 $0x0;
	vm15 =	vge.f32 v5, $0.0e+00  }
0x53: {  	v6 =	vmul.f32 $2.000000030e-01, v7;
	v9 =	vsel vm15, $0xFFFFFFFF, v9  }
0x54: {  	vm15 =	vge.f32 v7, $0.0e+00;
	[tilespmem:$0x1FFF0] =	vst v9  }
0x55: {  	v6 =	vsel vm15, v7, v6;
	v7 =	vld [tilespmem:$0x1FFF0];
	_ =	sdelay $0x3  }
0x56: {  	v8 =	vmul.f32 $2.000000030e-01, v5  }
0x57: {  	vm15 =	vnez.u8 v7  }
0x58: {  	v5 =	vsel vm15, v5, v8  }
0x59: {  	v5 =	vsub.f32 v5, v6;
	_ =	sdelay $0x1  }
0x5a: {  	v5 =	vmax.f32 v5, $-8.700000000e+01  }
0x5b: {  	v6 =	vmul.f32 $1.442695020e+00, v5;
	_ =	sdelay $0x1  }
0x5c: {  	v6 =	vadd.f32 $-5.000000000e-01, v6;
	_ =	sdelay $0x1  }
0x5d: {  	v6 =	vtrunc.f32 v6  }
0x5e: {  	v6 =	vcvt.f32.s32 v6;
	_ =	sdelay $0x1  }
0x5f: {  	v7 =	vcvt.s32.f32 v6;
	_ =	sdelay $0x1  }
0x60: {  	v63 =	vmul.f32 $-6.931457510e-01, v7;
	_ =	sdelay $0x1  }
0x61: {  	v7 =	vmul.f32 $-1.428606770e-06, v7;
	v5 =	vadd.f32 v63, v5;
	_ =	sdelay $0x1  }
0x62: {  	v5 =	vadd.f32 v7, v5;
	_ =	sdelay $0x1  }
0x63: {  	v7 =	vmul.f32 $1.388888920e-03, v5;
	_ =	sdelay $0x1  }
0x64: {  	v7 =	vadd.f32 $8.333333770e-03, v7;
	_ =	sdelay $0x1  }
0x65: {  	v7 =	vmul.f32 v7, v5;
	_ =	sdelay $0x1  }
0x66: {  	v7 =	vadd.f32 $4.166666790e-02, v7;
	_ =	sdelay $0x1  }
0x67: {  	v7 =	vmul.f32 v7, v5;
	_ =	sdelay $0x1  }
0x68: {  	v7 =	vadd.f32 $1.666666720e-01, v7;
	_ =	sdelay $0x1  }
0x69: {  	v7 =	vmul.f32 v7, v5;
	_ =	sdelay $0x1  }
0x6a: {  	v7 =	vadd.f32 $5.000000000e-01, v7;
	_ =	sdelay $0x1  }
0x6b: {  	v7 =	vmul.f32 v7, v5;
	_ =	sdelay $0x1  }
0x6c: {  	v7 =	vadd.f32 $1.000000000e+00, v7;
	_ =	sdelay $0x1  }
0x6d: {  	v5 =	vmul.f32 v7, v5;
	_ =	sdelay $0x1  }
0x6e: {  	v6 =	vshll.u32 v6, $0x17;
	v5 =	vadd.f32 $1.000000000e+00, v5  }
0x6f: {  	v6 =	vadd.s32 $0x3F800000, v6  }
0x70: {  	v5 =	vmul.f32 v6, v5;
	_ =	sdelay $0x1  }
0x71: {  	[tilespmem:s31+$0x5380] =	vst v5  }
0x72: {  	[tilespmem:v3+s20+$0x0] =	vst.idx.add.f32.msk $0x1, v5  }
0x73: {  	[tilespmem:v3+s20+$0x0] =	vst.idx.add.f32.msk vm0, v5  }
0x74: {  	[tilespmem:v3+s20+$0x0] =	vst.idx.add.f32.msk vm1, v5  }
0x75: {  	[tilespmem:v3+s20+$0x0] =	vst.idx.add.f32.msk vm2, v5  }
0x76: {  	[tilespmem:v3+s20+$0x0] =	vst.idx.add.f32.msk vm3, v5  }
0x77: {  	[tilespmem:v3+s20+$0x0] =	vst.idx.add.f32.msk vm4, v5  }
0x78: {  	[tilespmem:v3+s20+$0x0] =	vst.idx.add.f32.msk vm5, v5  }
0x79: {  	[tilespmem:v3+s20+$0x0] =	vst.idx.add.f32.msk vm6, v5  }
0x7a: {  	[tilespmem:v3+s20+$0x0] =	vst.idx.add.f32.msk vm7, v5  }
0x7b: {  	[tilespmem:v3+s20+$0x0] =	vst.idx.add.f32.msk vm8, v5  }
0x7c: {  	[tilespmem:v3+s20+$0x0] =	vst.idx.add.f32.msk vm9, v5  }
0x7d: {  	[tilespmem:v3+s20+$0x0] =	vst.idx.add.f32.msk vm10, v5  }
0x7e: {  	[tilespmem:v3+s20+$0x0] =	vst.idx.add.f32.msk vm11, v5  }
0x7f: {  	s0 =	simm.s32 $0x40;
	[tilespmem:v3+s20+$0x0] =	vst.idx.add.f32.msk vm12, v5  }
.LBB2_11:
0x80: {  	p0 =	sne.s32 s0, $0x100;
	[tilespmem:v3+s20+$0x0] =	vst.idx.add.f32.msk vm13, v5;
	s1 =	smov.u32 s0;
	s0 =	sadd.s32 $0x40, s0  }
0x81: {  	s1 =	sshra.s32 s1, $0x2;
	[tilespmem:v3+s20+$0x0] =	vst.idx.add.f32.msk vm14, v5  }
0x82: {  	v3 =	vld.idx.msk [tilespmem:v2+s1+$0x0 ss:$0x1], $0xffff  }
0x83: {  	v5 =	vld.idx.msk [tilespmem:v4+s1+$0x0 ss:$0x1], $0xffff;
	_ =	sdelay $0x4  }
0x84: {  	v6 =	vshll.u32 v3, $0x1  }
0x85: {  	v5 =	vshll.u32 v5, $0x1;
	v6 =	vor.u32 $0x1, v6;
	_ =	sdelay $0x4  }
0x86: {  	v6 =	vld.idx.msk [tilespmem:v6+s4+$0x0], $0xffff;
	_ =	sdelay $0x1  }
0x87: {  	v5 =	vld.idx.msk [tilespmem:v5+s4+$0x0], $0xffff  }
0x88: {  	vm14 =	vmmov vm13;
	vm13 =	vmmov vm12;
	vm12 =	vmmov vm11  }
0x89: {  	vm11 =	vmmov vm10;
	vm10 =	vmmov vm9;
	vm9 =	vmmov vm8  }
0x8a: {  	vm8 =	vmmov vm7;
	vm7 =	vmmov vm6;
	v7 =	vadd.f32 v6, v1  }
0x8b: {  	vm6 =	vmmov vm5;
	vm5 =	vmmov vm4;
	vm4 =	vmmov vm3  }
0x8c: {  	vm3 =	vmmov vm2;
	v5 =	vadd.f32 v6, v5;
	v6 =	vmul.f32 $2.000000030e-01, v7  }
0x8d: {  	vm2 =	vmmov vm1;
	vm1 =	vmmov vm0;
	vm0 =	vge.f32 v7, $0.0e+00  }
0x8e: {  	vm15 =	vge.f32 v5, $0.0e+00;
	v8 =	vmul.f32 $2.000000030e-01, v5;
	v6 =	vsel vm0, v7, v6  }
0x8f: {  	vm0 =	vmmov vm1;
	vm1 =	vmmov vm2;
	vm2 =	vmmov vm3  }
0x90: {  	vm3 =	vmmov vm4;
	vm4 =	vmmov vm5;
	vm5 =	vmmov vm6  }
0x91: {  	vm6 =	vmmov vm7;
	vm7 =	vmmov vm8;
	vm8 =	vmmov vm9  }
0x92: {  	vm9 =	vmmov vm10;
	vm10 =	vmmov vm11;
	vm11 =	vmmov vm12  }
0x93: {  	vm12 =	vmmov vm13;
	vm13 =	vmmov vm14;
	vm14 =	vcmask $0x3F3C  }
0x94: {  	v5 =	vsel vm15, v5, v8  }
0x95: {  	v5 =	vsub.f32 v5, v6;
	_ =	sdelay $0x1  }
0x96: {  	v5 =	vmax.f32 v5, $-8.700000000e+01  }
0x97: {  	v6 =	vmul.f32 $1.442695020e+00, v5;
	_ =	sdelay $0x1  }
0x98: {  	v6 =	vadd.f32 $-5.000000000e-01, v6;
	_ =	sdelay $0x1  }
0x99: {  	v6 =	vtrunc.f32 v6  }
0x9a: {  	v6 =	vcvt.f32.s32 v6;
	_ =	sdelay $0x1  }
0x9b: {  	v7 =	vcvt.s32.f32 v6;
	v6 =	vshll.u32 v6, $0x17;
	_ =	sdelay $0x1  }
0x9c: {  	v8 =	vmul.f32 $-6.931457510e-01, v7  }
0x9d: {  	v7 =	vmul.f32 $-1.428606770e-06, v7  }
0x9e: {  	v5 =	vadd.f32 v8, v5;
	_ =	sdelay $0x1  }
0x9f: {  	v5 =	vadd.f32 v7, v5;
	_ =	sdelay $0x1  }
0xa0: {  	v7 =	vmul.f32 $1.388888920e-03, v5;
	_ =	sdelay $0x1  }
0xa1: {  	v7 =	vadd.f32 $8.333333770e-03, v7;
	_ =	sdelay $0x1  }
0xa2: {  	v7 =	vmul.f32 v7, v5;
	_ =	sdelay $0x1  }
0xa3: {  	v7 =	vadd.f32 $4.166666790e-02, v7;
	_ =	sdelay $0x1  }
0xa4: {  	v7 =	vmul.f32 v7, v5;
	_ =	sdelay $0x1  }
0xa5: {  	v7 =	vadd.f32 $1.666666720e-01, v7;
	_ =	sdelay $0x1  }
0xa6: {  	v7 =	vmul.f32 v7, v5;
	_ =	sdelay $0x1  }
0xa7: {  	v7 =	vadd.f32 $5.000000000e-01, v7;
	_ =	sdelay $0x1  }
0xa8: {  	v7 =	vmul.f32 v7, v5;
	_ =	sdelay $0x1  }
0xa9: {  	v7 =	vadd.f32 $1.000000000e+00, v7;
	_ =	sdelay $0x1  }
0xaa: {  	v5 =	vmul.f32 v7, v5;
	_ =	sdelay $0x1  }
0xab: {  	v6 =	vadd.s32 $0x3F800000, v6;
	v5 =	vadd.f32 $1.000000000e+00, v5;
	_ =	sdelay $0x1  }
0xac: {  	v5 =	vmul.f32 v6, v5;
	_ =	sdelay $0x1  }
0xad: {  	[tilespmem:s1+$0x5380] =	vst v5  }
0xae: {  	[tilespmem:v3+s20+$0x0] =	vst.idx.add.f32.msk $0x1, v5  }
0xaf: {  	[tilespmem:v3+s20+$0x0] =	vst.idx.add.f32.msk vm0, v5  }
0xb0: {  	[tilespmem:v3+s20+$0x0] =	vst.idx.add.f32.msk vm1, v5  }
0xb1: {  	[tilespmem:v3+s20+$0x0] =	vst.idx.add.f32.msk vm2, v5  }
0xb2: {  	[tilespmem:v3+s20+$0x0] =	vst.idx.add.f32.msk vm3, v5  }
0xb3: {  	[tilespmem:v3+s20+$0x0] =	vst.idx.add.f32.msk vm4, v5  }
0xb4: {  	[tilespmem:v3+s20+$0x0] =	vst.idx.add.f32.msk vm5, v5  }
0xb5: {  	[tilespmem:v3+s20+$0x0] =	vst.idx.add.f32.msk vm6, v5  }
0xb6: {  	[tilespmem:v3+s20+$0x0] =	vst.idx.add.f32.msk vm7, v5  }
.Ltmp4:
0xb7: {  	[tilespmem:v3+s20+$0x0] =	vst.idx.add.f32.msk vm8, v5;
	(pc) =	sbr.rel @p0 .LBB2_11-.Ltmp4, $4  }
0xb8: {  	[tilespmem:v3+s20+$0x0] =	vst.idx.add.f32.msk vm9, v5  }
0xb9: {  	[tilespmem:v3+s20+$0x0] =	vst.idx.add.f32.msk vm10, v5  }
0xba: {  	[tilespmem:v3+s20+$0x0] =	vst.idx.add.f32.msk vm11, v5  }
0xbb: {  	[tilespmem:v3+s20+$0x0] =	vst.idx.add.f32.msk vm12, v5  }
0xbc: {  	_ =	sdelay $0x1  }
0xbd: {  	s0 =	simm.s32 $0x0  }
0xbe: {  	v2 =	vmov s0  }
0xbf: {  	v2 =	vand.u32 $0xFFFFFFFC, v2  }
0xc0: {  	[tilespmem:v3+s20+$0x0] =	vst.idx.add.f32.msk vm13, v5;
	v2 =	vbroadcast v2, $0x0  }
0xc1: {  	[tilespmem:v3+s20+$0x0] =	vst.idx.add.f32.msk vm14, v5  }
0xc2: {  	_ =	swait.ge [sflag:s21], $0x2800  }
0xc3: {  	[sflag:s21] =	ssyncset.done $0x0  }
0xc4: {  	s31 =	simm.s32 $0x5580;
	[sflag:s21] =	ssyncadd.s32 $0xFFFFD800  }
0xc5: {  	v4 =	vld [tilespmem:s31+$0xFFFFFF70]  }
0xc6: {  	v2 =	vld.idx.msk [tilespmem:v2+s22+$0x0], $0xffff  }
0xc7: {  	v5 =	vld [tilespmem:s31+$0xFFFFFF00]  }
0xc8: {  	v6 =	vld [tilespmem:s31+$0xFFFFFF20]  }
0xc9: {  	v7 =	vld [tilespmem:s31+$0xFFFFFF30]  }
0xca: {  	v3 =	vld [tilespmem:s31+$0xFFFFFF50]  }
0xcb: {  	v9 =	vld [tilespmem:s31+$0xFFFFFF10];
	v4 =	vmul.f32 v4, v2  }
0xcc: {  	s23 =	simm.s32 $0x1;
	v8 =	vld [tilespmem:s31+$0xFFFFFF60];
	v5 =	vmul.f32 v5, v2  }
0xcd: {  	v10 =	vld [tilespmem:s31+$0xFFFFFF40];
	v6 =	vmul.f32 v6, v2;
	[tilespmem:s31+$0xFFFFFF70] =	vst v4;
	v4 =	vmov s23  }
0xce: {  	v7 =	vmul.f32 v7, v2;
	[tilespmem:s31+$0xFFFFFF00] =	vst v5;
	v4 =	vand.u32 $0xFFFFFFFD, v4  }
0xcf: {  	v3 =	vmul.f32 v3, v2;
	[tilespmem:s31+$0xFFFFFF20] =	vst v6;
	v4 =	vbroadcast v4, $0x0  }
0xd0: {  	v5 =	vmul.f32 v9, v2;
	[tilespmem:s31+$0xFFFFFF30] =	vst v7  }
0xd1: {  	v6 =	vmul.f32 v8, v2;
	[tilespmem:s31+$0xFFFFFF50] =	vst v3  }
0xd2: {  	v2 =	vmul.f32 v10, v2;
	[tilespmem:s31+$0xFFFFFF10] =	vst v5  }
0xd3: {  	[tilespmem:s31+$0xFFFFFF60] =	vst v6  }
0xd4: {  	[tilespmem:s31+$0xFFFFFF40] =	vst v2;
	v2 =	vld [tilespmem:s31+$0xFFFFFF80]  }
0xd5: {  	v4 =	vld.idx.msk [tilespmem:v4+s22+$0x0], $0xffff  }
0xd6: {  	v3 =	vld [tilespmem:s31+$0xFFFFFFA0]  }
0xd7: {  	v5 =	vld [tilespmem:s31+$0xFFFFFF90]  }
0xd8: {  	v6 =	vld [tilespmem:s31+$0xFFFFFFD0]  }
0xd9: {  	v7 =	vld [tilespmem:s31+$0xFFFFFFE0]  }
0xda: {  	v8 =	vld [tilespmem:s31+$0xFFFFFFF0];
	v2 =	vmul.f32 v2, v4  }
0xdb: {  	s24 =	simm.s32 $0x2;
	v9 =	vld [tilespmem:s31+$0xFFFFFFB0];
	v3 =	vmul.f32 v3, v4  }
0xdc: {  	v10 =	vld [tilespmem:s31+$0xFFFFFFC0];
	v5 =	vmul.f32 v5, v4;
	[tilespmem:s31+$0xFFFFFF80] =	vst v2;
	v2 =	vmov s24  }
0xdd: {  	v6 =	vmul.f32 v6, v4;
	[tilespmem:s31+$0xFFFFFFA0] =	vst v3;
	v2 =	vand.u32 $0xFFFFFFFE, v2  }
0xde: {  	v3 =	vmul.f32 v7, v4;
	[tilespmem:s31+$0xFFFFFF90] =	vst v5;
	v5 =	vbroadcast v2, $0x0  }
0xdf: {  	v7 =	vmul.f32 v8, v4;
	[tilespmem:s31+$0xFFFFFFD0] =	vst v6;
	v8 =	vld [tilespmem:s31+$0x30]  }
0xe0: {  	v6 =	vmul.f32 v9, v4;
	v2 =	vld [tilespmem:s31+$0x40];
	[tilespmem:s31+$0xFFFFFFE0] =	vst v3  }
0xe1: {  	v4 =	vmul.f32 v10, v4;
	v3 =	vld [tilespmem:s31+$0x70];
	[tilespmem:s31+$0xFFFFFFF0] =	vst v7  }
0xe2: {  	[tilespmem:s31+$0xFFFFFFB0] =	vst v6;
	v6 =	vld [tilespmem:s31+$0x20]  }
0xe3: {  	[tilespmem:s31+$0xFFFFFFC0] =	vst v4;
	v7 =	vld [tilespmem:s31+$0x0]  }
0xe4: {  	v4 =	vld.idx.msk [tilespmem:v5+s22+$0x0], $0xffff  }
0xe5: {  	s1 =	simm.s32 $0x7;
	s15 =	simm.s32 $0x5580;
	s0 =	simm.s32 $0x3;
	v5 =	vld [tilespmem:s31+$0x10]  }
.LBB2_13:
0xe6: {  	p0 =	sne.s32 s1, $0x4F  }
0xe7: {  	v9 =	vld [tilespmem:s31+$0x50];
	s15 =	sadd.s32 $0x200, s15;
	s23 =	smov.u32 s1;
	s1 =	sadd.s32 $0x4, s1  }
0xe8: {  	v10 =	vld [tilespmem:s31+$0x60];
	_ =	sdelay $0x1  }
0xe9: {  	v7 =	vmul.f32 v7, v4;
	v5 =	vmul.f32 v5, v4  }
0xea: {  	v6 =	vmul.f32 v6, v4;
	v8 =	vmul.f32 v8, v4  }
0xeb: {  	v2 =	vmul.f32 v2, v4;
	v3 =	vmul.f32 v3, v4;
	[tilespmem:s31+$0x0] =	vst v7  }
0xec: {  	[tilespmem:s31+$0x20] =	vst v6;
	v6 =	vmul.f32 v9, v4;
	v4 =	vmul.f32 v10, v4  }
0xed: {  	[tilespmem:s31+$0x30] =	vst v8;
	v7 =	vld [tilespmem:s31+$0x80]  }
0xee: {  	[tilespmem:s31+$0x60] =	vst v4;
	v4 =	vmov s0;
	v8 =	vld [tilespmem:s31+$0xD0];
	s0 =	smov.u32 s23  }
0xef: {  	[tilespmem:s31+$0x50] =	vst v6;
	v6 =	vld [tilespmem:s31+$0xE0]  }
0xf0: {  	[tilespmem:s31+$0x40] =	vst v2;
	v9 =	vld [tilespmem:s31+$0xB0]  }
0xf1: {  	v2 =	vld [tilespmem:s15+$0x40];
	[tilespmem:s31+$0x70] =	vst v3  }
0xf2: {  	v3 =	vld [tilespmem:s15+$0x70];
	[tilespmem:s31+$0x10] =	vst v5  }
0xf3: {  	v4 =	vld.idx.msk [tilespmem:v4+s22+$0x0], $0xffff  }
0xf4: {  	v5 =	vld [tilespmem:s31+$0x90]  }
0xf5: {  	v10 =	vld [tilespmem:s31+$0xA0]  }
0xf6: {  	v11 =	vld [tilespmem:s31+$0xC0]  }
0xf7: {  	v12 =	vld [tilespmem:s31+$0xF0];
	_ =	sdelay $0x1  }
0xf8: {  	v7 =	vmul.f32 v7, v4;
	v5 =	vmul.f32 v5, v4  }
0xf9: {  	s23 =	sadd.s32 $0xFFFFFFFD, s0;
	v9 =	vmul.f32 v9, v4;
	v10 =	vmul.f32 v10, v4  }
0xfa: {  	v13 =	vmov s23;
	v8 =	vmul.f32 v8, v4;
	[tilespmem:s31+$0x80] =	vst v7;
	v7 =	vmul.f32 v11, v4  }
0xfb: {  	v11 =	vand.u32 $0xFFFFFFFC, v13;
	[tilespmem:s31+$0x90] =	vst v5;
	v5 =	vmul.f32 v6, v4;
	v4 =	vmul.f32 v12, v4  }
0xfc: {  	v6 =	vbroadcast v11, $0x0;
	[tilespmem:s31+$0xA0] =	vst v10  }
0xfd: {  	[tilespmem:s31+$0xD0] =	vst v8  }
0xfe: {  	v8 =	vld [tilespmem:s15+$0xFFFFFF50];
	[tilespmem:s31+$0xB0] =	vst v9  }
0xff: {  	v9 =	vld [tilespmem:s15+$0xFFFFFF30];
	[tilespmem:s31+$0xC0] =	vst v7  }
0x100: {  	v7 =	vld [tilespmem:s15+$0xFFFFFF60];
	[tilespmem:s31+$0xE0] =	vst v5  }
0x101: {  	v5 =	vld [tilespmem:s15+$0xFFFFFF70];
	[tilespmem:s31+$0xF0] =	vst v4;
	s31 =	smov.u32 s15  }
0x102: {  	v4 =	vld.idx.msk [tilespmem:v6+s22+$0x0], $0xffff  }
0x103: {  	v6 =	vld [tilespmem:s15+$0xFFFFFF00]  }
0x104: {  	v10 =	vld [tilespmem:s15+$0xFFFFFF20]  }
0x105: {  	v11 =	vld [tilespmem:s15+$0xFFFFFF10]  }
0x106: {  	v12 =	vld [tilespmem:s15+$0xFFFFFF40];
	_ =	sdelay $0x1  }
0x107: {  	v5 =	vmul.f32 v5, v4;
	v6 =	vmul.f32 v6, v4  }
0x108: {  	s23 =	sadd.s32 $0xFFFFFFFE, s0;
	v7 =	vmul.f32 v7, v4;
	v10 =	vmul.f32 v10, v4  }
0x109: {  	v9 =	vmul.f32 v9, v4;
	v11 =	vmul.f32 v11, v4;
	[tilespmem:s15+$0xFFFFFF70] =	vst v5;
	v5 =	vmov s23  }
0x10a: {  	[tilespmem:s15+$0xFFFFFF00] =	vst v6;
	v6 =	vmul.f32 v12, v4;
	v4 =	vmul.f32 v8, v4;
	v5 =	vand.u32 $0xFFFFFFFD, v5  }
0x10b: {  	[tilespmem:s15+$0xFFFFFF20] =	vst v10;
	v5 =	vbroadcast v5, $0x0  }
0x10c: {  	[tilespmem:s15+$0xFFFFFF30] =	vst v9  }
0x10d: {  	[tilespmem:s15+$0xFFFFFF50] =	vst v4;
	v4 =	vld [tilespmem:s15+$0xFFFFFFF0]  }
0x10e: {  	[tilespmem:s15+$0xFFFFFF10] =	vst v11;
	v8 =	vld [tilespmem:s15+$0xFFFFFFD0]  }
0x10f: {  	[tilespmem:s15+$0xFFFFFF60] =	vst v7;
	v7 =	vld [tilespmem:s15+$0xFFFFFFB0]  }
0x110: {  	[tilespmem:s15+$0xFFFFFF40] =	vst v6;
	v6 =	vld [tilespmem:s15+$0xFFFFFF90]  }
0x111: {  	v5 =	vld.idx.msk [tilespmem:v5+s22+$0x0], $0xffff  }
0x112: {  	v9 =	vld [tilespmem:s15+$0xFFFFFF80]  }
0x113: {  	v10 =	vld [tilespmem:s15+$0xFFFFFFA0]  }
0x114: {  	v11 =	vld [tilespmem:s15+$0xFFFFFFC0]  }
0x115: {  	v12 =	vld [tilespmem:s15+$0xFFFFFFE0];
	_ =	sdelay $0x1  }
0x116: {  	v6 =	vmul.f32 v6, v5;
	v9 =	vmul.f32 v9, v5  }
0x117: {  	s23 =	sadd.s32 $0xFFFFFFFF, s0;
	v7 =	vmul.f32 v7, v5;
	v10 =	vmul.f32 v10, v5  }
0x118: {  	v8 =	vmul.f32 v8, v5;
	[tilespmem:s15+$0xFFFFFF80] =	vst v9;
	v9 =	vmul.f32 v11, v5;
	v11 =	vmov s23  }
0x119: {  	v4 =	vmul.f32 v4, v5;
	[tilespmem:s15+$0xFFFFFFA0] =	vst v10;
	v10 =	vmul.f32 v12, v5;
	v5 =	vand.u32 $0xFFFFFFFE, v11  }
0x11a: {  	[tilespmem:s15+$0xFFFFFF90] =	vst v6;
	v5 =	vbroadcast v5, $0x0  }
0x11b: {  	[tilespmem:s15+$0xFFFFFFD0] =	vst v8  }
0x11c: {  	[tilespmem:s15+$0xFFFFFFE0] =	vst v10  }
0x11d: {  	[tilespmem:s15+$0xFFFFFFB0] =	vst v7  }
.Ltmp5:
0x11e: {  	[tilespmem:s15+$0xFFFFFFF0] =	vst v4;
	v6 =	vld [tilespmem:s15+$0x20];
	(pc) =	sbr.rel @p0 .LBB2_13-.Ltmp5, $4  }
0x11f: {  	[tilespmem:s15+$0xFFFFFFC0] =	vst v9;
	v7 =	vld [tilespmem:s15+$0x0]  }
0x120: {  	v4 =	vld.idx.msk [tilespmem:v5+s22+$0x0], $0xffff  }
0x121: {  	v5 =	vld [tilespmem:s15+$0x10]  }
0x122: {  	v8 =	vld [tilespmem:s15+$0x30]  }
0x123: {  	_ =	sdelay $0x1  }
0x124: {  	v7 =	vmul.f32 v7, v4  }
0x125: {  	v9 =	vld [tilespmem:s31+$0x60];
	v6 =	vmul.f32 v6, v4  }
0x126: {  	v10 =	vld [tilespmem:s31+$0x50];
	v2 =	vmul.f32 v2, v4;
	[tilespmem:s31+$0x0] =	vst v7  }
0x127: {  	v3 =	vmul.f32 v3, v4;
	[tilespmem:s31+$0x20] =	vst v6  }
0x128: {  	v55 =	vmul.f32 v5, v4;
	[tilespmem:s31+$0x40] =	vst v2  }
0x129: {  	v54 =	vmov s0;
	v8 =	vmul.f32 v8, v4;
	[tilespmem:s31+$0x70] =	vst v3  }
0x12a: {  	v51 =	vmul.f32 v9, v4;
	[tilespmem:s31+$0x10] =	vst v55  }
0x12b: {  	v52 =	vmul.f32 v10, v4;
	[tilespmem:s31+$0x30] =	vst v8  }
0x12c: {  	[tilespmem:s31+$0x60] =	vst v51  }
0x12d: {  	v53 =	vld [tilespmem:s31+$0x80];
	[tilespmem:s31+$0x50] =	vst v52  }
0x12e: {  	v2 =	vld.idx.msk [tilespmem:v54+s22+$0x0], $0xffff  }
0x12f: {  	v3 =	vld [tilespmem:s31+$0x90]  }
0x130: {  	v56 =	vld [tilespmem:s31+$0xA0]  }
0x131: {  	v57 =	vld [tilespmem:s31+$0xD0]  }
0x132: {  	v59 =	vld [tilespmem:s31+$0xC0]  }
0x133: {  	v60 =	vld [tilespmem:s31+$0xE0];
	v8 =	vmul.f32 v53, v2  }
0x134: {  	v58 =	vld [tilespmem:s31+$0xB0];
	v3 =	vmul.f32 v3, v2  }
0x135: {  	v61 =	vld [tilespmem:s31+$0xF0];
	v4 =	vmul.f32 v56, v2;
	[tilespmem:s31+$0x80] =	vst v8  }
0x136: {  	v5 =	vmul.f32 v57, v2;
	[tilespmem:s31+$0x90] =	vst v3  }
0x137: {  	v62 =	vmul.f32 v59, v2;
	[tilespmem:s31+$0xA0] =	vst v4  }
0x138: {  	v63 =	vmul.f32 v60, v2;
	[tilespmem:s31+$0xD0] =	vst v5  }
0x139: {  	v3 =	vmul.f32 v58, v2;
	[tilespmem:s31+$0xC0] =	vst v62  }
0x13a: {  	s26 =	sadd.s32 $0x1, s26;
	v2 =	vmul.f32 v61, v2;
	[tilespmem:s31+$0xE0] =	vst v63  }
0x13b: {  	p0 =	sne.s32 s26, $0x7D;
	[tilespmem:s31+$0xB0] =	vst v3  }
.Ltmp6:
0x13c: {  	[tilespmem:s31+$0xF0] =	vst v2;
	s31 =	sadd.s32 $0x5100, s30;
	(pc) =	sbr.rel @p0 .LBB2_10-.Ltmp6, $4  }
0x13d: {  	[spmem:s2] =	stream.indirect.scatter.add.f32 [tilespmem:s19], [sflag:$0x3], $0x80, s31, s18, $0xb8;
	[tilespmem:$0x1DF00] =	vst v63  }
0x13e: {  	_ =	swait.ge [sflag:s14], $0x2800  }
0x13f: {  	[sflag:s14] =	ssyncset.done $0x0  }
0x140: {  	s28 =	sadd.s32 $0x80, s28;
	s29 =	sadd.s32 $0x80, s29;
	[sflag:s14] =	ssyncadd.s32 $0xFFFFD800  }
0x141: {  	s0 =	sshll.u32 s3, $0x6  }
0x142: {  	[bflag:$0x0] =	sbarrier.arrive $0xFFFF;
	s1 =	sshrl.u32 s11, $0x3;
	s0 =	sor.u32 $0x1C03, s0  }
0x143: {  	[hbm:s10], [sflag:s0] =	dma.local [spmem:s1], $0x2710  }
0x144: {  	s25 =	sadd.s32 $0x1, s25;
	_ =	swait.ge [sflag:s14], $0x2710  }
0x145: {  	s30 =	simm.s32 $0x80;
	p0 =	sne.s32 s25, s13;
	[sflag:s14] =	ssyncset.done $0x0  }
.Ltmp7:
0x146: {  	s31 =	simm.s32 $0x400;
	[sflag:s14] =	ssyncadd.s32 $0xFFFFD8F0;
	(pc) =	sbr.rel @p0 .LBB2_1-.Ltmp7, $4  }
0x147: {  	[hbm4b:s12+s30] =	stream.strided.scatter [tilespmem:s20], [sflag:$0x3], $0x2780, s31, s30, $0x38;
	[tilespmem:$0x1DF00] =	vst v63  }
0x148: {  	_ =	swait.ge [sflag:s14], $0x2780  }
0x149: {  	[sflag:s14] =	ssyncset.done $0x0  }
0x14a: {  	[sflag:s14] =	ssyncadd.s32 $0xFFFFD880  }
0x14b: {  	_ =	sfence.sel $0x180000  }
0x14c: {  	[bflag:$0x0] =	sbarrier.arrive $0xFFFF  }
0x14d: {  	_ =	strace $0x9000004A  }
0x14e: {  	[bflag:$0x2] =	sbarrier.arrive $0xFFFF  }
0x14f: {  	p0 =	sne.s32 s3, $0x0;
	s0 =	rddreg [dreg:$0x3]  }
0x150: {  	s0 =	sadd.s32 @!p0 $0x100000, s0  }
0x151: {  	[sflag:s0] =	ssyncadd.tile.s32 @!p0 $0x1;
	_ =	shalt  }
.Lfunc_end2:
_tile_overlayer_lowered:
.L_overlay_start_2:
0x152: {  	(tag) =	ssettag $0x2  }
0x153: {  	s0 =	rddreg [dreg:$0x0];
	s2 =	stileid.u32  }
0x154: {  	s1 =	rddreg [dreg:$0x1];
	p0 =	sne.s32 s2, $0x0  }
0x155: {  	s3 =	rddreg [dreg:$0x2];
	[bflag:$0x3] =	sbarrier.arrive $0xFFFF;
	s2 =	simm.s32 @!p0 $0x1C03  }
0x156: {  	[timem:s3], [sflag:s2] =	dma.local @!p0 [hbm:s0], s1  }
0x157: {  	s0 =	simm.s32 @!p0 $0x3  }
0x158: {  	_ =	swait.ge @!p0 [sflag:s0], s1  }
0x159: {  	s1 =	ssub.s32 @!p0 $0x0, s1;
	[sflag:s0] =	ssyncset.done @!p0 $0x0  }
0x15a: {  	[sflag:s0] =	ssyncadd.s32 @!p0 s1  }
0x15b: {  	[bflag:$0x3] =	sbarrier.arrive $0xFFFF  }
0x15c: {  	_ =	shalt  }

// kernel: kernel.15.cloned.1.call-start
scs
__scs_entry_jumppad:
0x0: {  	(pc) =	sbr.rel $0x88, $3  }
0x1: {  	(tag) =	ssettag $0x0;
	lr =	simm.s32 $0x1  }
0x2: {  	[smem:$0x3F8A] =	sst lr;
	_ =	strace $0xD0000000  }
0x3: {  	_ = 	snop  }
0x4: {  	_ = 	snop  }
0x5: {  	_ = 	snop  }
0x6: {  	_ = 	snop  }
0x7: {  	_ = 	snop  }
__scs_overlays_trampoline_lowered:
0x8: {  	[smem:$0x3F99] =	sst s0  }
0x9: {  	[smem:$0x3F9A] =	sst s1  }
0xa: {  	[smem:$0x3F9B] =	sst s2  }
0xb: {  	[smem:$0x3F9C] =	sst s3  }
0xc: {  	[smem:$0x3F9D] =	sst s4  }
0xd: {  	[smem:$0x3F9E] =	sst s5  }
0xe: {  	[smem:$0x3F9F] =	sst s6  }
0xf: {  	[smem:$0x3FA0] =	sst s7  }
0x10: {  	[smem:$0x3FA1] =	sst s8  }
0x11: {  	[smem:$0x3FA2] =	sst s9;
	s0 =	simm.s32 @!p0 $0x0  }
0x12: {  	s1 =	sld [smem:$0x3F88];
	s0 =	simm.s32 @p0 $0x1  }
0x13: {  	[smem:$0x3FA3] =	sst s0;
	s0 =	simm.s32 @!p1 $0x0  }
0x14: {  	s2 =	sld [smem:$0x3F87];
	s0 =	simm.s32 @p1 $0x1  }
0x15: {  	[smem:$0x3FA4] =	sst s0;
	s0 =	simm.s32 @!p2 $0x0  }
0x16: {  	s3 =	sld [smem:$0x3FDB];
	s0 =	simm.s32 @p2 $0x1  }
0x17: {  	s4 =	simm.s32 $0x1BF5;
	[smem:$0x3FA6] =	sst s0  }
0x18: {  	s0 =	sld [smem:$0x3F89];
	_ =	swait.ge [sflag:s4], $0x0  }
0x19: {  	s7 =	sld [smem:$0x3F8A]  }
0x1a: {  	s8 =	sadd.s32 $0xFFFFE003, lr  }
0x1b: {  	s9 =	sadd.s32 $0xFFFFFEF7, lr;
	s5 =	simm.s32 $0xFFFFFFFF;
	p2 =	slt.u32 s8, $0xFFFFF086  }
0x1c: {  	p1 =	slt.u32 s9, $0xF7A;
	s5 =	simm.s32 @!p2 $0x0  }
0x1d: {  	s5 =	simm.s32 @p1 $0x1;
	p0 =	seq.s32 s7, s2  }
0x1e: {  	s7 =	smul.u32 @!p0 $0xF7A, s2;
	p2 =	seq.s32 @!p0 s5, $0x0  }
0x1f: {  	s9 =	smul.u32 $0xF7A, s1;
	s8 =	simm.s32 @!p0 $0x1BF5;
	p2 =	por !p2, p0  }
0x20: {  	[sflag:s8] =	ssyncset.s32 @!p0 $0xFFFFF086;
	s6 =	sadd.s32 @!p0 s3, s7;
	s7 =	simm.s32 @!p0 $0x108  }
0x21: {  	s3 =	sadd.s32 s3, s9;
	s6 =	sadd.s32 @!p0 $0x88, s6;
	s7 =	simm.s32 @p2 $0x1082  }
0x22: {  	[simem:s7], [sflag:s8] =	dma.local @!p0 [hbm:s6], $0xF7A  }
0x23: {  	s9 =	sor.u32 $0xD0000000, s2;
	s6 =	simm.s32 $0x108;
	_ =	swait.ge @!p0 [sflag:s8], $0x0  }
0x24: {  	s3 =	sadd.s32 $0x88, s3;
	s6 =	simm.s32 @!p1 $0x1082;
	[sflag:s4] =	ssyncset.s32 $0xFFFFF086  }
0x25: {  	[simem:s6], [sflag:s4] =	dma.local [hbm:s3], $0xF7A  }
0x26: {  	[smem:$0x3F8A] =	sst s1;
	(tag) =	ssettag s2;
	_ =	strace s9  }
0x27: {  	s1 =	sld [smem:$0x3F9A]  }
0x28: {  	s2 =	sld [smem:$0x3F9B]  }
0x29: {  	s4 =	sld [smem:$0x3F9D]  }
0x2a: {  	p0 =	seq.s32 s5, $0x0;
	s5 =	sld [smem:$0x3F9E]  }
0x2b: {  	s6 =	sld [smem:$0x3F9F]  }
0x2c: {  	s7 =	sld [smem:$0x3FA0]  }
0x2d: {  	s3 =	simm.s32 $0x108;
	s8 =	sld [smem:$0x3FA1]  }
0x2e: {  	s3 =	simm.s32 @!p0 $0x1082;
	s9 =	sld [smem:$0x3FA2]  }
0x2f: {  	lr =	sadd.s32 s0, s3;
	s0 =	sld [smem:$0x3F99]  }
0x30: {  	s3 =	sld [smem:$0x3F9C]  }
0x31: {  	[smem:$0x3FA5] =	sst s10  }
0x32: {  	s10 =	sld [smem:$0x3FA3];
	_ =	sdelay $0x3  }
0x33: {  	p0 =	seq.s32 s10, $0x1;
	s10 =	sld [smem:$0x3FA5];
	_ =	sdelay $0x3  }
0x34: {  	[smem:$0x3FA5] =	sst s10  }
0x35: {  	s10 =	sld [smem:$0x3FA4];
	_ =	sdelay $0x3  }
0x36: {  	p1 =	seq.s32 s10, $0x1;
	s10 =	sld [smem:$0x3FA5];
	_ =	sdelay $0x3  }
0x37: {  	[smem:$0x3FA5] =	sst s10  }
0x38: {  	s10 =	sld [smem:$0x3FA6]  }
0x39: {  	_ = 	snop;
	(pc) =	sbr.ind lr, $3  }
0x3a: {  	_ = 	snop  }
0x3b: {  	_ = 	snop  }
0x3c: {  	p2 =	seq.s32 s10, $0x1;
	s10 =	sld [smem:$0x3FA5]  }
0x3d: {  	_ =	shalt  }
0x3e: {  	_ =	shalt  }
0x3f: {  	_ =	shalt  }
0x40: {  	_ =	shalt  }
0x41: {  	_ =	shalt  }
0x42: {  	_ =	shalt  }
0x43: {  	_ =	shalt  }
0x44: {  	_ =	shalt  }
0x45: {  	_ =	shalt  }
0x46: {  	_ =	shalt  }
0x47: {  	_ =	shalt  }
0x48: {  	_ =	shalt  }
0x49: {  	_ =	shalt  }
0x4a: {  	_ =	shalt  }
0x4b: {  	_ =	shalt  }
0x4c: {  	_ =	shalt  }
0x4d: {  	_ =	shalt  }
0x4e: {  	_ =	shalt  }
0x4f: {  	_ =	shalt  }
0x50: {  	_ =	shalt  }
0x51: {  	_ =	shalt  }
0x52: {  	_ =	shalt  }
0x53: {  	_ =	shalt  }
0x54: {  	_ =	shalt  }
0x55: {  	_ =	shalt  }
0x56: {  	_ =	shalt  }
0x57: {  	_ =	shalt  }
0x58: {  	_ =	shalt  }
0x59: {  	_ =	shalt  }
0x5a: {  	_ =	shalt  }
0x5b: {  	_ =	shalt  }
0x5c: {  	_ =	shalt  }
0x5d: {  	_ =	shalt  }
0x5e: {  	_ =	shalt  }
0x5f: {  	_ =	shalt  }
0x60: {  	_ =	shalt  }
0x61: {  	_ =	shalt  }
0x62: {  	_ =	shalt  }
0x63: {  	_ =	shalt  }
0x64: {  	_ =	shalt  }
0x65: {  	_ =	shalt  }
0x66: {  	_ =	shalt  }
0x67: {  	_ =	shalt  }
0x68: {  	_ =	shalt  }
0x69: {  	_ =	shalt  }
0x6a: {  	_ =	shalt  }
0x6b: {  	_ =	shalt  }
0x6c: {  	_ =	shalt  }
0x6d: {  	_ =	shalt  }
0x6e: {  	_ =	shalt  }
0x6f: {  	_ =	shalt  }
0x70: {  	_ =	shalt  }
0x71: {  	_ =	shalt  }
0x72: {  	_ =	shalt  }
0x73: {  	_ =	shalt  }
0x74: {  	_ =	shalt  }
0x75: {  	_ =	shalt  }
0x76: {  	_ =	shalt  }
0x77: {  	_ =	shalt  }
0x78: {  	_ =	shalt  }
0x79: {  	_ =	shalt  }
0x7a: {  	_ =	shalt  }
0x7b: {  	_ =	shalt  }
0x7c: {  	_ =	shalt  }
0x7d: {  	_ =	shalt  }
0x7e: {  	_ =	shalt  }
0x7f: {  	_ =	shalt  }
0x80: {  	_ =	shalt  }
0x81: {  	_ =	shalt  }
0x82: {  	_ =	shalt  }
0x83: {  	_ =	shalt  }
0x84: {  	_ =	shalt  }
0x85: {  	_ =	shalt  }
0x86: {  	_ =	shalt  }
0x87: {  	_ =	shalt  }
.Lfunc_end0:
.L_simem_size_0:
called_computation.2_lowered:
.L_overlay_start_0:
0x88: {  	s2 =	sld [smem:$0x3FD9]  }
0x89: {  	s3 =	sld [smem:$0x3FFE];
	_ =	sdelay $0x1  }
0x8a: {  	s1 =	srdreg.scid  }
0x8b: {  	s0 =	sand.u32 $0x1, s1  }
0x8c: {  	s17 =	sshll.u32 s0, $0xA;
	s2 =	sadd.s32 s3, s2  }
0x8d: {  	s2 =	sadd.s32 s2, s17  }
0x8e: {  	[smem:$0x3FB1] =	sst s2  }
0x8f: {  	_ = 	snop  }
0x90: {  	s2 =	sld [smem:$0x3FD0];
	(tm) =	ssettm $0x1  }
0x91: {  	s18 =	sld [smem:$0x3FFB];
	_ =	sdelay $0x3  }
0x92: {  	_ =	strace s18  }
0x93: {  	s3 =	sld [smem:$0x3FFC];
	_ =	sdelay $0x3  }
0x94: {  	_ =	strace s3  }
0x95: {  	s3 =	sld [smem:$0x3FFD];
	_ =	sdelay $0x3  }
0x96: {  	_ =	strace s3  }
0x97: {  	_ =	strace $0x8FFFFFFF  }
0x98: {  	s19 =	sld [smem:$0x3FDB];
	_ =	sdelay $0x1  }
0x99: {  	s4 =	simm.s32 $_scs_section_size  }
0x9a: {  	s5 =	simm.s32 $_size__tile_overlayer_lowered;
	s6 =	simm.s32 $_tile_overlayer_lowered  }
0x9b: {  	s22 =	simm.s32 $0x1BFF;
	s21 =	sshll.u32 s6, $0x1;
	s3 =	sadd.s32 s4, s19  }
0x9c: {  	s7 =	simm.s32 $0x0;
	s20 =	sshll.u32 s5, $0x1;
	s5 =	sadd.s32 s21, s3  }
0x9d: {  	[timem:s7], [sflag:s22] =	dma.local [hbm:s5], s20  }
0x9e: {  	_ =	swait.ge [sflag:s22], s20  }
0x9f: {  	s4 =	ssub.s32 $0x0, s20;
	[sflag:s22] =	ssyncset.done $0x0  }
0xa0: {  	[sflag:s22] =	ssyncadd.s32 s4;
	_ =	sdelay $0x1  }
0xa1: {  	s23 =	simm.s32 $0x1B8B  }
0xa2: {  	_ =	swait.ge [sflag:s23], $0x1  }
0xa3: {  	[sflag:s23] =	ssyncset.done $0x0  }
0xa4: {  	s25 =	simm.s32 $0x1B8E;
	s24 =	sld [smem:$0x3FFE];
	[sflag:s23] =	ssyncadd.s32 $0xFFFFFFFF  }
0xa5: {  	s26 =	simm.s32 $execute0_lowered;
	[smem:$0x3FD2] =	sst s25  }
0xa6: {  	s5 =	sshll.u32 s26, $0x1;
	_ =	strace $0x8000004C;
	[dreg:$0x1] =	wrdreg $0xFFFFFFFF  }
0xa7: {  	s28 =	simm.s32 $_size_execute0_lowered;
	s3 =	sadd.s32 s3, s5;
	[dreg:$0x0] =	wrdreg $0x0  }
0xa8: {  	s5 =	sshll.u32 s28, $0x1;
	[dreg:$0x2] =	wrdreg s3  }
0xa9: {  	[dreg:$0x3] =	wrdreg s5  }
0xaa: {  	[dreg:$0x4] =	wrdreg $0xC0  }
0xab: {  	_ =	task [dreg:s7], $0x5FFFF  }
0xac: {  	[dreg:$0x1] =	wrdreg $0xFFFFFFFF  }
0xad: {  	[dreg:$0x0] =	wrdreg $0x60  }
0xae: {  	[dreg:$0x2] =	wrdreg s24  }
0xaf: {  	[dreg:$0x3] =	wrdreg s2  }
0xb0: {  	[dreg:$0x4] =	wrdreg $0xA6800  }
0xb1: {  	[dreg:$0x5] =	wrdreg $0x9  }
0xb2: {  	_ =	task.clear_ibuf [dreg:s7], $0x6FFFF;
	_ =	strace $0x9000004C  }
0xb3: {  	s29 =	simm.s32 $0x9;
	_ =	strace $0x8000004E  }
0xb4: {  	_ =	swait.ge [sflag:s29], $0x1  }
0xb5: {  	[sflag:s29] =	ssyncadd.s32 $0xFFFFFFFF  }
0xb6: {  	_ =	strace $0x9000004E  }
0xb7: {  	_ =	sfence  }
0xb8: {  	s30 =	sld [smem:$0x0];
	_ =	sdelay $0x2  }
0xb9: {  	s31 =	sshll.u32 s1, $0xD;
	s1 =	sshrl.u32 s1, $0x2  }
0xba: {  	s3 =	sand.u32 $0x4000, s31;
	s1 =	sadd.s32 s1, s30  }
0xbb: {  	s0 =	sor.u32 s3, s0;
	s1 =	sshll.u32 s1, $0x11  }
0xbc: {  	s0 =	sor.u32 s1, s0  }
0xbd: {  	s0 =	sadd.s32 $0x8F2B, s0  }
0xbe: {  	[sflag:s0] =	ssyncadd.remote.s32 $0x1  }
0xbf: {  	_ =	sfence.sel $0xFFFF  }
0xc0: {  	[dreg:$0x0] =	wrdreg $0xFFFFFFFF;
	(pc) =	sbr.abs _section_cstart, $3  }
0xc1: {  	[dreg:$0x1] =	wrdreg $0xFFFFFFFF  }
0xc2: {  	_ =	task.clear_ibuf [dreg:s7], $0x2FFFF;
	_ =	strace $0x9FFFFFFF  }
0xc3: {  	(tm) =	ssettm $0x7FFFFFFF  }
tec
execute0_lowered:
.L_overlay_start_1:
0x0: {  	(tag) =	ssettag $0x1  }
0x1: {  	s0 =	rddreg [dreg:$0x0]  }
0x2: {  	s2 =	rddreg [dreg:$0x2]  }
0x3: {  	s4 =	simm.s32 $0x0;
	s1 =	srdreg.scid;
	s3 =	stileid.u32  }
0x4: {  	s16 =	simm.s32 $0xA400;
	s17 =	simm.s32 $0x2;
	s18 =	simm.s32 $0x50  }
0x5: {  	s19 =	simm.s32 $0x5480;
	s20 =	simm.s32 $0x7C80;
	s21 =	simm.s32 $0x1  }
0x6: {  	s22 =	simm.s32 $0x5380;
	s25 =	simm.s32 $0x0;
	[smem:$0x7FF] =	sst s4  }
0x7: {  	s1 =	sand.u32 $0x1, s1;
	s5 =	sadd.s32 $0x24E00, s0;
	s10 =	smul.u32 $0x2710, s3  }
0x8: {  	s6 =	sshll.u32 s3, $0x1;
	s7 =	sshrl.u32 s3, $0x2;
	s30 =	smul.u32 $0x4E200, s3  }
0x9: {  	s8 =	sadd.s32 $0x15400, s0;
	_ =	strace $0x8000004D;
	s9 =	smul.u32 $0x27100, s1  }
0xa: {  	s11 =	sor.u32 s1, s6;
	s6 =	sadd.s32 $0x4C000, s0;
	s12 =	smul.u32 $0x13C00, s7  }
0xb: {  	vm13 =	vcmask $0x3B38;
	s7 =	sadd.s32 $0x5A00, s0;
	s1 =	ssub.s32 $0x2, s1;
	s13 =	sshll.u32 s11, $0x7  }
0xc: {  	v0 =	vimm.f32 $0.0e+00;
	vm0 =	vcmask $0x704;
	vm14 =	vcmask $0x3F3C;
	s29 =	sshrl.u32 s1, $0x1;
	s31 =	sshrl.u32 s30, $0x2;
	s13 =	sand.u32 $0x380, s13  }
0xd: {  	vm1 =	vcmask $0xB08;
	vm2 =	vcmask $0xF0C;
	vm3 =	vcmask $0x1310;
	s9 =	sadd.s32 s10, s9;
	s1 =	ssub.s32 s1, s29;
	s28 =	sor.u32 s12, s13  }
0xe: {  	vm4 =	vcmask $0x1714;
	vm5 =	vcmask $0x1B18;
	vm6 =	vcmask $0x1F1C;
	s14 =	sadd.s32 s9, s0;
	s9 =	smul.u32 $0x7D, s11;
	s10 =	sshrl.u32 s28, $0x3  }
0xf: {  	vm7 =	vcmask $0x2320;
	vm8 =	vcmask $0x2724;
	vm9 =	vcmask $0x2B28;
	s11 =	sadd.s32 s31, s2;
	s13 =	smax.u32 s1, $0x1;
	s0 =	sadd.s32 s10, s0  }
0x10: {  	vm10 =	vcmask $0x2F2C;
	vm11 =	vcmask $0x3330;
	vm12 =	vcmask $0x3734;
	s10 =	sadd.s32 $0x4CA00, s14;
	s14 =	simm.s32 $0x3;
	s12 =	sadd.s32 $0x9AC00, s0  }
.LBB2_1:
0x11: {  	[tilespmem:s4], [sflag:$0x3] =	stream.linear.gather [hbm4b:s6+s4], $0x4E80, $0x38;
	[tilespmem:$0x1DF00] =	vst v63  }
0x12: {  	_ =	swait.ge [sflag:s14], $0x4E80  }
0x13: {  	[sflag:s14] =	ssyncset.done $0x0  }
0x14: {  	[sflag:s14] =	ssyncadd.s32 $0xFFFFB180  }
0x15: {  	s1 =	simm.s32 $0x5400;
	s0 =	rddreg [dreg:$0x1]  }
0x16: {  	[tilespmem:s1], [sflag:$0x3] =	stream.linear.gather [hbm4b:s0+s4], $0x10, $0x38;
	[tilespmem:$0x1DF00] =	vst v63  }
0x17: {  	_ =	swait.ge [sflag:s14], $0x10  }
0x18: {  	[sflag:s14] =	ssyncset.done $0x0  }
0x19: {  	s0 =	simm.s32 $0x0;
	s1 =	simm.s32 $0x0;
	[sflag:s14] =	ssyncadd.s32 $0xFFFFFFF0  }
.LBB2_2:
0x1a: {  	p0 =	sne.s32 s1, $0x9C0  }
.Ltmp0:
0x1b: {  	_ = 	snop;
	(pc) =	sbr.rel @p0 .LBB2_2-.Ltmp0, $4  }
0x1c: {  	s15 =	sand.u32 $0xE00, s1  }
0x1d: {  	s26 =	sand.u32 $0x70, s0;
	s15 =	sshrl.u32 s15, $0x2  }
0x1e: {  	s15 =	sor.u32 s26, s15  }
0x1f: {  	s0 =	sadd.s32 $0x10, s0;
	s1 =	sadd.s32 $0x40, s1;
	[tilespmem:s15+$0xA400] =	vst v0  }
0x20: {  	s0 =	simm.s32 $0x0  }
.LBB2_4:
0x21: {  	p0 =	sne.s32 s0, $0x4D800  }
.Ltmp1:
0x22: {  	_ = 	snop;
	(pc) =	sbr.rel @p0 .LBB2_4-.Ltmp1, $4  }
0x23: {  	_ = 	snop  }
0x24: {  	s1 =	sshra.s32 s0, $0x2  }
0x25: {  	s0 =	sadd.s32 $0xA00, s0;
	s1 =	sadd.s32 s1, s11  }
0x26: {  	[spmem:s1] =	stream.linear.scatter [tilespmem:s16], [sflag:$0x2], $0x280, $0x38;
	[tilespmem:$0x1DF00] =	vst v63  }
0x27: {  	s0 =	simm.s32 $0x7D  }
.LBB2_6:
0x28: {  	p0 =	sne.s32 s0, $0x1  }
.Ltmp2:
0x29: {  	_ = 	snop;
	(pc) =	sbr.rel @p0 .LBB2_6-.Ltmp2, $4  }
0x2a: {  	_ = 	snop  }
0x2b: {  	_ =	swait.ge [sflag:s17], $0x50  }
0x2c: {  	[sflag:s17] =	ssyncset.done $0x0  }
0x2d: {  	s0 =	sadd.s32 $0xFFFFFFFF, s0;
	[sflag:s17] =	ssyncadd.s32 $0xFFFFFFB0  }
0x2e: {  	s0 =	simm.s32 $0x40;
	s1 =	simm.s32 $0x0  }
.LBB2_8:
0x2f: {  	p0 =	sne.s32 s0, $0x9C00;
	[tilespmem:s1+$0x7C80] =	vst v0;
	s1 =	smov.u32 s0;
	s0 =	sadd.s32 $0x40, s0  }
.Ltmp3:
0x30: {  	(pc) =	sbr.rel @p0 .LBB2_8-.Ltmp3, $2  }
0x31: {  	_ =	sdelay $0x2  }
0x32: {  	s1 =	sshra.s32 s1, $0x2  }
0x33: {  	[tilespmem:s1+$0x7C80] =	vst v0  }
0x34: {  	[bflag:$0x0] =	sbarrier.arrive $0xFFFF  }
0x35: {  	s26 =	simm.s32 $0x0;
	s28 =	simm.s32 $0x4E80;
	s29 =	simm.s32 $0x5100;
	v1 =	vld [tilespmem:$0x5400]  }
.LBB2_10:
0x36: {  	s0 =	smul.u32 $0xCD, s26;
	_ =	sdelay $0x1  }
0x37: {  	s0 =	sshrl.u32 s0, $0xA  }
0x38: {  	s0 =	sand.u32 $0x3F, s0  }
0x39: {  	s0 =	smul.u32 $0x5, s0;
	_ =	sdelay $0x1  }
0x3a: {  	s0 =	ssub.s32 s26, s0  }
0x3b: {  	s1 =	smulhi.u32 $0xCCCCCCCD, s26;
	s0 =	sand.u32 $0xFF, s0  }
0x3c: {  	p0 =	sne.s32 s0, $0x0  }
0x3d: {  	s1 =	sshrl.u32 s1, $0x2;
	s15 =	sadd.s32 @!p0 s9, s26  }
0x3e: {  	s1 =	smul.u32 $0xFFFFF600, s1;
	s15 =	sshll.u32 @!p0 s15, $0x4  }
0x3f: {  	s31 =	simm.s32 @!p0 $0x0;
	s23 =	simm.s32 @!p0 $0x4E80;
	s30 =	sadd.s32 @!p0 s7, s15  }
0x40: {  	[tilespmem:s23], [sflag:$0x3] =	stream.linear.gather @!p0 [hbm4b:s30+s31], $0x280, $0x38;
	[tilespmem:$0x1DF00] =	vst v63  }
0x41: {  	s23 =	simm.s32 @!p0 $0x3  }
0x42: {  	s1 =	sshra.s32 s1, $0x2;
	_ =	swait.ge @!p0 [sflag:s23], $0x280  }
0x43: {  	s24 =	simm.s32 @!p0 $0x5100;
	s15 =	sadd.s32 @!p0 s8, s15;
	[sflag:s23] =	ssyncset.done @!p0 $0x0  }
0x44: {  	s30 =	sadd.s32 s1, s29;
	s1 =	sadd.s32 s1, s28;
	[sflag:s23] =	ssyncadd.s32 @!p0 $0xFFFFFD80  }
0x45: {  	v2 =	vmov s30;
	[tilespmem:s24], [sflag:$0x3] =	stream.linear.gather @!p0 [hbm4b:s15+s31], $0x280, $0x38;
	[tilespmem:$0x1DF00] =	vst v63  }
0x46: {  	v4 =	vmov s1;
	_ =	swait.ge @!p0 [sflag:s23], $0x280  }
0x47: {  	s30 =	sshll.u32 s0, $0x7;
	[sflag:s23] =	ssyncset.done @!p0 $0x0  }
0x48: {  	s0 =	sadd.s32 $0x4E80, s30;
	s31 =	simm.s32 $0x0;
	[sflag:s23] =	ssyncadd.s32 @!p0 $0xFFFFFD80  }
0x49: {  	[tilespmem:s19], [sflag:$0x1] =	stream.indirect.gather [hbm4b:s5+s18], $0x80, s0, s18, $0xb8;
	[tilespmem:$0x1DF00] =	vst v63  }
0x4a: {  	v3 =	vld.idx.msk [tilespmem:v2+s31+$0x0 ss:$0x1], $0xffff  }
0x4b: {  	v5 =	vld.idx.msk [tilespmem:v4+s31+$0x0 ss:$0x1], $0xffff;
	_ =	sdelay $0x4  }
0x4c: {  	v6 =	vshll.u32 v3, $0x1;
	v5 =	vshll.u32 v5, $0x1  }
0x4d: {  	v6 =	vor.u32 $0x1, v6;
	_ =	sdelay $0x3  }
0x4e: {  	v5 =	vld.idx.msk [tilespmem:v5+s4+$0x0], $0xffff  }
0x4f: {  	v6 =	vld.idx.msk [tilespmem:v6+s4+$0x0], $0xffff;
	_ =	sdelay $0x4  }
0x50: {  	v5 =	vadd.f32 v6, v5  }
0x51: {  	v7 =	vadd.f32 v6, v1  }
0x52: {  	v9 =	vimm.s32 $0x0;
	vm15 =	vge.f32 v5, $0.0e+00  }
0x53: {  	v6 =	vmul.f32 $2.000000030e-01, v7;
	v9 =	vsel vm15, $0xFFFFFFFF, v9  }
0x54: {  	vm15 =	vge.f32 v7, $0.0e+00;
	[tilespmem:$0x1FFF0] =	vst v9  }
0x55: {  	v6 =	vsel vm15, v7, v6;
	v7 =	vld [tilespmem:$0x1FFF0];
	_ =	sdelay $0x3  }
0x56: {  	v8 =	vmul.f32 $2.000000030e-01, v5  }
0x57: {  	vm15 =	vnez.u8 v7  }
0x58: {  	v5 =	vsel vm15, v5, v8  }
0x59: {  	v5 =	vsub.f32 v5, v6;
	_ =	sdelay $0x1  }
0x5a: {  	v5 =	vmax.f32 v5, $-8.700000000e+01  }
0x5b: {  	v6 =	vmul.f32 $1.442695020e+00, v5;
	_ =	sdelay $0x1  }
0x5c: {  	v6 =	vadd.f32 $-5.000000000e-01, v6;
	_ =	sdelay $0x1  }
0x5d: {  	v6 =	vtrunc.f32 v6  }
0x5e: {  	v6 =	vcvt.f32.s32 v6;
	_ =	sdelay $0x1  }
0x5f: {  	v7 =	vcvt.s32.f32 v6;
	_ =	sdelay $0x1  }
0x60: {  	v63 =	vmul.f32 $-6.931457510e-01, v7;
	_ =	sdelay $0x1  }
0x61: {  	v7 =	vmul.f32 $-1.428606770e-06, v7;
	v5 =	vadd.f32 v63, v5;
	_ =	sdelay $0x1  }
0x62: {  	v5 =	vadd.f32 v7, v5;
	_ =	sdelay $0x1  }
0x63: {  	v7 =	vmul.f32 $1.388888920e-03, v5;
	_ =	sdelay $0x1  }
0x64: {  	v7 =	vadd.f32 $8.333333770e-03, v7;
	_ =	sdelay $0x1  }
0x65: {  	v7 =	vmul.f32 v7, v5;
	_ =	sdelay $0x1  }
0x66: {  	v7 =	vadd.f32 $4.166666790e-02, v7;
	_ =	sdelay $0x1  }
0x67: {  	v7 =	vmul.f32 v7, v5;
	_ =	sdelay $0x1  }
0x68: {  	v7 =	vadd.f32 $1.666666720e-01, v7;
	_ =	sdelay $0x1  }
0x69: {  	v7 =	vmul.f32 v7, v5;
	_ =	sdelay $0x1  }
0x6a: {  	v7 =	vadd.f32 $5.000000000e-01, v7;
	_ =	sdelay $0x1  }
0x6b: {  	v7 =	vmul.f32 v7, v5;
	_ =	sdelay $0x1  }
0x6c: {  	v7 =	vadd.f32 $1.000000000e+00, v7;
	_ =	sdelay $0x1  }
0x6d: {  	v5 =	vmul.f32 v7, v5;
	_ =	sdelay $0x1  }
0x6e: {  	v6 =	vshll.u32 v6, $0x17;
	v5 =	vadd.f32 $1.000000000e+00, v5  }
0x6f: {  	v6 =	vadd.s32 $0x3F800000, v6  }
0x70: {  	v5 =	vmul.f32 v6, v5;
	_ =	sdelay $0x1  }
0x71: {  	[tilespmem:s31+$0x5380] =	vst v5  }
0x72: {  	[tilespmem:v3+s20+$0x0] =	vst.idx.add.f32.msk $0x1, v5  }
0x73: {  	[tilespmem:v3+s20+$0x0] =	vst.idx.add.f32.msk vm0, v5  }
0x74: {  	[tilespmem:v3+s20+$0x0] =	vst.idx.add.f32.msk vm1, v5  }
0x75: {  	[tilespmem:v3+s20+$0x0] =	vst.idx.add.f32.msk vm2, v5  }
0x76: {  	[tilespmem:v3+s20+$0x0] =	vst.idx.add.f32.msk vm3, v5  }
0x77: {  	[tilespmem:v3+s20+$0x0] =	vst.idx.add.f32.msk vm4, v5  }
0x78: {  	[tilespmem:v3+s20+$0x0] =	vst.idx.add.f32.msk vm5, v5  }
0x79: {  	[tilespmem:v3+s20+$0x0] =	vst.idx.add.f32.msk vm6, v5  }
0x7a: {  	[tilespmem:v3+s20+$0x0] =	vst.idx.add.f32.msk vm7, v5  }
0x7b: {  	[tilespmem:v3+s20+$0x0] =	vst.idx.add.f32.msk vm8, v5  }
0x7c: {  	[tilespmem:v3+s20+$0x0] =	vst.idx.add.f32.msk vm9, v5  }
0x7d: {  	[tilespmem:v3+s20+$0x0] =	vst.idx.add.f32.msk vm10, v5  }
0x7e: {  	[tilespmem:v3+s20+$0x0] =	vst.idx.add.f32.msk vm11, v5  }
0x7f: {  	s0 =	simm.s32 $0x40;
	[tilespmem:v3+s20+$0x0] =	vst.idx.add.f32.msk vm12, v5  }
.LBB2_11:
0x80: {  	p0 =	sne.s32 s0, $0x100;
	[tilespmem:v3+s20+$0x0] =	vst.idx.add.f32.msk vm13, v5;
	s1 =	smov.u32 s0;
	s0 =	sadd.s32 $0x40, s0  }
0x81: {  	s1 =	sshra.s32 s1, $0x2;
	[tilespmem:v3+s20+$0x0] =	vst.idx.add.f32.msk vm14, v5  }
0x82: {  	v3 =	vld.idx.msk [tilespmem:v2+s1+$0x0 ss:$0x1], $0xffff  }
0x83: {  	v5 =	vld.idx.msk [tilespmem:v4+s1+$0x0 ss:$0x1], $0xffff;
	_ =	sdelay $0x4  }
0x84: {  	v6 =	vshll.u32 v3, $0x1  }
0x85: {  	v5 =	vshll.u32 v5, $0x1;
	v6 =	vor.u32 $0x1, v6;
	_ =	sdelay $0x4  }
0x86: {  	v6 =	vld.idx.msk [tilespmem:v6+s4+$0x0], $0xffff;
	_ =	sdelay $0x1  }
0x87: {  	v5 =	vld.idx.msk [tilespmem:v5+s4+$0x0], $0xffff  }
0x88: {  	vm14 =	vmmov vm13;
	vm13 =	vmmov vm12;
	vm12 =	vmmov vm11  }
0x89: {  	vm11 =	vmmov vm10;
	vm10 =	vmmov vm9;
	vm9 =	vmmov vm8  }
0x8a: {  	vm8 =	vmmov vm7;
	vm7 =	vmmov vm6;
	v7 =	vadd.f32 v6, v1  }
0x8b: {  	vm6 =	vmmov vm5;
	vm5 =	vmmov vm4;
	vm4 =	vmmov vm3  }
0x8c: {  	vm3 =	vmmov vm2;
	v5 =	vadd.f32 v6, v5;
	v6 =	vmul.f32 $2.000000030e-01, v7  }
0x8d: {  	vm2 =	vmmov vm1;
	vm1 =	vmmov vm0;
	vm0 =	vge.f32 v7, $0.0e+00  }
0x8e: {  	vm15 =	vge.f32 v5, $0.0e+00;
	v8 =	vmul.f32 $2.000000030e-01, v5;
	v6 =	vsel vm0, v7, v6  }
0x8f: {  	vm0 =	vmmov vm1;
	vm1 =	vmmov vm2;
	vm2 =	vmmov vm3  }
0x90: {  	vm3 =	vmmov vm4;
	vm4 =	vmmov vm5;
	vm5 =	vmmov vm6  }
0x91: {  	vm6 =	vmmov vm7;
	vm7 =	vmmov vm8;
	vm8 =	vmmov vm9  }
0x92: {  	vm9 =	vmmov vm10;
	vm10 =	vmmov vm11;
	vm11 =	vmmov vm12  }
0x93: {  	vm12 =	vmmov vm13;
	vm13 =	vmmov vm14;
	vm14 =	vcmask $0x3F3C  }
0x94: {  	v5 =	vsel vm15, v5, v8  }
0x95: {  	v5 =	vsub.f32 v5, v6;
	_ =	sdelay $0x1  }
0x96: {  	v5 =	vmax.f32 v5, $-8.700000000e+01  }
0x97: {  	v6 =	vmul.f32 $1.442695020e+00, v5;
	_ =	sdelay $0x1  }
0x98: {  	v6 =	vadd.f32 $-5.000000000e-01, v6;
	_ =	sdelay $0x1  }
0x99: {  	v6 =	vtrunc.f32 v6  }
0x9a: {  	v6 =	vcvt.f32.s32 v6;
	_ =	sdelay $0x1  }
0x9b: {  	v7 =	vcvt.s32.f32 v6;
	v6 =	vshll.u32 v6, $0x17;
	_ =	sdelay $0x1  }
0x9c: {  	v8 =	vmul.f32 $-6.931457510e-01, v7  }
0x9d: {  	v7 =	vmul.f32 $-1.428606770e-06, v7  }
0x9e: {  	v5 =	vadd.f32 v8, v5;
	_ =	sdelay $0x1  }
0x9f: {  	v5 =	vadd.f32 v7, v5;
	_ =	sdelay $0x1  }
0xa0: {  	v7 =	vmul.f32 $1.388888920e-03, v5;
	_ =	sdelay $0x1  }
0xa1: {  	v7 =	vadd.f32 $8.333333770e-03, v7;
	_ =	sdelay $0x1  }
0xa2: {  	v7 =	vmul.f32 v7, v5;
	_ =	sdelay $0x1  }
0xa3: {  	v7 =	vadd.f32 $4.166666790e-02, v7;
	_ =	sdelay $0x1  }
0xa4: {  	v7 =	vmul.f32 v7, v5;
	_ =	sdelay $0x1  }
0xa5: {  	v7 =	vadd.f32 $1.666666720e-01, v7;
	_ =	sdelay $0x1  }
0xa6: {  	v7 =	vmul.f32 v7, v5;
	_ =	sdelay $0x1  }
0xa7: {  	v7 =	vadd.f32 $5.000000000e-01, v7;
	_ =	sdelay $0x1  }
0xa8: {  	v7 =	vmul.f32 v7, v5;
	_ =	sdelay $0x1  }
0xa9: {  	v7 =	vadd.f32 $1.000000000e+00, v7;
	_ =	sdelay $0x1  }
0xaa: {  	v5 =	vmul.f32 v7, v5;
	_ =	sdelay $0x1  }
0xab: {  	v6 =	vadd.s32 $0x3F800000, v6;
	v5 =	vadd.f32 $1.000000000e+00, v5;
	_ =	sdelay $0x1  }
0xac: {  	v5 =	vmul.f32 v6, v5;
	_ =	sdelay $0x1  }
0xad: {  	[tilespmem:s1+$0x5380] =	vst v5  }
0xae: {  	[tilespmem:v3+s20+$0x0] =	vst.idx.add.f32.msk $0x1, v5  }
0xaf: {  	[tilespmem:v3+s20+$0x0] =	vst.idx.add.f32.msk vm0, v5  }
0xb0: {  	[tilespmem:v3+s20+$0x0] =	vst.idx.add.f32.msk vm1, v5  }
0xb1: {  	[tilespmem:v3+s20+$0x0] =	vst.idx.add.f32.msk vm2, v5  }
0xb2: {  	[tilespmem:v3+s20+$0x0] =	vst.idx.add.f32.msk vm3, v5  }
0xb3: {  	[tilespmem:v3+s20+$0x0] =	vst.idx.add.f32.msk vm4, v5  }
0xb4: {  	[tilespmem:v3+s20+$0x0] =	vst.idx.add.f32.msk vm5, v5  }
0xb5: {  	[tilespmem:v3+s20+$0x0] =	vst.idx.add.f32.msk vm6, v5  }
0xb6: {  	[tilespmem:v3+s20+$0x0] =	vst.idx.add.f32.msk vm7, v5  }
.Ltmp4:
0xb7: {  	[tilespmem:v3+s20+$0x0] =	vst.idx.add.f32.msk vm8, v5;
	(pc) =	sbr.rel @p0 .LBB2_11-.Ltmp4, $4  }
0xb8: {  	[tilespmem:v3+s20+$0x0] =	vst.idx.add.f32.msk vm9, v5  }
0xb9: {  	[tilespmem:v3+s20+$0x0] =	vst.idx.add.f32.msk vm10, v5  }
0xba: {  	[tilespmem:v3+s20+$0x0] =	vst.idx.add.f32.msk vm11, v5  }
0xbb: {  	[tilespmem:v3+s20+$0x0] =	vst.idx.add.f32.msk vm12, v5  }
0xbc: {  	_ =	sdelay $0x1  }
0xbd: {  	s0 =	simm.s32 $0x0  }
0xbe: {  	v2 =	vmov s0  }
0xbf: {  	v2 =	vand.u32 $0xFFFFFFFC, v2  }
0xc0: {  	[tilespmem:v3+s20+$0x0] =	vst.idx.add.f32.msk vm13, v5;
	v2 =	vbroadcast v2, $0x0  }
0xc1: {  	[tilespmem:v3+s20+$0x0] =	vst.idx.add.f32.msk vm14, v5  }
0xc2: {  	_ =	swait.ge [sflag:s21], $0x2800  }
0xc3: {  	[sflag:s21] =	ssyncset.done $0x0  }
0xc4: {  	s31 =	simm.s32 $0x5580;
	[sflag:s21] =	ssyncadd.s32 $0xFFFFD800  }
0xc5: {  	v4 =	vld [tilespmem:s31+$0xFFFFFF70]  }
0xc6: {  	v2 =	vld.idx.msk [tilespmem:v2+s22+$0x0], $0xffff  }
0xc7: {  	v5 =	vld [tilespmem:s31+$0xFFFFFF00]  }
0xc8: {  	v6 =	vld [tilespmem:s31+$0xFFFFFF20]  }
0xc9: {  	v7 =	vld [tilespmem:s31+$0xFFFFFF30]  }
0xca: {  	v3 =	vld [tilespmem:s31+$0xFFFFFF50]  }
0xcb: {  	v9 =	vld [tilespmem:s31+$0xFFFFFF10];
	v4 =	vmul.f32 v4, v2  }
0xcc: {  	s23 =	simm.s32 $0x1;
	v8 =	vld [tilespmem:s31+$0xFFFFFF60];
	v5 =	vmul.f32 v5, v2  }
0xcd: {  	v10 =	vld [tilespmem:s31+$0xFFFFFF40];
	v6 =	vmul.f32 v6, v2;
	[tilespmem:s31+$0xFFFFFF70] =	vst v4;
	v4 =	vmov s23  }
0xce: {  	v7 =	vmul.f32 v7, v2;
	[tilespmem:s31+$0xFFFFFF00] =	vst v5;
	v4 =	vand.u32 $0xFFFFFFFD, v4  }
0xcf: {  	v3 =	vmul.f32 v3, v2;
	[tilespmem:s31+$0xFFFFFF20] =	vst v6;
	v4 =	vbroadcast v4, $0x0  }
0xd0: {  	v5 =	vmul.f32 v9, v2;
	[tilespmem:s31+$0xFFFFFF30] =	vst v7  }
0xd1: {  	v6 =	vmul.f32 v8, v2;
	[tilespmem:s31+$0xFFFFFF50] =	vst v3  }
0xd2: {  	v2 =	vmul.f32 v10, v2;
	[tilespmem:s31+$0xFFFFFF10] =	vst v5  }
0xd3: {  	[tilespmem:s31+$0xFFFFFF60] =	vst v6  }
0xd4: {  	[tilespmem:s31+$0xFFFFFF40] =	vst v2;
	v2 =	vld [tilespmem:s31+$0xFFFFFF80]  }
0xd5: {  	v4 =	vld.idx.msk [tilespmem:v4+s22+$0x0], $0xffff  }
0xd6: {  	v3 =	vld [tilespmem:s31+$0xFFFFFFA0]  }
0xd7: {  	v5 =	vld [tilespmem:s31+$0xFFFFFF90]  }
0xd8: {  	v6 =	vld [tilespmem:s31+$0xFFFFFFD0]  }
0xd9: {  	v7 =	vld [tilespmem:s31+$0xFFFFFFE0]  }
0xda: {  	v8 =	vld [tilespmem:s31+$0xFFFFFFF0];
	v2 =	vmul.f32 v2, v4  }
0xdb: {  	s24 =	simm.s32 $0x2;
	v9 =	vld [tilespmem:s31+$0xFFFFFFB0];
	v3 =	vmul.f32 v3, v4  }
0xdc: {  	v10 =	vld [tilespmem:s31+$0xFFFFFFC0];
	v5 =	vmul.f32 v5, v4;
	[tilespmem:s31+$0xFFFFFF80] =	vst v2;
	v2 =	vmov s24  }
0xdd: {  	v6 =	vmul.f32 v6, v4;
	[tilespmem:s31+$0xFFFFFFA0] =	vst v3;
	v2 =	vand.u32 $0xFFFFFFFE, v2  }
0xde: {  	v3 =	vmul.f32 v7, v4;
	[tilespmem:s31+$0xFFFFFF90] =	vst v5;
	v5 =	vbroadcast v2, $0x0  }
0xdf: {  	v7 =	vmul.f32 v8, v4;
	[tilespmem:s31+$0xFFFFFFD0] =	vst v6;
	v8 =	vld [tilespmem:s31+$0x30]  }
0xe0: {  	v6 =	vmul.f32 v9, v4;
	v2 =	vld [tilespmem:s31+$0x40];
	[tilespmem:s31+$0xFFFFFFE0] =	vst v3  }
0xe1: {  	v4 =	vmul.f32 v10, v4;
	v3 =	vld [tilespmem:s31+$0x70];
	[tilespmem:s31+$0xFFFFFFF0] =	vst v7  }
0xe2: {  	[tilespmem:s31+$0xFFFFFFB0] =	vst v6;
	v6 =	vld [tilespmem:s31+$0x20]  }
0xe3: {  	[tilespmem:s31+$0xFFFFFFC0] =	vst v4;
	v7 =	vld [tilespmem:s31+$0x0]  }
0xe4: {  	v4 =	vld.idx.msk [tilespmem:v5+s22+$0x0], $0xffff  }
0xe5: {  	s1 =	simm.s32 $0x7;
	s15 =	simm.s32 $0x5580;
	s0 =	simm.s32 $0x3;
	v5 =	vld [tilespmem:s31+$0x10]  }
.LBB2_13:
0xe6: {  	p0 =	sne.s32 s1, $0x4F  }
0xe7: {  	v9 =	vld [tilespmem:s31+$0x50];
	s15 =	sadd.s32 $0x200, s15;
	s23 =	smov.u32 s1;
	s1 =	sadd.s32 $0x4, s1  }
0xe8: {  	v10 =	vld [tilespmem:s31+$0x60];
	_ =	sdelay $0x1  }
0xe9: {  	v7 =	vmul.f32 v7, v4;
	v5 =	vmul.f32 v5, v4  }
0xea: {  	v6 =	vmul.f32 v6, v4;
	v8 =	vmul.f32 v8, v4  }
0xeb: {  	v2 =	vmul.f32 v2, v4;
	v3 =	vmul.f32 v3, v4;
	[tilespmem:s31+$0x0] =	vst v7  }
0xec: {  	[tilespmem:s31+$0x20] =	vst v6;
	v6 =	vmul.f32 v9, v4;
	v4 =	vmul.f32 v10, v4  }
0xed: {  	[tilespmem:s31+$0x30] =	vst v8;
	v7 =	vld [tilespmem:s31+$0x80]  }
0xee: {  	[tilespmem:s31+$0x60] =	vst v4;
	v4 =	vmov s0;
	v8 =	vld [tilespmem:s31+$0xD0];
	s0 =	smov.u32 s23  }
0xef: {  	[tilespmem:s31+$0x50] =	vst v6;
	v6 =	vld [tilespmem:s31+$0xE0]  }
0xf0: {  	[tilespmem:s31+$0x40] =	vst v2;
	v9 =	vld [tilespmem:s31+$0xB0]  }
0xf1: {  	v2 =	vld [tilespmem:s15+$0x40];
	[tilespmem:s31+$0x70] =	vst v3  }
0xf2: {  	v3 =	vld [tilespmem:s15+$0x70];
	[tilespmem:s31+$0x10] =	vst v5  }
0xf3: {  	v4 =	vld.idx.msk [tilespmem:v4+s22+$0x0], $0xffff  }
0xf4: {  	v5 =	vld [tilespmem:s31+$0x90]  }
0xf5: {  	v10 =	vld [tilespmem:s31+$0xA0]  }
0xf6: {  	v11 =	vld [tilespmem:s31+$0xC0]  }
0xf7: {  	v12 =	vld [tilespmem:s31+$0xF0];
	_ =	sdelay $0x1  }
0xf8: {  	v7 =	vmul.f32 v7, v4;
	v5 =	vmul.f32 v5, v4  }
0xf9: {  	s23 =	sadd.s32 $0xFFFFFFFD, s0;
	v9 =	vmul.f32 v9, v4;
	v10 =	vmul.f32 v10, v4  }
0xfa: {  	v13 =	vmov s23;
	v8 =	vmul.f32 v8, v4;
	[tilespmem:s31+$0x80] =	vst v7;
	v7 =	vmul.f32 v11, v4  }
0xfb: {  	v11 =	vand.u32 $0xFFFFFFFC, v13;
	[tilespmem:s31+$0x90] =	vst v5;
	v5 =	vmul.f32 v6, v4;
	v4 =	vmul.f32 v12, v4  }
0xfc: {  	v6 =	vbroadcast v11, $0x0;
	[tilespmem:s31+$0xA0] =	vst v10  }
0xfd: {  	[tilespmem:s31+$0xD0] =	vst v8  }
0xfe: {  	v8 =	vld [tilespmem:s15+$0xFFFFFF50];
	[tilespmem:s31+$0xB0] =	vst v9  }
0xff: {  	v9 =	vld [tilespmem:s15+$0xFFFFFF30];
	[tilespmem:s31+$0xC0] =	vst v7  }
0x100: {  	v7 =	vld [tilespmem:s15+$0xFFFFFF60];
	[tilespmem:s31+$0xE0] =	vst v5  }
0x101: {  	v5 =	vld [tilespmem:s15+$0xFFFFFF70];
	[tilespmem:s31+$0xF0] =	vst v4;
	s31 =	smov.u32 s15  }
0x102: {  	v4 =	vld.idx.msk [tilespmem:v6+s22+$0x0], $0xffff  }
0x103: {  	v6 =	vld [tilespmem:s15+$0xFFFFFF00]  }
0x104: {  	v10 =	vld [tilespmem:s15+$0xFFFFFF20]  }
0x105: {  	v11 =	vld [tilespmem:s15+$0xFFFFFF10]  }
0x106: {  	v12 =	vld [tilespmem:s15+$0xFFFFFF40];
	_ =	sdelay $0x1  }
0x107: {  	v5 =	vmul.f32 v5, v4;
	v6 =	vmul.f32 v6, v4  }
0x108: {  	s23 =	sadd.s32 $0xFFFFFFFE, s0;
	v7 =	vmul.f32 v7, v4;
	v10 =	vmul.f32 v10, v4  }
0x109: {  	v9 =	vmul.f32 v9, v4;
	v11 =	vmul.f32 v11, v4;
	[tilespmem:s15+$0xFFFFFF70] =	vst v5;
	v5 =	vmov s23  }
0x10a: {  	[tilespmem:s15+$0xFFFFFF00] =	vst v6;
	v6 =	vmul.f32 v12, v4;
	v4 =	vmul.f32 v8, v4;
	v5 =	vand.u32 $0xFFFFFFFD, v5  }
0x10b: {  	[tilespmem:s15+$0xFFFFFF20] =	vst v10;
	v5 =	vbroadcast v5, $0x0  }
0x10c: {  	[tilespmem:s15+$0xFFFFFF30] =	vst v9  }
0x10d: {  	[tilespmem:s15+$0xFFFFFF50] =	vst v4;
	v4 =	vld [tilespmem:s15+$0xFFFFFFF0]  }
0x10e: {  	[tilespmem:s15+$0xFFFFFF10] =	vst v11;
	v8 =	vld [tilespmem:s15+$0xFFFFFFD0]  }
0x10f: {  	[tilespmem:s15+$0xFFFFFF60] =	vst v7;
	v7 =	vld [tilespmem:s15+$0xFFFFFFB0]  }
0x110: {  	[tilespmem:s15+$0xFFFFFF40] =	vst v6;
	v6 =	vld [tilespmem:s15+$0xFFFFFF90]  }
0x111: {  	v5 =	vld.idx.msk [tilespmem:v5+s22+$0x0], $0xffff  }
0x112: {  	v9 =	vld [tilespmem:s15+$0xFFFFFF80]  }
0x113: {  	v10 =	vld [tilespmem:s15+$0xFFFFFFA0]  }
0x114: {  	v11 =	vld [tilespmem:s15+$0xFFFFFFC0]  }
0x115: {  	v12 =	vld [tilespmem:s15+$0xFFFFFFE0];
	_ =	sdelay $0x1  }
0x116: {  	v6 =	vmul.f32 v6, v5;
	v9 =	vmul.f32 v9, v5  }
0x117: {  	s23 =	sadd.s32 $0xFFFFFFFF, s0;
	v7 =	vmul.f32 v7, v5;
	v10 =	vmul.f32 v10, v5  }
0x118: {  	v8 =	vmul.f32 v8, v5;
	[tilespmem:s15+$0xFFFFFF80] =	vst v9;
	v9 =	vmul.f32 v11, v5;
	v11 =	vmov s23  }
0x119: {  	v4 =	vmul.f32 v4, v5;
	[tilespmem:s15+$0xFFFFFFA0] =	vst v10;
	v10 =	vmul.f32 v12, v5;
	v5 =	vand.u32 $0xFFFFFFFE, v11  }
0x11a: {  	[tilespmem:s15+$0xFFFFFF90] =	vst v6;
	v5 =	vbroadcast v5, $0x0  }
0x11b: {  	[tilespmem:s15+$0xFFFFFFD0] =	vst v8  }
0x11c: {  	[tilespmem:s15+$0xFFFFFFE0] =	vst v10  }
0x11d: {  	[tilespmem:s15+$0xFFFFFFB0] =	vst v7  }
.Ltmp5:
0x11e: {  	[tilespmem:s15+$0xFFFFFFF0] =	vst v4;
	v6 =	vld [tilespmem:s15+$0x20];
	(pc) =	sbr.rel @p0 .LBB2_13-.Ltmp5, $4  }
0x11f: {  	[tilespmem:s15+$0xFFFFFFC0] =	vst v9;
	v7 =	vld [tilespmem:s15+$0x0]  }
0x120: {  	v4 =	vld.idx.msk [tilespmem:v5+s22+$0x0], $0xffff  }
0x121: {  	v5 =	vld [tilespmem:s15+$0x10]  }
0x122: {  	v8 =	vld [tilespmem:s15+$0x30]  }
0x123: {  	_ =	sdelay $0x1  }
0x124: {  	v7 =	vmul.f32 v7, v4  }
0x125: {  	v9 =	vld [tilespmem:s31+$0x60];
	v6 =	vmul.f32 v6, v4  }
0x126: {  	v10 =	vld [tilespmem:s31+$0x50];
	v2 =	vmul.f32 v2, v4;
	[tilespmem:s31+$0x0] =	vst v7  }
0x127: {  	v3 =	vmul.f32 v3, v4;
	[tilespmem:s31+$0x20] =	vst v6  }
0x128: {  	v55 =	vmul.f32 v5, v4;
	[tilespmem:s31+$0x40] =	vst v2  }
0x129: {  	v54 =	vmov s0;
	v8 =	vmul.f32 v8, v4;
	[tilespmem:s31+$0x70] =	vst v3  }
0x12a: {  	v51 =	vmul.f32 v9, v4;
	[tilespmem:s31+$0x10] =	vst v55  }
0x12b: {  	v52 =	vmul.f32 v10, v4;
	[tilespmem:s31+$0x30] =	vst v8  }
0x12c: {  	[tilespmem:s31+$0x60] =	vst v51  }
0x12d: {  	v53 =	vld [tilespmem:s31+$0x80];
	[tilespmem:s31+$0x50] =	vst v52  }
0x12e: {  	v2 =	vld.idx.msk [tilespmem:v54+s22+$0x0], $0xffff  }
0x12f: {  	v3 =	vld [tilespmem:s31+$0x90]  }
0x130: {  	v56 =	vld [tilespmem:s31+$0xA0]  }
0x131: {  	v57 =	vld [tilespmem:s31+$0xD0]  }
0x132: {  	v59 =	vld [tilespmem:s31+$0xC0]  }
0x133: {  	v60 =	vld [tilespmem:s31+$0xE0];
	v8 =	vmul.f32 v53, v2  }
0x134: {  	v58 =	vld [tilespmem:s31+$0xB0];
	v3 =	vmul.f32 v3, v2  }
0x135: {  	v61 =	vld [tilespmem:s31+$0xF0];
	v4 =	vmul.f32 v56, v2;
	[tilespmem:s31+$0x80] =	vst v8  }
0x136: {  	v5 =	vmul.f32 v57, v2;
	[tilespmem:s31+$0x90] =	vst v3  }
0x137: {  	v62 =	vmul.f32 v59, v2;
	[tilespmem:s31+$0xA0] =	vst v4  }
0x138: {  	v63 =	vmul.f32 v60, v2;
	[tilespmem:s31+$0xD0] =	vst v5  }
0x139: {  	v3 =	vmul.f32 v58, v2;
	[tilespmem:s31+$0xC0] =	vst v62  }
0x13a: {  	s26 =	sadd.s32 $0x1, s26;
	v2 =	vmul.f32 v61, v2;
	[tilespmem:s31+$0xE0] =	vst v63  }
0x13b: {  	p0 =	sne.s32 s26, $0x7D;
	[tilespmem:s31+$0xB0] =	vst v3  }
.Ltmp6:
0x13c: {  	[tilespmem:s31+$0xF0] =	vst v2;
	s31 =	sadd.s32 $0x5100, s30;
	(pc) =	sbr.rel @p0 .LBB2_10-.Ltmp6, $4  }
0x13d: {  	[spmem:s2] =	stream.indirect.scatter.add.f32 [tilespmem:s19], [sflag:$0x3], $0x80, s31, s18, $0xb8;
	[tilespmem:$0x1DF00] =	vst v63  }
0x13e: {  	_ =	swait.ge [sflag:s14], $0x2800  }
0x13f: {  	[sflag:s14] =	ssyncset.done $0x0  }
0x140: {  	s28 =	sadd.s32 $0x80, s28;
	s29 =	sadd.s32 $0x80, s29;
	[sflag:s14] =	ssyncadd.s32 $0xFFFFD800  }
0x141: {  	s0 =	sshll.u32 s3, $0x6  }
0x142: {  	[bflag:$0x0] =	sbarrier.arrive $0xFFFF;
	s1 =	sshrl.u32 s11, $0x3;
	s0 =	sor.u32 $0x1C03, s0  }
0x143: {  	[hbm:s10], [sflag:s0] =	dma.local [spmem:s1], $0x2710  }
0x144: {  	s25 =	sadd.s32 $0x1, s25;
	_ =	swait.ge [sflag:s14], $0x2710  }
0x145: {  	s30 =	simm.s32 $0x80;
	p0 =	sne.s32 s25, s13;
	[sflag:s14] =	ssyncset.done $0x0  }
.Ltmp7:
0x146: {  	s31 =	simm.s32 $0x400;
	[sflag:s14] =	ssyncadd.s32 $0xFFFFD8F0;
	(pc) =	sbr.rel @p0 .LBB2_1-.Ltmp7, $4  }
0x147: {  	[hbm4b:s12+s30] =	stream.strided.scatter [tilespmem:s20], [sflag:$0x3], $0x2780, s31, s30, $0x38;
	[tilespmem:$0x1DF00] =	vst v63  }
0x148: {  	_ =	swait.ge [sflag:s14], $0x2780  }
0x149: {  	[sflag:s14] =	ssyncset.done $0x0  }
0x14a: {  	[sflag:s14] =	ssyncadd.s32 $0xFFFFD880  }
0x14b: {  	_ =	sfence.sel $0x180000  }
0x14c: {  	[bflag:$0x0] =	sbarrier.arrive $0xFFFF  }
0x14d: {  	_ =	strace $0x9000004D  }
0x14e: {  	[bflag:$0x2] =	sbarrier.arrive $0xFFFF  }
0x14f: {  	p0 =	sne.s32 s3, $0x0;
	s0 =	rddreg [dreg:$0x3]  }
0x150: {  	s0 =	sadd.s32 @!p0 $0x100000, s0  }
0x151: {  	[sflag:s0] =	ssyncadd.tile.s32 @!p0 $0x1;
	_ =	shalt  }
.Lfunc_end2:
_tile_overlayer_lowered:
.L_overlay_start_2:
0x152: {  	(tag) =	ssettag $0x2  }
0x153: {  	s0 =	rddreg [dreg:$0x0];
	s2 =	stileid.u32  }
0x154: {  	s1 =	rddreg [dreg:$0x1];
	p0 =	sne.s32 s2, $0x0  }
0x155: {  	s3 =	rddreg [dreg:$0x2];
	[bflag:$0x3] =	sbarrier.arrive $0xFFFF;
	s2 =	simm.s32 @!p0 $0x1C03  }
0x156: {  	[timem:s3], [sflag:s2] =	dma.local @!p0 [hbm:s0], s1  }
0x157: {  	s0 =	simm.s32 @!p0 $0x3  }
0x158: {  	_ =	swait.ge @!p0 [sflag:s0], s1  }
0x159: {  	s1 =	ssub.s32 @!p0 $0x0, s1;
	[sflag:s0] =	ssyncset.done @!p0 $0x0  }
0x15a: {  	[sflag:s0] =	ssyncadd.s32 @!p0 s1  }
0x15b: {  	[bflag:$0x3] =	sbarrier.arrive $0xFFFF  }
0x15c: {  	_ =	shalt  }

// kernel: kernel.9.cloned.1.call-start
scs
__scs_entry_jumppad:
0x0: {  	(pc) =	sbr.rel $0x88, $3  }
0x1: {  	(tag) =	ssettag $0x0;
	lr =	simm.s32 $0x1  }
0x2: {  	[smem:$0x3F8A] =	sst lr;
	_ =	strace $0xD0000000  }
0x3: {  	_ = 	snop  }
0x4: {  	_ = 	snop  }
0x5: {  	_ = 	snop  }
0x6: {  	_ = 	snop  }
0x7: {  	_ = 	snop  }
__scs_overlays_trampoline_lowered:
0x8: {  	[smem:$0x3F99] =	sst s0  }
0x9: {  	[smem:$0x3F9A] =	sst s1  }
0xa: {  	[smem:$0x3F9B] =	sst s2  }
0xb: {  	[smem:$0x3F9C] =	sst s3  }
0xc: {  	[smem:$0x3F9D] =	sst s4  }
0xd: {  	[smem:$0x3F9E] =	sst s5  }
0xe: {  	[smem:$0x3F9F] =	sst s6  }
0xf: {  	[smem:$0x3FA0] =	sst s7  }
0x10: {  	[smem:$0x3FA1] =	sst s8  }
0x11: {  	[smem:$0x3FA2] =	sst s9;
	s0 =	simm.s32 @!p0 $0x0  }
0x12: {  	s1 =	sld [smem:$0x3F88];
	s0 =	simm.s32 @p0 $0x1  }
0x13: {  	[smem:$0x3FA3] =	sst s0;
	s0 =	simm.s32 @!p1 $0x0  }
0x14: {  	s2 =	sld [smem:$0x3F87];
	s0 =	simm.s32 @p1 $0x1  }
0x15: {  	[smem:$0x3FA4] =	sst s0;
	s0 =	simm.s32 @!p2 $0x0  }
0x16: {  	s3 =	sld [smem:$0x3FDB];
	s0 =	simm.s32 @p2 $0x1  }
0x17: {  	s4 =	simm.s32 $0x1BF5;
	[smem:$0x3FA6] =	sst s0  }
0x18: {  	s0 =	sld [smem:$0x3F89];
	_ =	swait.ge [sflag:s4], $0x0  }
0x19: {  	s7 =	sld [smem:$0x3F8A]  }
0x1a: {  	s8 =	sadd.s32 $0xFFFFE003, lr  }
0x1b: {  	s9 =	sadd.s32 $0xFFFFFEF7, lr;
	s5 =	simm.s32 $0xFFFFFFFF;
	p2 =	slt.u32 s8, $0xFFFFF086  }
0x1c: {  	p1 =	slt.u32 s9, $0xF7A;
	s5 =	simm.s32 @!p2 $0x0  }
0x1d: {  	s5 =	simm.s32 @p1 $0x1;
	p0 =	seq.s32 s7, s2  }
0x1e: {  	s7 =	smul.u32 @!p0 $0xF7A, s2;
	p2 =	seq.s32 @!p0 s5, $0x0  }
0x1f: {  	s9 =	smul.u32 $0xF7A, s1;
	s8 =	simm.s32 @!p0 $0x1BF5;
	p2 =	por !p2, p0  }
0x20: {  	[sflag:s8] =	ssyncset.s32 @!p0 $0xFFFFF086;
	s6 =	sadd.s32 @!p0 s3, s7;
	s7 =	simm.s32 @!p0 $0x108  }
0x21: {  	s3 =	sadd.s32 s3, s9;
	s6 =	sadd.s32 @!p0 $0x88, s6;
	s7 =	simm.s32 @p2 $0x1082  }
0x22: {  	[simem:s7], [sflag:s8] =	dma.local @!p0 [hbm:s6], $0xF7A  }
0x23: {  	s9 =	sor.u32 $0xD0000000, s2;
	s6 =	simm.s32 $0x108;
	_ =	swait.ge @!p0 [sflag:s8], $0x0  }
0x24: {  	s3 =	sadd.s32 $0x88, s3;
	s6 =	simm.s32 @!p1 $0x1082;
	[sflag:s4] =	ssyncset.s32 $0xFFFFF086  }
0x25: {  	[simem:s6], [sflag:s4] =	dma.local [hbm:s3], $0xF7A  }
0x26: {  	[smem:$0x3F8A] =	sst s1;
	(tag) =	ssettag s2;
	_ =	strace s9  }
0x27: {  	s1 =	sld [smem:$0x3F9A]  }
0x28: {  	s2 =	sld [smem:$0x3F9B]  }
0x29: {  	s4 =	sld [smem:$0x3F9D]  }
0x2a: {  	p0 =	seq.s32 s5, $0x0;
	s5 =	sld [smem:$0x3F9E]  }
0x2b: {  	s6 =	sld [smem:$0x3F9F]  }
0x2c: {  	s7 =	sld [smem:$0x3FA0]  }
0x2d: {  	s3 =	simm.s32 $0x108;
	s8 =	sld [smem:$0x3FA1]  }
0x2e: {  	s3 =	simm.s32 @!p0 $0x1082;
	s9 =	sld [smem:$0x3FA2]  }
0x2f: {  	lr =	sadd.s32 s0, s3;
	s0 =	sld [smem:$0x3F99]  }
0x30: {  	s3 =	sld [smem:$0x3F9C]  }
0x31: {  	[smem:$0x3FA5] =	sst s10  }
0x32: {  	s10 =	sld [smem:$0x3FA3];
	_ =	sdelay $0x3  }
0x33: {  	p0 =	seq.s32 s10, $0x1;
	s10 =	sld [smem:$0x3FA5];
	_ =	sdelay $0x3  }
0x34: {  	[smem:$0x3FA5] =	sst s10  }
0x35: {  	s10 =	sld [smem:$0x3FA4];
	_ =	sdelay $0x3  }
0x36: {  	p1 =	seq.s32 s10, $0x1;
	s10 =	sld [smem:$0x3FA5];
	_ =	sdelay $0x3  }
0x37: {  	[smem:$0x3FA5] =	sst s10  }
0x38: {  	s10 =	sld [smem:$0x3FA6]  }
0x39: {  	_ = 	snop;
	(pc) =	sbr.ind lr, $3  }
0x3a: {  	_ = 	snop  }
0x3b: {  	_ = 	snop  }
0x3c: {  	p2 =	seq.s32 s10, $0x1;
	s10 =	sld [smem:$0x3FA5]  }
0x3d: {  	_ =	shalt  }
0x3e: {  	_ =	shalt  }
0x3f: {  	_ =	shalt  }
0x40: {  	_ =	shalt  }
0x41: {  	_ =	shalt  }
0x42: {  	_ =	shalt  }
0x43: {  	_ =	shalt  }
0x44: {  	_ =	shalt  }
0x45: {  	_ =	shalt  }
0x46: {  	_ =	shalt  }
0x47: {  	_ =	shalt  }
0x48: {  	_ =	shalt  }
0x49: {  	_ =	shalt  }
0x4a: {  	_ =	shalt  }
0x4b: {  	_ =	shalt  }
0x4c: {  	_ =	shalt  }
0x4d: {  	_ =	shalt  }
0x4e: {  	_ =	shalt  }
0x4f: {  	_ =	shalt  }
0x50: {  	_ =	shalt  }
0x51: {  	_ =	shalt  }
0x52: {  	_ =	shalt  }
0x53: {  	_ =	shalt  }
0x54: {  	_ =	shalt  }
0x55: {  	_ =	shalt  }
0x56: {  	_ =	shalt  }
0x57: {  	_ =	shalt  }
0x58: {  	_ =	shalt  }
0x59: {  	_ =	shalt  }
0x5a: {  	_ =	shalt  }
0x5b: {  	_ =	shalt  }
0x5c: {  	_ =	shalt  }
0x5d: {  	_ =	shalt  }
0x5e: {  	_ =	shalt  }
0x5f: {  	_ =	shalt  }
0x60: {  	_ =	shalt  }
0x61: {  	_ =	shalt  }
0x62: {  	_ =	shalt  }
0x63: {  	_ =	shalt  }
0x64: {  	_ =	shalt  }
0x65: {  	_ =	shalt  }
0x66: {  	_ =	shalt  }
0x67: {  	_ =	shalt  }
0x68: {  	_ =	shalt  }
0x69: {  	_ =	shalt  }
0x6a: {  	_ =	shalt  }
0x6b: {  	_ =	shalt  }
0x6c: {  	_ =	shalt  }
0x6d: {  	_ =	shalt  }
0x6e: {  	_ =	shalt  }
0x6f: {  	_ =	shalt  }
0x70: {  	_ =	shalt  }
0x71: {  	_ =	shalt  }
0x72: {  	_ =	shalt  }
0x73: {  	_ =	shalt  }
0x74: {  	_ =	shalt  }
0x75: {  	_ =	shalt  }
0x76: {  	_ =	shalt  }
0x77: {  	_ =	shalt  }
0x78: {  	_ =	shalt  }
0x79: {  	_ =	shalt  }
0x7a: {  	_ =	shalt  }
0x7b: {  	_ =	shalt  }
0x7c: {  	_ =	shalt  }
0x7d: {  	_ =	shalt  }
0x7e: {  	_ =	shalt  }
0x7f: {  	_ =	shalt  }
0x80: {  	_ =	shalt  }
0x81: {  	_ =	shalt  }
0x82: {  	_ =	shalt  }
0x83: {  	_ =	shalt  }
0x84: {  	_ =	shalt  }
0x85: {  	_ =	shalt  }
0x86: {  	_ =	shalt  }
0x87: {  	_ =	shalt  }
.Lfunc_end0:
.L_simem_size_0:
called_computation_lowered:
.L_overlay_start_0:
0x88: {  	s2 =	sld [smem:$0x3FD9]  }
0x89: {  	s3 =	sld [smem:$0x3FFE];
	_ =	sdelay $0x1  }
0x8a: {  	s1 =	srdreg.scid  }
0x8b: {  	s0 =	sand.u32 $0x1, s1  }
0x8c: {  	s17 =	sshll.u32 s0, $0xA;
	s2 =	sadd.s32 s3, s2  }
0x8d: {  	s2 =	sadd.s32 s2, s17  }
0x8e: {  	[smem:$0x3FB1] =	sst s2  }
0x8f: {  	_ = 	snop  }
0x90: {  	s2 =	sld [smem:$0x3FD0];
	(tm) =	ssettm $0x1  }
0x91: {  	s18 =	sld [smem:$0x3FFB];
	_ =	sdelay $0x3  }
0x92: {  	_ =	strace s18  }
0x93: {  	s3 =	sld [smem:$0x3FFC];
	_ =	sdelay $0x3  }
0x94: {  	_ =	strace s3  }
0x95: {  	s3 =	sld [smem:$0x3FFD];
	_ =	sdelay $0x3  }
0x96: {  	_ =	strace s3  }
0x97: {  	_ =	strace $0x8FFFFFFF  }
0x98: {  	s19 =	sld [smem:$0x3FDB];
	_ =	sdelay $0x1  }
0x99: {  	s4 =	simm.s32 $_scs_section_size  }
0x9a: {  	s5 =	simm.s32 $_size__tile_overlayer_lowered;
	s6 =	simm.s32 $_tile_overlayer_lowered  }
0x9b: {  	s22 =	simm.s32 $0x1BFF;
	s21 =	sshll.u32 s6, $0x1;
	s3 =	sadd.s32 s4, s19  }
0x9c: {  	s7 =	simm.s32 $0x0;
	s20 =	sshll.u32 s5, $0x1;
	s5 =	sadd.s32 s21, s3  }
0x9d: {  	[timem:s7], [sflag:s22] =	dma.local [hbm:s5], s20  }
0x9e: {  	_ =	swait.ge [sflag:s22], s20  }
0x9f: {  	s4 =	ssub.s32 $0x0, s20;
	[sflag:s22] =	ssyncset.done $0x0  }
0xa0: {  	[sflag:s22] =	ssyncadd.s32 s4;
	_ =	sdelay $0x1  }
0xa1: {  	s23 =	simm.s32 $0x1B8B  }
0xa2: {  	_ =	swait.ge [sflag:s23], $0x1  }
0xa3: {  	[sflag:s23] =	ssyncset.done $0x0  }
0xa4: {  	s25 =	simm.s32 $0x1B8E;
	s24 =	sld [smem:$0x3FFE];
	[sflag:s23] =	ssyncadd.s32 $0xFFFFFFFF  }
0xa5: {  	s26 =	simm.s32 $execute0_lowered;
	[smem:$0x3FD2] =	sst s25  }
0xa6: {  	s5 =	sshll.u32 s26, $0x1;
	_ =	strace $0x80000046;
	[dreg:$0x1] =	wrdreg $0xFFFFFFFF  }
0xa7: {  	s28 =	simm.s32 $_size_execute0_lowered;
	s3 =	sadd.s32 s3, s5;
	[dreg:$0x0] =	wrdreg $0x0  }
0xa8: {  	s5 =	sshll.u32 s28, $0x1;
	[dreg:$0x2] =	wrdreg s3  }
0xa9: {  	[dreg:$0x3] =	wrdreg s5  }
0xaa: {  	[dreg:$0x4] =	wrdreg $0xC0  }
0xab: {  	_ =	task [dreg:s7], $0x5FFFF  }
0xac: {  	[dreg:$0x1] =	wrdreg $0xFFFFFFFF  }
0xad: {  	[dreg:$0x0] =	wrdreg $0x60  }
0xae: {  	[dreg:$0x2] =	wrdreg s24  }
0xaf: {  	[dreg:$0x3] =	wrdreg s2  }
0xb0: {  	[dreg:$0x4] =	wrdreg $0xA6800  }
0xb1: {  	[dreg:$0x5] =	wrdreg $0x9  }
0xb2: {  	_ =	task.clear_ibuf [dreg:s7], $0x6FFFF;
	_ =	strace $0x90000046  }
0xb3: {  	s29 =	simm.s32 $0x9;
	_ =	strace $0x80000048  }
0xb4: {  	_ =	swait.ge [sflag:s29], $0x1  }
0xb5: {  	[sflag:s29] =	ssyncadd.s32 $0xFFFFFFFF  }
0xb6: {  	_ =	strace $0x90000048  }
0xb7: {  	_ =	sfence  }
0xb8: {  	s30 =	sld [smem:$0x0];
	_ =	sdelay $0x2  }
0xb9: {  	s31 =	sshll.u32 s1, $0xD;
	s1 =	sshrl.u32 s1, $0x2  }
0xba: {  	s3 =	sand.u32 $0x4000, s31;
	s1 =	sadd.s32 s1, s30  }
0xbb: {  	s0 =	sor.u32 s3, s0;
	s1 =	sshll.u32 s1, $0x11  }
0xbc: {  	s0 =	sor.u32 s1, s0  }
0xbd: {  	s0 =	sadd.s32 $0x8F2B, s0  }
0xbe: {  	[sflag:s0] =	ssyncadd.remote.s32 $0x1  }
0xbf: {  	_ =	sfence.sel $0xFFFF  }
0xc0: {  	[dreg:$0x0] =	wrdreg $0xFFFFFFFF;
	(pc) =	sbr.abs _section_cstart, $3  }
0xc1: {  	[dreg:$0x1] =	wrdreg $0xFFFFFFFF  }
0xc2: {  	_ =	task.clear_ibuf [dreg:s7], $0x2FFFF;
	_ =	strace $0x9FFFFFFF  }
0xc3: {  	(tm) =	ssettm $0x7FFFFFFF  }
tec
execute0_lowered:
.L_overlay_start_1:
0x0: {  	(tag) =	ssettag $0x1  }
0x1: {  	s0 =	rddreg [dreg:$0x0]  }
0x2: {  	s2 =	rddreg [dreg:$0x2]  }
0x3: {  	s4 =	simm.s32 $0x0;
	s1 =	srdreg.scid;
	s3 =	stileid.u32  }
0x4: {  	s16 =	simm.s32 $0xA400;
	s17 =	simm.s32 $0x2;
	s18 =	simm.s32 $0x50  }
0x5: {  	s19 =	simm.s32 $0x5480;
	s20 =	simm.s32 $0x7C80;
	s21 =	simm.s32 $0x1  }
0x6: {  	s22 =	simm.s32 $0x5380;
	s25 =	simm.s32 $0x0;
	[smem:$0x7FF] =	sst s4  }
0x7: {  	s1 =	sand.u32 $0x1, s1;
	s5 =	sadd.s32 $0x24E00, s0;
	s10 =	smul.u32 $0x2710, s3  }
0x8: {  	s6 =	sshll.u32 s3, $0x1;
	s7 =	sshrl.u32 s3, $0x2;
	s30 =	smul.u32 $0x4E200, s3  }
0x9: {  	s8 =	sadd.s32 $0x15400, s0;
	_ =	strace $0x80000047;
	s9 =	smul.u32 $0x27100, s1  }
0xa: {  	s11 =	sor.u32 s1, s6;
	s6 =	sadd.s32 $0x4C000, s0;
	s12 =	smul.u32 $0x13C00, s7  }
0xb: {  	vm13 =	vcmask $0x3B38;
	s7 =	sadd.s32 $0x5A00, s0;
	s1 =	ssub.s32 $0x2, s1;
	s13 =	sshll.u32 s11, $0x7  }
0xc: {  	v0 =	vimm.f32 $0.0e+00;
	vm0 =	vcmask $0x704;
	vm14 =	vcmask $0x3F3C;
	s29 =	sshrl.u32 s1, $0x1;
	s31 =	sshrl.u32 s30, $0x2;
	s13 =	sand.u32 $0x380, s13  }
0xd: {  	vm1 =	vcmask $0xB08;
	vm2 =	vcmask $0xF0C;
	vm3 =	vcmask $0x1310;
	s9 =	sadd.s32 s10, s9;
	s1 =	ssub.s32 s1, s29;
	s28 =	sor.u32 s12, s13  }
0xe: {  	vm4 =	vcmask $0x1714;
	vm5 =	vcmask $0x1B18;
	vm6 =	vcmask $0x1F1C;
	s14 =	sadd.s32 s9, s0;
	s9 =	smul.u32 $0x7D, s11;
	s10 =	sshrl.u32 s28, $0x3  }
0xf: {  	vm7 =	vcmask $0x2320;
	vm8 =	vcmask $0x2724;
	vm9 =	vcmask $0x2B28;
	s11 =	sadd.s32 s31, s2;
	s13 =	smax.u32 s1, $0x1;
	s0 =	sadd.s32 s10, s0  }
0x10: {  	vm10 =	vcmask $0x2F2C;
	vm11 =	vcmask $0x3330;
	vm12 =	vcmask $0x3734;
	s10 =	sadd.s32 $0x4CA00, s14;
	s14 =	simm.s32 $0x3;
	s12 =	sadd.s32 $0x9AC00, s0  }
.LBB2_1:
0x11: {  	[tilespmem:s4], [sflag:$0x3] =	stream.linear.gather [hbm4b:s6+s4], $0x4E80, $0x38;
	[tilespmem:$0x1DF00] =	vst v63  }
0x12: {  	_ =	swait.ge [sflag:s14], $0x4E80  }
0x13: {  	[sflag:s14] =	ssyncset.done $0x0  }
0x14: {  	[sflag:s14] =	ssyncadd.s32 $0xFFFFB180  }
0x15: {  	s1 =	simm.s32 $0x5400;
	s0 =	rddreg [dreg:$0x1]  }
0x16: {  	[tilespmem:s1], [sflag:$0x3] =	stream.linear.gather [hbm4b:s0+s4], $0x10, $0x38;
	[tilespmem:$0x1DF00] =	vst v63  }
0x17: {  	_ =	swait.ge [sflag:s14], $0x10  }
0x18: {  	[sflag:s14] =	ssyncset.done $0x0  }
0x19: {  	s0 =	simm.s32 $0x0;
	s1 =	simm.s32 $0x0;
	[sflag:s14] =	ssyncadd.s32 $0xFFFFFFF0  }
.LBB2_2:
0x1a: {  	p0 =	sne.s32 s1, $0x9C0  }
.Ltmp0:
0x1b: {  	_ = 	snop;
	(pc) =	sbr.rel @p0 .LBB2_2-.Ltmp0, $4  }
0x1c: {  	s15 =	sand.u32 $0xE00, s1  }
0x1d: {  	s26 =	sand.u32 $0x70, s0;
	s15 =	sshrl.u32 s15, $0x2  }
0x1e: {  	s15 =	sor.u32 s26, s15  }
0x1f: {  	s0 =	sadd.s32 $0x10, s0;
	s1 =	sadd.s32 $0x40, s1;
	[tilespmem:s15+$0xA400] =	vst v0  }
0x20: {  	s0 =	simm.s32 $0x0  }
.LBB2_4:
0x21: {  	p0 =	sne.s32 s0, $0x4D800  }
.Ltmp1:
0x22: {  	_ = 	snop;
	(pc) =	sbr.rel @p0 .LBB2_4-.Ltmp1, $4  }
0x23: {  	_ = 	snop  }
0x24: {  	s1 =	sshra.s32 s0, $0x2  }
0x25: {  	s0 =	sadd.s32 $0xA00, s0;
	s1 =	sadd.s32 s1, s11  }
0x26: {  	[spmem:s1] =	stream.linear.scatter [tilespmem:s16], [sflag:$0x2], $0x280, $0x38;
	[tilespmem:$0x1DF00] =	vst v63  }
0x27: {  	s0 =	simm.s32 $0x7D  }
.LBB2_6:
0x28: {  	p0 =	sne.s32 s0, $0x1  }
.Ltmp2:
0x29: {  	_ = 	snop;
	(pc) =	sbr.rel @p0 .LBB2_6-.Ltmp2, $4  }
0x2a: {  	_ = 	snop  }
0x2b: {  	_ =	swait.ge [sflag:s17], $0x50  }
0x2c: {  	[sflag:s17] =	ssyncset.done $0x0  }
0x2d: {  	s0 =	sadd.s32 $0xFFFFFFFF, s0;
	[sflag:s17] =	ssyncadd.s32 $0xFFFFFFB0  }
0x2e: {  	s0 =	simm.s32 $0x40;
	s1 =	simm.s32 $0x0  }
.LBB2_8:
0x2f: {  	p0 =	sne.s32 s0, $0x9C00;
	[tilespmem:s1+$0x7C80] =	vst v0;
	s1 =	smov.u32 s0;
	s0 =	sadd.s32 $0x40, s0  }
.Ltmp3:
0x30: {  	(pc) =	sbr.rel @p0 .LBB2_8-.Ltmp3, $2  }
0x31: {  	_ =	sdelay $0x2  }
0x32: {  	s1 =	sshra.s32 s1, $0x2  }
0x33: {  	[tilespmem:s1+$0x7C80] =	vst v0  }
0x34: {  	[bflag:$0x0] =	sbarrier.arrive $0xFFFF  }
0x35: {  	s26 =	simm.s32 $0x0;
	s28 =	simm.s32 $0x4E80;
	s29 =	simm.s32 $0x5100;
	v1 =	vld [tilespmem:$0x5400]  }
.LBB2_10:
0x36: {  	s0 =	smul.u32 $0xCD, s26;
	_ =	sdelay $0x1  }
0x37: {  	s0 =	sshrl.u32 s0, $0xA  }
0x38: {  	s0 =	sand.u32 $0x3F, s0  }
0x39: {  	s0 =	smul.u32 $0x5, s0;
	_ =	sdelay $0x1  }
0x3a: {  	s0 =	ssub.s32 s26, s0  }
0x3b: {  	s1 =	smulhi.u32 $0xCCCCCCCD, s26;
	s0 =	sand.u32 $0xFF, s0  }
0x3c: {  	p0 =	sne.s32 s0, $0x0  }
0x3d: {  	s1 =	sshrl.u32 s1, $0x2;
	s15 =	sadd.s32 @!p0 s9, s26  }
0x3e: {  	s1 =	smul.u32 $0xFFFFF600, s1;
	s15 =	sshll.u32 @!p0 s15, $0x4  }
0x3f: {  	s31 =	simm.s32 @!p0 $0x0;
	s23 =	simm.s32 @!p0 $0x4E80;
	s30 =	sadd.s32 @!p0 s7, s15  }
0x40: {  	[tilespmem:s23], [sflag:$0x3] =	stream.linear.gather @!p0 [hbm4b:s30+s31], $0x280, $0x38;
	[tilespmem:$0x1DF00] =	vst v63  }
0x41: {  	s23 =	simm.s32 @!p0 $0x3  }
0x42: {  	s1 =	sshra.s32 s1, $0x2;
	_ =	swait.ge @!p0 [sflag:s23], $0x280  }
0x43: {  	s24 =	simm.s32 @!p0 $0x5100;
	s15 =	sadd.s32 @!p0 s8, s15;
	[sflag:s23] =	ssyncset.done @!p0 $0x0  }
0x44: {  	s30 =	sadd.s32 s1, s29;
	s1 =	sadd.s32 s1, s28;
	[sflag:s23] =	ssyncadd.s32 @!p0 $0xFFFFFD80  }
0x45: {  	v2 =	vmov s30;
	[tilespmem:s24], [sflag:$0x3] =	stream.linear.gather @!p0 [hbm4b:s15+s31], $0x280, $0x38;
	[tilespmem:$0x1DF00] =	vst v63  }
0x46: {  	v4 =	vmov s1;
	_ =	swait.ge @!p0 [sflag:s23], $0x280  }
0x47: {  	s30 =	sshll.u32 s0, $0x7;
	[sflag:s23] =	ssyncset.done @!p0 $0x0  }
0x48: {  	s0 =	sadd.s32 $0x4E80, s30;
	s31 =	simm.s32 $0x0;
	[sflag:s23] =	ssyncadd.s32 @!p0 $0xFFFFFD80  }
0x49: {  	[tilespmem:s19], [sflag:$0x1] =	stream.indirect.gather [hbm4b:s5+s18], $0x80, s0, s18, $0xb8;
	[tilespmem:$0x1DF00] =	vst v63  }
0x4a: {  	v3 =	vld.idx.msk [tilespmem:v2+s31+$0x0 ss:$0x1], $0xffff  }
0x4b: {  	v5 =	vld.idx.msk [tilespmem:v4+s31+$0x0 ss:$0x1], $0xffff;
	_ =	sdelay $0x4  }
0x4c: {  	v6 =	vshll.u32 v3, $0x1;
	v5 =	vshll.u32 v5, $0x1  }
0x4d: {  	v6 =	vor.u32 $0x1, v6;
	_ =	sdelay $0x3  }
0x4e: {  	v5 =	vld.idx.msk [tilespmem:v5+s4+$0x0], $0xffff  }
0x4f: {  	v6 =	vld.idx.msk [tilespmem:v6+s4+$0x0], $0xffff;
	_ =	sdelay $0x4  }
0x50: {  	v5 =	vadd.f32 v6, v5  }
0x51: {  	v7 =	vadd.f32 v6, v1  }
0x52: {  	v9 =	vimm.s32 $0x0;
	vm15 =	vge.f32 v5, $0.0e+00  }
0x53: {  	v6 =	vmul.f32 $2.000000030e-01, v7;
	v9 =	vsel vm15, $0xFFFFFFFF, v9  }
0x54: {  	vm15 =	vge.f32 v7, $0.0e+00;
	[tilespmem:$0x1FFF0] =	vst v9  }
0x55: {  	v6 =	vsel vm15, v7, v6;
	v7 =	vld [tilespmem:$0x1FFF0];
	_ =	sdelay $0x3  }
0x56: {  	v8 =	vmul.f32 $2.000000030e-01, v5  }
0x57: {  	vm15 =	vnez.u8 v7  }
0x58: {  	v5 =	vsel vm15, v5, v8  }
0x59: {  	v5 =	vsub.f32 v5, v6;
	_ =	sdelay $0x1  }
0x5a: {  	v5 =	vmax.f32 v5, $-8.700000000e+01  }
0x5b: {  	v6 =	vmul.f32 $1.442695020e+00, v5;
	_ =	sdelay $0x1  }
0x5c: {  	v6 =	vadd.f32 $-5.000000000e-01, v6;
	_ =	sdelay $0x1  }
0x5d: {  	v6 =	vtrunc.f32 v6  }
0x5e: {  	v6 =	vcvt.f32.s32 v6;
	_ =	sdelay $0x1  }
0x5f: {  	v7 =	vcvt.s32.f32 v6;
	_ =	sdelay $0x1  }
0x60: {  	v63 =	vmul.f32 $-6.931457510e-01, v7;
	_ =	sdelay $0x1  }
0x61: {  	v7 =	vmul.f32 $-1.428606770e-06, v7;
	v5 =	vadd.f32 v63, v5;
	_ =	sdelay $0x1  }
0x62: {  	v5 =	vadd.f32 v7, v5;
	_ =	sdelay $0x1  }
0x63: {  	v7 =	vmul.f32 $1.388888920e-03, v5;
	_ =	sdelay $0x1  }
0x64: {  	v7 =	vadd.f32 $8.333333770e-03, v7;
	_ =	sdelay $0x1  }
0x65: {  	v7 =	vmul.f32 v7, v5;
	_ =	sdelay $0x1  }
0x66: {  	v7 =	vadd.f32 $4.166666790e-02, v7;
	_ =	sdelay $0x1  }
0x67: {  	v7 =	vmul.f32 v7, v5;
	_ =	sdelay $0x1  }
0x68: {  	v7 =	vadd.f32 $1.666666720e-01, v7;
	_ =	sdelay $0x1  }
0x69: {  	v7 =	vmul.f32 v7, v5;
	_ =	sdelay $0x1  }
0x6a: {  	v7 =	vadd.f32 $5.000000000e-01, v7;
	_ =	sdelay $0x1  }
0x6b: {  	v7 =	vmul.f32 v7, v5;
	_ =	sdelay $0x1  }
0x6c: {  	v7 =	vadd.f32 $1.000000000e+00, v7;
	_ =	sdelay $0x1  }
0x6d: {  	v5 =	vmul.f32 v7, v5;
	_ =	sdelay $0x1  }
0x6e: {  	v6 =	vshll.u32 v6, $0x17;
	v5 =	vadd.f32 $1.000000000e+00, v5  }
0x6f: {  	v6 =	vadd.s32 $0x3F800000, v6  }
0x70: {  	v5 =	vmul.f32 v6, v5;
	_ =	sdelay $0x1  }
0x71: {  	[tilespmem:s31+$0x5380] =	vst v5  }
0x72: {  	[tilespmem:v3+s20+$0x0] =	vst.idx.add.f32.msk $0x1, v5  }
0x73: {  	[tilespmem:v3+s20+$0x0] =	vst.idx.add.f32.msk vm0, v5  }
0x74: {  	[tilespmem:v3+s20+$0x0] =	vst.idx.add.f32.msk vm1, v5  }
0x75: {  	[tilespmem:v3+s20+$0x0] =	vst.idx.add.f32.msk vm2, v5  }
0x76: {  	[tilespmem:v3+s20+$0x0] =	vst.idx.add.f32.msk vm3, v5  }
0x77: {  	[tilespmem:v3+s20+$0x0] =	vst.idx.add.f32.msk vm4, v5  }
0x78: {  	[tilespmem:v3+s20+$0x0] =	vst.idx.add.f32.msk vm5, v5  }
0x79: {  	[tilespmem:v3+s20+$0x0] =	vst.idx.add.f32.msk vm6, v5  }
0x7a: {  	[tilespmem:v3+s20+$0x0] =	vst.idx.add.f32.msk vm7, v5  }
0x7b: {  	[tilespmem:v3+s20+$0x0] =	vst.idx.add.f32.msk vm8, v5  }
0x7c: {  	[tilespmem:v3+s20+$0x0] =	vst.idx.add.f32.msk vm9, v5  }
0x7d: {  	[tilespmem:v3+s20+$0x0] =	vst.idx.add.f32.msk vm10, v5  }
0x7e: {  	[tilespmem:v3+s20+$0x0] =	vst.idx.add.f32.msk vm11, v5  }
0x7f: {  	s0 =	simm.s32 $0x40;
	[tilespmem:v3+s20+$0x0] =	vst.idx.add.f32.msk vm12, v5  }
.LBB2_11:
0x80: {  	p0 =	sne.s32 s0, $0x100;
	[tilespmem:v3+s20+$0x0] =	vst.idx.add.f32.msk vm13, v5;
	s1 =	smov.u32 s0;
	s0 =	sadd.s32 $0x40, s0  }
0x81: {  	s1 =	sshra.s32 s1, $0x2;
	[tilespmem:v3+s20+$0x0] =	vst.idx.add.f32.msk vm14, v5  }
0x82: {  	v3 =	vld.idx.msk [tilespmem:v2+s1+$0x0 ss:$0x1], $0xffff  }
0x83: {  	v5 =	vld.idx.msk [tilespmem:v4+s1+$0x0 ss:$0x1], $0xffff;
	_ =	sdelay $0x4  }
0x84: {  	v6 =	vshll.u32 v3, $0x1  }
0x85: {  	v5 =	vshll.u32 v5, $0x1;
	v6 =	vor.u32 $0x1, v6;
	_ =	sdelay $0x4  }
0x86: {  	v6 =	vld.idx.msk [tilespmem:v6+s4+$0x0], $0xffff;
	_ =	sdelay $0x1  }
0x87: {  	v5 =	vld.idx.msk [tilespmem:v5+s4+$0x0], $0xffff  }
0x88: {  	vm14 =	vmmov vm13;
	vm13 =	vmmov vm12;
	vm12 =	vmmov vm11  }
0x89: {  	vm11 =	vmmov vm10;
	vm10 =	vmmov vm9;
	vm9 =	vmmov vm8  }
0x8a: {  	vm8 =	vmmov vm7;
	vm7 =	vmmov vm6;
	v7 =	vadd.f32 v6, v1  }
0x8b: {  	vm6 =	vmmov vm5;
	vm5 =	vmmov vm4;
	vm4 =	vmmov vm3  }
0x8c: {  	vm3 =	vmmov vm2;
	v5 =	vadd.f32 v6, v5;
	v6 =	vmul.f32 $2.000000030e-01, v7  }
0x8d: {  	vm2 =	vmmov vm1;
	vm1 =	vmmov vm0;
	vm0 =	vge.f32 v7, $0.0e+00  }
0x8e: {  	vm15 =	vge.f32 v5, $0.0e+00;
	v8 =	vmul.f32 $2.000000030e-01, v5;
	v6 =	vsel vm0, v7, v6  }
0x8f: {  	vm0 =	vmmov vm1;
	vm1 =	vmmov vm2;
	vm2 =	vmmov vm3  }
0x90: {  	vm3 =	vmmov vm4;
	vm4 =	vmmov vm5;
	vm5 =	vmmov vm6  }
0x91: {  	vm6 =	vmmov vm7;
	vm7 =	vmmov vm8;
	vm8 =	vmmov vm9  }
0x92: {  	vm9 =	vmmov vm10;
	vm10 =	vmmov vm11;
	vm11 =	vmmov vm12  }
0x93: {  	vm12 =	vmmov vm13;
	vm13 =	vmmov vm14;
	vm14 =	vcmask $0x3F3C  }
0x94: {  	v5 =	vsel vm15, v5, v8  }
0x95: {  	v5 =	vsub.f32 v5, v6;
	_ =	sdelay $0x1  }
0x96: {  	v5 =	vmax.f32 v5, $-8.700000000e+01  }
0x97: {  	v6 =	vmul.f32 $1.442695020e+00, v5;
	_ =	sdelay $0x1  }
0x98: {  	v6 =	vadd.f32 $-5.000000000e-01, v6;
	_ =	sdelay $0x1  }
0x99: {  	v6 =	vtrunc.f32 v6  }
0x9a: {  	v6 =	vcvt.f32.s32 v6;
	_ =	sdelay $0x1  }
0x9b: {  	v7 =	vcvt.s32.f32 v6;
	v6 =	vshll.u32 v6, $0x17;
	_ =	sdelay $0x1  }
0x9c: {  	v8 =	vmul.f32 $-6.931457510e-01, v7  }
0x9d: {  	v7 =	vmul.f32 $-1.428606770e-06, v7  }
0x9e: {  	v5 =	vadd.f32 v8, v5;
	_ =	sdelay $0x1  }
0x9f: {  	v5 =	vadd.f32 v7, v5;
	_ =	sdelay $0x1  }
0xa0: {  	v7 =	vmul.f32 $1.388888920e-03, v5;
	_ =	sdelay $0x1  }
0xa1: {  	v7 =	vadd.f32 $8.333333770e-03, v7;
	_ =	sdelay $0x1  }
0xa2: {  	v7 =	vmul.f32 v7, v5;
	_ =	sdelay $0x1  }
0xa3: {  	v7 =	vadd.f32 $4.166666790e-02, v7;
	_ =	sdelay $0x1  }
0xa4: {  	v7 =	vmul.f32 v7, v5;
	_ =	sdelay $0x1  }
0xa5: {  	v7 =	vadd.f32 $1.666666720e-01, v7;
	_ =	sdelay $0x1  }
0xa6: {  	v7 =	vmul.f32 v7, v5;
	_ =	sdelay $0x1  }
0xa7: {  	v7 =	vadd.f32 $5.000000000e-01, v7;
	_ =	sdelay $0x1  }
0xa8: {  	v7 =	vmul.f32 v7, v5;
	_ =	sdelay $0x1  }
0xa9: {  	v7 =	vadd.f32 $1.000000000e+00, v7;
	_ =	sdelay $0x1  }
0xaa: {  	v5 =	vmul.f32 v7, v5;
	_ =	sdelay $0x1  }
0xab: {  	v6 =	vadd.s32 $0x3F800000, v6;
	v5 =	vadd.f32 $1.000000000e+00, v5;
	_ =	sdelay $0x1  }
0xac: {  	v5 =	vmul.f32 v6, v5;
	_ =	sdelay $0x1  }
0xad: {  	[tilespmem:s1+$0x5380] =	vst v5  }
0xae: {  	[tilespmem:v3+s20+$0x0] =	vst.idx.add.f32.msk $0x1, v5  }
0xaf: {  	[tilespmem:v3+s20+$0x0] =	vst.idx.add.f32.msk vm0, v5  }
0xb0: {  	[tilespmem:v3+s20+$0x0] =	vst.idx.add.f32.msk vm1, v5  }
0xb1: {  	[tilespmem:v3+s20+$0x0] =	vst.idx.add.f32.msk vm2, v5  }
0xb2: {  	[tilespmem:v3+s20+$0x0] =	vst.idx.add.f32.msk vm3, v5  }
0xb3: {  	[tilespmem:v3+s20+$0x0] =	vst.idx.add.f32.msk vm4, v5  }
0xb4: {  	[tilespmem:v3+s20+$0x0] =	vst.idx.add.f32.msk vm5, v5  }
0xb5: {  	[tilespmem:v3+s20+$0x0] =	vst.idx.add.f32.msk vm6, v5  }
0xb6: {  	[tilespmem:v3+s20+$0x0] =	vst.idx.add.f32.msk vm7, v5  }
.Ltmp4:
0xb7: {  	[tilespmem:v3+s20+$0x0] =	vst.idx.add.f32.msk vm8, v5;
	(pc) =	sbr.rel @p0 .LBB2_11-.Ltmp4, $4  }
0xb8: {  	[tilespmem:v3+s20+$0x0] =	vst.idx.add.f32.msk vm9, v5  }
0xb9: {  	[tilespmem:v3+s20+$0x0] =	vst.idx.add.f32.msk vm10, v5  }
0xba: {  	[tilespmem:v3+s20+$0x0] =	vst.idx.add.f32.msk vm11, v5  }
0xbb: {  	[tilespmem:v3+s20+$0x0] =	vst.idx.add.f32.msk vm12, v5  }
0xbc: {  	_ =	sdelay $0x1  }
0xbd: {  	s0 =	simm.s32 $0x0  }
0xbe: {  	v2 =	vmov s0  }
0xbf: {  	v2 =	vand.u32 $0xFFFFFFFC, v2  }
0xc0: {  	[tilespmem:v3+s20+$0x0] =	vst.idx.add.f32.msk vm13, v5;
	v2 =	vbroadcast v2, $0x0  }
0xc1: {  	[tilespmem:v3+s20+$0x0] =	vst.idx.add.f32.msk vm14, v5  }
0xc2: {  	_ =	swait.ge [sflag:s21], $0x2800  }
0xc3: {  	[sflag:s21] =	ssyncset.done $0x0  }
0xc4: {  	s31 =	simm.s32 $0x5580;
	[sflag:s21] =	ssyncadd.s32 $0xFFFFD800  }
0xc5: {  	v4 =	vld [tilespmem:s31+$0xFFFFFF70]  }
0xc6: {  	v2 =	vld.idx.msk [tilespmem:v2+s22+$0x0], $0xffff  }
0xc7: {  	v5 =	vld [tilespmem:s31+$0xFFFFFF00]  }
0xc8: {  	v6 =	vld [tilespmem:s31+$0xFFFFFF20]  }
0xc9: {  	v7 =	vld [tilespmem:s31+$0xFFFFFF30]  }
0xca: {  	v3 =	vld [tilespmem:s31+$0xFFFFFF50]  }
0xcb: {  	v9 =	vld [tilespmem:s31+$0xFFFFFF10];
	v4 =	vmul.f32 v4, v2  }
0xcc: {  	s23 =	simm.s32 $0x1;
	v8 =	vld [tilespmem:s31+$0xFFFFFF60];
	v5 =	vmul.f32 v5, v2  }
0xcd: {  	v10 =	vld [tilespmem:s31+$0xFFFFFF40];
	v6 =	vmul.f32 v6, v2;
	[tilespmem:s31+$0xFFFFFF70] =	vst v4;
	v4 =	vmov s23  }
0xce: {  	v7 =	vmul.f32 v7, v2;
	[tilespmem:s31+$0xFFFFFF00] =	vst v5;
	v4 =	vand.u32 $0xFFFFFFFD, v4  }
0xcf: {  	v3 =	vmul.f32 v3, v2;
	[tilespmem:s31+$0xFFFFFF20] =	vst v6;
	v4 =	vbroadcast v4, $0x0  }
0xd0: {  	v5 =	vmul.f32 v9, v2;
	[tilespmem:s31+$0xFFFFFF30] =	vst v7  }
0xd1: {  	v6 =	vmul.f32 v8, v2;
	[tilespmem:s31+$0xFFFFFF50] =	vst v3  }
0xd2: {  	v2 =	vmul.f32 v10, v2;
	[tilespmem:s31+$0xFFFFFF10] =	vst v5  }
0xd3: {  	[tilespmem:s31+$0xFFFFFF60] =	vst v6  }
0xd4: {  	[tilespmem:s31+$0xFFFFFF40] =	vst v2;
	v2 =	vld [tilespmem:s31+$0xFFFFFF80]  }
0xd5: {  	v4 =	vld.idx.msk [tilespmem:v4+s22+$0x0], $0xffff  }
0xd6: {  	v3 =	vld [tilespmem:s31+$0xFFFFFFA0]  }
0xd7: {  	v5 =	vld [tilespmem:s31+$0xFFFFFF90]  }
0xd8: {  	v6 =	vld [tilespmem:s31+$0xFFFFFFD0]  }
0xd9: {  	v7 =	vld [tilespmem:s31+$0xFFFFFFE0]  }
0xda: {  	v8 =	vld [tilespmem:s31+$0xFFFFFFF0];
	v2 =	vmul.f32 v2, v4  }
0xdb: {  	s24 =	simm.s32 $0x2;
	v9 =	vld [tilespmem:s31+$0xFFFFFFB0];
	v3 =	vmul.f32 v3, v4  }
0xdc: {  	v10 =	vld [tilespmem:s31+$0xFFFFFFC0];
	v5 =	vmul.f32 v5, v4;
	[tilespmem:s31+$0xFFFFFF80] =	vst v2;
	v2 =	vmov s24  }
0xdd: {  	v6 =	vmul.f32 v6, v4;
	[tilespmem:s31+$0xFFFFFFA0] =	vst v3;
	v2 =	vand.u32 $0xFFFFFFFE, v2  }
0xde: {  	v3 =	vmul.f32 v7, v4;
	[tilespmem:s31+$0xFFFFFF90] =	vst v5;
	v5 =	vbroadcast v2, $0x0  }
0xdf: {  	v7 =	vmul.f32 v8, v4;
	[tilespmem:s31+$0xFFFFFFD0] =	vst v6;
	v8 =	vld [tilespmem:s31+$0x30]  }
0xe0: {  	v6 =	vmul.f32 v9, v4;
	v2 =	vld [tilespmem:s31+$0x40];
	[tilespmem:s31+$0xFFFFFFE0] =	vst v3  }
0xe1: {  	v4 =	vmul.f32 v10, v4;
	v3 =	vld [tilespmem:s31+$0x70];
	[tilespmem:s31+$0xFFFFFFF0] =	vst v7  }
0xe2: {  	[tilespmem:s31+$0xFFFFFFB0] =	vst v6;
	v6 =	vld [tilespmem:s31+$0x20]  }
0xe3: {  	[tilespmem:s31+$0xFFFFFFC0] =	vst v4;
	v7 =	vld [tilespmem:s31+$0x0]  }
0xe4: {  	v4 =	vld.idx.msk [tilespmem:v5+s22+$0x0], $0xffff  }
0xe5: {  	s1 =	simm.s32 $0x7;
	s15 =	simm.s32 $0x5580;
	s0 =	simm.s32 $0x3;
	v5 =	vld [tilespmem:s31+$0x10]  }
.LBB2_13:
0xe6: {  	p0 =	sne.s32 s1, $0x4F  }
0xe7: {  	v9 =	vld [tilespmem:s31+$0x50];
	s15 =	sadd.s32 $0x200, s15;
	s23 =	smov.u32 s1;
	s1 =	sadd.s32 $0x4, s1  }
0xe8: {  	v10 =	vld [tilespmem:s31+$0x60];
	_ =	sdelay $0x1  }
0xe9: {  	v7 =	vmul.f32 v7, v4;
	v5 =	vmul.f32 v5, v4  }
0xea: {  	v6 =	vmul.f32 v6, v4;
	v8 =	vmul.f32 v8, v4  }
0xeb: {  	v2 =	vmul.f32 v2, v4;
	v3 =	vmul.f32 v3, v4;
	[tilespmem:s31+$0x0] =	vst v7  }
0xec: {  	[tilespmem:s31+$0x20] =	vst v6;
	v6 =	vmul.f32 v9, v4;
	v4 =	vmul.f32 v10, v4  }
0xed: {  	[tilespmem:s31+$0x30] =	vst v8;
	v7 =	vld [tilespmem:s31+$0x80]  }
0xee: {  	[tilespmem:s31+$0x60] =	vst v4;
	v4 =	vmov s0;
	v8 =	vld [tilespmem:s31+$0xD0];
	s0 =	smov.u32 s23  }
0xef: {  	[tilespmem:s31+$0x50] =	vst v6;
	v6 =	vld [tilespmem:s31+$0xE0]  }
0xf0: {  	[tilespmem:s31+$0x40] =	vst v2;
	v9 =	vld [tilespmem:s31+$0xB0]  }
0xf1: {  	v2 =	vld [tilespmem:s15+$0x40];
	[tilespmem:s31+$0x70] =	vst v3  }
0xf2: {  	v3 =	vld [tilespmem:s15+$0x70];
	[tilespmem:s31+$0x10] =	vst v5  }
0xf3: {  	v4 =	vld.idx.msk [tilespmem:v4+s22+$0x0], $0xffff  }
0xf4: {  	v5 =	vld [tilespmem:s31+$0x90]  }
0xf5: {  	v10 =	vld [tilespmem:s31+$0xA0]  }
0xf6: {  	v11 =	vld [tilespmem:s31+$0xC0]  }
0xf7: {  	v12 =	vld [tilespmem:s31+$0xF0];
	_ =	sdelay $0x1  }
0xf8: {  	v7 =	vmul.f32 v7, v4;
	v5 =	vmul.f32 v5, v4  }
0xf9: {  	s23 =	sadd.s32 $0xFFFFFFFD, s0;
	v9 =	vmul.f32 v9, v4;
	v10 =	vmul.f32 v10, v4  }
0xfa: {  	v13 =	vmov s23;
	v8 =	vmul.f32 v8, v4;
	[tilespmem:s31+$0x80] =	vst v7;
	v7 =	vmul.f32 v11, v4  }
0xfb: {  	v11 =	vand.u32 $0xFFFFFFFC, v13;
	[tilespmem:s31+$0x90] =	vst v5;
	v5 =	vmul.f32 v6, v4;
	v4 =	vmul.f32 v12, v4  }
0xfc: {  	v6 =	vbroadcast v11, $0x0;
	[tilespmem:s31+$0xA0] =	vst v10  }
0xfd: {  	[tilespmem:s31+$0xD0] =	vst v8  }
0xfe: {  	v8 =	vld [tilespmem:s15+$0xFFFFFF50];
	[tilespmem:s31+$0xB0] =	vst v9  }
0xff: {  	v9 =	vld [tilespmem:s15+$0xFFFFFF30];
	[tilespmem:s31+$0xC0] =	vst v7  }
0x100: {  	v7 =	vld [tilespmem:s15+$0xFFFFFF60];
	[tilespmem:s31+$0xE0] =	vst v5  }
0x101: {  	v5 =	vld [tilespmem:s15+$0xFFFFFF70];
	[tilespmem:s31+$0xF0] =	vst v4;
	s31 =	smov.u32 s15  }
0x102: {  	v4 =	vld.idx.msk [tilespmem:v6+s22+$0x0], $0xffff  }
0x103: {  	v6 =	vld [tilespmem:s15+$0xFFFFFF00]  }
0x104: {  	v10 =	vld [tilespmem:s15+$0xFFFFFF20]  }
0x105: {  	v11 =	vld [tilespmem:s15+$0xFFFFFF10]  }
0x106: {  	v12 =	vld [tilespmem:s15+$0xFFFFFF40];
	_ =	sdelay $0x1  }
0x107: {  	v5 =	vmul.f32 v5, v4;
	v6 =	vmul.f32 v6, v4  }
0x108: {  	s23 =	sadd.s32 $0xFFFFFFFE, s0;
	v7 =	vmul.f32 v7, v4;
	v10 =	vmul.f32 v10, v4  }
0x109: {  	v9 =	vmul.f32 v9, v4;
	v11 =	vmul.f32 v11, v4;
	[tilespmem:s15+$0xFFFFFF70] =	vst v5;
	v5 =	vmov s23  }
0x10a: {  	[tilespmem:s15+$0xFFFFFF00] =	vst v6;
	v6 =	vmul.f32 v12, v4;
	v4 =	vmul.f32 v8, v4;
	v5 =	vand.u32 $0xFFFFFFFD, v5  }
0x10b: {  	[tilespmem:s15+$0xFFFFFF20] =	vst v10;
	v5 =	vbroadcast v5, $0x0  }
0x10c: {  	[tilespmem:s15+$0xFFFFFF30] =	vst v9  }
0x10d: {  	[tilespmem:s15+$0xFFFFFF50] =	vst v4;
	v4 =	vld [tilespmem:s15+$0xFFFFFFF0]  }
0x10e: {  	[tilespmem:s15+$0xFFFFFF10] =	vst v11;
	v8 =	vld [tilespmem:s15+$0xFFFFFFD0]  }
0x10f: {  	[tilespmem:s15+$0xFFFFFF60] =	vst v7;
	v7 =	vld [tilespmem:s15+$0xFFFFFFB0]  }
0x110: {  	[tilespmem:s15+$0xFFFFFF40] =	vst v6;
	v6 =	vld [tilespmem:s15+$0xFFFFFF90]  }
0x111: {  	v5 =	vld.idx.msk [tilespmem:v5+s22+$0x0], $0xffff  }
0x112: {  	v9 =	vld [tilespmem:s15+$0xFFFFFF80]  }
0x113: {  	v10 =	vld [tilespmem:s15+$0xFFFFFFA0]  }
0x114: {  	v11 =	vld [tilespmem:s15+$0xFFFFFFC0]  }
0x115: {  	v12 =	vld [tilespmem:s15+$0xFFFFFFE0];
	_ =	sdelay $0x1  }
0x116: {  	v6 =	vmul.f32 v6, v5;
	v9 =	vmul.f32 v9, v5  }
0x117: {  	s23 =	sadd.s32 $0xFFFFFFFF, s0;
	v7 =	vmul.f32 v7, v5;
	v10 =	vmul.f32 v10, v5  }
0x118: {  	v8 =	vmul.f32 v8, v5;
	[tilespmem:s15+$0xFFFFFF80] =	vst v9;
	v9 =	vmul.f32 v11, v5;
	v11 =	vmov s23  }
0x119: {  	v4 =	vmul.f32 v4, v5;
	[tilespmem:s15+$0xFFFFFFA0] =	vst v10;
	v10 =	vmul.f32 v12, v5;
	v5 =	vand.u32 $0xFFFFFFFE, v11  }
0x11a: {  	[tilespmem:s15+$0xFFFFFF90] =	vst v6;
	v5 =	vbroadcast v5, $0x0  }
0x11b: {  	[tilespmem:s15+$0xFFFFFFD0] =	vst v8  }
0x11c: {  	[tilespmem:s15+$0xFFFFFFE0] =	vst v10  }
0x11d: {  	[tilespmem:s15+$0xFFFFFFB0] =	vst v7  }
.Ltmp5:
0x11e: {  	[tilespmem:s15+$0xFFFFFFF0] =	vst v4;
	v6 =	vld [tilespmem:s15+$0x20];
	(pc) =	sbr.rel @p0 .LBB2_13-.Ltmp5, $4  }
0x11f: {  	[tilespmem:s15+$0xFFFFFFC0] =	vst v9;
	v7 =	vld [tilespmem:s15+$0x0]  }
0x120: {  	v4 =	vld.idx.msk [tilespmem:v5+s22+$0x0], $0xffff  }
0x121: {  	v5 =	vld [tilespmem:s15+$0x10]  }
0x122: {  	v8 =	vld [tilespmem:s15+$0x30]  }
0x123: {  	_ =	sdelay $0x1  }
0x124: {  	v7 =	vmul.f32 v7, v4  }
0x125: {  	v9 =	vld [tilespmem:s31+$0x60];
	v6 =	vmul.f32 v6, v4  }
0x126: {  	v10 =	vld [tilespmem:s31+$0x50];
	v2 =	vmul.f32 v2, v4;
	[tilespmem:s31+$0x0] =	vst v7  }
0x127: {  	v3 =	vmul.f32 v3, v4;
	[tilespmem:s31+$0x20] =	vst v6  }
0x128: {  	v55 =	vmul.f32 v5, v4;
	[tilespmem:s31+$0x40] =	vst v2  }
0x129: {  	v54 =	vmov s0;
	v8 =	vmul.f32 v8, v4;
	[tilespmem:s31+$0x70] =	vst v3  }
0x12a: {  	v51 =	vmul.f32 v9, v4;
	[tilespmem:s31+$0x10] =	vst v55  }
0x12b: {  	v52 =	vmul.f32 v10, v4;
	[tilespmem:s31+$0x30] =	vst v8  }
0x12c: {  	[tilespmem:s31+$0x60] =	vst v51  }
0x12d: {  	v53 =	vld [tilespmem:s31+$0x80];
	[tilespmem:s31+$0x50] =	vst v52  }
0x12e: {  	v2 =	vld.idx.msk [tilespmem:v54+s22+$0x0], $0xffff  }
0x12f: {  	v3 =	vld [tilespmem:s31+$0x90]  }
0x130: {  	v56 =	vld [tilespmem:s31+$0xA0]  }
0x131: {  	v57 =	vld [tilespmem:s31+$0xD0]  }
0x132: {  	v59 =	vld [tilespmem:s31+$0xC0]  }
0x133: {  	v60 =	vld [tilespmem:s31+$0xE0];
	v8 =	vmul.f32 v53, v2  }
0x134: {  	v58 =	vld [tilespmem:s31+$0xB0];
	v3 =	vmul.f32 v3, v2  }
0x135: {  	v61 =	vld [tilespmem:s31+$0xF0];
	v4 =	vmul.f32 v56, v2;
	[tilespmem:s31+$0x80] =	vst v8  }
0x136: {  	v5 =	vmul.f32 v57, v2;
	[tilespmem:s31+$0x90] =	vst v3  }
0x137: {  	v62 =	vmul.f32 v59, v2;
	[tilespmem:s31+$0xA0] =	vst v4  }
0x138: {  	v63 =	vmul.f32 v60, v2;
	[tilespmem:s31+$0xD0] =	vst v5  }
0x139: {  	v3 =	vmul.f32 v58, v2;
	[tilespmem:s31+$0xC0] =	vst v62  }
0x13a: {  	s26 =	sadd.s32 $0x1, s26;
	v2 =	vmul.f32 v61, v2;
	[tilespmem:s31+$0xE0] =	vst v63  }
0x13b: {  	p0 =	sne.s32 s26, $0x7D;
	[tilespmem:s31+$0xB0] =	vst v3  }
.Ltmp6:
0x13c: {  	[tilespmem:s31+$0xF0] =	vst v2;
	s31 =	sadd.s32 $0x5100, s30;
	(pc) =	sbr.rel @p0 .LBB2_10-.Ltmp6, $4  }
0x13d: {  	[spmem:s2] =	stream.indirect.scatter.add.f32 [tilespmem:s19], [sflag:$0x3], $0x80, s31, s18, $0xb8;
	[tilespmem:$0x1DF00] =	vst v63  }
0x13e: {  	_ =	swait.ge [sflag:s14], $0x2800  }
0x13f: {  	[sflag:s14] =	ssyncset.done $0x0  }
0x140: {  	s28 =	sadd.s32 $0x80, s28;
	s29 =	sadd.s32 $0x80, s29;
	[sflag:s14] =	ssyncadd.s32 $0xFFFFD800  }
0x141: {  	s0 =	sshll.u32 s3, $0x6  }
0x142: {  	[bflag:$0x0] =	sbarrier.arrive $0xFFFF;
	s1 =	sshrl.u32 s11, $0x3;
	s0 =	sor.u32 $0x1C03, s0  }
0x143: {  	[hbm:s10], [sflag:s0] =	dma.local [spmem:s1], $0x2710  }
0x144: {  	s25 =	sadd.s32 $0x1, s25;
	_ =	swait.ge [sflag:s14], $0x2710  }
0x145: {  	s30 =	simm.s32 $0x80;
	p0 =	sne.s32 s25, s13;
	[sflag:s14] =	ssyncset.done $0x0  }
.Ltmp7:
0x146: {  	s31 =	simm.s32 $0x400;
	[sflag:s14] =	ssyncadd.s32 $0xFFFFD8F0;
	(pc) =	sbr.rel @p0 .LBB2_1-.Ltmp7, $4  }
0x147: {  	[hbm4b:s12+s30] =	stream.strided.scatter [tilespmem:s20], [sflag:$0x3], $0x2780, s31, s30, $0x38;
	[tilespmem:$0x1DF00] =	vst v63  }
0x148: {  	_ =	swait.ge [sflag:s14], $0x2780  }
0x149: {  	[sflag:s14] =	ssyncset.done $0x0  }
0x14a: {  	[sflag:s14] =	ssyncadd.s32 $0xFFFFD880  }
0x14b: {  	_ =	sfence.sel $0x180000  }
0x14c: {  	[bflag:$0x0] =	sbarrier.arrive $0xFFFF  }
0x14d: {  	_ =	strace $0x90000047  }
0x14e: {  	[bflag:$0x2] =	sbarrier.arrive $0xFFFF  }
0x14f: {  	p0 =	sne.s32 s3, $0x0;
	s0 =	rddreg [dreg:$0x3]  }
0x150: {  	s0 =	sadd.s32 @!p0 $0x100000, s0  }
0x151: {  	[sflag:s0] =	ssyncadd.tile.s32 @!p0 $0x1;
	_ =	shalt  }
.Lfunc_end2:
_tile_overlayer_lowered:
.L_overlay_start_2:
0x152: {  	(tag) =	ssettag $0x2  }
0x153: {  	s0 =	rddreg [dreg:$0x0];
	s2 =	stileid.u32  }
0x154: {  	s1 =	rddreg [dreg:$0x1];
	p0 =	sne.s32 s2, $0x0  }
0x155: {  	s3 =	rddreg [dreg:$0x2];
	[bflag:$0x3] =	sbarrier.arrive $0xFFFF;
	s2 =	simm.s32 @!p0 $0x1C03  }
0x156: {  	[timem:s3], [sflag:s2] =	dma.local @!p0 [hbm:s0], s1  }
0x157: {  	s0 =	simm.s32 @!p0 $0x3  }
0x158: {  	_ =	swait.ge @!p0 [sflag:s0], s1  }
0x159: {  	s1 =	ssub.s32 @!p0 $0x0, s1;
	[sflag:s0] =	ssyncset.done @!p0 $0x0  }
0x15a: {  	[sflag:s0] =	ssyncadd.s32 @!p0 s1  }
0x15b: {  	[bflag:$0x3] =	sbarrier.arrive $0xFFFF  }
0x15c: {  	_ =	shalt  }

</sc_bundles>
